<compile_context>
chip_gen: v7x
topology: tpu7x:2x2x1
jax: 0.10.2.dev20260603
libtpu: 0.0.44.dev20260713+nightly
codegen_flags: <defaults>
</compile_context>

<pallas_src>
import math

import jax
import jax.numpy as jnp
from jax import lax
from jax.experimental import pallas as pl
from jax.experimental.pallas import tpu as pltpu
from jax.experimental.pallas import tpu_sc as plsc

D_MODEL = 1024
MAX_LEN = 8192
BATCH = 4
SEQ = 2048
SCALE = math.sqrt(D_MODEL)

NC = 2
NS = 16
NW = NC * NS
ROWS = BATCH * SEQ
ROWS_PER_W = ROWS // NW
CH = 8
NCHUNK = ROWS_PER_W // CH
NSLOT = 4
G = NCHUNK // NSLOT
U = 8
LANES = 16


def _body(x_hbm, idx_hbm, pe_hbm, out_hbm, pos_hbm,
          idx_v, pe_b, x_b, o_b, sem_in, sem_out):
    wid = lax.axis_index("c") * NS + lax.axis_index("s")
    row0 = wid * ROWS_PER_W

    pltpu.sync_copy(idx_hbm.at[pl.ds(row0, ROWS_PER_W)], idx_v)

    def start_in(i, k):
        pltpu.async_copy(pe_hbm.at[idx_v.at[pl.ds(i * CH, CH)]],
                         pe_b[k], sem_in[k])
        pltpu.async_copy(x_hbm.at[pl.ds(row0 + i * CH, CH), :],
                         x_b[k], sem_in[k])

    def wait_in(i, k):
        pltpu.make_async_copy(pe_hbm.at[idx_v.at[pl.ds(i * CH, CH)]],
                              pe_b[k], sem_in[k]).wait()
        pltpu.make_async_copy(x_hbm.at[pl.ds(row0 + i * CH, CH), :],
                              x_b[k], sem_in[k]).wait()

    for k in range(NSLOT):
        start_in(k, k)

    def outer(g, carry):
        for k in range(NSLOT):
            i = g * NSLOT + k
            wait_in(i, k)
            pltpu.async_copy(pe_b[k], pos_hbm.at[pl.ds(row0 + i * CH, CH), :],
                             sem_out[k])

            H = CH // 2
            for h in range(2):
                for r in range(h * H, (h + 1) * H):
                    @plsc.parallel_loop(0, D_MODEL // LANES, step=1, unroll=U)
                    def _grp(c, _r=r, _k=k):
                        s = pl.ds(c * LANES, LANES)
                        o_b[_k][_r, s] = (x_b[_k][_r, s] * SCALE
                                          + pe_b[_k][_r, s])
                pltpu.async_copy(
                    o_b[k].at[pl.ds(h * H, H), :],
                    out_hbm.at[pl.ds(row0 + i * CH + h * H, H), :],
                    sem_out[k])

            pltpu.make_async_copy(
                pe_b[k], pos_hbm.at[pl.ds(row0 + i * CH, CH), :],
                sem_out[k]).wait()
            pltpu.make_async_copy(
                o_b[k], out_hbm.at[pl.ds(row0 + i * CH, CH), :],
                sem_out[k]).wait()

            @pl.when(g < G - 1)
            def _prefetch():
                start_in(i + NSLOT, k)
        return carry

    lax.fori_loop(0, G, outer, 0)


def _body_wrap(x_hbm, idx_hbm, pe_hbm, out_hbm, pos_hbm, idx_v, *rest):
    groups = [rest[j * NSLOT:(j + 1) * NSLOT] for j in range(5)]
    _body(x_hbm, idx_hbm, pe_hbm, out_hbm, pos_hbm, idx_v, *groups)


@jax.jit
def _sc_call(x2d, idx, pe):
    mesh = plsc.VectorSubcoreMesh(core_axis_name="c", subcore_axis_name="s")
    buf = pltpu.VMEM((CH, D_MODEL), jnp.float32)
    return pl.kernel(
        _body_wrap,
        out_type=(
            jax.ShapeDtypeStruct((ROWS, D_MODEL), jnp.float32),
            jax.ShapeDtypeStruct((ROWS, D_MODEL), jnp.float32),
        ),
        mesh=mesh,
        scratch_types=(
            [pltpu.VMEM((ROWS_PER_W,), jnp.int32)]
            + [buf] * (3 * NSLOT)
            + [pltpu.SemaphoreType.DMA] * (2 * NSLOT)
        ),
    )(x2d, idx, pe)


def kernel(x, offset, pe):
    assert x.shape == (BATCH, SEQ, D_MODEL)
    x2d = x.reshape(ROWS, D_MODEL)
    index = offset[:, None].astype(jnp.int32) + jnp.arange(SEQ, dtype=jnp.int32)
    index = jnp.maximum(index, 0).reshape(ROWS)
    out_f, pos_f = _sc_call(x2d, index, pe)
    return out_f.reshape(x.shape), pos_f.reshape(x.shape)

# --- scband reference (transcript-rebuilt; emitter-appended) ---
"""Pipeline reference for scband-positional-encoding-13434657702183 (READ-ONLY COPY).

The authoritative reference and input builder live on the scoring server;
editing this copy changes nothing except your own understanding.
"""

import math
import jax, jax.numpy as jnp
import numpy as np

D_MODEL = 1024
MAX_LEN = 8192
BATCH = 4
SEQ = 2048


def make_pe(length, d_model):
    depth = d_model / 2
    positions = np.arange(length)[:, np.newaxis]
    depths = np.arange(depth)[np.newaxis, :] / depth
    angle_rates = 1 / 10000 ** depths
    angle_rads = positions * angle_rates
    pe = np.concatenate([np.sin(angle_rads), np.cos(angle_rads)], axis=-1)
    return jnp.asarray(pe, dtype=jnp.float32)


def setup_inputs(seed: int = 0) -> dict:
    key = jax.random.key(seed)
    k1, k2 = jax.random.split(key)
    x = jax.random.normal(k1, (BATCH, SEQ, D_MODEL), dtype=jnp.float32)
    offset = jax.random.randint(k2, (BATCH,), 0, MAX_LEN - SEQ, dtype=jnp.int32)
    pe = make_pe(MAX_LEN, D_MODEL)  # buffer built in __init__, non-trainable
    return {"x": x, "offset": offset, "pe": pe}


def reference(x, offset, pe):
    xscale = math.sqrt(D_MODEL)
    size = x.shape[1]
    # position_encoding(offset, size, apply_dropout=False)
    index = offset[:, None] + jnp.arange(0, size)
    index = jnp.where(index > 0, index, 0)
    pos_emb = jnp.take(pe, index, axis=0)  # embedding_lookup
    out = x * xscale + pos_emb
    # dropout_rate = 0.0 -> identity
    return (out, pos_emb)

if __name__ == "__main__":
    import jax
    _d = setup_inputs()
    print(jax.jit(kernel)(*tuple(_d.values())))

</pallas_src>

<mosaic_0001>
#map = affine_map<(d0, d1) -> (0, 0)>
#map1 = affine_map<(d0, d1) -> (0)>
module attributes {stable_mosaic.version = 14 : i64} {
  func.func @_body_wrap(%arg0: i32, %arg1: i32, %arg2: memref<8192x1024xf32, #tpu.memory_space<hbm>>, %arg3: memref<8192xi32, #tpu.memory_space<hbm>>, %arg4: memref<8192x1024xf32, #tpu.memory_space<hbm>>, %arg5: memref<8192x1024xf32, #tpu.memory_space<hbm>>, %arg6: memref<8192x1024xf32, #tpu.memory_space<hbm>>, %arg7: memref<256xi32, #tpu.memory_space<vmem>>, %arg8: memref<8x1024xf32, #tpu.memory_space<vmem>>, %arg9: memref<8x1024xf32, #tpu.memory_space<vmem>>, %arg10: memref<8x1024xf32, #tpu.memory_space<vmem>>, %arg11: memref<8x1024xf32, #tpu.memory_space<vmem>>, %arg12: memref<8x1024xf32, #tpu.memory_space<vmem>>, %arg13: memref<8x1024xf32, #tpu.memory_space<vmem>>, %arg14: memref<8x1024xf32, #tpu.memory_space<vmem>>, %arg15: memref<8x1024xf32, #tpu.memory_space<vmem>>, %arg16: memref<8x1024xf32, #tpu.memory_space<vmem>>, %arg17: memref<8x1024xf32, #tpu.memory_space<vmem>>, %arg18: memref<8x1024xf32, #tpu.memory_space<vmem>>, %arg19: memref<8x1024xf32, #tpu.memory_space<vmem>>, %arg20: memref<!tpu.dma_semaphore, #tpu.memory_space<semaphore_mem>>, %arg21: memref<!tpu.dma_semaphore, #tpu.memory_space<semaphore_mem>>, %arg22: memref<!tpu.dma_semaphore, #tpu.memory_space<semaphore_mem>>, %arg23: memref<!tpu.dma_semaphore, #tpu.memory_space<semaphore_mem>>, %arg24: memref<!tpu.dma_semaphore, #tpu.memory_space<semaphore_mem>>, %arg25: memref<!tpu.dma_semaphore, #tpu.memory_space<semaphore_mem>>, %arg26: memref<!tpu.dma_semaphore, #tpu.memory_space<semaphore_mem>>, %arg27: memref<!tpu.dma_semaphore, #tpu.memory_space<semaphore_mem>>) attributes {dimension_semantics = [#tpu.dimension_semantics<core_parallel>, #tpu.dimension_semantics<subcore_parallel>], iteration_bounds = array<i64: 2, 16>, scalar_prefetch = 0 : i64, scratch_operands = 21 : i64, tpu.core_type = #tpu.core_type<sc_vector_subcore>, window_params = [{transform_indices = #map}, {transform_indices = #map1}, {transform_indices = #map}, {transform_indices = #map}, {transform_indices = #map}]} {
    %mul3A = arith.constant 16 : i32
    %mul3A_0 = arith.muli %arg0, %mul3A : i32
    %add3A = arith.addi %mul3A_0, %arg1 : i32
    %mul3A_1 = arith.constant 256 : i32
    %mul3A_2 = arith.muli %add3A, %mul3A_1 : i32
    "tpu.region"() ({
      %run_scoped3A = tpu.sem_alloc : memref<!tpu.dma_semaphore, #tpu.memory_space<semaphore_mem>>
      %dma_start3A_51 = tpu.memref_slice %arg3[%mul3A_2] : memref<8192xi32, #tpu.memory_space<hbm>> -> memref<256xi32, #tpu.memory_space<hbm>>
      %dma_start3A_52 = tpu.memref_slice %arg3[%mul3A_2] : memref<8192xi32, #tpu.memory_space<hbm>> -> memref<256xi32, #tpu.memory_space<hbm>>
      tpu.enqueue_dma source(%dma_start3A_52 : memref<256xi32, #tpu.memory_space<hbm>>) target(%arg7 : memref<256xi32, #tpu.memory_space<vmem>>) target_semaphore(%run_scoped3A : memref<!tpu.dma_semaphore, #tpu.memory_space<semaphore_mem>>)
      %dma_wait3A = tpu.memref_slice %arg3[%mul3A_2] : memref<8192xi32, #tpu.memory_space<hbm>> -> memref<256xi32, #tpu.memory_space<hbm>>
      %dma_wait3A_53 = tpu.memref_slice %arg3[%mul3A_2] : memref<8192xi32, #tpu.memory_space<hbm>> -> memref<256xi32, #tpu.memory_space<hbm>>
      tpu.wait_dma2 semaphore(%run_scoped3A : memref<!tpu.dma_semaphore, #tpu.memory_space<semaphore_mem>>) src(%dma_wait3A_53 : memref<256xi32, #tpu.memory_space<hbm>>) dst(%arg7 : memref<256xi32, #tpu.memory_space<vmem>>)
      tpu.yield
    }) : () -> ()
    %dma_start3A = arith.constant 0 : i32
    %dma_start3A_3 = tpu.memref_slice %arg7[%dma_start3A] : memref<256xi32, #tpu.memory_space<vmem>> -> memref<8xi32, #tpu.memory_space<vmem>>
    %dma_start3A_4 = arith.constant 0 : i32
    %dma_start3A_5 = arith.constant 0 : i32
    %dma_start3A_6 = tpu.memref_slice %arg4[%dma_start3A_4, %dma_start3A_5] : memref<8192x1024xf32, #tpu.memory_space<hbm>> -> memref<8192x1024xf32, #tpu.memory_space<hbm>>
    tpu.enqueue_indirect_dma source(%dma_start3A_6 : memref<8192x1024xf32, #tpu.memory_space<hbm>>) target(%arg8 : memref<8x1024xf32, #tpu.memory_space<vmem>>) offsets(%dma_start3A_3 : memref<8xi32, #tpu.memory_space<vmem>>) semaphore(%arg20 : memref<!tpu.dma_semaphore, #tpu.memory_space<semaphore_mem>>)
    %add3A_7 = arith.constant 0 : i32
    %add3A_8 = arith.addi %mul3A_2, %add3A_7 : i32
    %dma_start3A_9 = arith.constant 0 : i32
    %dma_start3A_10 = tpu.memref_slice %arg2[%add3A_8, %dma_start3A_9] : memref<8192x1024xf32, #tpu.memory_space<hbm>> -> memref<8x1024xf32, #tpu.memory_space<hbm>>
    %dma_start3A_11 = arith.constant 0 : i32
    %dma_start3A_12 = tpu.memref_slice %arg2[%add3A_8, %dma_start3A_11] : memref<8192x1024xf32, #tpu.memory_space<hbm>> -> memref<8x1024xf32, #tpu.memory_space<hbm>>
    tpu.enqueue_dma source(%dma_start3A_12 : memref<8x1024xf32, #tpu.memory_space<hbm>>) target(%arg12 : memref<8x1024xf32, #tpu.memory_space<vmem>>) target_semaphore(%arg20 : memref<!tpu.dma_semaphore, #tpu.memory_space<semaphore_mem>>)
    %dma_start3A_13 = arith.constant 8 : i32
    %dma_start3A_14 = tpu.memref_slice %arg7[%dma_start3A_13] : memref<256xi32, #tpu.memory_space<vmem>> -> memref<8xi32, #tpu.memory_space<vmem>>
    %dma_start3A_15 = arith.constant 0 : i32
    %dma_start3A_16 = arith.constant 0 : i32
    %dma_start3A_17 = tpu.memref_slice %arg4[%dma_start3A_15, %dma_start3A_16] : memref<8192x1024xf32, #tpu.memory_space<hbm>> -> memref<8192x1024xf32, #tpu.memory_space<hbm>>
    tpu.enqueue_indirect_dma source(%dma_start3A_17 : memref<8192x1024xf32, #tpu.memory_space<hbm>>) target(%arg9 : memref<8x1024xf32, #tpu.memory_space<vmem>>) offsets(%dma_start3A_14 : memref<8xi32, #tpu.memory_space<vmem>>) semaphore(%arg21 : memref<!tpu.dma_semaphore, #tpu.memory_space<semaphore_mem>>)
    %add3A_18 = arith.constant 8 : i32
    %add3A_19 = arith.addi %mul3A_2, %add3A_18 : i32
    %dma_start3A_20 = arith.constant 0 : i32
    %dma_start3A_21 = tpu.memref_slice %arg2[%add3A_19, %dma_start3A_20] : memref<8192x1024xf32, #tpu.memory_space<hbm>> -> memref<8x1024xf32, #tpu.memory_space<hbm>>
    %dma_start3A_22 = arith.constant 0 : i32
    %dma_start3A_23 = tpu.memref_slice %arg2[%add3A_19, %dma_start3A_22] : memref<8192x1024xf32, #tpu.memory_space<hbm>> -> memref<8x1024xf32, #tpu.memory_space<hbm>>
    tpu.enqueue_dma source(%dma_start3A_23 : memref<8x1024xf32, #tpu.memory_space<hbm>>) target(%arg13 : memref<8x1024xf32, #tpu.memory_space<vmem>>) target_semaphore(%arg21 : memref<!tpu.dma_semaphore, #tpu.memory_space<semaphore_mem>>)
    %dma_start3A_24 = arith.constant 16 : i32
    %dma_start3A_25 = tpu.memref_slice %arg7[%dma_start3A_24] : memref<256xi32, #tpu.memory_space<vmem>> -> memref<8xi32, #tpu.memory_space<vmem>>
    %dma_start3A_26 = arith.constant 0 : i32
    %dma_start3A_27 = arith.constant 0 : i32
    %dma_start3A_28 = tpu.memref_slice %arg4[%dma_start3A_26, %dma_start3A_27] : memref<8192x1024xf32, #tpu.memory_space<hbm>> -> memref<8192x1024xf32, #tpu.memory_space<hbm>>
    tpu.enqueue_indirect_dma source(%dma_start3A_28 : memref<8192x1024xf32, #tpu.memory_space<hbm>>) target(%arg10 : memref<8x1024xf32, #tpu.memory_space<vmem>>) offsets(%dma_start3A_25 : memref<8xi32, #tpu.memory_space<vmem>>) semaphore(%arg22 : memref<!tpu.dma_semaphore, #tpu.memory_space<semaphore_mem>>)
    %add3A_29 = arith.constant 16 : i32
    %add3A_30 = arith.addi %mul3A_2, %add3A_29 : i32
    %dma_start3A_31 = arith.constant 0 : i32
    %dma_start3A_32 = tpu.memref_slice %arg2[%add3A_30, %dma_start3A_31] : memref<8192x1024xf32, #tpu.memory_space<hbm>> -> memref<8x1024xf32, #tpu.memory_space<hbm>>
    %dma_start3A_33 = arith.constant 0 : i32
    %dma_start3A_34 = tpu.memref_slice %arg2[%add3A_30, %dma_start3A_33] : memref<8192x1024xf32, #tpu.memory_space<hbm>> -> memref<8x1024xf32, #tpu.memory_space<hbm>>
    tpu.enqueue_dma source(%dma_start3A_34 : memref<8x1024xf32, #tpu.memory_space<hbm>>) target(%arg14 : memref<8x1024xf32, #tpu.memory_space<vmem>>) target_semaphore(%arg22 : memref<!tpu.dma_semaphore, #tpu.memory_space<semaphore_mem>>)
    %dma_start3A_35 = arith.constant 24 : i32
    %dma_start3A_36 = tpu.memref_slice %arg7[%dma_start3A_35] : memref<256xi32, #tpu.memory_space<vmem>> -> memref<8xi32, #tpu.memory_space<vmem>>
    %dma_start3A_37 = arith.constant 0 : i32
    %dma_start3A_38 = arith.constant 0 : i32
    %dma_start3A_39 = tpu.memref_slice %arg4[%dma_start3A_37, %dma_start3A_38] : memref<8192x1024xf32, #tpu.memory_space<hbm>> -> memref<8192x1024xf32, #tpu.memory_space<hbm>>
    tpu.enqueue_indirect_dma source(%dma_start3A_39 : memref<8192x1024xf32, #tpu.memory_space<hbm>>) target(%arg11 : memref<8x1024xf32, #tpu.memory_space<vmem>>) offsets(%dma_start3A_36 : memref<8xi32, #tpu.memory_space<vmem>>) semaphore(%arg23 : memref<!tpu.dma_semaphore, #tpu.memory_space<semaphore_mem>>)
    %add3A_40 = arith.constant 24 : i32
    %add3A_41 = arith.addi %mul3A_2, %add3A_40 : i32
    %dma_start3A_42 = arith.constant 0 : i32
    %dma_start3A_43 = tpu.memref_slice %arg2[%add3A_41, %dma_start3A_42] : memref<8192x1024xf32, #tpu.memory_space<hbm>> -> memref<8x1024xf32, #tpu.memory_space<hbm>>
    %dma_start3A_44 = arith.constant 0 : i32
    %dma_start3A_45 = tpu.memref_slice %arg2[%add3A_41, %dma_start3A_44] : memref<8192x1024xf32, #tpu.memory_space<hbm>> -> memref<8x1024xf32, #tpu.memory_space<hbm>>
    tpu.enqueue_dma source(%dma_start3A_45 : memref<8x1024xf32, #tpu.memory_space<hbm>>) target(%arg15 : memref<8x1024xf32, #tpu.memory_space<vmem>>) target_semaphore(%arg23 : memref<!tpu.dma_semaphore, #tpu.memory_space<semaphore_mem>>)
    %scan3A = arith.constant 0 : i32
    %scan3A_46 = arith.constant 0 : i32
    %scan3A_47 = arith.constant 8 : i32
    %scan3A_48 = arith.addi %scan3A_46, %scan3A_47 : i32
    %scan3A_49 = arith.constant 1 : i32
    scf.for %scan3A_51 = %scan3A_46 to %scan3A_48 step %scan3A_49  : i32 {
      %mul3A_52 = arith.constant 4 : i32
      %mul3A_53 = arith.muli %scan3A_51, %mul3A_52 : i32
      %add3A_54 = arith.constant 0 : i32
      %add3A_55 = arith.addi %mul3A_53, %add3A_54 : i32
      %mul3A_56 = arith.constant 8 : i32
      %mul3A_57 = arith.muli %add3A_55, %mul3A_56 : i32
      %dma_wait3A = tpu.memref_slice %arg7[%mul3A_57] : memref<256xi32, #tpu.memory_space<vmem>> -> memref<8xi32, #tpu.memory_space<vmem>>
      %dma_wait3A_58 = arith.constant 0 : i32
      %dma_wait3A_59 = arith.constant 0 : i32
      %dma_wait3A_60 = tpu.memref_slice %arg4[%dma_wait3A_58, %dma_wait3A_59] : memref<8192x1024xf32, #tpu.memory_space<hbm>> -> memref<8192x1024xf32, #tpu.memory_space<hbm>>
      tpu.wait_indirect_dma semaphore(%arg20 : memref<!tpu.dma_semaphore, #tpu.memory_space<semaphore_mem>>) src(%dma_wait3A_60 : memref<8192x1024xf32, #tpu.memory_space<hbm>>) dst(%arg8 : memref<8x1024xf32, #tpu.memory_space<vmem>>)
      %mul3A_61 = arith.constant 8 : i32
      %mul3A_62 = arith.muli %add3A_55, %mul3A_61 : i32
      %add3A_63 = arith.addi %mul3A_2, %mul3A_62 : i32
      %dma_wait3A_64 = arith.constant 0 : i32
      %dma_wait3A_65 = tpu.memref_slice %arg2[%add3A_63, %dma_wait3A_64] : memref<8192x1024xf32, #tpu.memory_space<hbm>> -> memref<8x1024xf32, #tpu.memory_space<hbm>>
      %dma_wait3A_66 = arith.constant 0 : i32
      %dma_wait3A_67 = tpu.memref_slice %arg2[%add3A_63, %dma_wait3A_66] : memref<8192x1024xf32, #tpu.memory_space<hbm>> -> memref<8x1024xf32, #tpu.memory_space<hbm>>
      tpu.wait_dma2 semaphore(%arg20 : memref<!tpu.dma_semaphore, #tpu.memory_space<semaphore_mem>>) src(%dma_wait3A_67 : memref<8x1024xf32, #tpu.memory_space<hbm>>) dst(%arg12 : memref<8x1024xf32, #tpu.memory_space<vmem>>)
      %mul3A_68 = arith.constant 8 : i32
      %mul3A_69 = arith.muli %add3A_55, %mul3A_68 : i32
      %add3A_70 = arith.addi %mul3A_2, %mul3A_69 : i32
      %dma_start3A_71 = arith.constant 0 : i32
      %dma_start3A_72 = tpu.memref_slice %arg6[%add3A_70, %dma_start3A_71] : memref<8192x1024xf32, #tpu.memory_space<hbm>> -> memref<8x1024xf32, #tpu.memory_space<hbm>>
      %dma_start3A_73 = arith.constant 0 : i32
      %dma_start3A_74 = tpu.memref_slice %arg6[%add3A_70, %dma_start3A_73] : memref<8192x1024xf32, #tpu.memory_space<hbm>> -> memref<8x1024xf32, #tpu.memory_space<hbm>>
      tpu.enqueue_dma source(%arg8 : memref<8x1024xf32, #tpu.memory_space<vmem>>) target(%dma_start3A_74 : memref<8x1024xf32, #tpu.memory_space<hbm>>) target_semaphore(%arg24 : memref<!tpu.dma_semaphore, #tpu.memory_space<semaphore_mem>>)
      %parallel_loop3A = arith.constant 0 : i32
      %parallel_loop3A_75 = arith.constant 64 : i32
      %parallel_loop3A_76 = arith.constant 1 : i32
      scf.for %parallel_loop3A_435 = %parallel_loop3A to %parallel_loop3A_75 step %parallel_loop3A_76  : i32 {
        %parallel_loop3A_436 = arith.constant 16 : i32
        %parallel_loop3A_437 = arith.muli %parallel_loop3A_435, %parallel_loop3A_436 : i32
        %parallel_loop3A_438 = arith.constant 0 : i32
        %parallel_loop3A_439 = arith.index_cast %parallel_loop3A_438 : i32 to index
        %parallel_loop3A_440 = arith.index_cast %parallel_loop3A_437 : i32 to index
        %parallel_loop3A_441 = tpu.vector_load %arg12[%parallel_loop3A_439, %parallel_loop3A_440] {strides = array<i32>} : memref<8x1024xf32, #tpu.memory_space<vmem>>, vector<1x16xf32>,
        %parallel_loop3A_442 = vector.shape_cast %parallel_loop3A_441 : vector<1x16xf32> to vector<16xf32>
        %parallel_loop3A_443 = arith.constant 3.200000e+01 : f32
        %parallel_loop3A_444 = vector.broadcast %parallel_loop3A_443 : f32 to vector<16xf32>
        %parallel_loop3A_445 = arith.mulf %parallel_loop3A_442, %parallel_loop3A_444 : vector<16xf32>
        %parallel_loop3A_446 = arith.constant 0 : i32
        %parallel_loop3A_447 = arith.index_cast %parallel_loop3A_446 : i32 to index
        %parallel_loop3A_448 = arith.index_cast %parallel_loop3A_437 : i32 to index
        %parallel_loop3A_449 = tpu.vector_load %arg8[%parallel_loop3A_447, %parallel_loop3A_448] {strides = array<i32>} : memref<8x1024xf32, #tpu.memory_space<vmem>>, vector<1x16xf32>,
        %parallel_loop3A_450 = vector.shape_cast %parallel_loop3A_449 : vector<1x16xf32> to vector<16xf32>
        %parallel_loop3A_451 = arith.addf %parallel_loop3A_445, %parallel_loop3A_450 : vector<16xf32>
        %parallel_loop3A_452 = arith.constant 0 : i32
        %parallel_loop3A_453 = arith.index_cast %parallel_loop3A_452 : i32 to index
        %parallel_loop3A_454 = arith.index_cast %parallel_loop3A_437 : i32 to index
        %parallel_loop3A_455 = tpu.vector_load %arg16[%parallel_loop3A_453, %parallel_loop3A_454] {strides = array<i32>} : memref<8x1024xf32, #tpu.memory_space<vmem>>, vector<1x16xf32>,
        %parallel_loop3A_456 = vector.shape_cast %parallel_loop3A_455 : vector<1x16xf32> to vector<16xf32>
        %parallel_loop3A_457 = vector.shape_cast %parallel_loop3A_451 : vector<16xf32> to vector<1x16xf32>
        tpu.vector_store %arg16[%parallel_loop3A_453, %parallel_loop3A_454], %parallel_loop3A_457 {strides = array<i32>} : memref<8x1024xf32, #tpu.memory_space<vmem>>, vector<1x16xf32>,
      } {sc.loop_unroll_factor = 8 : i64, sc.parallel_access}
      %parallel_loop3A_77 = arith.constant 0 : i32
      %parallel_loop3A_78 = arith.constant 64 : i32
      %parallel_loop3A_79 = arith.constant 1 : i32
      scf.for %parallel_loop3A_435 = %parallel_loop3A_77 to %parallel_loop3A_78 step %parallel_loop3A_79  : i32 {
        %parallel_loop3A_436 = arith.constant 16 : i32
        %parallel_loop3A_437 = arith.muli %parallel_loop3A_435, %parallel_loop3A_436 : i32
        %parallel_loop3A_438 = arith.constant 1 : i32
        %parallel_loop3A_439 = arith.index_cast %parallel_loop3A_438 : i32 to index
        %parallel_loop3A_440 = arith.index_cast %parallel_loop3A_437 : i32 to index
        %parallel_loop3A_441 = tpu.vector_load %arg12[%parallel_loop3A_439, %parallel_loop3A_440] {strides = array<i32>} : memref<8x1024xf32, #tpu.memory_space<vmem>>, vector<1x16xf32>,
        %parallel_loop3A_442 = vector.shape_cast %parallel_loop3A_441 : vector<1x16xf32> to vector<16xf32>
        %parallel_loop3A_443 = arith.constant 3.200000e+01 : f32
        %parallel_loop3A_444 = vector.broadcast %parallel_loop3A_443 : f32 to vector<16xf32>
        %parallel_loop3A_445 = arith.mulf %parallel_loop3A_442, %parallel_loop3A_444 : vector<16xf32>
        %parallel_loop3A_446 = arith.constant 1 : i32
        %parallel_loop3A_447 = arith.index_cast %parallel_loop3A_446 : i32 to index
        %parallel_loop3A_448 = arith.index_cast %parallel_loop3A_437 : i32 to index
        %parallel_loop3A_449 = tpu.vector_load %arg8[%parallel_loop3A_447, %parallel_loop3A_448] {strides = array<i32>} : memref<8x1024xf32, #tpu.memory_space<vmem>>, vector<1x16xf32>,
        %parallel_loop3A_450 = vector.shape_cast %parallel_loop3A_449 : vector<1x16xf32> to vector<16xf32>
        %parallel_loop3A_451 = arith.addf %parallel_loop3A_445, %parallel_loop3A_450 : vector<16xf32>
        %parallel_loop3A_452 = arith.constant 1 : i32
        %parallel_loop3A_453 = arith.index_cast %parallel_loop3A_452 : i32 to index
        %parallel_loop3A_454 = arith.index_cast %parallel_loop3A_437 : i32 to index
        %parallel_loop3A_455 = tpu.vector_load %arg16[%parallel_loop3A_453, %parallel_loop3A_454] {strides = array<i32>} : memref<8x1024xf32, #tpu.memory_space<vmem>>, vector<1x16xf32>,
        %parallel_loop3A_456 = vector.shape_cast %parallel_loop3A_455 : vector<1x16xf32> to vector<16xf32>
        %parallel_loop3A_457 = vector.shape_cast %parallel_loop3A_451 : vector<16xf32> to vector<1x16xf32>
        tpu.vector_store %arg16[%parallel_loop3A_453, %parallel_loop3A_454], %parallel_loop3A_457 {strides = array<i32>} : memref<8x1024xf32, #tpu.memory_space<vmem>>, vector<1x16xf32>,
      } {sc.loop_unroll_factor = 8 : i64, sc.parallel_access}
      %parallel_loop3A_80 = arith.constant 0 : i32
      %parallel_loop3A_81 = arith.constant 64 : i32
      %parallel_loop3A_82 = arith.constant 1 : i32
      scf.for %parallel_loop3A_435 = %parallel_loop3A_80 to %parallel_loop3A_81 step %parallel_loop3A_82  : i32 {
        %parallel_loop3A_436 = arith.constant 16 : i32
        %parallel_loop3A_437 = arith.muli %parallel_loop3A_435, %parallel_loop3A_436 : i32
        %parallel_loop3A_438 = arith.constant 2 : i32
        %parallel_loop3A_439 = arith.index_cast %parallel_loop3A_438 : i32 to index
        %parallel_loop3A_440 = arith.index_cast %parallel_loop3A_437 : i32 to index
        %parallel_loop3A_441 = tpu.vector_load %arg12[%parallel_loop3A_439, %parallel_loop3A_440] {strides = array<i32>} : memref<8x1024xf32, #tpu.memory_space<vmem>>, vector<1x16xf32>,
        %parallel_loop3A_442 = vector.shape_cast %parallel_loop3A_441 : vector<1x16xf32> to vector<16xf32>
        %parallel_loop3A_443 = arith.constant 3.200000e+01 : f32
        %parallel_loop3A_444 = vector.broadcast %parallel_loop3A_443 : f32 to vector<16xf32>
        %parallel_loop3A_445 = arith.mulf %parallel_loop3A_442, %parallel_loop3A_444 : vector<16xf32>
        %parallel_loop3A_446 = arith.constant 2 : i32
        %parallel_loop3A_447 = arith.index_cast %parallel_loop3A_446 : i32 to index
        %parallel_loop3A_448 = arith.index_cast %parallel_loop3A_437 : i32 to index
        %parallel_loop3A_449 = tpu.vector_load %arg8[%parallel_loop3A_447, %parallel_loop3A_448] {strides = array<i32>} : memref<8x1024xf32, #tpu.memory_space<vmem>>, vector<1x16xf32>,
        %parallel_loop3A_450 = vector.shape_cast %parallel_loop3A_449 : vector<1x16xf32> to vector<16xf32>
        %parallel_loop3A_451 = arith.addf %parallel_loop3A_445, %parallel_loop3A_450 : vector<16xf32>
        %parallel_loop3A_452 = arith.constant 2 : i32
        %parallel_loop3A_453 = arith.index_cast %parallel_loop3A_452 : i32 to index
        %parallel_loop3A_454 = arith.index_cast %parallel_loop3A_437 : i32 to index
        %parallel_loop3A_455 = tpu.vector_load %arg16[%parallel_loop3A_453, %parallel_loop3A_454] {strides = array<i32>} : memref<8x1024xf32, #tpu.memory_space<vmem>>, vector<1x16xf32>,
        %parallel_loop3A_456 = vector.shape_cast %parallel_loop3A_455 : vector<1x16xf32> to vector<16xf32>
        %parallel_loop3A_457 = vector.shape_cast %parallel_loop3A_451 : vector<16xf32> to vector<1x16xf32>
        tpu.vector_store %arg16[%parallel_loop3A_453, %parallel_loop3A_454], %parallel_loop3A_457 {strides = array<i32>} : memref<8x1024xf32, #tpu.memory_space<vmem>>, vector<1x16xf32>,
      } {sc.loop_unroll_factor = 8 : i64, sc.parallel_access}
      %parallel_loop3A_83 = arith.constant 0 : i32
      %parallel_loop3A_84 = arith.constant 64 : i32
      %parallel_loop3A_85 = arith.constant 1 : i32
      scf.for %parallel_loop3A_435 = %parallel_loop3A_83 to %parallel_loop3A_84 step %parallel_loop3A_85  : i32 {
        %parallel_loop3A_436 = arith.constant 16 : i32
        %parallel_loop3A_437 = arith.muli %parallel_loop3A_435, %parallel_loop3A_436 : i32
        %parallel_loop3A_438 = arith.constant 3 : i32
        %parallel_loop3A_439 = arith.index_cast %parallel_loop3A_438 : i32 to index
        %parallel_loop3A_440 = arith.index_cast %parallel_loop3A_437 : i32 to index
        %parallel_loop3A_441 = tpu.vector_load %arg12[%parallel_loop3A_439, %parallel_loop3A_440] {strides = array<i32>} : memref<8x1024xf32, #tpu.memory_space<vmem>>, vector<1x16xf32>,
        %parallel_loop3A_442 = vector.shape_cast %parallel_loop3A_441 : vector<1x16xf32> to vector<16xf32>
        %parallel_loop3A_443 = arith.constant 3.200000e+01 : f32
        %parallel_loop3A_444 = vector.broadcast %parallel_loop3A_443 : f32 to vector<16xf32>
        %parallel_loop3A_445 = arith.mulf %parallel_loop3A_442, %parallel_loop3A_444 : vector<16xf32>
        %parallel_loop3A_446 = arith.constant 3 : i32
        %parallel_loop3A_447 = arith.index_cast %parallel_loop3A_446 : i32 to index
        %parallel_loop3A_448 = arith.index_cast %parallel_loop3A_437 : i32 to index
        %parallel_loop3A_449 = tpu.vector_load %arg8[%parallel_loop3A_447, %parallel_loop3A_448] {strides = array<i32>} : memref<8x1024xf32, #tpu.memory_space<vmem>>, vector<1x16xf32>,
        %parallel_loop3A_450 = vector.shape_cast %parallel_loop3A_449 : vector<1x16xf32> to vector<16xf32>
        %parallel_loop3A_451 = arith.addf %parallel_loop3A_445, %parallel_loop3A_450 : vector<16xf32>
        %parallel_loop3A_452 = arith.constant 3 : i32
        %parallel_loop3A_453 = arith.index_cast %parallel_loop3A_452 : i32 to index
        %parallel_loop3A_454 = arith.index_cast %parallel_loop3A_437 : i32 to index
        %parallel_loop3A_455 = tpu.vector_load %arg16[%parallel_loop3A_453, %parallel_loop3A_454] {strides = array<i32>} : memref<8x1024xf32, #tpu.memory_space<vmem>>, vector<1x16xf32>,
        %parallel_loop3A_456 = vector.shape_cast %parallel_loop3A_455 : vector<1x16xf32> to vector<16xf32>
        %parallel_loop3A_457 = vector.shape_cast %parallel_loop3A_451 : vector<16xf32> to vector<1x16xf32>
        tpu.vector_store %arg16[%parallel_loop3A_453, %parallel_loop3A_454], %parallel_loop3A_457 {strides = array<i32>} : memref<8x1024xf32, #tpu.memory_space<vmem>>, vector<1x16xf32>,
      } {sc.loop_unroll_factor = 8 : i64, sc.parallel_access}
      %mul3A_86 = arith.constant 8 : i32
      %mul3A_87 = arith.muli %add3A_55, %mul3A_86 : i32
      %add3A_88 = arith.addi %mul3A_2, %mul3A_87 : i32
      %add3A_89 = arith.constant 0 : i32
      %add3A_90 = arith.addi %add3A_88, %add3A_89 : i32
      %dma_start3A_91 = arith.constant 0 : i32
      %dma_start3A_92 = arith.constant 0 : i32
      %dma_start3A_93 = tpu.memref_slice %arg16[%dma_start3A_91, %dma_start3A_92] : memref<8x1024xf32, #tpu.memory_space<vmem>> -> memref<4x1024xf32, #tpu.memory_space<vmem>>
      %dma_start3A_94 = arith.constant 0 : i32
      %dma_start3A_95 = tpu.memref_slice %arg5[%add3A_90, %dma_start3A_94] : memref<8192x1024xf32, #tpu.memory_space<hbm>> -> memref<4x1024xf32, #tpu.memory_space<hbm>>
      %dma_start3A_96 = arith.constant 0 : i32
      %dma_start3A_97 = tpu.memref_slice %arg5[%add3A_90, %dma_start3A_96] : memref<8192x1024xf32, #tpu.memory_space<hbm>> -> memref<4x1024xf32, #tpu.memory_space<hbm>>
      %dma_start3A_98 = arith.constant 0 : i32
      %dma_start3A_99 = arith.constant 0 : i32
      %dma_start3A_100 = tpu.memref_slice %arg16[%dma_start3A_98, %dma_start3A_99] : memref<8x1024xf32, #tpu.memory_space<vmem>> -> memref<4x1024xf32, #tpu.memory_space<vmem>>
      tpu.enqueue_dma source(%dma_start3A_100 : memref<4x1024xf32, #tpu.memory_space<vmem>>) target(%dma_start3A_97 : memref<4x1024xf32, #tpu.memory_space<hbm>>) target_semaphore(%arg24 : memref<!tpu.dma_semaphore, #tpu.memory_space<semaphore_mem>>)
      %parallel_loop3A_101 = arith.constant 0 : i32
      %parallel_loop3A_102 = arith.constant 64 : i32
      %parallel_loop3A_103 = arith.constant 1 : i32
      scf.for %parallel_loop3A_435 = %parallel_loop3A_101 to %parallel_loop3A_102 step %parallel_loop3A_103  : i32 {
        %parallel_loop3A_436 = arith.constant 16 : i32
        %parallel_loop3A_437 = arith.muli %parallel_loop3A_435, %parallel_loop3A_436 : i32
        %parallel_loop3A_438 = arith.constant 4 : i32
        %parallel_loop3A_439 = arith.index_cast %parallel_loop3A_438 : i32 to index
        %parallel_loop3A_440 = arith.index_cast %parallel_loop3A_437 : i32 to index
        %parallel_loop3A_441 = tpu.vector_load %arg12[%parallel_loop3A_439, %parallel_loop3A_440] {strides = array<i32>} : memref<8x1024xf32, #tpu.memory_space<vmem>>, vector<1x16xf32>,
        %parallel_loop3A_442 = vector.shape_cast %parallel_loop3A_441 : vector<1x16xf32> to vector<16xf32>
        %parallel_loop3A_443 = arith.constant 3.200000e+01 : f32
        %parallel_loop3A_444 = vector.broadcast %parallel_loop3A_443 : f32 to vector<16xf32>
        %parallel_loop3A_445 = arith.mulf %parallel_loop3A_442, %parallel_loop3A_444 : vector<16xf32>
        %parallel_loop3A_446 = arith.constant 4 : i32
        %parallel_loop3A_447 = arith.index_cast %parallel_loop3A_446 : i32 to index
        %parallel_loop3A_448 = arith.index_cast %parallel_loop3A_437 : i32 to index
        %parallel_loop3A_449 = tpu.vector_load %arg8[%parallel_loop3A_447, %parallel_loop3A_448] {strides = array<i32>} : memref<8x1024xf32, #tpu.memory_space<vmem>>, vector<1x16xf32>,
        %parallel_loop3A_450 = vector.shape_cast %parallel_loop3A_449 : vector<1x16xf32> to vector<16xf32>
        %parallel_loop3A_451 = arith.addf %parallel_loop3A_445, %parallel_loop3A_450 : vector<16xf32>
        %parallel_loop3A_452 = arith.constant 4 : i32
        %parallel_loop3A_453 = arith.index_cast %parallel_loop3A_452 : i32 to index
        %parallel_loop3A_454 = arith.index_cast %parallel_loop3A_437 : i32 to index
        %parallel_loop3A_455 = tpu.vector_load %arg16[%parallel_loop3A_453, %parallel_loop3A_454] {strides = array<i32>} : memref<8x1024xf32, #tpu.memory_space<vmem>>, vector<1x16xf32>,
        %parallel_loop3A_456 = vector.shape_cast %parallel_loop3A_455 : vector<1x16xf32> to vector<16xf32>
        %parallel_loop3A_457 = vector.shape_cast %parallel_loop3A_451 : vector<16xf32> to vector<1x16xf32>
        tpu.vector_store %arg16[%parallel_loop3A_453, %parallel_loop3A_454], %parallel_loop3A_457 {strides = array<i32>} : memref<8x1024xf32, #tpu.memory_space<vmem>>, vector<1x16xf32>,
      } {sc.loop_unroll_factor = 8 : i64, sc.parallel_access}
      %parallel_loop3A_104 = arith.constant 0 : i32
      %parallel_loop3A_105 = arith.constant 64 : i32
      %parallel_loop3A_106 = arith.constant 1 : i32
      scf.for %parallel_loop3A_435 = %parallel_loop3A_104 to %parallel_loop3A_105 step %parallel_loop3A_106  : i32 {
        %parallel_loop3A_436 = arith.constant 16 : i32
        %parallel_loop3A_437 = arith.muli %parallel_loop3A_435, %parallel_loop3A_436 : i32
        %parallel_loop3A_438 = arith.constant 5 : i32
        %parallel_loop3A_439 = arith.index_cast %parallel_loop3A_438 : i32 to index
        %parallel_loop3A_440 = arith.index_cast %parallel_loop3A_437 : i32 to index
        %parallel_loop3A_441 = tpu.vector_load %arg12[%parallel_loop3A_439, %parallel_loop3A_440] {strides = array<i32>} : memref<8x1024xf32, #tpu.memory_space<vmem>>, vector<1x16xf32>,
        %parallel_loop3A_442 = vector.shape_cast %parallel_loop3A_441 : vector<1x16xf32> to vector<16xf32>
        %parallel_loop3A_443 = arith.constant 3.200000e+01 : f32
        %parallel_loop3A_444 = vector.broadcast %parallel_loop3A_443 : f32 to vector<16xf32>
        %parallel_loop3A_445 = arith.mulf %parallel_loop3A_442, %parallel_loop3A_444 : vector<16xf32>
        %parallel_loop3A_446 = arith.constant 5 : i32
        %parallel_loop3A_447 = arith.index_cast %parallel_loop3A_446 : i32 to index
        %parallel_loop3A_448 = arith.index_cast %parallel_loop3A_437 : i32 to index
        %parallel_loop3A_449 = tpu.vector_load %arg8[%parallel_loop3A_447, %parallel_loop3A_448] {strides = array<i32>} : memref<8x1024xf32, #tpu.memory_space<vmem>>, vector<1x16xf32>,
        %parallel_loop3A_450 = vector.shape_cast %parallel_loop3A_449 : vector<1x16xf32> to vector<16xf32>
        %parallel_loop3A_451 = arith.addf %parallel_loop3A_445, %parallel_loop3A_450 : vector<16xf32>
        %parallel_loop3A_452 = arith.constant 5 : i32
        %parallel_loop3A_453 = arith.index_cast %parallel_loop3A_452 : i32 to index
        %parallel_loop3A_454 = arith.index_cast %parallel_loop3A_437 : i32 to index
        %parallel_loop3A_455 = tpu.vector_load %arg16[%parallel_loop3A_453, %parallel_loop3A_454] {strides = array<i32>} : memref<8x1024xf32, #tpu.memory_space<vmem>>, vector<1x16xf32>,
        %parallel_loop3A_456 = vector.shape_cast %parallel_loop3A_455 : vector<1x16xf32> to vector<16xf32>
        %parallel_loop3A_457 = vector.shape_cast %parallel_loop3A_451 : vector<16xf32> to vector<1x16xf32>
        tpu.vector_store %arg16[%parallel_loop3A_453, %parallel_loop3A_454], %parallel_loop3A_457 {strides = array<i32>} : memref<8x1024xf32, #tpu.memory_space<vmem>>, vector<1x16xf32>,
      } {sc.loop_unroll_factor = 8 : i64, sc.parallel_access}
      %parallel_loop3A_107 = arith.constant 0 : i32
      %parallel_loop3A_108 = arith.constant 64 : i32
      %parallel_loop3A_109 = arith.constant 1 : i32
      scf.for %parallel_loop3A_435 = %parallel_loop3A_107 to %parallel_loop3A_108 step %parallel_loop3A_109  : i32 {
        %parallel_loop3A_436 = arith.constant 16 : i32
        %parallel_loop3A_437 = arith.muli %parallel_loop3A_435, %parallel_loop3A_436 : i32
        %parallel_loop3A_438 = arith.constant 6 : i32
        %parallel_loop3A_439 = arith.index_cast %parallel_loop3A_438 : i32 to index
        %parallel_loop3A_440 = arith.index_cast %parallel_loop3A_437 : i32 to index
        %parallel_loop3A_441 = tpu.vector_load %arg12[%parallel_loop3A_439, %parallel_loop3A_440] {strides = array<i32>} : memref<8x1024xf32, #tpu.memory_space<vmem>>, vector<1x16xf32>,
        %parallel_loop3A_442 = vector.shape_cast %parallel_loop3A_441 : vector<1x16xf32> to vector<16xf32>
        %parallel_loop3A_443 = arith.constant 3.200000e+01 : f32
        %parallel_loop3A_444 = vector.broadcast %parallel_loop3A_443 : f32 to vector<16xf32>
        %parallel_loop3A_445 = arith.mulf %parallel_loop3A_442, %parallel_loop3A_444 : vector<16xf32>
        %parallel_loop3A_446 = arith.constant 6 : i32
        %parallel_loop3A_447 = arith.index_cast %parallel_loop3A_446 : i32 to index
        %parallel_loop3A_448 = arith.index_cast %parallel_loop3A_437 : i32 to index
        %parallel_loop3A_449 = tpu.vector_load %arg8[%parallel_loop3A_447, %parallel_loop3A_448] {strides = array<i32>} : memref<8x1024xf32, #tpu.memory_space<vmem>>, vector<1x16xf32>,
        %parallel_loop3A_450 = vector.shape_cast %parallel_loop3A_449 : vector<1x16xf32> to vector<16xf32>
        %parallel_loop3A_451 = arith.addf %parallel_loop3A_445, %parallel_loop3A_450 : vector<16xf32>
        %parallel_loop3A_452 = arith.constant 6 : i32
        %parallel_loop3A_453 = arith.index_cast %parallel_loop3A_452 : i32 to index
        %parallel_loop3A_454 = arith.index_cast %parallel_loop3A_437 : i32 to index
        %parallel_loop3A_455 = tpu.vector_load %arg16[%parallel_loop3A_453, %parallel_loop3A_454] {strides = array<i32>} : memref<8x1024xf32, #tpu.memory_space<vmem>>, vector<1x16xf32>,
        %parallel_loop3A_456 = vector.shape_cast %parallel_loop3A_455 : vector<1x16xf32> to vector<16xf32>
        %parallel_loop3A_457 = vector.shape_cast %parallel_loop3A_451 : vector<16xf32> to vector<1x16xf32>
        tpu.vector_store %arg16[%parallel_loop3A_453, %parallel_loop3A_454], %parallel_loop3A_457 {strides = array<i32>} : memref<8x1024xf32, #tpu.memory_space<vmem>>, vector<1x16xf32>,
      } {sc.loop_unroll_factor = 8 : i64, sc.parallel_access}
      %parallel_loop3A_110 = arith.constant 0 : i32
      %parallel_loop3A_111 = arith.constant 64 : i32
      %parallel_loop3A_112 = arith.constant 1 : i32
      scf.for %parallel_loop3A_435 = %parallel_loop3A_110 to %parallel_loop3A_111 step %parallel_loop3A_112  : i32 {
        %parallel_loop3A_436 = arith.constant 16 : i32
        %parallel_loop3A_437 = arith.muli %parallel_loop3A_435, %parallel_loop3A_436 : i32
        %parallel_loop3A_438 = arith.constant 7 : i32
        %parallel_loop3A_439 = arith.index_cast %parallel_loop3A_438 : i32 to index
        %parallel_loop3A_440 = arith.index_cast %parallel_loop3A_437 : i32 to index
        %parallel_loop3A_441 = tpu.vector_load %arg12[%parallel_loop3A_439, %parallel_loop3A_440] {strides = array<i32>} : memref<8x1024xf32, #tpu.memory_space<vmem>>, vector<1x16xf32>,
        %parallel_loop3A_442 = vector.shape_cast %parallel_loop3A_441 : vector<1x16xf32> to vector<16xf32>
        %parallel_loop3A_443 = arith.constant 3.200000e+01 : f32
        %parallel_loop3A_444 = vector.broadcast %parallel_loop3A_443 : f32 to vector<16xf32>
        %parallel_loop3A_445 = arith.mulf %parallel_loop3A_442, %parallel_loop3A_444 : vector<16xf32>
        %parallel_loop3A_446 = arith.constant 7 : i32
        %parallel_loop3A_447 = arith.index_cast %parallel_loop3A_446 : i32 to index
        %parallel_loop3A_448 = arith.index_cast %parallel_loop3A_437 : i32 to index
        %parallel_loop3A_449 = tpu.vector_load %arg8[%parallel_loop3A_447, %parallel_loop3A_448] {strides = array<i32>} : memref<8x1024xf32, #tpu.memory_space<vmem>>, vector<1x16xf32>,
        %parallel_loop3A_450 = vector.shape_cast %parallel_loop3A_449 : vector<1x16xf32> to vector<16xf32>
        %parallel_loop3A_451 = arith.addf %parallel_loop3A_445, %parallel_loop3A_450 : vector<16xf32>
        %parallel_loop3A_452 = arith.constant 7 : i32
        %parallel_loop3A_453 = arith.index_cast %parallel_loop3A_452 : i32 to index
        %parallel_loop3A_454 = arith.index_cast %parallel_loop3A_437 : i32 to index
        %parallel_loop3A_455 = tpu.vector_load %arg16[%parallel_loop3A_453, %parallel_loop3A_454] {strides = array<i32>} : memref<8x1024xf32, #tpu.memory_space<vmem>>, vector<1x16xf32>,
        %parallel_loop3A_456 = vector.shape_cast %parallel_loop3A_455 : vector<1x16xf32> to vector<16xf32>
        %parallel_loop3A_457 = vector.shape_cast %parallel_loop3A_451 : vector<16xf32> to vector<1x16xf32>
        tpu.vector_store %arg16[%parallel_loop3A_453, %parallel_loop3A_454], %parallel_loop3A_457 {strides = array<i32>} : memref<8x1024xf32, #tpu.memory_space<vmem>>, vector<1x16xf32>,
      } {sc.loop_unroll_factor = 8 : i64, sc.parallel_access}
      %mul3A_113 = arith.constant 8 : i32
      %mul3A_114 = arith.muli %add3A_55, %mul3A_113 : i32
      %add3A_115 = arith.addi %mul3A_2, %mul3A_114 : i32
      %add3A_116 = arith.constant 4 : i32
      %add3A_117 = arith.addi %add3A_115, %add3A_116 : i32
      %dma_start3A_118 = arith.constant 4 : i32
      %dma_start3A_119 = arith.constant 0 : i32
      %dma_start3A_120 = tpu.memref_slice %arg16[%dma_start3A_118, %dma_start3A_119] : memref<8x1024xf32, #tpu.memory_space<vmem>> -> memref<4x1024xf32, #tpu.memory_space<vmem>>
      %dma_start3A_121 = arith.constant 0 : i32
      %dma_start3A_122 = tpu.memref_slice %arg5[%add3A_117, %dma_start3A_121] : memref<8192x1024xf32, #tpu.memory_space<hbm>> -> memref<4x1024xf32, #tpu.memory_space<hbm>>
      %dma_start3A_123 = arith.constant 0 : i32
      %dma_start3A_124 = tpu.memref_slice %arg5[%add3A_117, %dma_start3A_123] : memref<8192x1024xf32, #tpu.memory_space<hbm>> -> memref<4x1024xf32, #tpu.memory_space<hbm>>
      %dma_start3A_125 = arith.constant 4 : i32
      %dma_start3A_126 = arith.constant 0 : i32
      %dma_start3A_127 = tpu.memref_slice %arg16[%dma_start3A_125, %dma_start3A_126] : memref<8x1024xf32, #tpu.memory_space<vmem>> -> memref<4x1024xf32, #tpu.memory_space<vmem>>
      tpu.enqueue_dma source(%dma_start3A_127 : memref<4x1024xf32, #tpu.memory_space<vmem>>) target(%dma_start3A_124 : memref<4x1024xf32, #tpu.memory_space<hbm>>) target_semaphore(%arg24 : memref<!tpu.dma_semaphore, #tpu.memory_space<semaphore_mem>>)
      %mul3A_128 = arith.constant 8 : i32
      %mul3A_129 = arith.muli %add3A_55, %mul3A_128 : i32
      %add3A_130 = arith.addi %mul3A_2, %mul3A_129 : i32
      %dma_wait3A_131 = arith.constant 0 : i32
      %dma_wait3A_132 = tpu.memref_slice %arg6[%add3A_130, %dma_wait3A_131] : memref<8192x1024xf32, #tpu.memory_space<hbm>> -> memref<8x1024xf32, #tpu.memory_space<hbm>>
      %dma_wait3A_133 = arith.constant 0 : i32
      %dma_wait3A_134 = tpu.memref_slice %arg6[%add3A_130, %dma_wait3A_133] : memref<8192x1024xf32, #tpu.memory_space<hbm>> -> memref<8x1024xf32, #tpu.memory_space<hbm>>
      tpu.wait_dma2 semaphore(%arg24 : memref<!tpu.dma_semaphore, #tpu.memory_space<semaphore_mem>>) src(%arg8 : memref<8x1024xf32, #tpu.memory_space<vmem>>) dst(%dma_wait3A_134 : memref<8x1024xf32, #tpu.memory_space<hbm>>)
      %mul3A_135 = arith.constant 8 : i32
      %mul3A_136 = arith.muli %add3A_55, %mul3A_135 : i32
      %add3A_137 = arith.addi %mul3A_2, %mul3A_136 : i32
      %dma_wait3A_138 = arith.constant 0 : i32
      %dma_wait3A_139 = tpu.memref_slice %arg5[%add3A_137, %dma_wait3A_138] : memref<8192x1024xf32, #tpu.memory_space<hbm>> -> memref<8x1024xf32, #tpu.memory_space<hbm>>
      %dma_wait3A_140 = arith.constant 0 : i32
      %dma_wait3A_141 = tpu.memref_slice %arg5[%add3A_137, %dma_wait3A_140] : memref<8192x1024xf32, #tpu.memory_space<hbm>> -> memref<8x1024xf32, #tpu.memory_space<hbm>>
      tpu.wait_dma2 semaphore(%arg24 : memref<!tpu.dma_semaphore, #tpu.memory_space<semaphore_mem>>) src(%arg16 : memref<8x1024xf32, #tpu.memory_space<vmem>>) dst(%dma_wait3A_141 : memref<8x1024xf32, #tpu.memory_space<hbm>>)
      %lt3A = arith.constant 7 : i32
      %lt3A_142 = arith.cmpi slt, %scan3A_51, %lt3A : i32
      %convert_element_type3A = arith.extui %lt3A_142 : i1 to i32
      %cond3A = arith.constant 0 : i32
      %cond3A_143 = arith.cmpi ne, %convert_element_type3A, %cond3A : i32
      scf.if %cond3A_143 {
        %add3A_435 = arith.constant 4 : i32
        %add3A_436 = arith.addi %add3A_55, %add3A_435 : i32
        %mul3A_437 = arith.constant 8 : i32
        %mul3A_438 = arith.muli %add3A_436, %mul3A_437 : i32
        %dma_start3A_439 = tpu.memref_slice %arg7[%mul3A_438] : memref<256xi32, #tpu.memory_space<vmem>> -> memref<8xi32, #tpu.memory_space<vmem>>
        %dma_start3A_440 = arith.constant 0 : i32
        %dma_start3A_441 = arith.constant 0 : i32
        %dma_start3A_442 = tpu.memref_slice %arg4[%dma_start3A_440, %dma_start3A_441] : memref<8192x1024xf32, #tpu.memory_space<hbm>> -> memref<8192x1024xf32, #tpu.memory_space<hbm>>
        tpu.enqueue_indirect_dma source(%dma_start3A_442 : memref<8192x1024xf32, #tpu.memory_space<hbm>>) target(%arg8 : memref<8x1024xf32, #tpu.memory_space<vmem>>) offsets(%dma_start3A_439 : memref<8xi32, #tpu.memory_space<vmem>>) semaphore(%arg20 : memref<!tpu.dma_semaphore, #tpu.memory_space<semaphore_mem>>)
        %mul3A_443 = arith.constant 8 : i32
        %mul3A_444 = arith.muli %add3A_436, %mul3A_443 : i32
        %add3A_445 = arith.addi %mul3A_2, %mul3A_444 : i32
        %dma_start3A_446 = arith.constant 0 : i32
        %dma_start3A_447 = tpu.memref_slice %arg2[%add3A_445, %dma_start3A_446] : memref<8192x1024xf32, #tpu.memory_space<hbm>> -> memref<8x1024xf32, #tpu.memory_space<hbm>>
        %dma_start3A_448 = arith.constant 0 : i32
        %dma_start3A_449 = tpu.memref_slice %arg2[%add3A_445, %dma_start3A_448] : memref<8192x1024xf32, #tpu.memory_space<hbm>> -> memref<8x1024xf32, #tpu.memory_space<hbm>>
        tpu.enqueue_dma source(%dma_start3A_449 : memref<8x1024xf32, #tpu.memory_space<hbm>>) target(%arg12 : memref<8x1024xf32, #tpu.memory_space<vmem>>) target_semaphore(%arg20 : memref<!tpu.dma_semaphore, #tpu.memory_space<semaphore_mem>>)
      } else {
      }
      %mul3A_144 = arith.constant 4 : i32
      %mul3A_145 = arith.muli %scan3A_51, %mul3A_144 : i32
      %add3A_146 = arith.constant 1 : i32
      %add3A_147 = arith.addi %mul3A_145, %add3A_146 : i32
      %mul3A_148 = arith.constant 8 : i32
      %mul3A_149 = arith.muli %add3A_147, %mul3A_148 : i32
      %dma_wait3A_150 = tpu.memref_slice %arg7[%mul3A_149] : memref<256xi32, #tpu.memory_space<vmem>> -> memref<8xi32, #tpu.memory_space<vmem>>
      %dma_wait3A_151 = arith.constant 0 : i32
      %dma_wait3A_152 = arith.constant 0 : i32
      %dma_wait3A_153 = tpu.memref_slice %arg4[%dma_wait3A_151, %dma_wait3A_152] : memref<8192x1024xf32, #tpu.memory_space<hbm>> -> memref<8192x1024xf32, #tpu.memory_space<hbm>>
      tpu.wait_indirect_dma semaphore(%arg21 : memref<!tpu.dma_semaphore, #tpu.memory_space<semaphore_mem>>) src(%dma_wait3A_153 : memref<8192x1024xf32, #tpu.memory_space<hbm>>) dst(%arg9 : memref<8x1024xf32, #tpu.memory_space<vmem>>)
      %mul3A_154 = arith.constant 8 : i32
      %mul3A_155 = arith.muli %add3A_147, %mul3A_154 : i32
      %add3A_156 = arith.addi %mul3A_2, %mul3A_155 : i32
      %dma_wait3A_157 = arith.constant 0 : i32
      %dma_wait3A_158 = tpu.memref_slice %arg2[%add3A_156, %dma_wait3A_157] : memref<8192x1024xf32, #tpu.memory_space<hbm>> -> memref<8x1024xf32, #tpu.memory_space<hbm>>
      %dma_wait3A_159 = arith.constant 0 : i32
      %dma_wait3A_160 = tpu.memref_slice %arg2[%add3A_156, %dma_wait3A_159] : memref<8192x1024xf32, #tpu.memory_space<hbm>> -> memref<8x1024xf32, #tpu.memory_space<hbm>>
      tpu.wait_dma2 semaphore(%arg21 : memref<!tpu.dma_semaphore, #tpu.memory_space<semaphore_mem>>) src(%dma_wait3A_160 : memref<8x1024xf32, #tpu.memory_space<hbm>>) dst(%arg13 : memref<8x1024xf32, #tpu.memory_space<vmem>>)
      %mul3A_161 = arith.constant 8 : i32
      %mul3A_162 = arith.muli %add3A_147, %mul3A_161 : i32
      %add3A_163 = arith.addi %mul3A_2, %mul3A_162 : i32
      %dma_start3A_164 = arith.constant 0 : i32
      %dma_start3A_165 = tpu.memref_slice %arg6[%add3A_163, %dma_start3A_164] : memref<8192x1024xf32, #tpu.memory_space<hbm>> -> memref<8x1024xf32, #tpu.memory_space<hbm>>
      %dma_start3A_166 = arith.constant 0 : i32
      %dma_start3A_167 = tpu.memref_slice %arg6[%add3A_163, %dma_start3A_166] : memref<8192x1024xf32, #tpu.memory_space<hbm>> -> memref<8x1024xf32, #tpu.memory_space<hbm>>
      tpu.enqueue_dma source(%arg9 : memref<8x1024xf32, #tpu.memory_space<vmem>>) target(%dma_start3A_167 : memref<8x1024xf32, #tpu.memory_space<hbm>>) target_semaphore(%arg25 : memref<!tpu.dma_semaphore, #tpu.memory_space<semaphore_mem>>)
      %parallel_loop3A_168 = arith.constant 0 : i32
      %parallel_loop3A_169 = arith.constant 64 : i32
      %parallel_loop3A_170 = arith.constant 1 : i32
      scf.for %parallel_loop3A_435 = %parallel_loop3A_168 to %parallel_loop3A_169 step %parallel_loop3A_170  : i32 {
        %parallel_loop3A_436 = arith.constant 16 : i32
        %parallel_loop3A_437 = arith.muli %parallel_loop3A_435, %parallel_loop3A_436 : i32
        %parallel_loop3A_438 = arith.constant 0 : i32
        %parallel_loop3A_439 = arith.index_cast %parallel_loop3A_438 : i32 to index
        %parallel_loop3A_440 = arith.index_cast %parallel_loop3A_437 : i32 to index
        %parallel_loop3A_441 = tpu.vector_load %arg13[%parallel_loop3A_439, %parallel_loop3A_440] {strides = array<i32>} : memref<8x1024xf32, #tpu.memory_space<vmem>>, vector<1x16xf32>,
        %parallel_loop3A_442 = vector.shape_cast %parallel_loop3A_441 : vector<1x16xf32> to vector<16xf32>
        %parallel_loop3A_443 = arith.constant 3.200000e+01 : f32
        %parallel_loop3A_444 = vector.broadcast %parallel_loop3A_443 : f32 to vector<16xf32>
        %parallel_loop3A_445 = arith.mulf %parallel_loop3A_442, %parallel_loop3A_444 : vector<16xf32>
        %parallel_loop3A_446 = arith.constant 0 : i32
        %parallel_loop3A_447 = arith.index_cast %parallel_loop3A_446 : i32 to index
        %parallel_loop3A_448 = arith.index_cast %parallel_loop3A_437 : i32 to index
        %parallel_loop3A_449 = tpu.vector_load %arg9[%parallel_loop3A_447, %parallel_loop3A_448] {strides = array<i32>} : memref<8x1024xf32, #tpu.memory_space<vmem>>, vector<1x16xf32>,
        %parallel_loop3A_450 = vector.shape_cast %parallel_loop3A_449 : vector<1x16xf32> to vector<16xf32>
        %parallel_loop3A_451 = arith.addf %parallel_loop3A_445, %parallel_loop3A_450 : vector<16xf32>
        %parallel_loop3A_452 = arith.constant 0 : i32
        %parallel_loop3A_453 = arith.index_cast %parallel_loop3A_452 : i32 to index
        %parallel_loop3A_454 = arith.index_cast %parallel_loop3A_437 : i32 to index
        %parallel_loop3A_455 = tpu.vector_load %arg17[%parallel_loop3A_453, %parallel_loop3A_454] {strides = array<i32>} : memref<8x1024xf32, #tpu.memory_space<vmem>>, vector<1x16xf32>,
        %parallel_loop3A_456 = vector.shape_cast %parallel_loop3A_455 : vector<1x16xf32> to vector<16xf32>
        %parallel_loop3A_457 = vector.shape_cast %parallel_loop3A_451 : vector<16xf32> to vector<1x16xf32>
        tpu.vector_store %arg17[%parallel_loop3A_453, %parallel_loop3A_454], %parallel_loop3A_457 {strides = array<i32>} : memref<8x1024xf32, #tpu.memory_space<vmem>>, vector<1x16xf32>,
      } {sc.loop_unroll_factor = 8 : i64, sc.parallel_access}
      %parallel_loop3A_171 = arith.constant 0 : i32
      %parallel_loop3A_172 = arith.constant 64 : i32
      %parallel_loop3A_173 = arith.constant 1 : i32
      scf.for %parallel_loop3A_435 = %parallel_loop3A_171 to %parallel_loop3A_172 step %parallel_loop3A_173  : i32 {
        %parallel_loop3A_436 = arith.constant 16 : i32
        %parallel_loop3A_437 = arith.muli %parallel_loop3A_435, %parallel_loop3A_436 : i32
        %parallel_loop3A_438 = arith.constant 1 : i32
        %parallel_loop3A_439 = arith.index_cast %parallel_loop3A_438 : i32 to index
        %parallel_loop3A_440 = arith.index_cast %parallel_loop3A_437 : i32 to index
        %parallel_loop3A_441 = tpu.vector_load %arg13[%parallel_loop3A_439, %parallel_loop3A_440] {strides = array<i32>} : memref<8x1024xf32, #tpu.memory_space<vmem>>, vector<1x16xf32>,
        %parallel_loop3A_442 = vector.shape_cast %parallel_loop3A_441 : vector<1x16xf32> to vector<16xf32>
        %parallel_loop3A_443 = arith.constant 3.200000e+01 : f32
        %parallel_loop3A_444 = vector.broadcast %parallel_loop3A_443 : f32 to vector<16xf32>
        %parallel_loop3A_445 = arith.mulf %parallel_loop3A_442, %parallel_loop3A_444 : vector<16xf32>
        %parallel_loop3A_446 = arith.constant 1 : i32
        %parallel_loop3A_447 = arith.index_cast %parallel_loop3A_446 : i32 to index
        %parallel_loop3A_448 = arith.index_cast %parallel_loop3A_437 : i32 to index
        %parallel_loop3A_449 = tpu.vector_load %arg9[%parallel_loop3A_447, %parallel_loop3A_448] {strides = array<i32>} : memref<8x1024xf32, #tpu.memory_space<vmem>>, vector<1x16xf32>,
        %parallel_loop3A_450 = vector.shape_cast %parallel_loop3A_449 : vector<1x16xf32> to vector<16xf32>
        %parallel_loop3A_451 = arith.addf %parallel_loop3A_445, %parallel_loop3A_450 : vector<16xf32>
        %parallel_loop3A_452 = arith.constant 1 : i32
        %parallel_loop3A_453 = arith.index_cast %parallel_loop3A_452 : i32 to index
        %parallel_loop3A_454 = arith.index_cast %parallel_loop3A_437 : i32 to index
        %parallel_loop3A_455 = tpu.vector_load %arg17[%parallel_loop3A_453, %parallel_loop3A_454] {strides = array<i32>} : memref<8x1024xf32, #tpu.memory_space<vmem>>, vector<1x16xf32>,
        %parallel_loop3A_456 = vector.shape_cast %parallel_loop3A_455 : vector<1x16xf32> to vector<16xf32>
        %parallel_loop3A_457 = vector.shape_cast %parallel_loop3A_451 : vector<16xf32> to vector<1x16xf32>
        tpu.vector_store %arg17[%parallel_loop3A_453, %parallel_loop3A_454], %parallel_loop3A_457 {strides = array<i32>} : memref<8x1024xf32, #tpu.memory_space<vmem>>, vector<1x16xf32>,
      } {sc.loop_unroll_factor = 8 : i64, sc.parallel_access}
      %parallel_loop3A_174 = arith.constant 0 : i32
      %parallel_loop3A_175 = arith.constant 64 : i32
      %parallel_loop3A_176 = arith.constant 1 : i32
      scf.for %parallel_loop3A_435 = %parallel_loop3A_174 to %parallel_loop3A_175 step %parallel_loop3A_176  : i32 {
        %parallel_loop3A_436 = arith.constant 16 : i32
        %parallel_loop3A_437 = arith.muli %parallel_loop3A_435, %parallel_loop3A_436 : i32
        %parallel_loop3A_438 = arith.constant 2 : i32
        %parallel_loop3A_439 = arith.index_cast %parallel_loop3A_438 : i32 to index
        %parallel_loop3A_440 = arith.index_cast %parallel_loop3A_437 : i32 to index
        %parallel_loop3A_441 = tpu.vector_load %arg13[%parallel_loop3A_439, %parallel_loop3A_440] {strides = array<i32>} : memref<8x1024xf32, #tpu.memory_space<vmem>>, vector<1x16xf32>,
        %parallel_loop3A_442 = vector.shape_cast %parallel_loop3A_441 : vector<1x16xf32> to vector<16xf32>
        %parallel_loop3A_443 = arith.constant 3.200000e+01 : f32
        %parallel_loop3A_444 = vector.broadcast %parallel_loop3A_443 : f32 to vector<16xf32>
        %parallel_loop3A_445 = arith.mulf %parallel_loop3A_442, %parallel_loop3A_444 : vector<16xf32>
        %parallel_loop3A_446 = arith.constant 2 : i32
        %parallel_loop3A_447 = arith.index_cast %parallel_loop3A_446 : i32 to index
        %parallel_loop3A_448 = arith.index_cast %parallel_loop3A_437 : i32 to index
        %parallel_loop3A_449 = tpu.vector_load %arg9[%parallel_loop3A_447, %parallel_loop3A_448] {strides = array<i32>} : memref<8x1024xf32, #tpu.memory_space<vmem>>, vector<1x16xf32>,
        %parallel_loop3A_450 = vector.shape_cast %parallel_loop3A_449 : vector<1x16xf32> to vector<16xf32>
        %parallel_loop3A_451 = arith.addf %parallel_loop3A_445, %parallel_loop3A_450 : vector<16xf32>
        %parallel_loop3A_452 = arith.constant 2 : i32
        %parallel_loop3A_453 = arith.index_cast %parallel_loop3A_452 : i32 to index
        %parallel_loop3A_454 = arith.index_cast %parallel_loop3A_437 : i32 to index
        %parallel_loop3A_455 = tpu.vector_load %arg17[%parallel_loop3A_453, %parallel_loop3A_454] {strides = array<i32>} : memref<8x1024xf32, #tpu.memory_space<vmem>>, vector<1x16xf32>,
        %parallel_loop3A_456 = vector.shape_cast %parallel_loop3A_455 : vector<1x16xf32> to vector<16xf32>
        %parallel_loop3A_457 = vector.shape_cast %parallel_loop3A_451 : vector<16xf32> to vector<1x16xf32>
        tpu.vector_store %arg17[%parallel_loop3A_453, %parallel_loop3A_454], %parallel_loop3A_457 {strides = array<i32>} : memref<8x1024xf32, #tpu.memory_space<vmem>>, vector<1x16xf32>,
      } {sc.loop_unroll_factor = 8 : i64, sc.parallel_access}
      %parallel_loop3A_177 = arith.constant 0 : i32
      %parallel_loop3A_178 = arith.constant 64 : i32
      %parallel_loop3A_179 = arith.constant 1 : i32
      scf.for %parallel_loop3A_435 = %parallel_loop3A_177 to %parallel_loop3A_178 step %parallel_loop3A_179  : i32 {
        %parallel_loop3A_436 = arith.constant 16 : i32
        %parallel_loop3A_437 = arith.muli %parallel_loop3A_435, %parallel_loop3A_436 : i32
        %parallel_loop3A_438 = arith.constant 3 : i32
        %parallel_loop3A_439 = arith.index_cast %parallel_loop3A_438 : i32 to index
        %parallel_loop3A_440 = arith.index_cast %parallel_loop3A_437 : i32 to index
        %parallel_loop3A_441 = tpu.vector_load %arg13[%parallel_loop3A_439, %parallel_loop3A_440] {strides = array<i32>} : memref<8x1024xf32, #tpu.memory_space<vmem>>, vector<1x16xf32>,
        %parallel_loop3A_442 = vector.shape_cast %parallel_loop3A_441 : vector<1x16xf32> to vector<16xf32>
        %parallel_loop3A_443 = arith.constant 3.200000e+01 : f32
        %parallel_loop3A_444 = vector.broadcast %parallel_loop3A_443 : f32 to vector<16xf32>
        %parallel_loop3A_445 = arith.mulf %parallel_loop3A_442, %parallel_loop3A_444 : vector<16xf32>
        %parallel_loop3A_446 = arith.constant 3 : i32
        %parallel_loop3A_447 = arith.index_cast %parallel_loop3A_446 : i32 to index
        %parallel_loop3A_448 = arith.index_cast %parallel_loop3A_437 : i32 to index
        %parallel_loop3A_449 = tpu.vector_load %arg9[%parallel_loop3A_447, %parallel_loop3A_448] {strides = array<i32>} : memref<8x1024xf32, #tpu.memory_space<vmem>>, vector<1x16xf32>,
        %parallel_loop3A_450 = vector.shape_cast %parallel_loop3A_449 : vector<1x16xf32> to vector<16xf32>
        %parallel_loop3A_451 = arith.addf %parallel_loop3A_445, %parallel_loop3A_450 : vector<16xf32>
        %parallel_loop3A_452 = arith.constant 3 : i32
        %parallel_loop3A_453 = arith.index_cast %parallel_loop3A_452 : i32 to index
        %parallel_loop3A_454 = arith.index_cast %parallel_loop3A_437 : i32 to index
        %parallel_loop3A_455 = tpu.vector_load %arg17[%parallel_loop3A_453, %parallel_loop3A_454] {strides = array<i32>} : memref<8x1024xf32, #tpu.memory_space<vmem>>, vector<1x16xf32>,
        %parallel_loop3A_456 = vector.shape_cast %parallel_loop3A_455 : vector<1x16xf32> to vector<16xf32>
        %parallel_loop3A_457 = vector.shape_cast %parallel_loop3A_451 : vector<16xf32> to vector<1x16xf32>
        tpu.vector_store %arg17[%parallel_loop3A_453, %parallel_loop3A_454], %parallel_loop3A_457 {strides = array<i32>} : memref<8x1024xf32, #tpu.memory_space<vmem>>, vector<1x16xf32>,
      } {sc.loop_unroll_factor = 8 : i64, sc.parallel_access}
      %mul3A_180 = arith.constant 8 : i32
      %mul3A_181 = arith.muli %add3A_147, %mul3A_180 : i32
      %add3A_182 = arith.addi %mul3A_2, %mul3A_181 : i32
      %add3A_183 = arith.constant 0 : i32
      %add3A_184 = arith.addi %add3A_182, %add3A_183 : i32
      %dma_start3A_185 = arith.constant 0 : i32
      %dma_start3A_186 = arith.constant 0 : i32
      %dma_start3A_187 = tpu.memref_slice %arg17[%dma_start3A_185, %dma_start3A_186] : memref<8x1024xf32, #tpu.memory_space<vmem>> -> memref<4x1024xf32, #tpu.memory_space<vmem>>
      %dma_start3A_188 = arith.constant 0 : i32
      %dma_start3A_189 = tpu.memref_slice %arg5[%add3A_184, %dma_start3A_188] : memref<8192x1024xf32, #tpu.memory_space<hbm>> -> memref<4x1024xf32, #tpu.memory_space<hbm>>
      %dma_start3A_190 = arith.constant 0 : i32
      %dma_start3A_191 = tpu.memref_slice %arg5[%add3A_184, %dma_start3A_190] : memref<8192x1024xf32, #tpu.memory_space<hbm>> -> memref<4x1024xf32, #tpu.memory_space<hbm>>
      %dma_start3A_192 = arith.constant 0 : i32
      %dma_start3A_193 = arith.constant 0 : i32
      %dma_start3A_194 = tpu.memref_slice %arg17[%dma_start3A_192, %dma_start3A_193] : memref<8x1024xf32, #tpu.memory_space<vmem>> -> memref<4x1024xf32, #tpu.memory_space<vmem>>
      tpu.enqueue_dma source(%dma_start3A_194 : memref<4x1024xf32, #tpu.memory_space<vmem>>) target(%dma_start3A_191 : memref<4x1024xf32, #tpu.memory_space<hbm>>) target_semaphore(%arg25 : memref<!tpu.dma_semaphore, #tpu.memory_space<semaphore_mem>>)
      %parallel_loop3A_195 = arith.constant 0 : i32
      %parallel_loop3A_196 = arith.constant 64 : i32
      %parallel_loop3A_197 = arith.constant 1 : i32
      scf.for %parallel_loop3A_435 = %parallel_loop3A_195 to %parallel_loop3A_196 step %parallel_loop3A_197  : i32 {
        %parallel_loop3A_436 = arith.constant 16 : i32
        %parallel_loop3A_437 = arith.muli %parallel_loop3A_435, %parallel_loop3A_436 : i32
        %parallel_loop3A_438 = arith.constant 4 : i32
        %parallel_loop3A_439 = arith.index_cast %parallel_loop3A_438 : i32 to index
        %parallel_loop3A_440 = arith.index_cast %parallel_loop3A_437 : i32 to index
        %parallel_loop3A_441 = tpu.vector_load %arg13[%parallel_loop3A_439, %parallel_loop3A_440] {strides = array<i32>} : memref<8x1024xf32, #tpu.memory_space<vmem>>, vector<1x16xf32>,
        %parallel_loop3A_442 = vector.shape_cast %parallel_loop3A_441 : vector<1x16xf32> to vector<16xf32>
        %parallel_loop3A_443 = arith.constant 3.200000e+01 : f32
        %parallel_loop3A_444 = vector.broadcast %parallel_loop3A_443 : f32 to vector<16xf32>
        %parallel_loop3A_445 = arith.mulf %parallel_loop3A_442, %parallel_loop3A_444 : vector<16xf32>
        %parallel_loop3A_446 = arith.constant 4 : i32
        %parallel_loop3A_447 = arith.index_cast %parallel_loop3A_446 : i32 to index
        %parallel_loop3A_448 = arith.index_cast %parallel_loop3A_437 : i32 to index
        %parallel_loop3A_449 = tpu.vector_load %arg9[%parallel_loop3A_447, %parallel_loop3A_448] {strides = array<i32>} : memref<8x1024xf32, #tpu.memory_space<vmem>>, vector<1x16xf32>,
        %parallel_loop3A_450 = vector.shape_cast %parallel_loop3A_449 : vector<1x16xf32> to vector<16xf32>
        %parallel_loop3A_451 = arith.addf %parallel_loop3A_445, %parallel_loop3A_450 : vector<16xf32>
        %parallel_loop3A_452 = arith.constant 4 : i32
        %parallel_loop3A_453 = arith.index_cast %parallel_loop3A_452 : i32 to index
        %parallel_loop3A_454 = arith.index_cast %parallel_loop3A_437 : i32 to index
        %parallel_loop3A_455 = tpu.vector_load %arg17[%parallel_loop3A_453, %parallel_loop3A_454] {strides = array<i32>} : memref<8x1024xf32, #tpu.memory_space<vmem>>, vector<1x16xf32>,
        %parallel_loop3A_456 = vector.shape_cast %parallel_loop3A_455 : vector<1x16xf32> to vector<16xf32>
        %parallel_loop3A_457 = vector.shape_cast %parallel_loop3A_451 : vector<16xf32> to vector<1x16xf32>
        tpu.vector_store %arg17[%parallel_loop3A_453, %parallel_loop3A_454], %parallel_loop3A_457 {strides = array<i32>} : memref<8x1024xf32, #tpu.memory_space<vmem>>, vector<1x16xf32>,
      } {sc.loop_unroll_factor = 8 : i64, sc.parallel_access}
      %parallel_loop3A_198 = arith.constant 0 : i32
      %parallel_loop3A_199 = arith.constant 64 : i32
      %parallel_loop3A_200 = arith.constant 1 : i32
      scf.for %parallel_loop3A_435 = %parallel_loop3A_198 to %parallel_loop3A_199 step %parallel_loop3A_200  : i32 {
        %parallel_loop3A_436 = arith.constant 16 : i32
        %parallel_loop3A_437 = arith.muli %parallel_loop3A_435, %parallel_loop3A_436 : i32
        %parallel_loop3A_438 = arith.constant 5 : i32
        %parallel_loop3A_439 = arith.index_cast %parallel_loop3A_438 : i32 to index
        %parallel_loop3A_440 = arith.index_cast %parallel_loop3A_437 : i32 to index
        %parallel_loop3A_441 = tpu.vector_load %arg13[%parallel_loop3A_439, %parallel_loop3A_440] {strides = array<i32>} : memref<8x1024xf32, #tpu.memory_space<vmem>>, vector<1x16xf32>,
        %parallel_loop3A_442 = vector.shape_cast %parallel_loop3A_441 : vector<1x16xf32> to vector<16xf32>
        %parallel_loop3A_443 = arith.constant 3.200000e+01 : f32
        %parallel_loop3A_444 = vector.broadcast %parallel_loop3A_443 : f32 to vector<16xf32>
        %parallel_loop3A_445 = arith.mulf %parallel_loop3A_442, %parallel_loop3A_444 : vector<16xf32>
        %parallel_loop3A_446 = arith.constant 5 : i32
        %parallel_loop3A_447 = arith.index_cast %parallel_loop3A_446 : i32 to index
        %parallel_loop3A_448 = arith.index_cast %parallel_loop3A_437 : i32 to index
        %parallel_loop3A_449 = tpu.vector_load %arg9[%parallel_loop3A_447, %parallel_loop3A_448] {strides = array<i32>} : memref<8x1024xf32, #tpu.memory_space<vmem>>, vector<1x16xf32>,
        %parallel_loop3A_450 = vector.shape_cast %parallel_loop3A_449 : vector<1x16xf32> to vector<16xf32>
        %parallel_loop3A_451 = arith.addf %parallel_loop3A_445, %parallel_loop3A_450 : vector<16xf32>
        %parallel_loop3A_452 = arith.constant 5 : i32
        %parallel_loop3A_453 = arith.index_cast %parallel_loop3A_452 : i32 to index
        %parallel_loop3A_454 = arith.index_cast %parallel_loop3A_437 : i32 to index
        %parallel_loop3A_455 = tpu.vector_load %arg17[%parallel_loop3A_453, %parallel_loop3A_454] {strides = array<i32>} : memref<8x1024xf32, #tpu.memory_space<vmem>>, vector<1x16xf32>,
        %parallel_loop3A_456 = vector.shape_cast %parallel_loop3A_455 : vector<1x16xf32> to vector<16xf32>
        %parallel_loop3A_457 = vector.shape_cast %parallel_loop3A_451 : vector<16xf32> to vector<1x16xf32>
        tpu.vector_store %arg17[%parallel_loop3A_453, %parallel_loop3A_454], %parallel_loop3A_457 {strides = array<i32>} : memref<8x1024xf32, #tpu.memory_space<vmem>>, vector<1x16xf32>,
      } {sc.loop_unroll_factor = 8 : i64, sc.parallel_access}
      %parallel_loop3A_201 = arith.constant 0 : i32
      %parallel_loop3A_202 = arith.constant 64 : i32
      %parallel_loop3A_203 = arith.constant 1 : i32
      scf.for %parallel_loop3A_435 = %parallel_loop3A_201 to %parallel_loop3A_202 step %parallel_loop3A_203  : i32 {
        %parallel_loop3A_436 = arith.constant 16 : i32
        %parallel_loop3A_437 = arith.muli %parallel_loop3A_435, %parallel_loop3A_436 : i32
        %parallel_loop3A_438 = arith.constant 6 : i32
        %parallel_loop3A_439 = arith.index_cast %parallel_loop3A_438 : i32 to index
        %parallel_loop3A_440 = arith.index_cast %parallel_loop3A_437 : i32 to index
        %parallel_loop3A_441 = tpu.vector_load %arg13[%parallel_loop3A_439, %parallel_loop3A_440] {strides = array<i32>} : memref<8x1024xf32, #tpu.memory_space<vmem>>, vector<1x16xf32>,
        %parallel_loop3A_442 = vector.shape_cast %parallel_loop3A_441 : vector<1x16xf32> to vector<16xf32>
        %parallel_loop3A_443 = arith.constant 3.200000e+01 : f32
        %parallel_loop3A_444 = vector.broadcast %parallel_loop3A_443 : f32 to vector<16xf32>
        %parallel_loop3A_445 = arith.mulf %parallel_loop3A_442, %parallel_loop3A_444 : vector<16xf32>
        %parallel_loop3A_446 = arith.constant 6 : i32
        %parallel_loop3A_447 = arith.index_cast %parallel_loop3A_446 : i32 to index
        %parallel_loop3A_448 = arith.index_cast %parallel_loop3A_437 : i32 to index
        %parallel_loop3A_449 = tpu.vector_load %arg9[%parallel_loop3A_447, %parallel_loop3A_448] {strides = array<i32>} : memref<8x1024xf32, #tpu.memory_space<vmem>>, vector<1x16xf32>,
        %parallel_loop3A_450 = vector.shape_cast %parallel_loop3A_449 : vector<1x16xf32> to vector<16xf32>
        %parallel_loop3A_451 = arith.addf %parallel_loop3A_445, %parallel_loop3A_450 : vector<16xf32>
        %parallel_loop3A_452 = arith.constant 6 : i32
        %parallel_loop3A_453 = arith.index_cast %parallel_loop3A_452 : i32 to index
        %parallel_loop3A_454 = arith.index_cast %parallel_loop3A_437 : i32 to index
        %parallel_loop3A_455 = tpu.vector_load %arg17[%parallel_loop3A_453, %parallel_loop3A_454] {strides = array<i32>} : memref<8x1024xf32, #tpu.memory_space<vmem>>, vector<1x16xf32>,
        %parallel_loop3A_456 = vector.shape_cast %parallel_loop3A_455 : vector<1x16xf32> to vector<16xf32>
        %parallel_loop3A_457 = vector.shape_cast %parallel_loop3A_451 : vector<16xf32> to vector<1x16xf32>
        tpu.vector_store %arg17[%parallel_loop3A_453, %parallel_loop3A_454], %parallel_loop3A_457 {strides = array<i32>} : memref<8x1024xf32, #tpu.memory_space<vmem>>, vector<1x16xf32>,
      } {sc.loop_unroll_factor = 8 : i64, sc.parallel_access}
      %parallel_loop3A_204 = arith.constant 0 : i32
      %parallel_loop3A_205 = arith.constant 64 : i32
      %parallel_loop3A_206 = arith.constant 1 : i32
      scf.for %parallel_loop3A_435 = %parallel_loop3A_204 to %parallel_loop3A_205 step %parallel_loop3A_206  : i32 {
        %parallel_loop3A_436 = arith.constant 16 : i32
        %parallel_loop3A_437 = arith.muli %parallel_loop3A_435, %parallel_loop3A_436 : i32
        %parallel_loop3A_438 = arith.constant 7 : i32
        %parallel_loop3A_439 = arith.index_cast %parallel_loop3A_438 : i32 to index
        %parallel_loop3A_440 = arith.index_cast %parallel_loop3A_437 : i32 to index
        %parallel_loop3A_441 = tpu.vector_load %arg13[%parallel_loop3A_439, %parallel_loop3A_440] {strides = array<i32>} : memref<8x1024xf32, #tpu.memory_space<vmem>>, vector<1x16xf32>,
        %parallel_loop3A_442 = vector.shape_cast %parallel_loop3A_441 : vector<1x16xf32> to vector<16xf32>
        %parallel_loop3A_443 = arith.constant 3.200000e+01 : f32
        %parallel_loop3A_444 = vector.broadcast %parallel_loop3A_443 : f32 to vector<16xf32>
        %parallel_loop3A_445 = arith.mulf %parallel_loop3A_442, %parallel_loop3A_444 : vector<16xf32>
        %parallel_loop3A_446 = arith.constant 7 : i32
        %parallel_loop3A_447 = arith.index_cast %parallel_loop3A_446 : i32 to index
        %parallel_loop3A_448 = arith.index_cast %parallel_loop3A_437 : i32 to index
        %parallel_loop3A_449 = tpu.vector_load %arg9[%parallel_loop3A_447, %parallel_loop3A_448] {strides = array<i32>} : memref<8x1024xf32, #tpu.memory_space<vmem>>, vector<1x16xf32>,
        %parallel_loop3A_450 = vector.shape_cast %parallel_loop3A_449 : vector<1x16xf32> to vector<16xf32>
        %parallel_loop3A_451 = arith.addf %parallel_loop3A_445, %parallel_loop3A_450 : vector<16xf32>
        %parallel_loop3A_452 = arith.constant 7 : i32
        %parallel_loop3A_453 = arith.index_cast %parallel_loop3A_452 : i32 to index
        %parallel_loop3A_454 = arith.index_cast %parallel_loop3A_437 : i32 to index
        %parallel_loop3A_455 = tpu.vector_load %arg17[%parallel_loop3A_453, %parallel_loop3A_454] {strides = array<i32>} : memref<8x1024xf32, #tpu.memory_space<vmem>>, vector<1x16xf32>,
        %parallel_loop3A_456 = vector.shape_cast %parallel_loop3A_455 : vector<1x16xf32> to vector<16xf32>
        %parallel_loop3A_457 = vector.shape_cast %parallel_loop3A_451 : vector<16xf32> to vector<1x16xf32>
        tpu.vector_store %arg17[%parallel_loop3A_453, %parallel_loop3A_454], %parallel_loop3A_457 {strides = array<i32>} : memref<8x1024xf32, #tpu.memory_space<vmem>>, vector<1x16xf32>,
      } {sc.loop_unroll_factor = 8 : i64, sc.parallel_access}
      %mul3A_207 = arith.constant 8 : i32
      %mul3A_208 = arith.muli %add3A_147, %mul3A_207 : i32
      %add3A_209 = arith.addi %mul3A_2, %mul3A_208 : i32
      %add3A_210 = arith.constant 4 : i32
      %add3A_211 = arith.addi %add3A_209, %add3A_210 : i32
      %dma_start3A_212 = arith.constant 4 : i32
      %dma_start3A_213 = arith.constant 0 : i32
      %dma_start3A_214 = tpu.memref_slice %arg17[%dma_start3A_212, %dma_start3A_213] : memref<8x1024xf32, #tpu.memory_space<vmem>> -> memref<4x1024xf32, #tpu.memory_space<vmem>>
      %dma_start3A_215 = arith.constant 0 : i32
      %dma_start3A_216 = tpu.memref_slice %arg5[%add3A_211, %dma_start3A_215] : memref<8192x1024xf32, #tpu.memory_space<hbm>> -> memref<4x1024xf32, #tpu.memory_space<hbm>>
      %dma_start3A_217 = arith.constant 0 : i32
      %dma_start3A_218 = tpu.memref_slice %arg5[%add3A_211, %dma_start3A_217] : memref<8192x1024xf32, #tpu.memory_space<hbm>> -> memref<4x1024xf32, #tpu.memory_space<hbm>>
      %dma_start3A_219 = arith.constant 4 : i32
      %dma_start3A_220 = arith.constant 0 : i32
      %dma_start3A_221 = tpu.memref_slice %arg17[%dma_start3A_219, %dma_start3A_220] : memref<8x1024xf32, #tpu.memory_space<vmem>> -> memref<4x1024xf32, #tpu.memory_space<vmem>>
      tpu.enqueue_dma source(%dma_start3A_221 : memref<4x1024xf32, #tpu.memory_space<vmem>>) target(%dma_start3A_218 : memref<4x1024xf32, #tpu.memory_space<hbm>>) target_semaphore(%arg25 : memref<!tpu.dma_semaphore, #tpu.memory_space<semaphore_mem>>)
      %mul3A_222 = arith.constant 8 : i32
      %mul3A_223 = arith.muli %add3A_147, %mul3A_222 : i32
      %add3A_224 = arith.addi %mul3A_2, %mul3A_223 : i32
      %dma_wait3A_225 = arith.constant 0 : i32
      %dma_wait3A_226 = tpu.memref_slice %arg6[%add3A_224, %dma_wait3A_225] : memref<8192x1024xf32, #tpu.memory_space<hbm>> -> memref<8x1024xf32, #tpu.memory_space<hbm>>
      %dma_wait3A_227 = arith.constant 0 : i32
      %dma_wait3A_228 = tpu.memref_slice %arg6[%add3A_224, %dma_wait3A_227] : memref<8192x1024xf32, #tpu.memory_space<hbm>> -> memref<8x1024xf32, #tpu.memory_space<hbm>>
      tpu.wait_dma2 semaphore(%arg25 : memref<!tpu.dma_semaphore, #tpu.memory_space<semaphore_mem>>) src(%arg9 : memref<8x1024xf32, #tpu.memory_space<vmem>>) dst(%dma_wait3A_228 : memref<8x1024xf32, #tpu.memory_space<hbm>>)
      %mul3A_229 = arith.constant 8 : i32
      %mul3A_230 = arith.muli %add3A_147, %mul3A_229 : i32
      %add3A_231 = arith.addi %mul3A_2, %mul3A_230 : i32
      %dma_wait3A_232 = arith.constant 0 : i32
      %dma_wait3A_233 = tpu.memref_slice %arg5[%add3A_231, %dma_wait3A_232] : memref<8192x1024xf32, #tpu.memory_space<hbm>> -> memref<8x1024xf32, #tpu.memory_space<hbm>>
      %dma_wait3A_234 = arith.constant 0 : i32
      %dma_wait3A_235 = tpu.memref_slice %arg5[%add3A_231, %dma_wait3A_234] : memref<8192x1024xf32, #tpu.memory_space<hbm>> -> memref<8x1024xf32, #tpu.memory_space<hbm>>
      tpu.wait_dma2 semaphore(%arg25 : memref<!tpu.dma_semaphore, #tpu.memory_space<semaphore_mem>>) src(%arg17 : memref<8x1024xf32, #tpu.memory_space<vmem>>) dst(%dma_wait3A_235 : memref<8x1024xf32, #tpu.memory_space<hbm>>)
      %lt3A_236 = arith.constant 7 : i32
      %lt3A_237 = arith.cmpi slt, %scan3A_51, %lt3A_236 : i32
      %convert_element_type3A_238 = arith.extui %lt3A_237 : i1 to i32
      %cond3A_239 = arith.constant 0 : i32
      %cond3A_240 = arith.cmpi ne, %convert_element_type3A_238, %cond3A_239 : i32
      scf.if %cond3A_240 {
        %add3A_435 = arith.constant 4 : i32
        %add3A_436 = arith.addi %add3A_147, %add3A_435 : i32
        %mul3A_437 = arith.constant 8 : i32
        %mul3A_438 = arith.muli %add3A_436, %mul3A_437 : i32
        %dma_start3A_439 = tpu.memref_slice %arg7[%mul3A_438] : memref<256xi32, #tpu.memory_space<vmem>> -> memref<8xi32, #tpu.memory_space<vmem>>
        %dma_start3A_440 = arith.constant 0 : i32
        %dma_start3A_441 = arith.constant 0 : i32
        %dma_start3A_442 = tpu.memref_slice %arg4[%dma_start3A_440, %dma_start3A_441] : memref<8192x1024xf32, #tpu.memory_space<hbm>> -> memref<8192x1024xf32, #tpu.memory_space<hbm>>
        tpu.enqueue_indirect_dma source(%dma_start3A_442 : memref<8192x1024xf32, #tpu.memory_space<hbm>>) target(%arg9 : memref<8x1024xf32, #tpu.memory_space<vmem>>) offsets(%dma_start3A_439 : memref<8xi32, #tpu.memory_space<vmem>>) semaphore(%arg21 : memref<!tpu.dma_semaphore, #tpu.memory_space<semaphore_mem>>)
        %mul3A_443 = arith.constant 8 : i32
        %mul3A_444 = arith.muli %add3A_436, %mul3A_443 : i32
        %add3A_445 = arith.addi %mul3A_2, %mul3A_444 : i32
        %dma_start3A_446 = arith.constant 0 : i32
        %dma_start3A_447 = tpu.memref_slice %arg2[%add3A_445, %dma_start3A_446] : memref<8192x1024xf32, #tpu.memory_space<hbm>> -> memref<8x1024xf32, #tpu.memory_space<hbm>>
        %dma_start3A_448 = arith.constant 0 : i32
        %dma_start3A_449 = tpu.memref_slice %arg2[%add3A_445, %dma_start3A_448] : memref<8192x1024xf32, #tpu.memory_space<hbm>> -> memref<8x1024xf32, #tpu.memory_space<hbm>>
        tpu.enqueue_dma source(%dma_start3A_449 : memref<8x1024xf32, #tpu.memory_space<hbm>>) target(%arg13 : memref<8x1024xf32, #tpu.memory_space<vmem>>) target_semaphore(%arg21 : memref<!tpu.dma_semaphore, #tpu.memory_space<semaphore_mem>>)
      } else {
      }
      %mul3A_241 = arith.constant 4 : i32
      %mul3A_242 = arith.muli %scan3A_51, %mul3A_241 : i32
      %add3A_243 = arith.constant 2 : i32
      %add3A_244 = arith.addi %mul3A_242, %add3A_243 : i32
      %mul3A_245 = arith.constant 8 : i32
      %mul3A_246 = arith.muli %add3A_244, %mul3A_245 : i32
      %dma_wait3A_247 = tpu.memref_slice %arg7[%mul3A_246] : memref<256xi32, #tpu.memory_space<vmem>> -> memref<8xi32, #tpu.memory_space<vmem>>
      %dma_wait3A_248 = arith.constant 0 : i32
      %dma_wait3A_249 = arith.constant 0 : i32
      %dma_wait3A_250 = tpu.memref_slice %arg4[%dma_wait3A_248, %dma_wait3A_249] : memref<8192x1024xf32, #tpu.memory_space<hbm>> -> memref<8192x1024xf32, #tpu.memory_space<hbm>>
      tpu.wait_indirect_dma semaphore(%arg22 : memref<!tpu.dma_semaphore, #tpu.memory_space<semaphore_mem>>) src(%dma_wait3A_250 : memref<8192x1024xf32, #tpu.memory_space<hbm>>) dst(%arg10 : memref<8x1024xf32, #tpu.memory_space<vmem>>)
      %mul3A_251 = arith.constant 8 : i32
      %mul3A_252 = arith.muli %add3A_244, %mul3A_251 : i32
      %add3A_253 = arith.addi %mul3A_2, %mul3A_252 : i32
      %dma_wait3A_254 = arith.constant 0 : i32
      %dma_wait3A_255 = tpu.memref_slice %arg2[%add3A_253, %dma_wait3A_254] : memref<8192x1024xf32, #tpu.memory_space<hbm>> -> memref<8x1024xf32, #tpu.memory_space<hbm>>
      %dma_wait3A_256 = arith.constant 0 : i32
      %dma_wait3A_257 = tpu.memref_slice %arg2[%add3A_253, %dma_wait3A_256] : memref<8192x1024xf32, #tpu.memory_space<hbm>> -> memref<8x1024xf32, #tpu.memory_space<hbm>>
      tpu.wait_dma2 semaphore(%arg22 : memref<!tpu.dma_semaphore, #tpu.memory_space<semaphore_mem>>) src(%dma_wait3A_257 : memref<8x1024xf32, #tpu.memory_space<hbm>>) dst(%arg14 : memref<8x1024xf32, #tpu.memory_space<vmem>>)
      %mul3A_258 = arith.constant 8 : i32
      %mul3A_259 = arith.muli %add3A_244, %mul3A_258 : i32
      %add3A_260 = arith.addi %mul3A_2, %mul3A_259 : i32
      %dma_start3A_261 = arith.constant 0 : i32
      %dma_start3A_262 = tpu.memref_slice %arg6[%add3A_260, %dma_start3A_261] : memref<8192x1024xf32, #tpu.memory_space<hbm>> -> memref<8x1024xf32, #tpu.memory_space<hbm>>
      %dma_start3A_263 = arith.constant 0 : i32
      %dma_start3A_264 = tpu.memref_slice %arg6[%add3A_260, %dma_start3A_263] : memref<8192x1024xf32, #tpu.memory_space<hbm>> -> memref<8x1024xf32, #tpu.memory_space<hbm>>
      tpu.enqueue_dma source(%arg10 : memref<8x1024xf32, #tpu.memory_space<vmem>>) target(%dma_start3A_264 : memref<8x1024xf32, #tpu.memory_space<hbm>>) target_semaphore(%arg26 : memref<!tpu.dma_semaphore, #tpu.memory_space<semaphore_mem>>)
      %parallel_loop3A_265 = arith.constant 0 : i32
      %parallel_loop3A_266 = arith.constant 64 : i32
      %parallel_loop3A_267 = arith.constant 1 : i32
      scf.for %parallel_loop3A_435 = %parallel_loop3A_265 to %parallel_loop3A_266 step %parallel_loop3A_267  : i32 {
        %parallel_loop3A_436 = arith.constant 16 : i32
        %parallel_loop3A_437 = arith.muli %parallel_loop3A_435, %parallel_loop3A_436 : i32
        %parallel_loop3A_438 = arith.constant 0 : i32
        %parallel_loop3A_439 = arith.index_cast %parallel_loop3A_438 : i32 to index
        %parallel_loop3A_440 = arith.index_cast %parallel_loop3A_437 : i32 to index
        %parallel_loop3A_441 = tpu.vector_load %arg14[%parallel_loop3A_439, %parallel_loop3A_440] {strides = array<i32>} : memref<8x1024xf32, #tpu.memory_space<vmem>>, vector<1x16xf32>,
        %parallel_loop3A_442 = vector.shape_cast %parallel_loop3A_441 : vector<1x16xf32> to vector<16xf32>
        %parallel_loop3A_443 = arith.constant 3.200000e+01 : f32
        %parallel_loop3A_444 = vector.broadcast %parallel_loop3A_443 : f32 to vector<16xf32>
        %parallel_loop3A_445 = arith.mulf %parallel_loop3A_442, %parallel_loop3A_444 : vector<16xf32>
        %parallel_loop3A_446 = arith.constant 0 : i32
        %parallel_loop3A_447 = arith.index_cast %parallel_loop3A_446 : i32 to index
        %parallel_loop3A_448 = arith.index_cast %parallel_loop3A_437 : i32 to index
        %parallel_loop3A_449 = tpu.vector_load %arg10[%parallel_loop3A_447, %parallel_loop3A_448] {strides = array<i32>} : memref<8x1024xf32, #tpu.memory_space<vmem>>, vector<1x16xf32>,
        %parallel_loop3A_450 = vector.shape_cast %parallel_loop3A_449 : vector<1x16xf32> to vector<16xf32>
        %parallel_loop3A_451 = arith.addf %parallel_loop3A_445, %parallel_loop3A_450 : vector<16xf32>
        %parallel_loop3A_452 = arith.constant 0 : i32
        %parallel_loop3A_453 = arith.index_cast %parallel_loop3A_452 : i32 to index
        %parallel_loop3A_454 = arith.index_cast %parallel_loop3A_437 : i32 to index
        %parallel_loop3A_455 = tpu.vector_load %arg18[%parallel_loop3A_453, %parallel_loop3A_454] {strides = array<i32>} : memref<8x1024xf32, #tpu.memory_space<vmem>>, vector<1x16xf32>,
        %parallel_loop3A_456 = vector.shape_cast %parallel_loop3A_455 : vector<1x16xf32> to vector<16xf32>
        %parallel_loop3A_457 = vector.shape_cast %parallel_loop3A_451 : vector<16xf32> to vector<1x16xf32>
        tpu.vector_store %arg18[%parallel_loop3A_453, %parallel_loop3A_454], %parallel_loop3A_457 {strides = array<i32>} : memref<8x1024xf32, #tpu.memory_space<vmem>>, vector<1x16xf32>,
      } {sc.loop_unroll_factor = 8 : i64, sc.parallel_access}
      %parallel_loop3A_268 = arith.constant 0 : i32
      %parallel_loop3A_269 = arith.constant 64 : i32
      %parallel_loop3A_270 = arith.constant 1 : i32
      scf.for %parallel_loop3A_435 = %parallel_loop3A_268 to %parallel_loop3A_269 step %parallel_loop3A_270  : i32 {
        %parallel_loop3A_436 = arith.constant 16 : i32
        %parallel_loop3A_437 = arith.muli %parallel_loop3A_435, %parallel_loop3A_436 : i32
        %parallel_loop3A_438 = arith.constant 1 : i32
        %parallel_loop3A_439 = arith.index_cast %parallel_loop3A_438 : i32 to index
        %parallel_loop3A_440 = arith.index_cast %parallel_loop3A_437 : i32 to index
        %parallel_loop3A_441 = tpu.vector_load %arg14[%parallel_loop3A_439, %parallel_loop3A_440] {strides = array<i32>} : memref<8x1024xf32, #tpu.memory_space<vmem>>, vector<1x16xf32>,
        %parallel_loop3A_442 = vector.shape_cast %parallel_loop3A_441 : vector<1x16xf32> to vector<16xf32>
        %parallel_loop3A_443 = arith.constant 3.200000e+01 : f32
        %parallel_loop3A_444 = vector.broadcast %parallel_loop3A_443 : f32 to vector<16xf32>
        %parallel_loop3A_445 = arith.mulf %parallel_loop3A_442, %parallel_loop3A_444 : vector<16xf32>
        %parallel_loop3A_446 = arith.constant 1 : i32
        %parallel_loop3A_447 = arith.index_cast %parallel_loop3A_446 : i32 to index
        %parallel_loop3A_448 = arith.index_cast %parallel_loop3A_437 : i32 to index
        %parallel_loop3A_449 = tpu.vector_load %arg10[%parallel_loop3A_447, %parallel_loop3A_448] {strides = array<i32>} : memref<8x1024xf32, #tpu.memory_space<vmem>>, vector<1x16xf32>,
        %parallel_loop3A_450 = vector.shape_cast %parallel_loop3A_449 : vector<1x16xf32> to vector<16xf32>
        %parallel_loop3A_451 = arith.addf %parallel_loop3A_445, %parallel_loop3A_450 : vector<16xf32>
        %parallel_loop3A_452 = arith.constant 1 : i32
        %parallel_loop3A_453 = arith.index_cast %parallel_loop3A_452 : i32 to index
        %parallel_loop3A_454 = arith.index_cast %parallel_loop3A_437 : i32 to index
        %parallel_loop3A_455 = tpu.vector_load %arg18[%parallel_loop3A_453, %parallel_loop3A_454] {strides = array<i32>} : memref<8x1024xf32, #tpu.memory_space<vmem>>, vector<1x16xf32>,
        %parallel_loop3A_456 = vector.shape_cast %parallel_loop3A_455 : vector<1x16xf32> to vector<16xf32>
        %parallel_loop3A_457 = vector.shape_cast %parallel_loop3A_451 : vector<16xf32> to vector<1x16xf32>
        tpu.vector_store %arg18[%parallel_loop3A_453, %parallel_loop3A_454], %parallel_loop3A_457 {strides = array<i32>} : memref<8x1024xf32, #tpu.memory_space<vmem>>, vector<1x16xf32>,
      } {sc.loop_unroll_factor = 8 : i64, sc.parallel_access}
      %parallel_loop3A_271 = arith.constant 0 : i32
      %parallel_loop3A_272 = arith.constant 64 : i32
      %parallel_loop3A_273 = arith.constant 1 : i32
      scf.for %parallel_loop3A_435 = %parallel_loop3A_271 to %parallel_loop3A_272 step %parallel_loop3A_273  : i32 {
        %parallel_loop3A_436 = arith.constant 16 : i32
        %parallel_loop3A_437 = arith.muli %parallel_loop3A_435, %parallel_loop3A_436 : i32
        %parallel_loop3A_438 = arith.constant 2 : i32
        %parallel_loop3A_439 = arith.index_cast %parallel_loop3A_438 : i32 to index
        %parallel_loop3A_440 = arith.index_cast %parallel_loop3A_437 : i32 to index
        %parallel_loop3A_441 = tpu.vector_load %arg14[%parallel_loop3A_439, %parallel_loop3A_440] {strides = array<i32>} : memref<8x1024xf32, #tpu.memory_space<vmem>>, vector<1x16xf32>,
        %parallel_loop3A_442 = vector.shape_cast %parallel_loop3A_441 : vector<1x16xf32> to vector<16xf32>
        %parallel_loop3A_443 = arith.constant 3.200000e+01 : f32
        %parallel_loop3A_444 = vector.broadcast %parallel_loop3A_443 : f32 to vector<16xf32>
        %parallel_loop3A_445 = arith.mulf %parallel_loop3A_442, %parallel_loop3A_444 : vector<16xf32>
        %parallel_loop3A_446 = arith.constant 2 : i32
        %parallel_loop3A_447 = arith.index_cast %parallel_loop3A_446 : i32 to index
        %parallel_loop3A_448 = arith.index_cast %parallel_loop3A_437 : i32 to index
        %parallel_loop3A_449 = tpu.vector_load %arg10[%parallel_loop3A_447, %parallel_loop3A_448] {strides = array<i32>} : memref<8x1024xf32, #tpu.memory_space<vmem>>, vector<1x16xf32>,
        %parallel_loop3A_450 = vector.shape_cast %parallel_loop3A_449 : vector<1x16xf32> to vector<16xf32>
        %parallel_loop3A_451 = arith.addf %parallel_loop3A_445, %parallel_loop3A_450 : vector<16xf32>
        %parallel_loop3A_452 = arith.constant 2 : i32
        %parallel_loop3A_453 = arith.index_cast %parallel_loop3A_452 : i32 to index
        %parallel_loop3A_454 = arith.index_cast %parallel_loop3A_437 : i32 to index
        %parallel_loop3A_455 = tpu.vector_load %arg18[%parallel_loop3A_453, %parallel_loop3A_454] {strides = array<i32>} : memref<8x1024xf32, #tpu.memory_space<vmem>>, vector<1x16xf32>,
        %parallel_loop3A_456 = vector.shape_cast %parallel_loop3A_455 : vector<1x16xf32> to vector<16xf32>
        %parallel_loop3A_457 = vector.shape_cast %parallel_loop3A_451 : vector<16xf32> to vector<1x16xf32>
        tpu.vector_store %arg18[%parallel_loop3A_453, %parallel_loop3A_454], %parallel_loop3A_457 {strides = array<i32>} : memref<8x1024xf32, #tpu.memory_space<vmem>>, vector<1x16xf32>,
      } {sc.loop_unroll_factor = 8 : i64, sc.parallel_access}
      %parallel_loop3A_274 = arith.constant 0 : i32
      %parallel_loop3A_275 = arith.constant 64 : i32
      %parallel_loop3A_276 = arith.constant 1 : i32
      scf.for %parallel_loop3A_435 = %parallel_loop3A_274 to %parallel_loop3A_275 step %parallel_loop3A_276  : i32 {
        %parallel_loop3A_436 = arith.constant 16 : i32
        %parallel_loop3A_437 = arith.muli %parallel_loop3A_435, %parallel_loop3A_436 : i32
        %parallel_loop3A_438 = arith.constant 3 : i32
        %parallel_loop3A_439 = arith.index_cast %parallel_loop3A_438 : i32 to index
        %parallel_loop3A_440 = arith.index_cast %parallel_loop3A_437 : i32 to index
        %parallel_loop3A_441 = tpu.vector_load %arg14[%parallel_loop3A_439, %parallel_loop3A_440] {strides = array<i32>} : memref<8x1024xf32, #tpu.memory_space<vmem>>, vector<1x16xf32>,
        %parallel_loop3A_442 = vector.shape_cast %parallel_loop3A_441 : vector<1x16xf32> to vector<16xf32>
        %parallel_loop3A_443 = arith.constant 3.200000e+01 : f32
        %parallel_loop3A_444 = vector.broadcast %parallel_loop3A_443 : f32 to vector<16xf32>
        %parallel_loop3A_445 = arith.mulf %parallel_loop3A_442, %parallel_loop3A_444 : vector<16xf32>
        %parallel_loop3A_446 = arith.constant 3 : i32
        %parallel_loop3A_447 = arith.index_cast %parallel_loop3A_446 : i32 to index
        %parallel_loop3A_448 = arith.index_cast %parallel_loop3A_437 : i32 to index
        %parallel_loop3A_449 = tpu.vector_load %arg10[%parallel_loop3A_447, %parallel_loop3A_448] {strides = array<i32>} : memref<8x1024xf32, #tpu.memory_space<vmem>>, vector<1x16xf32>,
        %parallel_loop3A_450 = vector.shape_cast %parallel_loop3A_449 : vector<1x16xf32> to vector<16xf32>
        %parallel_loop3A_451 = arith.addf %parallel_loop3A_445, %parallel_loop3A_450 : vector<16xf32>
        %parallel_loop3A_452 = arith.constant 3 : i32
        %parallel_loop3A_453 = arith.index_cast %parallel_loop3A_452 : i32 to index
        %parallel_loop3A_454 = arith.index_cast %parallel_loop3A_437 : i32 to index
        %parallel_loop3A_455 = tpu.vector_load %arg18[%parallel_loop3A_453, %parallel_loop3A_454] {strides = array<i32>} : memref<8x1024xf32, #tpu.memory_space<vmem>>, vector<1x16xf32>,
        %parallel_loop3A_456 = vector.shape_cast %parallel_loop3A_455 : vector<1x16xf32> to vector<16xf32>
        %parallel_loop3A_457 = vector.shape_cast %parallel_loop3A_451 : vector<16xf32> to vector<1x16xf32>
        tpu.vector_store %arg18[%parallel_loop3A_453, %parallel_loop3A_454], %parallel_loop3A_457 {strides = array<i32>} : memref<8x1024xf32, #tpu.memory_space<vmem>>, vector<1x16xf32>,
      } {sc.loop_unroll_factor = 8 : i64, sc.parallel_access}
      %mul3A_277 = arith.constant 8 : i32
      %mul3A_278 = arith.muli %add3A_244, %mul3A_277 : i32
      %add3A_279 = arith.addi %mul3A_2, %mul3A_278 : i32
      %add3A_280 = arith.constant 0 : i32
      %add3A_281 = arith.addi %add3A_279, %add3A_280 : i32
      %dma_start3A_282 = arith.constant 0 : i32
      %dma_start3A_283 = arith.constant 0 : i32
      %dma_start3A_284 = tpu.memref_slice %arg18[%dma_start3A_282, %dma_start3A_283] : memref<8x1024xf32, #tpu.memory_space<vmem>> -> memref<4x1024xf32, #tpu.memory_space<vmem>>
      %dma_start3A_285 = arith.constant 0 : i32
      %dma_start3A_286 = tpu.memref_slice %arg5[%add3A_281, %dma_start3A_285] : memref<8192x1024xf32, #tpu.memory_space<hbm>> -> memref<4x1024xf32, #tpu.memory_space<hbm>>
      %dma_start3A_287 = arith.constant 0 : i32
      %dma_start3A_288 = tpu.memref_slice %arg5[%add3A_281, %dma_start3A_287] : memref<8192x1024xf32, #tpu.memory_space<hbm>> -> memref<4x1024xf32, #tpu.memory_space<hbm>>
      %dma_start3A_289 = arith.constant 0 : i32
      %dma_start3A_290 = arith.constant 0 : i32
      %dma_start3A_291 = tpu.memref_slice %arg18[%dma_start3A_289, %dma_start3A_290] : memref<8x1024xf32, #tpu.memory_space<vmem>> -> memref<4x1024xf32, #tpu.memory_space<vmem>>
      tpu.enqueue_dma source(%dma_start3A_291 : memref<4x1024xf32, #tpu.memory_space<vmem>>) target(%dma_start3A_288 : memref<4x1024xf32, #tpu.memory_space<hbm>>) target_semaphore(%arg26 : memref<!tpu.dma_semaphore, #tpu.memory_space<semaphore_mem>>)
      %parallel_loop3A_292 = arith.constant 0 : i32
      %parallel_loop3A_293 = arith.constant 64 : i32
      %parallel_loop3A_294 = arith.constant 1 : i32
      scf.for %parallel_loop3A_435 = %parallel_loop3A_292 to %parallel_loop3A_293 step %parallel_loop3A_294  : i32 {
        %parallel_loop3A_436 = arith.constant 16 : i32
        %parallel_loop3A_437 = arith.muli %parallel_loop3A_435, %parallel_loop3A_436 : i32
        %parallel_loop3A_438 = arith.constant 4 : i32
        %parallel_loop3A_439 = arith.index_cast %parallel_loop3A_438 : i32 to index
        %parallel_loop3A_440 = arith.index_cast %parallel_loop3A_437 : i32 to index
        %parallel_loop3A_441 = tpu.vector_load %arg14[%parallel_loop3A_439, %parallel_loop3A_440] {strides = array<i32>} : memref<8x1024xf32, #tpu.memory_space<vmem>>, vector<1x16xf32>,
        %parallel_loop3A_442 = vector.shape_cast %parallel_loop3A_441 : vector<1x16xf32> to vector<16xf32>
        %parallel_loop3A_443 = arith.constant 3.200000e+01 : f32
        %parallel_loop3A_444 = vector.broadcast %parallel_loop3A_443 : f32 to vector<16xf32>
        %parallel_loop3A_445 = arith.mulf %parallel_loop3A_442, %parallel_loop3A_444 : vector<16xf32>
        %parallel_loop3A_446 = arith.constant 4 : i32
        %parallel_loop3A_447 = arith.index_cast %parallel_loop3A_446 : i32 to index
        %parallel_loop3A_448 = arith.index_cast %parallel_loop3A_437 : i32 to index
        %parallel_loop3A_449 = tpu.vector_load %arg10[%parallel_loop3A_447, %parallel_loop3A_448] {strides = array<i32>} : memref<8x1024xf32, #tpu.memory_space<vmem>>, vector<1x16xf32>,
        %parallel_loop3A_450 = vector.shape_cast %parallel_loop3A_449 : vector<1x16xf32> to vector<16xf32>
        %parallel_loop3A_451 = arith.addf %parallel_loop3A_445, %parallel_loop3A_450 : vector<16xf32>
        %parallel_loop3A_452 = arith.constant 4 : i32
        %parallel_loop3A_453 = arith.index_cast %parallel_loop3A_452 : i32 to index
        %parallel_loop3A_454 = arith.index_cast %parallel_loop3A_437 : i32 to index
        %parallel_loop3A_455 = tpu.vector_load %arg18[%parallel_loop3A_453, %parallel_loop3A_454] {strides = array<i32>} : memref<8x1024xf32, #tpu.memory_space<vmem>>, vector<1x16xf32>,
        %parallel_loop3A_456 = vector.shape_cast %parallel_loop3A_455 : vector<1x16xf32> to vector<16xf32>
        %parallel_loop3A_457 = vector.shape_cast %parallel_loop3A_451 : vector<16xf32> to vector<1x16xf32>
        tpu.vector_store %arg18[%parallel_loop3A_453, %parallel_loop3A_454], %parallel_loop3A_457 {strides = array<i32>} : memref<8x1024xf32, #tpu.memory_space<vmem>>, vector<1x16xf32>,
      } {sc.loop_unroll_factor = 8 : i64, sc.parallel_access}
      %parallel_loop3A_295 = arith.constant 0 : i32
      %parallel_loop3A_296 = arith.constant 64 : i32
      %parallel_loop3A_297 = arith.constant 1 : i32
      scf.for %parallel_loop3A_435 = %parallel_loop3A_295 to %parallel_loop3A_296 step %parallel_loop3A_297  : i32 {
        %parallel_loop3A_436 = arith.constant 16 : i32
        %parallel_loop3A_437 = arith.muli %parallel_loop3A_435, %parallel_loop3A_436 : i32
        %parallel_loop3A_438 = arith.constant 5 : i32
        %parallel_loop3A_439 = arith.index_cast %parallel_loop3A_438 : i32 to index
        %parallel_loop3A_440 = arith.index_cast %parallel_loop3A_437 : i32 to index
        %parallel_loop3A_441 = tpu.vector_load %arg14[%parallel_loop3A_439, %parallel_loop3A_440] {strides = array<i32>} : memref<8x1024xf32, #tpu.memory_space<vmem>>, vector<1x16xf32>,
        %parallel_loop3A_442 = vector.shape_cast %parallel_loop3A_441 : vector<1x16xf32> to vector<16xf32>
        %parallel_loop3A_443 = arith.constant 3.200000e+01 : f32
        %parallel_loop3A_444 = vector.broadcast %parallel_loop3A_443 : f32 to vector<16xf32>
        %parallel_loop3A_445 = arith.mulf %parallel_loop3A_442, %parallel_loop3A_444 : vector<16xf32>
        %parallel_loop3A_446 = arith.constant 5 : i32
        %parallel_loop3A_447 = arith.index_cast %parallel_loop3A_446 : i32 to index
        %parallel_loop3A_448 = arith.index_cast %parallel_loop3A_437 : i32 to index
        %parallel_loop3A_449 = tpu.vector_load %arg10[%parallel_loop3A_447, %parallel_loop3A_448] {strides = array<i32>} : memref<8x1024xf32, #tpu.memory_space<vmem>>, vector<1x16xf32>,
        %parallel_loop3A_450 = vector.shape_cast %parallel_loop3A_449 : vector<1x16xf32> to vector<16xf32>
        %parallel_loop3A_451 = arith.addf %parallel_loop3A_445, %parallel_loop3A_450 : vector<16xf32>
        %parallel_loop3A_452 = arith.constant 5 : i32
        %parallel_loop3A_453 = arith.index_cast %parallel_loop3A_452 : i32 to index
        %parallel_loop3A_454 = arith.index_cast %parallel_loop3A_437 : i32 to index
        %parallel_loop3A_455 = tpu.vector_load %arg18[%parallel_loop3A_453, %parallel_loop3A_454] {strides = array<i32>} : memref<8x1024xf32, #tpu.memory_space<vmem>>, vector<1x16xf32>,
        %parallel_loop3A_456 = vector.shape_cast %parallel_loop3A_455 : vector<1x16xf32> to vector<16xf32>
        %parallel_loop3A_457 = vector.shape_cast %parallel_loop3A_451 : vector<16xf32> to vector<1x16xf32>
        tpu.vector_store %arg18[%parallel_loop3A_453, %parallel_loop3A_454], %parallel_loop3A_457 {strides = array<i32>} : memref<8x1024xf32, #tpu.memory_space<vmem>>, vector<1x16xf32>,
      } {sc.loop_unroll_factor = 8 : i64, sc.parallel_access}
      %parallel_loop3A_298 = arith.constant 0 : i32
      %parallel_loop3A_299 = arith.constant 64 : i32
      %parallel_loop3A_300 = arith.constant 1 : i32
      scf.for %parallel_loop3A_435 = %parallel_loop3A_298 to %parallel_loop3A_299 step %parallel_loop3A_300  : i32 {
        %parallel_loop3A_436 = arith.constant 16 : i32
        %parallel_loop3A_437 = arith.muli %parallel_loop3A_435, %parallel_loop3A_436 : i32
        %parallel_loop3A_438 = arith.constant 6 : i32
        %parallel_loop3A_439 = arith.index_cast %parallel_loop3A_438 : i32 to index
        %parallel_loop3A_440 = arith.index_cast %parallel_loop3A_437 : i32 to index
        %parallel_loop3A_441 = tpu.vector_load %arg14[%parallel_loop3A_439, %parallel_loop3A_440] {strides = array<i32>} : memref<8x1024xf32, #tpu.memory_space<vmem>>, vector<1x16xf32>,
        %parallel_loop3A_442 = vector.shape_cast %parallel_loop3A_441 : vector<1x16xf32> to vector<16xf32>
        %parallel_loop3A_443 = arith.constant 3.200000e+01 : f32
        %parallel_loop3A_444 = vector.broadcast %parallel_loop3A_443 : f32 to vector<16xf32>
        %parallel_loop3A_445 = arith.mulf %parallel_loop3A_442, %parallel_loop3A_444 : vector<16xf32>
        %parallel_loop3A_446 = arith.constant 6 : i32
        %parallel_loop3A_447 = arith.index_cast %parallel_loop3A_446 : i32 to index
        %parallel_loop3A_448 = arith.index_cast %parallel_loop3A_437 : i32 to index
        %parallel_loop3A_449 = tpu.vector_load %arg10[%parallel_loop3A_447, %parallel_loop3A_448] {strides = array<i32>} : memref<8x1024xf32, #tpu.memory_space<vmem>>, vector<1x16xf32>,
        %parallel_loop3A_450 = vector.shape_cast %parallel_loop3A_449 : vector<1x16xf32> to vector<16xf32>
        %parallel_loop3A_451 = arith.addf %parallel_loop3A_445, %parallel_loop3A_450 : vector<16xf32>
        %parallel_loop3A_452 = arith.constant 6 : i32
        %parallel_loop3A_453 = arith.index_cast %parallel_loop3A_452 : i32 to index
        %parallel_loop3A_454 = arith.index_cast %parallel_loop3A_437 : i32 to index
        %parallel_loop3A_455 = tpu.vector_load %arg18[%parallel_loop3A_453, %parallel_loop3A_454] {strides = array<i32>} : memref<8x1024xf32, #tpu.memory_space<vmem>>, vector<1x16xf32>,
        %parallel_loop3A_456 = vector.shape_cast %parallel_loop3A_455 : vector<1x16xf32> to vector<16xf32>
        %parallel_loop3A_457 = vector.shape_cast %parallel_loop3A_451 : vector<16xf32> to vector<1x16xf32>
        tpu.vector_store %arg18[%parallel_loop3A_453, %parallel_loop3A_454], %parallel_loop3A_457 {strides = array<i32>} : memref<8x1024xf32, #tpu.memory_space<vmem>>, vector<1x16xf32>,
      } {sc.loop_unroll_factor = 8 : i64, sc.parallel_access}
      %parallel_loop3A_301 = arith.constant 0 : i32
      %parallel_loop3A_302 = arith.constant 64 : i32
      %parallel_loop3A_303 = arith.constant 1 : i32
      scf.for %parallel_loop3A_435 = %parallel_loop3A_301 to %parallel_loop3A_302 step %parallel_loop3A_303  : i32 {
        %parallel_loop3A_436 = arith.constant 16 : i32
        %parallel_loop3A_437 = arith.muli %parallel_loop3A_435, %parallel_loop3A_436 : i32
        %parallel_loop3A_438 = arith.constant 7 : i32
        %parallel_loop3A_439 = arith.index_cast %parallel_loop3A_438 : i32 to index
        %parallel_loop3A_440 = arith.index_cast %parallel_loop3A_437 : i32 to index
        %parallel_loop3A_441 = tpu.vector_load %arg14[%parallel_loop3A_439, %parallel_loop3A_440] {strides = array<i32>} : memref<8x1024xf32, #tpu.memory_space<vmem>>, vector<1x16xf32>,
        %parallel_loop3A_442 = vector.shape_cast %parallel_loop3A_441 : vector<1x16xf32> to vector<16xf32>
        %parallel_loop3A_443 = arith.constant 3.200000e+01 : f32
        %parallel_loop3A_444 = vector.broadcast %parallel_loop3A_443 : f32 to vector<16xf32>
        %parallel_loop3A_445 = arith.mulf %parallel_loop3A_442, %parallel_loop3A_444 : vector<16xf32>
        %parallel_loop3A_446 = arith.constant 7 : i32
        %parallel_loop3A_447 = arith.index_cast %parallel_loop3A_446 : i32 to index
        %parallel_loop3A_448 = arith.index_cast %parallel_loop3A_437 : i32 to index
        %parallel_loop3A_449 = tpu.vector_load %arg10[%parallel_loop3A_447, %parallel_loop3A_448] {strides = array<i32>} : memref<8x1024xf32, #tpu.memory_space<vmem>>, vector<1x16xf32>,
        %parallel_loop3A_450 = vector.shape_cast %parallel_loop3A_449 : vector<1x16xf32> to vector<16xf32>
        %parallel_loop3A_451 = arith.addf %parallel_loop3A_445, %parallel_loop3A_450 : vector<16xf32>
        %parallel_loop3A_452 = arith.constant 7 : i32
        %parallel_loop3A_453 = arith.index_cast %parallel_loop3A_452 : i32 to index
        %parallel_loop3A_454 = arith.index_cast %parallel_loop3A_437 : i32 to index
        %parallel_loop3A_455 = tpu.vector_load %arg18[%parallel_loop3A_453, %parallel_loop3A_454] {strides = array<i32>} : memref<8x1024xf32, #tpu.memory_space<vmem>>, vector<1x16xf32>,
        %parallel_loop3A_456 = vector.shape_cast %parallel_loop3A_455 : vector<1x16xf32> to vector<16xf32>
        %parallel_loop3A_457 = vector.shape_cast %parallel_loop3A_451 : vector<16xf32> to vector<1x16xf32>
        tpu.vector_store %arg18[%parallel_loop3A_453, %parallel_loop3A_454], %parallel_loop3A_457 {strides = array<i32>} : memref<8x1024xf32, #tpu.memory_space<vmem>>, vector<1x16xf32>,
      } {sc.loop_unroll_factor = 8 : i64, sc.parallel_access}
      %mul3A_304 = arith.constant 8 : i32
      %mul3A_305 = arith.muli %add3A_244, %mul3A_304 : i32
      %add3A_306 = arith.addi %mul3A_2, %mul3A_305 : i32
      %add3A_307 = arith.constant 4 : i32
      %add3A_308 = arith.addi %add3A_306, %add3A_307 : i32
      %dma_start3A_309 = arith.constant 4 : i32
      %dma_start3A_310 = arith.constant 0 : i32
      %dma_start3A_311 = tpu.memref_slice %arg18[%dma_start3A_309, %dma_start3A_310] : memref<8x1024xf32, #tpu.memory_space<vmem>> -> memref<4x1024xf32, #tpu.memory_space<vmem>>
      %dma_start3A_312 = arith.constant 0 : i32
      %dma_start3A_313 = tpu.memref_slice %arg5[%add3A_308, %dma_start3A_312] : memref<8192x1024xf32, #tpu.memory_space<hbm>> -> memref<4x1024xf32, #tpu.memory_space<hbm>>
      %dma_start3A_314 = arith.constant 0 : i32
      %dma_start3A_315 = tpu.memref_slice %arg5[%add3A_308, %dma_start3A_314] : memref<8192x1024xf32, #tpu.memory_space<hbm>> -> memref<4x1024xf32, #tpu.memory_space<hbm>>
      %dma_start3A_316 = arith.constant 4 : i32
      %dma_start3A_317 = arith.constant 0 : i32
      %dma_start3A_318 = tpu.memref_slice %arg18[%dma_start3A_316, %dma_start3A_317] : memref<8x1024xf32, #tpu.memory_space<vmem>> -> memref<4x1024xf32, #tpu.memory_space<vmem>>
      tpu.enqueue_dma source(%dma_start3A_318 : memref<4x1024xf32, #tpu.memory_space<vmem>>) target(%dma_start3A_315 : memref<4x1024xf32, #tpu.memory_space<hbm>>) target_semaphore(%arg26 : memref<!tpu.dma_semaphore, #tpu.memory_space<semaphore_mem>>)
      %mul3A_319 = arith.constant 8 : i32
      %mul3A_320 = arith.muli %add3A_244, %mul3A_319 : i32
      %add3A_321 = arith.addi %mul3A_2, %mul3A_320 : i32
      %dma_wait3A_322 = arith.constant 0 : i32
      %dma_wait3A_323 = tpu.memref_slice %arg6[%add3A_321, %dma_wait3A_322] : memref<8192x1024xf32, #tpu.memory_space<hbm>> -> memref<8x1024xf32, #tpu.memory_space<hbm>>
      %dma_wait3A_324 = arith.constant 0 : i32
      %dma_wait3A_325 = tpu.memref_slice %arg6[%add3A_321, %dma_wait3A_324] : memref<8192x1024xf32, #tpu.memory_space<hbm>> -> memref<8x1024xf32, #tpu.memory_space<hbm>>
      tpu.wait_dma2 semaphore(%arg26 : memref<!tpu.dma_semaphore, #tpu.memory_space<semaphore_mem>>) src(%arg10 : memref<8x1024xf32, #tpu.memory_space<vmem>>) dst(%dma_wait3A_325 : memref<8x1024xf32, #tpu.memory_space<hbm>>)
      %mul3A_326 = arith.constant 8 : i32
      %mul3A_327 = arith.muli %add3A_244, %mul3A_326 : i32
      %add3A_328 = arith.addi %mul3A_2, %mul3A_327 : i32
      %dma_wait3A_329 = arith.constant 0 : i32
      %dma_wait3A_330 = tpu.memref_slice %arg5[%add3A_328, %dma_wait3A_329] : memref<8192x1024xf32, #tpu.memory_space<hbm>> -> memref<8x1024xf32, #tpu.memory_space<hbm>>
      %dma_wait3A_331 = arith.constant 0 : i32
      %dma_wait3A_332 = tpu.memref_slice %arg5[%add3A_328, %dma_wait3A_331] : memref<8192x1024xf32, #tpu.memory_space<hbm>> -> memref<8x1024xf32, #tpu.memory_space<hbm>>
      tpu.wait_dma2 semaphore(%arg26 : memref<!tpu.dma_semaphore, #tpu.memory_space<semaphore_mem>>) src(%arg18 : memref<8x1024xf32, #tpu.memory_space<vmem>>) dst(%dma_wait3A_332 : memref<8x1024xf32, #tpu.memory_space<hbm>>)
      %lt3A_333 = arith.constant 7 : i32
      %lt3A_334 = arith.cmpi slt, %scan3A_51, %lt3A_333 : i32
      %convert_element_type3A_335 = arith.extui %lt3A_334 : i1 to i32
      %cond3A_336 = arith.constant 0 : i32
      %cond3A_337 = arith.cmpi ne, %convert_element_type3A_335, %cond3A_336 : i32
      scf.if %cond3A_337 {
        %add3A_435 = arith.constant 4 : i32
        %add3A_436 = arith.addi %add3A_244, %add3A_435 : i32
        %mul3A_437 = arith.constant 8 : i32
        %mul3A_438 = arith.muli %add3A_436, %mul3A_437 : i32
        %dma_start3A_439 = tpu.memref_slice %arg7[%mul3A_438] : memref<256xi32, #tpu.memory_space<vmem>> -> memref<8xi32, #tpu.memory_space<vmem>>
        %dma_start3A_440 = arith.constant 0 : i32
        %dma_start3A_441 = arith.constant 0 : i32
        %dma_start3A_442 = tpu.memref_slice %arg4[%dma_start3A_440, %dma_start3A_441] : memref<8192x1024xf32, #tpu.memory_space<hbm>> -> memref<8192x1024xf32, #tpu.memory_space<hbm>>
        tpu.enqueue_indirect_dma source(%dma_start3A_442 : memref<8192x1024xf32, #tpu.memory_space<hbm>>) target(%arg10 : memref<8x1024xf32, #tpu.memory_space<vmem>>) offsets(%dma_start3A_439 : memref<8xi32, #tpu.memory_space<vmem>>) semaphore(%arg22 : memref<!tpu.dma_semaphore, #tpu.memory_space<semaphore_mem>>)
        %mul3A_443 = arith.constant 8 : i32
        %mul3A_444 = arith.muli %add3A_436, %mul3A_443 : i32
        %add3A_445 = arith.addi %mul3A_2, %mul3A_444 : i32
        %dma_start3A_446 = arith.constant 0 : i32
        %dma_start3A_447 = tpu.memref_slice %arg2[%add3A_445, %dma_start3A_446] : memref<8192x1024xf32, #tpu.memory_space<hbm>> -> memref<8x1024xf32, #tpu.memory_space<hbm>>
        %dma_start3A_448 = arith.constant 0 : i32
        %dma_start3A_449 = tpu.memref_slice %arg2[%add3A_445, %dma_start3A_448] : memref<8192x1024xf32, #tpu.memory_space<hbm>> -> memref<8x1024xf32, #tpu.memory_space<hbm>>
        tpu.enqueue_dma source(%dma_start3A_449 : memref<8x1024xf32, #tpu.memory_space<hbm>>) target(%arg14 : memref<8x1024xf32, #tpu.memory_space<vmem>>) target_semaphore(%arg22 : memref<!tpu.dma_semaphore, #tpu.memory_space<semaphore_mem>>)
      } else {
      }
      %mul3A_338 = arith.constant 4 : i32
      %mul3A_339 = arith.muli %scan3A_51, %mul3A_338 : i32
      %add3A_340 = arith.constant 3 : i32
      %add3A_341 = arith.addi %mul3A_339, %add3A_340 : i32
      %mul3A_342 = arith.constant 8 : i32
      %mul3A_343 = arith.muli %add3A_341, %mul3A_342 : i32
      %dma_wait3A_344 = tpu.memref_slice %arg7[%mul3A_343] : memref<256xi32, #tpu.memory_space<vmem>> -> memref<8xi32, #tpu.memory_space<vmem>>
      %dma_wait3A_345 = arith.constant 0 : i32
      %dma_wait3A_346 = arith.constant 0 : i32
      %dma_wait3A_347 = tpu.memref_slice %arg4[%dma_wait3A_345, %dma_wait3A_346] : memref<8192x1024xf32, #tpu.memory_space<hbm>> -> memref<8192x1024xf32, #tpu.memory_space<hbm>>
      tpu.wait_indirect_dma semaphore(%arg23 : memref<!tpu.dma_semaphore, #tpu.memory_space<semaphore_mem>>) src(%dma_wait3A_347 : memref<8192x1024xf32, #tpu.memory_space<hbm>>) dst(%arg11 : memref<8x1024xf32, #tpu.memory_space<vmem>>)
      %mul3A_348 = arith.constant 8 : i32
      %mul3A_349 = arith.muli %add3A_341, %mul3A_348 : i32
      %add3A_350 = arith.addi %mul3A_2, %mul3A_349 : i32
      %dma_wait3A_351 = arith.constant 0 : i32
      %dma_wait3A_352 = tpu.memref_slice %arg2[%add3A_350, %dma_wait3A_351] : memref<8192x1024xf32, #tpu.memory_space<hbm>> -> memref<8x1024xf32, #tpu.memory_space<hbm>>
      %dma_wait3A_353 = arith.constant 0 : i32
      %dma_wait3A_354 = tpu.memref_slice %arg2[%add3A_350, %dma_wait3A_353] : memref<8192x1024xf32, #tpu.memory_space<hbm>> -> memref<8x1024xf32, #tpu.memory_space<hbm>>
      tpu.wait_dma2 semaphore(%arg23 : memref<!tpu.dma_semaphore, #tpu.memory_space<semaphore_mem>>) src(%dma_wait3A_354 : memref<8x1024xf32, #tpu.memory_space<hbm>>) dst(%arg15 : memref<8x1024xf32, #tpu.memory_space<vmem>>)
      %mul3A_355 = arith.constant 8 : i32
      %mul3A_356 = arith.muli %add3A_341, %mul3A_355 : i32
      %add3A_357 = arith.addi %mul3A_2, %mul3A_356 : i32
      %dma_start3A_358 = arith.constant 0 : i32
      %dma_start3A_359 = tpu.memref_slice %arg6[%add3A_357, %dma_start3A_358] : memref<8192x1024xf32, #tpu.memory_space<hbm>> -> memref<8x1024xf32, #tpu.memory_space<hbm>>
      %dma_start3A_360 = arith.constant 0 : i32
      %dma_start3A_361 = tpu.memref_slice %arg6[%add3A_357, %dma_start3A_360] : memref<8192x1024xf32, #tpu.memory_space<hbm>> -> memref<8x1024xf32, #tpu.memory_space<hbm>>
      tpu.enqueue_dma source(%arg11 : memref<8x1024xf32, #tpu.memory_space<vmem>>) target(%dma_start3A_361 : memref<8x1024xf32, #tpu.memory_space<hbm>>) target_semaphore(%arg27 : memref<!tpu.dma_semaphore, #tpu.memory_space<semaphore_mem>>)
      %parallel_loop3A_362 = arith.constant 0 : i32
      %parallel_loop3A_363 = arith.constant 64 : i32
      %parallel_loop3A_364 = arith.constant 1 : i32
      scf.for %parallel_loop3A_435 = %parallel_loop3A_362 to %parallel_loop3A_363 step %parallel_loop3A_364  : i32 {
        %parallel_loop3A_436 = arith.constant 16 : i32
        %parallel_loop3A_437 = arith.muli %parallel_loop3A_435, %parallel_loop3A_436 : i32
        %parallel_loop3A_438 = arith.constant 0 : i32
        %parallel_loop3A_439 = arith.index_cast %parallel_loop3A_438 : i32 to index
        %parallel_loop3A_440 = arith.index_cast %parallel_loop3A_437 : i32 to index
        %parallel_loop3A_441 = tpu.vector_load %arg15[%parallel_loop3A_439, %parallel_loop3A_440] {strides = array<i32>} : memref<8x1024xf32, #tpu.memory_space<vmem>>, vector<1x16xf32>,
        %parallel_loop3A_442 = vector.shape_cast %parallel_loop3A_441 : vector<1x16xf32> to vector<16xf32>
        %parallel_loop3A_443 = arith.constant 3.200000e+01 : f32
        %parallel_loop3A_444 = vector.broadcast %parallel_loop3A_443 : f32 to vector<16xf32>
        %parallel_loop3A_445 = arith.mulf %parallel_loop3A_442, %parallel_loop3A_444 : vector<16xf32>
        %parallel_loop3A_446 = arith.constant 0 : i32
        %parallel_loop3A_447 = arith.index_cast %parallel_loop3A_446 : i32 to index
        %parallel_loop3A_448 = arith.index_cast %parallel_loop3A_437 : i32 to index
        %parallel_loop3A_449 = tpu.vector_load %arg11[%parallel_loop3A_447, %parallel_loop3A_448] {strides = array<i32>} : memref<8x1024xf32, #tpu.memory_space<vmem>>, vector<1x16xf32>,
        %parallel_loop3A_450 = vector.shape_cast %parallel_loop3A_449 : vector<1x16xf32> to vector<16xf32>
        %parallel_loop3A_451 = arith.addf %parallel_loop3A_445, %parallel_loop3A_450 : vector<16xf32>
        %parallel_loop3A_452 = arith.constant 0 : i32
        %parallel_loop3A_453 = arith.index_cast %parallel_loop3A_452 : i32 to index
        %parallel_loop3A_454 = arith.index_cast %parallel_loop3A_437 : i32 to index
        %parallel_loop3A_455 = tpu.vector_load %arg19[%parallel_loop3A_453, %parallel_loop3A_454] {strides = array<i32>} : memref<8x1024xf32, #tpu.memory_space<vmem>>, vector<1x16xf32>,
        %parallel_loop3A_456 = vector.shape_cast %parallel_loop3A_455 : vector<1x16xf32> to vector<16xf32>
        %parallel_loop3A_457 = vector.shape_cast %parallel_loop3A_451 : vector<16xf32> to vector<1x16xf32>
        tpu.vector_store %arg19[%parallel_loop3A_453, %parallel_loop3A_454], %parallel_loop3A_457 {strides = array<i32>} : memref<8x1024xf32, #tpu.memory_space<vmem>>, vector<1x16xf32>,
      } {sc.loop_unroll_factor = 8 : i64, sc.parallel_access}
      %parallel_loop3A_365 = arith.constant 0 : i32
      %parallel_loop3A_366 = arith.constant 64 : i32
      %parallel_loop3A_367 = arith.constant 1 : i32
      scf.for %parallel_loop3A_435 = %parallel_loop3A_365 to %parallel_loop3A_366 step %parallel_loop3A_367  : i32 {
        %parallel_loop3A_436 = arith.constant 16 : i32
        %parallel_loop3A_437 = arith.muli %parallel_loop3A_435, %parallel_loop3A_436 : i32
        %parallel_loop3A_438 = arith.constant 1 : i32
        %parallel_loop3A_439 = arith.index_cast %parallel_loop3A_438 : i32 to index
        %parallel_loop3A_440 = arith.index_cast %parallel_loop3A_437 : i32 to index
        %parallel_loop3A_441 = tpu.vector_load %arg15[%parallel_loop3A_439, %parallel_loop3A_440] {strides = array<i32>} : memref<8x1024xf32, #tpu.memory_space<vmem>>, vector<1x16xf32>,
        %parallel_loop3A_442 = vector.shape_cast %parallel_loop3A_441 : vector<1x16xf32> to vector<16xf32>
        %parallel_loop3A_443 = arith.constant 3.200000e+01 : f32
        %parallel_loop3A_444 = vector.broadcast %parallel_loop3A_443 : f32 to vector<16xf32>
        %parallel_loop3A_445 = arith.mulf %parallel_loop3A_442, %parallel_loop3A_444 : vector<16xf32>
        %parallel_loop3A_446 = arith.constant 1 : i32
        %parallel_loop3A_447 = arith.index_cast %parallel_loop3A_446 : i32 to index
        %parallel_loop3A_448 = arith.index_cast %parallel_loop3A_437 : i32 to index
        %parallel_loop3A_449 = tpu.vector_load %arg11[%parallel_loop3A_447, %parallel_loop3A_448] {strides = array<i32>} : memref<8x1024xf32, #tpu.memory_space<vmem>>, vector<1x16xf32>,
        %parallel_loop3A_450 = vector.shape_cast %parallel_loop3A_449 : vector<1x16xf32> to vector<16xf32>
        %parallel_loop3A_451 = arith.addf %parallel_loop3A_445, %parallel_loop3A_450 : vector<16xf32>
        %parallel_loop3A_452 = arith.constant 1 : i32
        %parallel_loop3A_453 = arith.index_cast %parallel_loop3A_452 : i32 to index
        %parallel_loop3A_454 = arith.index_cast %parallel_loop3A_437 : i32 to index
        %parallel_loop3A_455 = tpu.vector_load %arg19[%parallel_loop3A_453, %parallel_loop3A_454] {strides = array<i32>} : memref<8x1024xf32, #tpu.memory_space<vmem>>, vector<1x16xf32>,
        %parallel_loop3A_456 = vector.shape_cast %parallel_loop3A_455 : vector<1x16xf32> to vector<16xf32>
        %parallel_loop3A_457 = vector.shape_cast %parallel_loop3A_451 : vector<16xf32> to vector<1x16xf32>
        tpu.vector_store %arg19[%parallel_loop3A_453, %parallel_loop3A_454], %parallel_loop3A_457 {strides = array<i32>} : memref<8x1024xf32, #tpu.memory_space<vmem>>, vector<1x16xf32>,
      } {sc.loop_unroll_factor = 8 : i64, sc.parallel_access}
      %parallel_loop3A_368 = arith.constant 0 : i32
      %parallel_loop3A_369 = arith.constant 64 : i32
      %parallel_loop3A_370 = arith.constant 1 : i32
      scf.for %parallel_loop3A_435 = %parallel_loop3A_368 to %parallel_loop3A_369 step %parallel_loop3A_370  : i32 {
        %parallel_loop3A_436 = arith.constant 16 : i32
        %parallel_loop3A_437 = arith.muli %parallel_loop3A_435, %parallel_loop3A_436 : i32
        %parallel_loop3A_438 = arith.constant 2 : i32
        %parallel_loop3A_439 = arith.index_cast %parallel_loop3A_438 : i32 to index
        %parallel_loop3A_440 = arith.index_cast %parallel_loop3A_437 : i32 to index
        %parallel_loop3A_441 = tpu.vector_load %arg15[%parallel_loop3A_439, %parallel_loop3A_440] {strides = array<i32>} : memref<8x1024xf32, #tpu.memory_space<vmem>>, vector<1x16xf32>,
        %parallel_loop3A_442 = vector.shape_cast %parallel_loop3A_441 : vector<1x16xf32> to vector<16xf32>
        %parallel_loop3A_443 = arith.constant 3.200000e+01 : f32
        %parallel_loop3A_444 = vector.broadcast %parallel_loop3A_443 : f32 to vector<16xf32>
        %parallel_loop3A_445 = arith.mulf %parallel_loop3A_442, %parallel_loop3A_444 : vector<16xf32>
        %parallel_loop3A_446 = arith.constant 2 : i32
        %parallel_loop3A_447 = arith.index_cast %parallel_loop3A_446 : i32 to index
        %parallel_loop3A_448 = arith.index_cast %parallel_loop3A_437 : i32 to index
        %parallel_loop3A_449 = tpu.vector_load %arg11[%parallel_loop3A_447, %parallel_loop3A_448] {strides = array<i32>} : memref<8x1024xf32, #tpu.memory_space<vmem>>, vector<1x16xf32>,
        %parallel_loop3A_450 = vector.shape_cast %parallel_loop3A_449 : vector<1x16xf32> to vector<16xf32>
        %parallel_loop3A_451 = arith.addf %parallel_loop3A_445, %parallel_loop3A_450 : vector<16xf32>
        %parallel_loop3A_452 = arith.constant 2 : i32
        %parallel_loop3A_453 = arith.index_cast %parallel_loop3A_452 : i32 to index
        %parallel_loop3A_454 = arith.index_cast %parallel_loop3A_437 : i32 to index
        %parallel_loop3A_455 = tpu.vector_load %arg19[%parallel_loop3A_453, %parallel_loop3A_454] {strides = array<i32>} : memref<8x1024xf32, #tpu.memory_space<vmem>>, vector<1x16xf32>,
        %parallel_loop3A_456 = vector.shape_cast %parallel_loop3A_455 : vector<1x16xf32> to vector<16xf32>
        %parallel_loop3A_457 = vector.shape_cast %parallel_loop3A_451 : vector<16xf32> to vector<1x16xf32>
        tpu.vector_store %arg19[%parallel_loop3A_453, %parallel_loop3A_454], %parallel_loop3A_457 {strides = array<i32>} : memref<8x1024xf32, #tpu.memory_space<vmem>>, vector<1x16xf32>,
      } {sc.loop_unroll_factor = 8 : i64, sc.parallel_access}
      %parallel_loop3A_371 = arith.constant 0 : i32
      %parallel_loop3A_372 = arith.constant 64 : i32
      %parallel_loop3A_373 = arith.constant 1 : i32
      scf.for %parallel_loop3A_435 = %parallel_loop3A_371 to %parallel_loop3A_372 step %parallel_loop3A_373  : i32 {
        %parallel_loop3A_436 = arith.constant 16 : i32
        %parallel_loop3A_437 = arith.muli %parallel_loop3A_435, %parallel_loop3A_436 : i32
        %parallel_loop3A_438 = arith.constant 3 : i32
        %parallel_loop3A_439 = arith.index_cast %parallel_loop3A_438 : i32 to index
        %parallel_loop3A_440 = arith.index_cast %parallel_loop3A_437 : i32 to index
        %parallel_loop3A_441 = tpu.vector_load %arg15[%parallel_loop3A_439, %parallel_loop3A_440] {strides = array<i32>} : memref<8x1024xf32, #tpu.memory_space<vmem>>, vector<1x16xf32>,
        %parallel_loop3A_442 = vector.shape_cast %parallel_loop3A_441 : vector<1x16xf32> to vector<16xf32>
        %parallel_loop3A_443 = arith.constant 3.200000e+01 : f32
        %parallel_loop3A_444 = vector.broadcast %parallel_loop3A_443 : f32 to vector<16xf32>
        %parallel_loop3A_445 = arith.mulf %parallel_loop3A_442, %parallel_loop3A_444 : vector<16xf32>
        %parallel_loop3A_446 = arith.constant 3 : i32
        %parallel_loop3A_447 = arith.index_cast %parallel_loop3A_446 : i32 to index
        %parallel_loop3A_448 = arith.index_cast %parallel_loop3A_437 : i32 to index
        %parallel_loop3A_449 = tpu.vector_load %arg11[%parallel_loop3A_447, %parallel_loop3A_448] {strides = array<i32>} : memref<8x1024xf32, #tpu.memory_space<vmem>>, vector<1x16xf32>,
        %parallel_loop3A_450 = vector.shape_cast %parallel_loop3A_449 : vector<1x16xf32> to vector<16xf32>
        %parallel_loop3A_451 = arith.addf %parallel_loop3A_445, %parallel_loop3A_450 : vector<16xf32>
        %parallel_loop3A_452 = arith.constant 3 : i32
        %parallel_loop3A_453 = arith.index_cast %parallel_loop3A_452 : i32 to index
        %parallel_loop3A_454 = arith.index_cast %parallel_loop3A_437 : i32 to index
        %parallel_loop3A_455 = tpu.vector_load %arg19[%parallel_loop3A_453, %parallel_loop3A_454] {strides = array<i32>} : memref<8x1024xf32, #tpu.memory_space<vmem>>, vector<1x16xf32>,
        %parallel_loop3A_456 = vector.shape_cast %parallel_loop3A_455 : vector<1x16xf32> to vector<16xf32>
        %parallel_loop3A_457 = vector.shape_cast %parallel_loop3A_451 : vector<16xf32> to vector<1x16xf32>
        tpu.vector_store %arg19[%parallel_loop3A_453, %parallel_loop3A_454], %parallel_loop3A_457 {strides = array<i32>} : memref<8x1024xf32, #tpu.memory_space<vmem>>, vector<1x16xf32>,
      } {sc.loop_unroll_factor = 8 : i64, sc.parallel_access}
      %mul3A_374 = arith.constant 8 : i32
      %mul3A_375 = arith.muli %add3A_341, %mul3A_374 : i32
      %add3A_376 = arith.addi %mul3A_2, %mul3A_375 : i32
      %add3A_377 = arith.constant 0 : i32
      %add3A_378 = arith.addi %add3A_376, %add3A_377 : i32
      %dma_start3A_379 = arith.constant 0 : i32
      %dma_start3A_380 = arith.constant 0 : i32
      %dma_start3A_381 = tpu.memref_slice %arg19[%dma_start3A_379, %dma_start3A_380] : memref<8x1024xf32, #tpu.memory_space<vmem>> -> memref<4x1024xf32, #tpu.memory_space<vmem>>
      %dma_start3A_382 = arith.constant 0 : i32
      %dma_start3A_383 = tpu.memref_slice %arg5[%add3A_378, %dma_start3A_382] : memref<8192x1024xf32, #tpu.memory_space<hbm>> -> memref<4x1024xf32, #tpu.memory_space<hbm>>
      %dma_start3A_384 = arith.constant 0 : i32
      %dma_start3A_385 = tpu.memref_slice %arg5[%add3A_378, %dma_start3A_384] : memref<8192x1024xf32, #tpu.memory_space<hbm>> -> memref<4x1024xf32, #tpu.memory_space<hbm>>
      %dma_start3A_386 = arith.constant 0 : i32
      %dma_start3A_387 = arith.constant 0 : i32
      %dma_start3A_388 = tpu.memref_slice %arg19[%dma_start3A_386, %dma_start3A_387] : memref<8x1024xf32, #tpu.memory_space<vmem>> -> memref<4x1024xf32, #tpu.memory_space<vmem>>
      tpu.enqueue_dma source(%dma_start3A_388 : memref<4x1024xf32, #tpu.memory_space<vmem>>) target(%dma_start3A_385 : memref<4x1024xf32, #tpu.memory_space<hbm>>) target_semaphore(%arg27 : memref<!tpu.dma_semaphore, #tpu.memory_space<semaphore_mem>>)
      %parallel_loop3A_389 = arith.constant 0 : i32
      %parallel_loop3A_390 = arith.constant 64 : i32
      %parallel_loop3A_391 = arith.constant 1 : i32
      scf.for %parallel_loop3A_435 = %parallel_loop3A_389 to %parallel_loop3A_390 step %parallel_loop3A_391  : i32 {
        %parallel_loop3A_436 = arith.constant 16 : i32
        %parallel_loop3A_437 = arith.muli %parallel_loop3A_435, %parallel_loop3A_436 : i32
        %parallel_loop3A_438 = arith.constant 4 : i32
        %parallel_loop3A_439 = arith.index_cast %parallel_loop3A_438 : i32 to index
        %parallel_loop3A_440 = arith.index_cast %parallel_loop3A_437 : i32 to index
        %parallel_loop3A_441 = tpu.vector_load %arg15[%parallel_loop3A_439, %parallel_loop3A_440] {strides = array<i32>} : memref<8x1024xf32, #tpu.memory_space<vmem>>, vector<1x16xf32>,
        %parallel_loop3A_442 = vector.shape_cast %parallel_loop3A_441 : vector<1x16xf32> to vector<16xf32>
        %parallel_loop3A_443 = arith.constant 3.200000e+01 : f32
        %parallel_loop3A_444 = vector.broadcast %parallel_loop3A_443 : f32 to vector<16xf32>
        %parallel_loop3A_445 = arith.mulf %parallel_loop3A_442, %parallel_loop3A_444 : vector<16xf32>
        %parallel_loop3A_446 = arith.constant 4 : i32
        %parallel_loop3A_447 = arith.index_cast %parallel_loop3A_446 : i32 to index
        %parallel_loop3A_448 = arith.index_cast %parallel_loop3A_437 : i32 to index
        %parallel_loop3A_449 = tpu.vector_load %arg11[%parallel_loop3A_447, %parallel_loop3A_448] {strides = array<i32>} : memref<8x1024xf32, #tpu.memory_space<vmem>>, vector<1x16xf32>,
        %parallel_loop3A_450 = vector.shape_cast %parallel_loop3A_449 : vector<1x16xf32> to vector<16xf32>
        %parallel_loop3A_451 = arith.addf %parallel_loop3A_445, %parallel_loop3A_450 : vector<16xf32>
        %parallel_loop3A_452 = arith.constant 4 : i32
        %parallel_loop3A_453 = arith.index_cast %parallel_loop3A_452 : i32 to index
        %parallel_loop3A_454 = arith.index_cast %parallel_loop3A_437 : i32 to index
        %parallel_loop3A_455 = tpu.vector_load %arg19[%parallel_loop3A_453, %parallel_loop3A_454] {strides = array<i32>} : memref<8x1024xf32, #tpu.memory_space<vmem>>, vector<1x16xf32>,
        %parallel_loop3A_456 = vector.shape_cast %parallel_loop3A_455 : vector<1x16xf32> to vector<16xf32>
        %parallel_loop3A_457 = vector.shape_cast %parallel_loop3A_451 : vector<16xf32> to vector<1x16xf32>
        tpu.vector_store %arg19[%parallel_loop3A_453, %parallel_loop3A_454], %parallel_loop3A_457 {strides = array<i32>} : memref<8x1024xf32, #tpu.memory_space<vmem>>, vector<1x16xf32>,
      } {sc.loop_unroll_factor = 8 : i64, sc.parallel_access}
      %parallel_loop3A_392 = arith.constant 0 : i32
      %parallel_loop3A_393 = arith.constant 64 : i32
      %parallel_loop3A_394 = arith.constant 1 : i32
      scf.for %parallel_loop3A_435 = %parallel_loop3A_392 to %parallel_loop3A_393 step %parallel_loop3A_394  : i32 {
        %parallel_loop3A_436 = arith.constant 16 : i32
        %parallel_loop3A_437 = arith.muli %parallel_loop3A_435, %parallel_loop3A_436 : i32
        %parallel_loop3A_438 = arith.constant 5 : i32
        %parallel_loop3A_439 = arith.index_cast %parallel_loop3A_438 : i32 to index
        %parallel_loop3A_440 = arith.index_cast %parallel_loop3A_437 : i32 to index
        %parallel_loop3A_441 = tpu.vector_load %arg15[%parallel_loop3A_439, %parallel_loop3A_440] {strides = array<i32>} : memref<8x1024xf32, #tpu.memory_space<vmem>>, vector<1x16xf32>,
        %parallel_loop3A_442 = vector.shape_cast %parallel_loop3A_441 : vector<1x16xf32> to vector<16xf32>
        %parallel_loop3A_443 = arith.constant 3.200000e+01 : f32
        %parallel_loop3A_444 = vector.broadcast %parallel_loop3A_443 : f32 to vector<16xf32>
        %parallel_loop3A_445 = arith.mulf %parallel_loop3A_442, %parallel_loop3A_444 : vector<16xf32>
        %parallel_loop3A_446 = arith.constant 5 : i32
        %parallel_loop3A_447 = arith.index_cast %parallel_loop3A_446 : i32 to index
        %parallel_loop3A_448 = arith.index_cast %parallel_loop3A_437 : i32 to index
        %parallel_loop3A_449 = tpu.vector_load %arg11[%parallel_loop3A_447, %parallel_loop3A_448] {strides = array<i32>} : memref<8x1024xf32, #tpu.memory_space<vmem>>, vector<1x16xf32>,
        %parallel_loop3A_450 = vector.shape_cast %parallel_loop3A_449 : vector<1x16xf32> to vector<16xf32>
        %parallel_loop3A_451 = arith.addf %parallel_loop3A_445, %parallel_loop3A_450 : vector<16xf32>
        %parallel_loop3A_452 = arith.constant 5 : i32
        %parallel_loop3A_453 = arith.index_cast %parallel_loop3A_452 : i32 to index
        %parallel_loop3A_454 = arith.index_cast %parallel_loop3A_437 : i32 to index
        %parallel_loop3A_455 = tpu.vector_load %arg19[%parallel_loop3A_453, %parallel_loop3A_454] {strides = array<i32>} : memref<8x1024xf32, #tpu.memory_space<vmem>>, vector<1x16xf32>,
        %parallel_loop3A_456 = vector.shape_cast %parallel_loop3A_455 : vector<1x16xf32> to vector<16xf32>
        %parallel_loop3A_457 = vector.shape_cast %parallel_loop3A_451 : vector<16xf32> to vector<1x16xf32>
        tpu.vector_store %arg19[%parallel_loop3A_453, %parallel_loop3A_454], %parallel_loop3A_457 {strides = array<i32>} : memref<8x1024xf32, #tpu.memory_space<vmem>>, vector<1x16xf32>,
      } {sc.loop_unroll_factor = 8 : i64, sc.parallel_access}
      %parallel_loop3A_395 = arith.constant 0 : i32
      %parallel_loop3A_396 = arith.constant 64 : i32
      %parallel_loop3A_397 = arith.constant 1 : i32
      scf.for %parallel_loop3A_435 = %parallel_loop3A_395 to %parallel_loop3A_396 step %parallel_loop3A_397  : i32 {
        %parallel_loop3A_436 = arith.constant 16 : i32
        %parallel_loop3A_437 = arith.muli %parallel_loop3A_435, %parallel_loop3A_436 : i32
        %parallel_loop3A_438 = arith.constant 6 : i32
        %parallel_loop3A_439 = arith.index_cast %parallel_loop3A_438 : i32 to index
        %parallel_loop3A_440 = arith.index_cast %parallel_loop3A_437 : i32 to index
        %parallel_loop3A_441 = tpu.vector_load %arg15[%parallel_loop3A_439, %parallel_loop3A_440] {strides = array<i32>} : memref<8x1024xf32, #tpu.memory_space<vmem>>, vector<1x16xf32>,
        %parallel_loop3A_442 = vector.shape_cast %parallel_loop3A_441 : vector<1x16xf32> to vector<16xf32>
        %parallel_loop3A_443 = arith.constant 3.200000e+01 : f32
        %parallel_loop3A_444 = vector.broadcast %parallel_loop3A_443 : f32 to vector<16xf32>
        %parallel_loop3A_445 = arith.mulf %parallel_loop3A_442, %parallel_loop3A_444 : vector<16xf32>
        %parallel_loop3A_446 = arith.constant 6 : i32
        %parallel_loop3A_447 = arith.index_cast %parallel_loop3A_446 : i32 to index
        %parallel_loop3A_448 = arith.index_cast %parallel_loop3A_437 : i32 to index
        %parallel_loop3A_449 = tpu.vector_load %arg11[%parallel_loop3A_447, %parallel_loop3A_448] {strides = array<i32>} : memref<8x1024xf32, #tpu.memory_space<vmem>>, vector<1x16xf32>,
        %parallel_loop3A_450 = vector.shape_cast %parallel_loop3A_449 : vector<1x16xf32> to vector<16xf32>
        %parallel_loop3A_451 = arith.addf %parallel_loop3A_445, %parallel_loop3A_450 : vector<16xf32>
        %parallel_loop3A_452 = arith.constant 6 : i32
        %parallel_loop3A_453 = arith.index_cast %parallel_loop3A_452 : i32 to index
        %parallel_loop3A_454 = arith.index_cast %parallel_loop3A_437 : i32 to index
        %parallel_loop3A_455 = tpu.vector_load %arg19[%parallel_loop3A_453, %parallel_loop3A_454] {strides = array<i32>} : memref<8x1024xf32, #tpu.memory_space<vmem>>, vector<1x16xf32>,
        %parallel_loop3A_456 = vector.shape_cast %parallel_loop3A_455 : vector<1x16xf32> to vector<16xf32>
        %parallel_loop3A_457 = vector.shape_cast %parallel_loop3A_451 : vector<16xf32> to vector<1x16xf32>
        tpu.vector_store %arg19[%parallel_loop3A_453, %parallel_loop3A_454], %parallel_loop3A_457 {strides = array<i32>} : memref<8x1024xf32, #tpu.memory_space<vmem>>, vector<1x16xf32>,
      } {sc.loop_unroll_factor = 8 : i64, sc.parallel_access}
      %parallel_loop3A_398 = arith.constant 0 : i32
      %parallel_loop3A_399 = arith.constant 64 : i32
      %parallel_loop3A_400 = arith.constant 1 : i32
      scf.for %parallel_loop3A_435 = %parallel_loop3A_398 to %parallel_loop3A_399 step %parallel_loop3A_400  : i32 {
        %parallel_loop3A_436 = arith.constant 16 : i32
        %parallel_loop3A_437 = arith.muli %parallel_loop3A_435, %parallel_loop3A_436 : i32
        %parallel_loop3A_438 = arith.constant 7 : i32
        %parallel_loop3A_439 = arith.index_cast %parallel_loop3A_438 : i32 to index
        %parallel_loop3A_440 = arith.index_cast %parallel_loop3A_437 : i32 to index
        %parallel_loop3A_441 = tpu.vector_load %arg15[%parallel_loop3A_439, %parallel_loop3A_440] {strides = array<i32>} : memref<8x1024xf32, #tpu.memory_space<vmem>>, vector<1x16xf32>,
        %parallel_loop3A_442 = vector.shape_cast %parallel_loop3A_441 : vector<1x16xf32> to vector<16xf32>
        %parallel_loop3A_443 = arith.constant 3.200000e+01 : f32
        %parallel_loop3A_444 = vector.broadcast %parallel_loop3A_443 : f32 to vector<16xf32>
        %parallel_loop3A_445 = arith.mulf %parallel_loop3A_442, %parallel_loop3A_444 : vector<16xf32>
        %parallel_loop3A_446 = arith.constant 7 : i32
        %parallel_loop3A_447 = arith.index_cast %parallel_loop3A_446 : i32 to index
        %parallel_loop3A_448 = arith.index_cast %parallel_loop3A_437 : i32 to index
        %parallel_loop3A_449 = tpu.vector_load %arg11[%parallel_loop3A_447, %parallel_loop3A_448] {strides = array<i32>} : memref<8x1024xf32, #tpu.memory_space<vmem>>, vector<1x16xf32>,
        %parallel_loop3A_450 = vector.shape_cast %parallel_loop3A_449 : vector<1x16xf32> to vector<16xf32>
        %parallel_loop3A_451 = arith.addf %parallel_loop3A_445, %parallel_loop3A_450 : vector<16xf32>
        %parallel_loop3A_452 = arith.constant 7 : i32
        %parallel_loop3A_453 = arith.index_cast %parallel_loop3A_452 : i32 to index
        %parallel_loop3A_454 = arith.index_cast %parallel_loop3A_437 : i32 to index
        %parallel_loop3A_455 = tpu.vector_load %arg19[%parallel_loop3A_453, %parallel_loop3A_454] {strides = array<i32>} : memref<8x1024xf32, #tpu.memory_space<vmem>>, vector<1x16xf32>,
        %parallel_loop3A_456 = vector.shape_cast %parallel_loop3A_455 : vector<1x16xf32> to vector<16xf32>
        %parallel_loop3A_457 = vector.shape_cast %parallel_loop3A_451 : vector<16xf32> to vector<1x16xf32>
        tpu.vector_store %arg19[%parallel_loop3A_453, %parallel_loop3A_454], %parallel_loop3A_457 {strides = array<i32>} : memref<8x1024xf32, #tpu.memory_space<vmem>>, vector<1x16xf32>,
      } {sc.loop_unroll_factor = 8 : i64, sc.parallel_access}
      %mul3A_401 = arith.constant 8 : i32
      %mul3A_402 = arith.muli %add3A_341, %mul3A_401 : i32
      %add3A_403 = arith.addi %mul3A_2, %mul3A_402 : i32
      %add3A_404 = arith.constant 4 : i32
      %add3A_405 = arith.addi %add3A_403, %add3A_404 : i32
      %dma_start3A_406 = arith.constant 4 : i32
      %dma_start3A_407 = arith.constant 0 : i32
      %dma_start3A_408 = tpu.memref_slice %arg19[%dma_start3A_406, %dma_start3A_407] : memref<8x1024xf32, #tpu.memory_space<vmem>> -> memref<4x1024xf32, #tpu.memory_space<vmem>>
      %dma_start3A_409 = arith.constant 0 : i32
      %dma_start3A_410 = tpu.memref_slice %arg5[%add3A_405, %dma_start3A_409] : memref<8192x1024xf32, #tpu.memory_space<hbm>> -> memref<4x1024xf32, #tpu.memory_space<hbm>>
      %dma_start3A_411 = arith.constant 0 : i32
      %dma_start3A_412 = tpu.memref_slice %arg5[%add3A_405, %dma_start3A_411] : memref<8192x1024xf32, #tpu.memory_space<hbm>> -> memref<4x1024xf32, #tpu.memory_space<hbm>>
      %dma_start3A_413 = arith.constant 4 : i32
      %dma_start3A_414 = arith.constant 0 : i32
      %dma_start3A_415 = tpu.memref_slice %arg19[%dma_start3A_413, %dma_start3A_414] : memref<8x1024xf32, #tpu.memory_space<vmem>> -> memref<4x1024xf32, #tpu.memory_space<vmem>>
      tpu.enqueue_dma source(%dma_start3A_415 : memref<4x1024xf32, #tpu.memory_space<vmem>>) target(%dma_start3A_412 : memref<4x1024xf32, #tpu.memory_space<hbm>>) target_semaphore(%arg27 : memref<!tpu.dma_semaphore, #tpu.memory_space<semaphore_mem>>)
      %mul3A_416 = arith.constant 8 : i32
      %mul3A_417 = arith.muli %add3A_341, %mul3A_416 : i32
      %add3A_418 = arith.addi %mul3A_2, %mul3A_417 : i32
      %dma_wait3A_419 = arith.constant 0 : i32
      %dma_wait3A_420 = tpu.memref_slice %arg6[%add3A_418, %dma_wait3A_419] : memref<8192x1024xf32, #tpu.memory_space<hbm>> -> memref<8x1024xf32, #tpu.memory_space<hbm>>
      %dma_wait3A_421 = arith.constant 0 : i32
      %dma_wait3A_422 = tpu.memref_slice %arg6[%add3A_418, %dma_wait3A_421] : memref<8192x1024xf32, #tpu.memory_space<hbm>> -> memref<8x1024xf32, #tpu.memory_space<hbm>>
      tpu.wait_dma2 semaphore(%arg27 : memref<!tpu.dma_semaphore, #tpu.memory_space<semaphore_mem>>) src(%arg11 : memref<8x1024xf32, #tpu.memory_space<vmem>>) dst(%dma_wait3A_422 : memref<8x1024xf32, #tpu.memory_space<hbm>>)
      %mul3A_423 = arith.constant 8 : i32
      %mul3A_424 = arith.muli %add3A_341, %mul3A_423 : i32
      %add3A_425 = arith.addi %mul3A_2, %mul3A_424 : i32
      %dma_wait3A_426 = arith.constant 0 : i32
      %dma_wait3A_427 = tpu.memref_slice %arg5[%add3A_425, %dma_wait3A_426] : memref<8192x1024xf32, #tpu.memory_space<hbm>> -> memref<8x1024xf32, #tpu.memory_space<hbm>>
      %dma_wait3A_428 = arith.constant 0 : i32
      %dma_wait3A_429 = tpu.memref_slice %arg5[%add3A_425, %dma_wait3A_428] : memref<8192x1024xf32, #tpu.memory_space<hbm>> -> memref<8x1024xf32, #tpu.memory_space<hbm>>
      tpu.wait_dma2 semaphore(%arg27 : memref<!tpu.dma_semaphore, #tpu.memory_space<semaphore_mem>>) src(%arg19 : memref<8x1024xf32, #tpu.memory_space<vmem>>) dst(%dma_wait3A_429 : memref<8x1024xf32, #tpu.memory_space<hbm>>)
      %lt3A_430 = arith.constant 7 : i32
      %lt3A_431 = arith.cmpi slt, %scan3A_51, %lt3A_430 : i32
      %convert_element_type3A_432 = arith.extui %lt3A_431 : i1 to i32
      %cond3A_433 = arith.constant 0 : i32
      %cond3A_434 = arith.cmpi ne, %convert_element_type3A_432, %cond3A_433 : i32
      scf.if %cond3A_434 {
        %add3A_435 = arith.constant 4 : i32
        %add3A_436 = arith.addi %add3A_341, %add3A_435 : i32
        %mul3A_437 = arith.constant 8 : i32
        %mul3A_438 = arith.muli %add3A_436, %mul3A_437 : i32
        %dma_start3A_439 = tpu.memref_slice %arg7[%mul3A_438] : memref<256xi32, #tpu.memory_space<vmem>> -> memref<8xi32, #tpu.memory_space<vmem>>
        %dma_start3A_440 = arith.constant 0 : i32
        %dma_start3A_441 = arith.constant 0 : i32
        %dma_start3A_442 = tpu.memref_slice %arg4[%dma_start3A_440, %dma_start3A_441] : memref<8192x1024xf32, #tpu.memory_space<hbm>> -> memref<8192x1024xf32, #tpu.memory_space<hbm>>
        tpu.enqueue_indirect_dma source(%dma_start3A_442 : memref<8192x1024xf32, #tpu.memory_space<hbm>>) target(%arg11 : memref<8x1024xf32, #tpu.memory_space<vmem>>) offsets(%dma_start3A_439 : memref<8xi32, #tpu.memory_space<vmem>>) semaphore(%arg23 : memref<!tpu.dma_semaphore, #tpu.memory_space<semaphore_mem>>)
        %mul3A_443 = arith.constant 8 : i32
        %mul3A_444 = arith.muli %add3A_436, %mul3A_443 : i32
        %add3A_445 = arith.addi %mul3A_2, %mul3A_444 : i32
        %dma_start3A_446 = arith.constant 0 : i32
        %dma_start3A_447 = tpu.memref_slice %arg2[%add3A_445, %dma_start3A_446] : memref<8192x1024xf32, #tpu.memory_space<hbm>> -> memref<8x1024xf32, #tpu.memory_space<hbm>>
        %dma_start3A_448 = arith.constant 0 : i32
        %dma_start3A_449 = tpu.memref_slice %arg2[%add3A_445, %dma_start3A_448] : memref<8192x1024xf32, #tpu.memory_space<hbm>> -> memref<8x1024xf32, #tpu.memory_space<hbm>>
        tpu.enqueue_dma source(%dma_start3A_449 : memref<8x1024xf32, #tpu.memory_space<hbm>>) target(%arg15 : memref<8x1024xf32, #tpu.memory_space<vmem>>) target_semaphore(%arg23 : memref<!tpu.dma_semaphore, #tpu.memory_space<semaphore_mem>>)
      } else {
      }
    }
    %scan3A_50 = arith.constant 8 : i32
    return
  }
}

</mosaic_0001>

<sc_bundles>
// kernel: _sc_call.3.cloned.1.call-start
scs
__scs_entry_jumppad:
0x0: {  	(pc) =	sbr.rel $0x88, $3  }
0x1: {  	(tag) =	ssettag $0x0;
	lr =	simm.s32 $0x1  }
0x2: {  	[smem:$0x3F9E] =	sst lr;
	_ =	strace $0xD0000000  }
0x3: {  	_ = 	snop  }
0x4: {  	_ = 	snop  }
0x5: {  	_ = 	snop  }
0x6: {  	_ = 	snop  }
0x7: {  	_ = 	snop  }
__scs_overlays_trampoline_lowered:
0x8: {  	[smem:$0x3FAD] =	sst s0  }
0x9: {  	[smem:$0x3FAE] =	sst s1  }
0xa: {  	[smem:$0x3FAF] =	sst s2  }
0xb: {  	[smem:$0x3FB0] =	sst s3  }
0xc: {  	[smem:$0x3FB1] =	sst s4  }
0xd: {  	[smem:$0x3FB2] =	sst s5  }
0xe: {  	[smem:$0x3FB3] =	sst s6  }
0xf: {  	[smem:$0x3FB4] =	sst s7  }
0x10: {  	[smem:$0x3FB5] =	sst s8  }
0x11: {  	[smem:$0x3FB6] =	sst s9;
	s0 =	simm.s32 @!p0 $0x0  }
0x12: {  	s1 =	sld [smem:$0x3F9C];
	s0 =	simm.s32 @p0 $0x1  }
0x13: {  	[smem:$0x3FB7] =	sst s0;
	s0 =	simm.s32 @!p1 $0x0  }
0x14: {  	s2 =	sld [smem:$0x3F9B];
	s0 =	simm.s32 @p1 $0x1  }
0x15: {  	[smem:$0x3FB8] =	sst s0;
	s0 =	simm.s32 @!p2 $0x0  }
0x16: {  	s3 =	sld [smem:$0x3FDB];
	s0 =	simm.s32 @p2 $0x1  }
0x17: {  	s4 =	simm.s32 $0x1BF5;
	[smem:$0x3FBA] =	sst s0  }
0x18: {  	s0 =	sld [smem:$0x3F9D];
	_ =	swait.ge [sflag:s4], $0x0  }
0x19: {  	s7 =	sld [smem:$0x3F9E]  }
0x1a: {  	s8 =	sadd.s32 $0xFFFFE003, lr  }
0x1b: {  	s9 =	sadd.s32 $0xFFFFFEF7, lr;
	s5 =	simm.s32 $0xFFFFFFFF;
	p2 =	slt.u32 s8, $0xFFFFF086  }
0x1c: {  	p1 =	slt.u32 s9, $0xF7A;
	s5 =	simm.s32 @!p2 $0x0  }
0x1d: {  	s5 =	simm.s32 @p1 $0x1;
	p0 =	seq.s32 s7, s2  }
0x1e: {  	s7 =	smul.u32 @!p0 $0xF7A, s2;
	p2 =	seq.s32 @!p0 s5, $0x0  }
0x1f: {  	s9 =	smul.u32 $0xF7A, s1;
	s8 =	simm.s32 @!p0 $0x1BF5;
	p2 =	por !p2, p0  }
0x20: {  	[sflag:s8] =	ssyncset.s32 @!p0 $0xFFFFF086;
	s6 =	sadd.s32 @!p0 s3, s7;
	s7 =	simm.s32 @!p0 $0x108  }
0x21: {  	s3 =	sadd.s32 s3, s9;
	s6 =	sadd.s32 @!p0 $0x88, s6;
	s7 =	simm.s32 @p2 $0x1082  }
0x22: {  	[simem:s7], [sflag:s8] =	dma.local @!p0 [hbm:s6], $0xF7A  }
0x23: {  	s9 =	sor.u32 $0xD0000000, s2;
	s6 =	simm.s32 $0x108;
	_ =	swait.ge @!p0 [sflag:s8], $0x0  }
0x24: {  	s3 =	sadd.s32 $0x88, s3;
	s6 =	simm.s32 @!p1 $0x1082;
	[sflag:s4] =	ssyncset.s32 $0xFFFFF086  }
0x25: {  	[simem:s6], [sflag:s4] =	dma.local [hbm:s3], $0xF7A  }
0x26: {  	[smem:$0x3F9E] =	sst s1;
	(tag) =	ssettag s2;
	_ =	strace s9  }
0x27: {  	s1 =	sld [smem:$0x3FAE]  }
0x28: {  	s2 =	sld [smem:$0x3FAF]  }
0x29: {  	s4 =	sld [smem:$0x3FB1]  }
0x2a: {  	p0 =	seq.s32 s5, $0x0;
	s5 =	sld [smem:$0x3FB2]  }
0x2b: {  	s6 =	sld [smem:$0x3FB3]  }
0x2c: {  	s7 =	sld [smem:$0x3FB4]  }
0x2d: {  	s3 =	simm.s32 $0x108;
	s8 =	sld [smem:$0x3FB5]  }
0x2e: {  	s3 =	simm.s32 @!p0 $0x1082;
	s9 =	sld [smem:$0x3FB6]  }
0x2f: {  	lr =	sadd.s32 s0, s3;
	s0 =	sld [smem:$0x3FAD]  }
0x30: {  	s3 =	sld [smem:$0x3FB0]  }
0x31: {  	[smem:$0x3FB9] =	sst s10  }
0x32: {  	s10 =	sld [smem:$0x3FB7];
	_ =	sdelay $0x3  }
0x33: {  	p0 =	seq.s32 s10, $0x1;
	s10 =	sld [smem:$0x3FB9];
	_ =	sdelay $0x3  }
0x34: {  	[smem:$0x3FB9] =	sst s10  }
0x35: {  	s10 =	sld [smem:$0x3FB8];
	_ =	sdelay $0x3  }
0x36: {  	p1 =	seq.s32 s10, $0x1;
	s10 =	sld [smem:$0x3FB9];
	_ =	sdelay $0x3  }
0x37: {  	[smem:$0x3FB9] =	sst s10  }
0x38: {  	s10 =	sld [smem:$0x3FBA]  }
0x39: {  	_ = 	snop;
	(pc) =	sbr.ind lr, $3  }
0x3a: {  	_ = 	snop  }
0x3b: {  	_ = 	snop  }
0x3c: {  	p2 =	seq.s32 s10, $0x1;
	s10 =	sld [smem:$0x3FB9]  }
0x3d: {  	_ =	shalt  }
0x3e: {  	_ =	shalt  }
0x3f: {  	_ =	shalt  }
0x40: {  	_ =	shalt  }
0x41: {  	_ =	shalt  }
0x42: {  	_ =	shalt  }
0x43: {  	_ =	shalt  }
0x44: {  	_ =	shalt  }
0x45: {  	_ =	shalt  }
0x46: {  	_ =	shalt  }
0x47: {  	_ =	shalt  }
0x48: {  	_ =	shalt  }
0x49: {  	_ =	shalt  }
0x4a: {  	_ =	shalt  }
0x4b: {  	_ =	shalt  }
0x4c: {  	_ =	shalt  }
0x4d: {  	_ =	shalt  }
0x4e: {  	_ =	shalt  }
0x4f: {  	_ =	shalt  }
0x50: {  	_ =	shalt  }
0x51: {  	_ =	shalt  }
0x52: {  	_ =	shalt  }
0x53: {  	_ =	shalt  }
0x54: {  	_ =	shalt  }
0x55: {  	_ =	shalt  }
0x56: {  	_ =	shalt  }
0x57: {  	_ =	shalt  }
0x58: {  	_ =	shalt  }
0x59: {  	_ =	shalt  }
0x5a: {  	_ =	shalt  }
0x5b: {  	_ =	shalt  }
0x5c: {  	_ =	shalt  }
0x5d: {  	_ =	shalt  }
0x5e: {  	_ =	shalt  }
0x5f: {  	_ =	shalt  }
0x60: {  	_ =	shalt  }
0x61: {  	_ =	shalt  }
0x62: {  	_ =	shalt  }
0x63: {  	_ =	shalt  }
0x64: {  	_ =	shalt  }
0x65: {  	_ =	shalt  }
0x66: {  	_ =	shalt  }
0x67: {  	_ =	shalt  }
0x68: {  	_ =	shalt  }
0x69: {  	_ =	shalt  }
0x6a: {  	_ =	shalt  }
0x6b: {  	_ =	shalt  }
0x6c: {  	_ =	shalt  }
0x6d: {  	_ =	shalt  }
0x6e: {  	_ =	shalt  }
0x6f: {  	_ =	shalt  }
0x70: {  	_ =	shalt  }
0x71: {  	_ =	shalt  }
0x72: {  	_ =	shalt  }
0x73: {  	_ =	shalt  }
0x74: {  	_ =	shalt  }
0x75: {  	_ =	shalt  }
0x76: {  	_ =	shalt  }
0x77: {  	_ =	shalt  }
0x78: {  	_ =	shalt  }
0x79: {  	_ =	shalt  }
0x7a: {  	_ =	shalt  }
0x7b: {  	_ =	shalt  }
0x7c: {  	_ =	shalt  }
0x7d: {  	_ =	shalt  }
0x7e: {  	_ =	shalt  }
0x7f: {  	_ =	shalt  }
0x80: {  	_ =	shalt  }
0x81: {  	_ =	shalt  }
0x82: {  	_ =	shalt  }
0x83: {  	_ =	shalt  }
0x84: {  	_ =	shalt  }
0x85: {  	_ =	shalt  }
0x86: {  	_ =	shalt  }
0x87: {  	_ =	shalt  }
.Lfunc_end0:
.L_simem_size_0:
called_computation_lowered:
.L_overlay_start_0:
0x88: {  	s2 =	sld [smem:$0x3FD9]  }
0x89: {  	s3 =	sld [smem:$0x3FFE];
	_ =	sdelay $0x1  }
0x8a: {  	s1 =	srdreg.scid  }
0x8b: {  	s0 =	sand.u32 $0x1, s1  }
0x8c: {  	s15 =	sshll.u32 s0, $0xA;
	s2 =	sadd.s32 s3, s2  }
0x8d: {  	s2 =	sadd.s32 s2, s15  }
0x8e: {  	[smem:$0x3FC5] =	sst s2  }
0x8f: {  	_ = 	snop  }
0x90: {  	s2 =	sld [smem:$0x3FD0]  }
0x91: {  	s16 =	sld [smem:$0x3FC9]  }
0x92: {  	s4 =	sld [smem:$0x3FC8]  }
0x93: {  	s6 =	simm.s32 $0xA;
	s7 =	simm.s32 $0x10;
	s5 =	sld [smem:$0x3FC7]  }
0x94: {  	[smem:s7], [sflag:s6] =	dma.local [hbm:s2], $0x1  }
0x95: {  	_ =	swait.eq [sflag:s6], $0x1  }
0x96: {  	[sflag:s6] =	ssyncset.done $0x0  }
0x97: {  	s17 =	sld [smem:$0x10];
	[sflag:s6] =	ssyncadd.s32 $0xFFFFFFFF  }
0x98: {  	s18 =	sld [smem:$0x11];
	(tm) =	ssettm $0x1  }
0x99: {  	s19 =	sld [smem:$0x3FFB];
	_ =	sdelay $0x3  }
0x9a: {  	_ =	strace s19  }
0x9b: {  	s7 =	sld [smem:$0x3FFC];
	_ =	sdelay $0x3  }
0x9c: {  	_ =	strace s7  }
0x9d: {  	s7 =	sld [smem:$0x3FFD];
	_ =	sdelay $0x3  }
0x9e: {  	_ =	strace s7  }
0x9f: {  	_ =	strace $0x8FFFFFFF  }
0xa0: {  	s20 =	sld [smem:$0x3FDB];
	_ =	sdelay $0x1  }
0xa1: {  	s8 =	simm.s32 $_scs_section_size  }
0xa2: {  	s9 =	simm.s32 $_size__tile_overlayer_lowered;
	s10 =	simm.s32 $_tile_overlayer_lowered  }
0xa3: {  	s23 =	simm.s32 $0x1BFF;
	s22 =	sshll.u32 s10, $0x1;
	s7 =	sadd.s32 s8, s20  }
0xa4: {  	s11 =	simm.s32 $0x0;
	s21 =	sshll.u32 s9, $0x1;
	s9 =	sadd.s32 s22, s7  }
0xa5: {  	[timem:s11], [sflag:s23] =	dma.local [hbm:s9], s21  }
0xa6: {  	_ =	swait.ge [sflag:s23], s21  }
0xa7: {  	s8 =	ssub.s32 $0x0, s21;
	[sflag:s23] =	ssyncset.done $0x0  }
0xa8: {  	[sflag:s23] =	ssyncadd.s32 s8;
	_ =	sdelay $0x1  }
0xa9: {  	s24 =	simm.s32 $0x1B8B  }
0xaa: {  	_ =	swait.ge [sflag:s24], $0x1  }
0xab: {  	[sflag:s24] =	ssyncset.done $0x0  }
0xac: {  	s25 =	simm.s32 $0x1B8E;
	[sflag:s24] =	ssyncadd.s32 $0xFFFFFFFF  }
0xad: {  	s26 =	simm.s32 $execute0_lowered;
	[smem:$0x3FD2] =	sst s25  }
0xae: {  	s8 =	sshll.u32 s26, $0x1;
	_ =	strace $0x80000046;
	[dreg:$0x1] =	wrdreg $0xFFFFFFFF  }
0xaf: {  	s28 =	simm.s32 $_size_execute0_lowered;
	s7 =	sadd.s32 s7, s8;
	[dreg:$0x0] =	wrdreg $0x0  }
0xb0: {  	s8 =	sshll.u32 s28, $0x1;
	[dreg:$0x2] =	wrdreg s7  }
0xb1: {  	[dreg:$0x3] =	wrdreg s8  }
0xb2: {  	[dreg:$0x4] =	wrdreg $0xC0  }
0xb3: {  	_ =	task [dreg:s11], $0x5FFFF  }
0xb4: {  	[dreg:$0x1] =	wrdreg $0xFFFFFFFF  }
0xb5: {  	[dreg:$0x0] =	wrdreg $0x60  }
0xb6: {  	[dreg:$0x2] =	wrdreg s16  }
0xb7: {  	[dreg:$0x3] =	wrdreg s4  }
0xb8: {  	[dreg:$0x4] =	wrdreg s5  }
0xb9: {  	[dreg:$0x5] =	wrdreg s17  }
0xba: {  	[dreg:$0x6] =	wrdreg s18  }
0xbb: {  	[dreg:$0x7] =	wrdreg $0x9  }
0xbc: {  	_ =	task.clear_ibuf [dreg:s11], $0x8FFFF;
	_ =	strace $0x90000046  }
0xbd: {  	s29 =	simm.s32 $0x9;
	_ =	strace $0x80000048  }
0xbe: {  	_ =	swait.ge [sflag:s29], $0x1  }
0xbf: {  	[sflag:s29] =	ssyncadd.s32 $0xFFFFFFFF  }
0xc0: {  	_ =	strace $0x90000048  }
0xc1: {  	_ =	sfence  }
0xc2: {  	s30 =	sld [smem:$0x0];
	_ =	sdelay $0x2  }
0xc3: {  	s31 =	sshll.u32 s1, $0xD;
	s1 =	sshrl.u32 s1, $0x2  }
0xc4: {  	s3 =	sand.u32 $0x4000, s31;
	s1 =	sadd.s32 s1, s30  }
0xc5: {  	s0 =	sor.u32 s3, s0;
	s1 =	sshll.u32 s1, $0x11  }
0xc6: {  	s0 =	sor.u32 s1, s0  }
0xc7: {  	s0 =	sadd.s32 $0x8F2B, s0  }
0xc8: {  	[sflag:s0] =	ssyncadd.remote.s32 $0x1  }
0xc9: {  	_ =	sfence.sel $0xFFFF  }
0xca: {  	[dreg:$0x0] =	wrdreg $0xFFFFFFFF;
	(pc) =	sbr.abs _section_cstart, $3  }
0xcb: {  	[dreg:$0x1] =	wrdreg $0xFFFFFFFF  }
0xcc: {  	_ =	task.clear_ibuf [dreg:s11], $0x2FFFF;
	_ =	strace $0x9FFFFFFF  }
0xcd: {  	(tm) =	ssettm $0x7FFFFFFF  }
tec
execute0_lowered:
.L_overlay_start_1:
0x0: {  	(tag) =	ssettag $0x1  }
0x1: {  	s1 =	rddreg [dreg:$0x0]  }
0x2: {  	s0 =	rddreg [dreg:$0x1]  }
0x3: {  	s2 =	rddreg [dreg:$0x2]  }
0x4: {  	s3 =	rddreg [dreg:$0x3]  }
0x5: {  	s5 =	rddreg [dreg:$0x4]  }
0x6: {  	s4 =	srdreg.scid;
	s6 =	simm.s32 $0x0;
	s7 =	stileid.u32  }
0x7: {  	s30 =	simm.s32 $0x4100;
	s28 =	simm.s32 $0x1;
	s29 =	simm.s32 $0x5  }
0x8: {  	s31 =	simm.s32 $0x2;
	s20 =	simm.s32 $0x6;
	s12 =	simm.s32 $0x7  }
0x9: {  	s18 =	simm.s32 $0x4;
	s13 =	simm.s32 $0x8;
	s4 =	sand.u32 $0x1, s4  }
0xa: {  	s7 =	sshll.u32 s7, $0x8;
	s8 =	ssub.s32 $0x2, s4;
	s4 =	sshll.u32 s4, $0xC  }
0xb: {  	[smem:$0x7FF] =	sst s6;
	s10 =	sadd.s32 $0x200, s2;
	s7 =	sor.u32 s7, s4  }
0xc: {  	s11 =	sadd.s32 $0x300, s2;
	s9 =	sshrl.u32 s8, $0x1;
	s22 =	sshrl.u32 s7, $0x3  }
0xd: {  	_ =	strace $0x80000047;
	s21 =	ssub.s32 s8, s9;
	s0 =	sadd.s32 s0, s22  }
0xe: {  	s23 =	sshll.u32 s7, $0x7;
	s26 =	smax.u32 s21, $0x1;
	[dreg:$0x6] =	wrdreg s0  }
.Ltmp0:
0xf: {  	s0 =	sadd.s32 s1, s23;
	[dreg:$0xb] =	wrdreg s26;
	(pc) =	sbr.rel .LBB2_1-.Ltmp0, $4  }
0x10: {  	s16 =	sadd.s32 $0x40, s3;
	s24 =	sadd.s32 $0x400, s0;
	[dreg:$0x7] =	wrdreg s0  }
0x11: {  	v0 =	vlaneseq.u32;
	s4 =	simm.s32 $0x0;
	s25 =	sadd.s32 $0x800, s0;
	[dreg:$0x8] =	wrdreg s24  }
0x12: {  	v1 =	vshrl.u32 v0, $0x3;
	s9 =	sadd.s32 $0x100, s2;
	s0 =	sadd.s32 $0xC00, s0;
	[dreg:$0x9] =	wrdreg s25  }
0x13: {  	vm0 =	vmmov $0xffff;
	v0 =	vand.u32 $0x7, v0;
	v1 =	vmul.u32 $0x8, v1;
	s8 =	simm.s32 $0x3;
	s21 =	simm.s32 $0x6100;
	[dreg:$0xa] =	wrdreg s0  }
.LBB2_68:
0x14: {  	s4 =	rddreg [dreg:$0xc]  }
0x15: {  	s0 =	rddreg [dreg:$0xb];
	s4 =	sadd.s32 $0x1, s4  }
0x16: {  	p0 =	sne.s32 s4, s0  }
.Ltmp1:
0x17: {  	_ = 	snop;
	(pc) =	sbr.rel @!p0 .LBB2_69-.Ltmp1, $1  }
0x18: {  	_ =	sdelay $0x3  }
.LBB2_1:
0x19: {  	[dreg:$0xc] =	wrdreg s4  }
0x1a: {  	s0 =	rddreg [dreg:$0x6];
	s24 =	simm.s32 $0x9  }
0x1b: {  	[tilespmem:s6], [sflag:$0x9] =	stream.linear.gather [hbm4b:s0+s6], $0x100, $0x38;
	[tilespmem:$0x18100] =	vst v63  }
0x1c: {  	_ =	swait.ge [sflag:s24], $0x100  }
0x1d: {  	[sflag:s24] =	ssyncset.done $0x0  }
0x1e: {  	[sflag:s24] =	ssyncadd.s32 $0xFFFFFF00  }
0x1f: {  	v2 =	vld.msk [tilespmem:$0x0], $0xff;
	_ =	sdelay $0x4  }
0x20: {  	v3 =	vshll.u32 v2, $0x3  }
0x21: {  	v2 =	vand.u32 $0x7, v2;
	v3 =	vand.u32 $0xFFFFFFC0, v3  }
0x22: {  	v2 =	vor.u32 v2, v3  }
0x23: {  	v2 =	vperm.xlane v2, v0;
	_ =	sdelay $0x1  }
0x24: {  	v2 =	vadd.s32 v1, v2;
	_ =	sdelay $0x3  }
0x25: {  	s25 =	simm.s32 $0x100  }
0x26: {  	[tilespmem:s25], [sflag:$0x1] =	stream.indirect_vreg.gather [hbm4b:s2+s6], $0x80, v2, vm0, $0xb8;
	[tilespmem:$0x18100] =	vst v63  }
0x27: {  	s26 =	simm.s32 $0x900  }
0x28: {  	[tilespmem:s26], [sflag:$0x1] =	stream.indirect_vreg.gather [hbm4b:s9+s6], $0x80, v2, vm0, $0xb8;
	[tilespmem:$0x18100] =	vst v63  }
0x29: {  	s4 =	simm.s32 $0x1100  }
0x2a: {  	[tilespmem:s4], [sflag:$0x1] =	stream.indirect_vreg.gather [hbm4b:s10+s6], $0x80, v2, vm0, $0xb8;
	[tilespmem:$0x18100] =	vst v63  }
0x2b: {  	s14 =	simm.s32 $0x1900  }
0x2c: {  	[tilespmem:s14], [sflag:$0x1] =	stream.indirect_vreg.gather [hbm4b:s11+s6], $0x80, v2, vm0, $0xb8;
	[tilespmem:$0x18100] =	vst v63  }
0x2d: {  	s17 =	simm.s32 $0x8100;
	s15 =	rddreg [dreg:$0x7]  }
0x2e: {  	[tilespmem:s17], [sflag:$0x1] =	stream.linear.gather [hbm4b:s15+s6], $0x2000, $0x38;
	[tilespmem:$0x18100] =	vst v63  }
0x2f: {  	v2 =	vld.msk [tilespmem:$0x8], $0xff;
	_ =	sdelay $0x4  }
0x30: {  	v3 =	vshll.u32 v2, $0x3  }
0x31: {  	v2 =	vand.u32 $0x7, v2;
	v3 =	vand.u32 $0xFFFFFFC0, v3  }
0x32: {  	v2 =	vor.u32 v2, v3  }
0x33: {  	v2 =	vperm.xlane v2, v0;
	_ =	sdelay $0x1  }
0x34: {  	v2 =	vadd.s32 v1, v2;
	_ =	sdelay $0x3  }
0x35: {  	s19 =	simm.s32 $0x2100  }
0x36: {  	[tilespmem:s19], [sflag:$0x2] =	stream.indirect_vreg.gather [hbm4b:s2+s6], $0x80, v2, vm0, $0xb8;
	[tilespmem:$0x18100] =	vst v63  }
0x37: {  	s22 =	simm.s32 $0x2900  }
0x38: {  	[tilespmem:s22], [sflag:$0x2] =	stream.indirect_vreg.gather [hbm4b:s9+s6], $0x80, v2, vm0, $0xb8;
	[tilespmem:$0x18100] =	vst v63  }
0x39: {  	s23 =	simm.s32 $0x3100  }
0x3a: {  	[tilespmem:s23], [sflag:$0x2] =	stream.indirect_vreg.gather [hbm4b:s10+s6], $0x80, v2, vm0, $0xb8;
	[tilespmem:$0x18100] =	vst v63  }
0x3b: {  	s24 =	simm.s32 $0x3900  }
0x3c: {  	[tilespmem:s24], [sflag:$0x2] =	stream.indirect_vreg.gather [hbm4b:s11+s6], $0x80, v2, vm0, $0xb8;
	[tilespmem:$0x18100] =	vst v63  }
0x3d: {  	s25 =	rddreg [dreg:$0x8];
	s26 =	simm.s32 $0xA100  }
0x3e: {  	[tilespmem:s26], [sflag:$0x2] =	stream.linear.gather [hbm4b:s25+s6], $0x2000, $0x38;
	[tilespmem:$0x18100] =	vst v63  }
0x3f: {  	v2 =	vld.msk [tilespmem:$0x10], $0xff;
	_ =	sdelay $0x4  }
0x40: {  	v3 =	vshll.u32 v2, $0x3  }
0x41: {  	v2 =	vand.u32 $0x7, v2;
	v3 =	vand.u32 $0xFFFFFFC0, v3  }
0x42: {  	v2 =	vor.u32 v2, v3  }
0x43: {  	v2 =	vperm.xlane v2, v0;
	_ =	sdelay $0x1  }
0x44: {  	v2 =	vadd.s32 v1, v2;
	_ =	sdelay $0x4  }
0x45: {  	[tilespmem:s30], [sflag:$0x3] =	stream.indirect_vreg.gather [hbm4b:s2+s6], $0x80, v2, vm0, $0xb8;
	[tilespmem:$0x18100] =	vst v63  }
0x46: {  	s4 =	simm.s32 $0x4900  }
0x47: {  	[tilespmem:s4], [sflag:$0x3] =	stream.indirect_vreg.gather [hbm4b:s9+s6], $0x80, v2, vm0, $0xb8;
	[tilespmem:$0x18100] =	vst v63  }
0x48: {  	s14 =	simm.s32 $0x5100  }
0x49: {  	[tilespmem:s14], [sflag:$0x3] =	stream.indirect_vreg.gather [hbm4b:s10+s6], $0x80, v2, vm0, $0xb8;
	[tilespmem:$0x18100] =	vst v63  }
0x4a: {  	s15 =	simm.s32 $0x5900  }
0x4b: {  	[tilespmem:s15], [sflag:$0x3] =	stream.indirect_vreg.gather [hbm4b:s11+s6], $0x80, v2, vm0, $0xb8;
	[tilespmem:$0x18100] =	vst v63  }
0x4c: {  	s17 =	rddreg [dreg:$0x9];
	s19 =	simm.s32 $0xC100  }
0x4d: {  	[tilespmem:s19], [sflag:$0x3] =	stream.linear.gather [hbm4b:s17+s6], $0x2000, $0x38;
	[tilespmem:$0x18100] =	vst v63  }
0x4e: {  	v2 =	vld.msk [tilespmem:$0x18], $0xff;
	_ =	sdelay $0x4  }
0x4f: {  	v3 =	vshll.u32 v2, $0x3  }
0x50: {  	v2 =	vand.u32 $0x7, v2;
	v3 =	vand.u32 $0xFFFFFFC0, v3  }
0x51: {  	v2 =	vor.u32 v2, v3  }
0x52: {  	v2 =	vperm.xlane v2, v0;
	_ =	sdelay $0x1  }
0x53: {  	v2 =	vadd.s32 v1, v2;
	_ =	sdelay $0x4  }
0x54: {  	[tilespmem:s21], [sflag:$0x4] =	stream.indirect_vreg.gather [hbm4b:s2+s6], $0x80, v2, vm0, $0xb8;
	[tilespmem:$0x18100] =	vst v63  }
0x55: {  	s22 =	simm.s32 $0x6900  }
0x56: {  	[tilespmem:s22], [sflag:$0x4] =	stream.indirect_vreg.gather [hbm4b:s9+s6], $0x80, v2, vm0, $0xb8;
	[tilespmem:$0x18100] =	vst v63  }
0x57: {  	s23 =	simm.s32 $0x7100  }
0x58: {  	[tilespmem:s23], [sflag:$0x4] =	stream.indirect_vreg.gather [hbm4b:s10+s6], $0x80, v2, vm0, $0xb8;
	[tilespmem:$0x18100] =	vst v63  }
0x59: {  	s24 =	simm.s32 $0x7900  }
0x5a: {  	[tilespmem:s24], [sflag:$0x4] =	stream.indirect_vreg.gather [hbm4b:s11+s6], $0x80, v2, vm0, $0xb8;
	[tilespmem:$0x18100] =	vst v63  }
0x5b: {  	s25 =	rddreg [dreg:$0xa];
	s26 =	simm.s32 $0xE100;
	s14 =	simm.s32 $0x0  }
0x5c: {  	[tilespmem:s26], [sflag:$0x4] =	stream.linear.gather [hbm4b:s25+s6], $0x2000, $0x38;
	[tilespmem:$0x18100] =	vst v63  }
.LBB2_2:
0x5d: {  	_ =	swait.ge [sflag:s28], $0x2000  }
0x5e: {  	[sflag:s28] =	ssyncset.done $0x0  }
0x5f: {  	s15 =	sshll.u32 s14, $0x5;
	[sflag:s28] =	ssyncadd.s32 $0xFFFFE000  }
0x60: {  	s0 =	sor.u32 s7, s15;
	_ =	swait.ge [sflag:s28], $0x2000  }
0x61: {  	s4 =	simm.s32 $0x100;
	s17 =	sshll.u32 s0, $0x7;
	[sflag:s28] =	ssyncset.done $0x0  }
0x62: {  	s26 =	simm.s32 $0x8140;
	s0 =	sadd.s32 s5, s17;
	[sflag:s28] =	ssyncadd.s32 $0xFFFFE000  }
0x63: {  	[hbm4b:s0+s6] =	stream.linear.scatter [tilespmem:s4], [sflag:$0x5], $0x2000, $0x38;
	[tilespmem:$0x18100] =	vst v63  }
0x64: {  	v2 =	vld [tilespmem:s26+$0x30]  }
0x65: {  	s0 =	simm.s32 $0x140;
	v3 =	vld [tilespmem:s26+$0xFFFFFFD0]  }
0x66: {  	v4 =	vld [tilespmem:s0+$0x30]  }
0x67: {  	v5 =	vld [tilespmem:s26+$0xFFFFFFE0]  }
0x68: {  	v6 =	vld [tilespmem:s26+$0xFFFFFFF0]  }
0x69: {  	v10 =	vld [tilespmem:s26+$0x0]  }
0x6a: {  	v11 =	vld [tilespmem:s26+$0x10]  }
0x6b: {  	v12 =	vld [tilespmem:s26+$0x20]  }
0x6c: {  	v9 =	vld [tilespmem:s26+$0xFFFFFFC0]  }
0x6d: {  	v13 =	vld [tilespmem:s0+$0xFFFFFFC0]  }
0x6e: {  	v14 =	vld [tilespmem:s0+$0xFFFFFFD0]  }
0x6f: {  	v8 =	vld [tilespmem:s0+$0xFFFFFFE0];
	v15 =	vmul.f32 $3.200000000e+01, v2  }
0x70: {  	v7 =	vld [tilespmem:s0+$0xFFFFFFF0];
	v16 =	vmul.f32 $3.200000000e+01, v3;
	v2 =	vmul.f32 $3.200000000e+01, v5  }
0x71: {  	v3 =	vmul.f32 $3.200000000e+01, v6;
	v17 =	vmul.f32 $3.200000000e+01, v9;
	v9 =	vld [tilespmem:s0+$0x0];
	v15 =	vadd.f32 v4, v15  }
0x72: {  	s23 =	simm.s32 $0x10140;
	s22 =	simm.s32 $0x101F0;
	s25 =	simm.s32 $0x1F0;
	v5 =	vmul.f32 $3.200000000e+01, v10;
	v10 =	vld [tilespmem:s0+$0x10];
	v6 =	vmul.f32 $3.200000000e+01, v12  }
0x73: {  	s19 =	simm.s32 $0x8540;
	s4 =	simm.s32 $0x81F0;
	s26 =	simm.s32 $0x0;
	v4 =	vmul.f32 $3.200000000e+01, v11;
	v13 =	vadd.f32 v13, v17;
	v12 =	vadd.f32 v14, v16;
	v11 =	vld [tilespmem:s0+$0x20];
	[tilespmem:s23+$0x30] =	vst v15  }
.LBB2_3:
0x74: {  	v14 =	vld [tilespmem:s19+$0x30];
	s26 =	sadd.s32 $0x8, s26;
	v2 =	vadd.f32 v8, v2  }
0x75: {  	s0 =	sadd.s32 $0x400, s0;
	v8 =	vld [tilespmem:s19+$0xFFFFFFD0];
	p0 =	slt.u32 s26, $0x38;
	[tilespmem:s23+$0xFFFFFFC0] =	vst v13;
	v3 =	vadd.f32 v7, v3  }
0x76: {  	v7 =	vld [tilespmem:s0+$0x30];
	[tilespmem:s23+$0xFFFFFFD0] =	vst v12;
	v5 =	vadd.f32 v9, v5  }
0x77: {  	v9 =	vld [tilespmem:s19+$0xFFFFFFE0];
	[tilespmem:s23+$0xFFFFFFE0] =	vst v2;
	v2 =	vadd.f32 v10, v4  }
0x78: {  	v4 =	vld [tilespmem:s19+$0xFFFFFFF0];
	[tilespmem:s23+$0xFFFFFFF0] =	vst v3;
	v3 =	vadd.f32 v11, v6  }
0x79: {  	v6 =	vld [tilespmem:s19+$0x0];
	v10 =	vmul.f32 $3.200000000e+01, v14;
	[tilespmem:s23+$0x0] =	vst v5  }
0x7a: {  	v11 =	vmul.f32 $3.200000000e+01, v8;
	v12 =	vld [tilespmem:s19+$0x10];
	[tilespmem:s23+$0x10] =	vst v2  }
0x7b: {  	v13 =	vld [tilespmem:s19+$0x20];
	v5 =	vadd.f32 v7, v10;
	[tilespmem:s23+$0x20] =	vst v3  }
0x7c: {  	s23 =	sadd.s32 $0x400, s23;
	v10 =	vld [tilespmem:s19+$0xFFFFFFC0];
	v2 =	vmul.f32 $3.200000000e+01, v9  }
0x7d: {  	v14 =	vld [tilespmem:s0+$0xFFFFFFC0];
	v3 =	vmul.f32 $3.200000000e+01, v4;
	[tilespmem:s23+$0x30] =	vst v5  }
0x7e: {  	v15 =	vld [tilespmem:s0+$0xFFFFFFD0];
	v5 =	vmul.f32 $3.200000000e+01, v6  }
.Ltmp2:
0x7f: {  	v8 =	vld [tilespmem:s0+$0xFFFFFFE0];
	v4 =	vmul.f32 $3.200000000e+01, v12;
	(pc) =	sbr.rel @p0 .LBB2_3-.Ltmp2, $4  }
0x80: {  	v7 =	vld [tilespmem:s0+$0xFFFFFFF0];
	v6 =	vmul.f32 $3.200000000e+01, v13  }
0x81: {  	v12 =	vmul.f32 $3.200000000e+01, v10;
	v9 =	vld [tilespmem:s0+$0x0]  }
0x82: {  	v10 =	vld [tilespmem:s0+$0x10]  }
0x83: {  	s19 =	sadd.s32 $0x400, s19;
	v13 =	vadd.f32 v14, v12;
	v12 =	vadd.f32 v15, v11;
	v11 =	vld [tilespmem:s0+$0x20]  }
0x84: {  	_ = 	snop  }
0x85: {  	v2 =	vadd.f32 v8, v2;
	[tilespmem:s23+$0xFFFFFFC0] =	vst v13  }
0x86: {  	v3 =	vadd.f32 v7, v3;
	[tilespmem:s23+$0xFFFFFFD0] =	vst v12  }
0x87: {  	v5 =	vadd.f32 v9, v5;
	[tilespmem:s23+$0xFFFFFFE0] =	vst v2  }
0x88: {  	v2 =	vadd.f32 v10, v4;
	[tilespmem:s23+$0xFFFFFFF0] =	vst v3  }
0x89: {  	v3 =	vadd.f32 v11, v6;
	[tilespmem:s23+$0x0] =	vst v5  }
0x8a: {  	[tilespmem:s23+$0x10] =	vst v2  }
0x8b: {  	[tilespmem:s23+$0x20] =	vst v3  }
0x8c: {  	v2 =	vld [tilespmem:s4+$0x0]  }
0x8d: {  	v3 =	vld [tilespmem:s4+$0xFFFFFFA0]  }
0x8e: {  	v4 =	vld [tilespmem:s25+$0x0]  }
0x8f: {  	v5 =	vld [tilespmem:s4+$0xFFFFFFB0]  }
0x90: {  	v6 =	vld [tilespmem:s4+$0xFFFFFFC0]  }
0x91: {  	v10 =	vld [tilespmem:s4+$0xFFFFFFD0]  }
0x92: {  	v11 =	vld [tilespmem:s4+$0xFFFFFFE0]  }
0x93: {  	v12 =	vld [tilespmem:s4+$0xFFFFFFF0]  }
0x94: {  	v9 =	vld [tilespmem:s4+$0xFFFFFF90]  }
0x95: {  	v13 =	vld [tilespmem:s25+$0xFFFFFF90]  }
0x96: {  	v14 =	vld [tilespmem:s25+$0xFFFFFFA0]  }
0x97: {  	v8 =	vld [tilespmem:s25+$0xFFFFFFB0];
	v15 =	vmul.f32 $3.200000000e+01, v2  }
0x98: {  	v7 =	vld [tilespmem:s25+$0xFFFFFFC0];
	v16 =	vmul.f32 $3.200000000e+01, v3;
	v2 =	vmul.f32 $3.200000000e+01, v5  }
0x99: {  	v3 =	vmul.f32 $3.200000000e+01, v6;
	v17 =	vmul.f32 $3.200000000e+01, v9;
	v9 =	vld [tilespmem:s25+$0xFFFFFFD0];
	v15 =	vadd.f32 v4, v15  }
0x9a: {  	s0 =	simm.s32 $0x8270;
	s26 =	simm.s32 $0x270;
	v5 =	vmul.f32 $3.200000000e+01, v10;
	v10 =	vld [tilespmem:s25+$0xFFFFFFE0];
	v6 =	vmul.f32 $3.200000000e+01, v12  }
0x9b: {  	s19 =	simm.s32 $0x85F0;
	s23 =	simm.s32 $0x10270;
	s4 =	simm.s32 $0x0;
	v4 =	vmul.f32 $3.200000000e+01, v11;
	v13 =	vadd.f32 v13, v17;
	v12 =	vadd.f32 v14, v16;
	v11 =	vld [tilespmem:s25+$0xFFFFFFF0];
	[tilespmem:s22+$0x0] =	vst v15  }
.LBB2_5:
0x9c: {  	v14 =	vld [tilespmem:s19+$0x0];
	s4 =	sadd.s32 $0x8, s4;
	v2 =	vadd.f32 v8, v2  }
0x9d: {  	s25 =	sadd.s32 $0x400, s25;
	v8 =	vld [tilespmem:s19+$0xFFFFFFA0];
	p0 =	slt.u32 s4, $0x38;
	[tilespmem:s22+$0xFFFFFF90] =	vst v13;
	v3 =	vadd.f32 v7, v3  }
0x9e: {  	v7 =	vld [tilespmem:s25+$0x0];
	[tilespmem:s22+$0xFFFFFFA0] =	vst v12;
	v5 =	vadd.f32 v9, v5  }
0x9f: {  	v9 =	vld [tilespmem:s19+$0xFFFFFFB0];
	[tilespmem:s22+$0xFFFFFFB0] =	vst v2;
	v2 =	vadd.f32 v10, v4  }
0xa0: {  	v4 =	vld [tilespmem:s19+$0xFFFFFFC0];
	[tilespmem:s22+$0xFFFFFFC0] =	vst v3;
	v3 =	vadd.f32 v11, v6  }
0xa1: {  	v6 =	vld [tilespmem:s19+$0xFFFFFFD0];
	v10 =	vmul.f32 $3.200000000e+01, v14;
	[tilespmem:s22+$0xFFFFFFD0] =	vst v5  }
0xa2: {  	v11 =	vmul.f32 $3.200000000e+01, v8;
	v12 =	vld [tilespmem:s19+$0xFFFFFFE0];
	[tilespmem:s22+$0xFFFFFFE0] =	vst v2  }
0xa3: {  	v13 =	vld [tilespmem:s19+$0xFFFFFFF0];
	v5 =	vadd.f32 v7, v10;
	[tilespmem:s22+$0xFFFFFFF0] =	vst v3  }
0xa4: {  	s22 =	sadd.s32 $0x400, s22;
	v10 =	vld [tilespmem:s19+$0xFFFFFF90];
	v2 =	vmul.f32 $3.200000000e+01, v9  }
0xa5: {  	v14 =	vld [tilespmem:s25+$0xFFFFFF90];
	v3 =	vmul.f32 $3.200000000e+01, v4;
	[tilespmem:s22+$0x0] =	vst v5  }
0xa6: {  	v15 =	vld [tilespmem:s25+$0xFFFFFFA0];
	v5 =	vmul.f32 $3.200000000e+01, v6  }
.Ltmp3:
0xa7: {  	v8 =	vld [tilespmem:s25+$0xFFFFFFB0];
	v4 =	vmul.f32 $3.200000000e+01, v12;
	(pc) =	sbr.rel @p0 .LBB2_5-.Ltmp3, $4  }
0xa8: {  	v7 =	vld [tilespmem:s25+$0xFFFFFFC0];
	v6 =	vmul.f32 $3.200000000e+01, v13  }
0xa9: {  	v12 =	vmul.f32 $3.200000000e+01, v10;
	v9 =	vld [tilespmem:s25+$0xFFFFFFD0]  }
0xaa: {  	v10 =	vld [tilespmem:s25+$0xFFFFFFE0]  }
0xab: {  	s19 =	sadd.s32 $0x400, s19;
	v13 =	vadd.f32 v14, v12;
	v12 =	vadd.f32 v15, v11;
	v11 =	vld [tilespmem:s25+$0xFFFFFFF0]  }
0xac: {  	_ = 	snop  }
0xad: {  	v2 =	vadd.f32 v8, v2;
	[tilespmem:s22+$0xFFFFFF90] =	vst v13  }
0xae: {  	v3 =	vadd.f32 v7, v3;
	[tilespmem:s22+$0xFFFFFFA0] =	vst v12  }
0xaf: {  	v5 =	vadd.f32 v9, v5;
	[tilespmem:s22+$0xFFFFFFB0] =	vst v2  }
0xb0: {  	v2 =	vadd.f32 v10, v4;
	[tilespmem:s22+$0xFFFFFFC0] =	vst v3  }
0xb1: {  	v3 =	vadd.f32 v11, v6;
	[tilespmem:s22+$0xFFFFFFD0] =	vst v5  }
0xb2: {  	[tilespmem:s22+$0xFFFFFFE0] =	vst v2  }
0xb3: {  	[tilespmem:s22+$0xFFFFFFF0] =	vst v3  }
0xb4: {  	v2 =	vld [tilespmem:s0+$0x0]  }
0xb5: {  	v3 =	vld [tilespmem:s0+$0xFFFFFFA0]  }
0xb6: {  	v4 =	vld [tilespmem:s26+$0x0]  }
0xb7: {  	v5 =	vld [tilespmem:s0+$0xFFFFFFB0]  }
0xb8: {  	v6 =	vld [tilespmem:s0+$0xFFFFFFC0]  }
0xb9: {  	v10 =	vld [tilespmem:s0+$0xFFFFFFD0]  }
0xba: {  	v11 =	vld [tilespmem:s0+$0xFFFFFFE0]  }
0xbb: {  	v12 =	vld [tilespmem:s0+$0xFFFFFFF0]  }
0xbc: {  	v9 =	vld [tilespmem:s0+$0xFFFFFF90]  }
0xbd: {  	v13 =	vld [tilespmem:s26+$0xFFFFFF90]  }
0xbe: {  	v14 =	vld [tilespmem:s26+$0xFFFFFFA0]  }
0xbf: {  	v8 =	vld [tilespmem:s26+$0xFFFFFFB0];
	v15 =	vmul.f32 $3.200000000e+01, v2  }
0xc0: {  	v7 =	vld [tilespmem:s26+$0xFFFFFFC0];
	v16 =	vmul.f32 $3.200000000e+01, v3;
	v2 =	vmul.f32 $3.200000000e+01, v5  }
0xc1: {  	v3 =	vmul.f32 $3.200000000e+01, v6;
	v17 =	vmul.f32 $3.200000000e+01, v9;
	v9 =	vld [tilespmem:s26+$0xFFFFFFD0];
	v15 =	vadd.f32 v4, v15  }
0xc2: {  	s25 =	simm.s32 $0x0;
	s4 =	simm.s32 $0x82F0;
	v5 =	vmul.f32 $3.200000000e+01, v10;
	v10 =	vld [tilespmem:s26+$0xFFFFFFE0];
	v6 =	vmul.f32 $3.200000000e+01, v12  }
0xc3: {  	s19 =	simm.s32 $0x8670;
	s22 =	simm.s32 $0x102F0;
	s0 =	simm.s32 $0x2F0;
	v4 =	vmul.f32 $3.200000000e+01, v11;
	v13 =	vadd.f32 v13, v17;
	v12 =	vadd.f32 v14, v16;
	v11 =	vld [tilespmem:s26+$0xFFFFFFF0];
	[tilespmem:s23+$0x0] =	vst v15  }
.LBB2_7:
0xc4: {  	v14 =	vld [tilespmem:s19+$0x0];
	s25 =	sadd.s32 $0x8, s25;
	v2 =	vadd.f32 v8, v2  }
0xc5: {  	s26 =	sadd.s32 $0x400, s26;
	v8 =	vld [tilespmem:s19+$0xFFFFFFA0];
	p0 =	slt.u32 s25, $0x38;
	[tilespmem:s23+$0xFFFFFF90] =	vst v13;
	v3 =	vadd.f32 v7, v3  }
0xc6: {  	v7 =	vld [tilespmem:s26+$0x0];
	[tilespmem:s23+$0xFFFFFFA0] =	vst v12;
	v5 =	vadd.f32 v9, v5  }
0xc7: {  	v9 =	vld [tilespmem:s19+$0xFFFFFFB0];
	[tilespmem:s23+$0xFFFFFFB0] =	vst v2;
	v2 =	vadd.f32 v10, v4  }
0xc8: {  	v4 =	vld [tilespmem:s19+$0xFFFFFFC0];
	[tilespmem:s23+$0xFFFFFFC0] =	vst v3;
	v3 =	vadd.f32 v11, v6  }
0xc9: {  	v6 =	vld [tilespmem:s19+$0xFFFFFFD0];
	v10 =	vmul.f32 $3.200000000e+01, v14;
	[tilespmem:s23+$0xFFFFFFD0] =	vst v5  }
0xca: {  	v11 =	vmul.f32 $3.200000000e+01, v8;
	v12 =	vld [tilespmem:s19+$0xFFFFFFE0];
	[tilespmem:s23+$0xFFFFFFE0] =	vst v2  }
0xcb: {  	v13 =	vld [tilespmem:s19+$0xFFFFFFF0];
	v5 =	vadd.f32 v7, v10;
	[tilespmem:s23+$0xFFFFFFF0] =	vst v3  }
0xcc: {  	s23 =	sadd.s32 $0x400, s23;
	v10 =	vld [tilespmem:s19+$0xFFFFFF90];
	v2 =	vmul.f32 $3.200000000e+01, v9  }
0xcd: {  	v14 =	vld [tilespmem:s26+$0xFFFFFF90];
	v3 =	vmul.f32 $3.200000000e+01, v4;
	[tilespmem:s23+$0x0] =	vst v5  }
0xce: {  	v15 =	vld [tilespmem:s26+$0xFFFFFFA0];
	v5 =	vmul.f32 $3.200000000e+01, v6  }
.Ltmp4:
0xcf: {  	v8 =	vld [tilespmem:s26+$0xFFFFFFB0];
	v4 =	vmul.f32 $3.200000000e+01, v12;
	(pc) =	sbr.rel @p0 .LBB2_7-.Ltmp4, $4  }
0xd0: {  	v7 =	vld [tilespmem:s26+$0xFFFFFFC0];
	v6 =	vmul.f32 $3.200000000e+01, v13  }
0xd1: {  	v12 =	vmul.f32 $3.200000000e+01, v10;
	v9 =	vld [tilespmem:s26+$0xFFFFFFD0]  }
0xd2: {  	v10 =	vld [tilespmem:s26+$0xFFFFFFE0]  }
0xd3: {  	s19 =	sadd.s32 $0x400, s19;
	v13 =	vadd.f32 v14, v12;
	v12 =	vadd.f32 v15, v11;
	v11 =	vld [tilespmem:s26+$0xFFFFFFF0]  }
0xd4: {  	_ = 	snop  }
0xd5: {  	v2 =	vadd.f32 v8, v2;
	[tilespmem:s23+$0xFFFFFF90] =	vst v13  }
0xd6: {  	v3 =	vadd.f32 v7, v3;
	[tilespmem:s23+$0xFFFFFFA0] =	vst v12  }
0xd7: {  	v5 =	vadd.f32 v9, v5;
	[tilespmem:s23+$0xFFFFFFB0] =	vst v2  }
0xd8: {  	v2 =	vadd.f32 v10, v4;
	[tilespmem:s23+$0xFFFFFFC0] =	vst v3  }
0xd9: {  	v3 =	vadd.f32 v11, v6;
	[tilespmem:s23+$0xFFFFFFD0] =	vst v5  }
0xda: {  	[tilespmem:s23+$0xFFFFFFE0] =	vst v2  }
0xdb: {  	[tilespmem:s23+$0xFFFFFFF0] =	vst v3  }
0xdc: {  	v2 =	vld [tilespmem:s4+$0x0]  }
0xdd: {  	v3 =	vld [tilespmem:s4+$0xFFFFFFA0]  }
0xde: {  	v5 =	vld [tilespmem:s0+$0x0]  }
0xdf: {  	v4 =	vld [tilespmem:s4+$0xFFFFFFB0]  }
0xe0: {  	v6 =	vld [tilespmem:s4+$0xFFFFFFC0]  }
0xe1: {  	v8 =	vld [tilespmem:s4+$0xFFFFFFD0]  }
0xe2: {  	v11 =	vld [tilespmem:s4+$0xFFFFFFE0]  }
0xe3: {  	v12 =	vld [tilespmem:s4+$0xFFFFFFF0]  }
0xe4: {  	v10 =	vld [tilespmem:s4+$0xFFFFFF90]  }
0xe5: {  	v13 =	vld [tilespmem:s0+$0xFFFFFF90]  }
0xe6: {  	v14 =	vld [tilespmem:s0+$0xFFFFFFA0]  }
0xe7: {  	v9 =	vld [tilespmem:s0+$0xFFFFFFB0];
	v2 =	vmul.f32 $3.200000000e+01, v2  }
0xe8: {  	v7 =	vld [tilespmem:s0+$0xFFFFFFC0];
	v15 =	vmul.f32 $3.200000000e+01, v3;
	v4 =	vmul.f32 $3.200000000e+01, v4  }
0xe9: {  	v16 =	vmul.f32 $3.200000000e+01, v10;
	v10 =	vld [tilespmem:s0+$0xFFFFFFD0];
	v3 =	vadd.f32 v5, v2;
	v5 =	vmul.f32 $3.200000000e+01, v6  }
0xea: {  	v6 =	vmul.f32 $3.200000000e+01, v8;
	v2 =	vmul.f32 $3.200000000e+01, v11;
	v8 =	vld [tilespmem:s0+$0xFFFFFFE0]  }
0xeb: {  	s19 =	simm.s32 $0x86F0;
	s4 =	simm.s32 $0x0;
	v13 =	vadd.f32 v13, v16;
	v11 =	vld [tilespmem:s0+$0xFFFFFFF0];
	[tilespmem:s22+$0x0] =	vst v3;
	v3 =	vmul.f32 $3.200000000e+01, v12;
	v12 =	vadd.f32 v14, v15  }
.LBB2_9:
0xec: {  	v14 =	vld [tilespmem:s19+$0x0];
	s4 =	sadd.s32 $0x8, s4;
	v4 =	vadd.f32 v9, v4  }
0xed: {  	s0 =	sadd.s32 $0x400, s0;
	v9 =	vld [tilespmem:s19+$0xFFFFFFA0];
	p0 =	slt.u32 s4, $0x38;
	[tilespmem:s22+$0xFFFFFF90] =	vst v13;
	v5 =	vadd.f32 v7, v5  }
0xee: {  	v7 =	vld [tilespmem:s0+$0x0];
	[tilespmem:s22+$0xFFFFFFA0] =	vst v12;
	v6 =	vadd.f32 v10, v6  }
0xef: {  	v10 =	vld [tilespmem:s19+$0xFFFFFFB0];
	[tilespmem:s22+$0xFFFFFFB0] =	vst v4;
	v2 =	vadd.f32 v8, v2  }
0xf0: {  	v8 =	vld [tilespmem:s19+$0xFFFFFFC0];
	[tilespmem:s22+$0xFFFFFFC0] =	vst v5;
	v3 =	vadd.f32 v11, v3  }
0xf1: {  	v11 =	vld [tilespmem:s19+$0xFFFFFFD0];
	v4 =	vmul.f32 $3.200000000e+01, v14;
	[tilespmem:s22+$0xFFFFFFD0] =	vst v6  }
0xf2: {  	v12 =	vmul.f32 $3.200000000e+01, v9;
	v13 =	vld [tilespmem:s19+$0xFFFFFFE0];
	[tilespmem:s22+$0xFFFFFFE0] =	vst v2  }
0xf3: {  	v14 =	vld [tilespmem:s19+$0xFFFFFFF0];
	v2 =	vadd.f32 v7, v4;
	[tilespmem:s22+$0xFFFFFFF0] =	vst v3  }
0xf4: {  	s22 =	sadd.s32 $0x400, s22;
	v15 =	vld [tilespmem:s19+$0xFFFFFF90];
	v4 =	vmul.f32 $3.200000000e+01, v10  }
0xf5: {  	v16 =	vld [tilespmem:s0+$0xFFFFFF90];
	v5 =	vmul.f32 $3.200000000e+01, v8;
	[tilespmem:s22+$0x0] =	vst v2  }
0xf6: {  	v17 =	vld [tilespmem:s0+$0xFFFFFFA0];
	v6 =	vmul.f32 $3.200000000e+01, v11  }
.Ltmp5:
0xf7: {  	v9 =	vld [tilespmem:s0+$0xFFFFFFB0];
	v2 =	vmul.f32 $3.200000000e+01, v13;
	(pc) =	sbr.rel @p0 .LBB2_9-.Ltmp5, $4  }
0xf8: {  	v7 =	vld [tilespmem:s0+$0xFFFFFFC0];
	v3 =	vmul.f32 $3.200000000e+01, v14  }
0xf9: {  	v11 =	vmul.f32 $3.200000000e+01, v15;
	v10 =	vld [tilespmem:s0+$0xFFFFFFD0]  }
0xfa: {  	v8 =	vld [tilespmem:s0+$0xFFFFFFE0]  }
0xfb: {  	s19 =	sadd.s32 $0x400, s19;
	v13 =	vadd.f32 v16, v11;
	v12 =	vadd.f32 v17, v12;
	v11 =	vld [tilespmem:s0+$0xFFFFFFF0]  }
0xfc: {  	_ = 	snop  }
0xfd: {  	v4 =	vadd.f32 v9, v4;
	[tilespmem:s22+$0xFFFFFF90] =	vst v13  }
0xfe: {  	v5 =	vadd.f32 v7, v5;
	[tilespmem:s22+$0xFFFFFFA0] =	vst v12  }
0xff: {  	v6 =	vadd.f32 v10, v6;
	[tilespmem:s22+$0xFFFFFFB0] =	vst v4  }
0x100: {  	v2 =	vadd.f32 v8, v2;
	[tilespmem:s22+$0xFFFFFFC0] =	vst v5  }
0x101: {  	v3 =	vadd.f32 v11, v3;
	[tilespmem:s22+$0xFFFFFFD0] =	vst v6  }
0x102: {  	[tilespmem:s22+$0xFFFFFFE0] =	vst v2  }
0x103: {  	s0 =	sadd.s32 s3, s17;
	s4 =	simm.s32 $0x10100;
	[tilespmem:s22+$0xFFFFFFF0] =	vst v3  }
0x104: {  	[hbm4b:s0+s6] =	stream.linear.scatter [tilespmem:s4], [sflag:$0x5], $0x200, $0x38;
	[tilespmem:$0x18100] =	vst v63  }
0x105: {  	s19 =	simm.s32 $0x10500;
	s26 =	sadd.s32 $0x80, s0  }
0x106: {  	[hbm4b:s26+s6] =	stream.linear.scatter [tilespmem:s19], [sflag:$0x5], $0x200, $0x38;
	[tilespmem:$0x18100] =	vst v63  }
0x107: {  	s22 =	simm.s32 $0x10900;
	s19 =	sadd.s32 $0x100, s0  }
0x108: {  	[hbm4b:s19+s6] =	stream.linear.scatter [tilespmem:s22], [sflag:$0x5], $0x200, $0x38;
	[tilespmem:$0x18100] =	vst v63  }
0x109: {  	s24 =	simm.s32 $0x10D00;
	s23 =	sadd.s32 $0x180, s0  }
0x10a: {  	[hbm4b:s23+s6] =	stream.linear.scatter [tilespmem:s24], [sflag:$0x5], $0x200, $0x38;
	[tilespmem:$0x18100] =	vst v63  }
0x10b: {  	s25 =	sadd.s32 $0x200, s0;
	s26 =	simm.s32 $0x11100  }
0x10c: {  	[hbm4b:s25+s6] =	stream.linear.scatter [tilespmem:s26], [sflag:$0x5], $0x200, $0x38;
	[tilespmem:$0x18100] =	vst v63  }
0x10d: {  	s19 =	sadd.s32 $0x280, s0;
	s22 =	simm.s32 $0x11500  }
0x10e: {  	[hbm4b:s19+s6] =	stream.linear.scatter [tilespmem:s22], [sflag:$0x5], $0x200, $0x38;
	[tilespmem:$0x18100] =	vst v63  }
0x10f: {  	s23 =	sadd.s32 $0x300, s0;
	s24 =	simm.s32 $0x11900  }
0x110: {  	[hbm4b:s23+s6] =	stream.linear.scatter [tilespmem:s24], [sflag:$0x5], $0x200, $0x38;
	[tilespmem:$0x18100] =	vst v63  }
0x111: {  	s0 =	sadd.s32 $0x380, s0;
	s25 =	simm.s32 $0x11D00;
	s26 =	simm.s32 $0x8370  }
0x112: {  	[hbm4b:s0+s6] =	stream.linear.scatter [tilespmem:s25], [sflag:$0x5], $0x200, $0x38;
	[tilespmem:$0x18100] =	vst v63  }
0x113: {  	v2 =	vld [tilespmem:s26+$0x0]  }
0x114: {  	s0 =	simm.s32 $0x370;
	v3 =	vld [tilespmem:s26+$0xFFFFFFA0]  }
0x115: {  	v4 =	vld [tilespmem:s0+$0x0]  }
0x116: {  	v5 =	vld [tilespmem:s26+$0xFFFFFFB0]  }
0x117: {  	v6 =	vld [tilespmem:s26+$0xFFFFFFC0]  }
0x118: {  	v10 =	vld [tilespmem:s26+$0xFFFFFFD0]  }
0x119: {  	v11 =	vld [tilespmem:s26+$0xFFFFFFE0]  }
0x11a: {  	v12 =	vld [tilespmem:s26+$0xFFFFFFF0]  }
0x11b: {  	v9 =	vld [tilespmem:s26+$0xFFFFFF90]  }
0x11c: {  	v13 =	vld [tilespmem:s0+$0xFFFFFF90]  }
0x11d: {  	v14 =	vld [tilespmem:s0+$0xFFFFFFA0]  }
0x11e: {  	v8 =	vld [tilespmem:s0+$0xFFFFFFB0];
	v15 =	vmul.f32 $3.200000000e+01, v2  }
0x11f: {  	v7 =	vld [tilespmem:s0+$0xFFFFFFC0];
	v16 =	vmul.f32 $3.200000000e+01, v3;
	v2 =	vmul.f32 $3.200000000e+01, v5  }
0x120: {  	v3 =	vmul.f32 $3.200000000e+01, v6;
	v17 =	vmul.f32 $3.200000000e+01, v9;
	v9 =	vld [tilespmem:s0+$0xFFFFFFD0];
	v15 =	vadd.f32 v4, v15  }
0x121: {  	s4 =	simm.s32 $0x83F0;
	s22 =	simm.s32 $0x103F0;
	s23 =	simm.s32 $0x10370;
	v5 =	vmul.f32 $3.200000000e+01, v10;
	v10 =	vld [tilespmem:s0+$0xFFFFFFE0];
	v6 =	vmul.f32 $3.200000000e+01, v12  }
0x122: {  	s19 =	simm.s32 $0x8770;
	s25 =	simm.s32 $0x3F0;
	s26 =	simm.s32 $0x0;
	v4 =	vmul.f32 $3.200000000e+01, v11;
	v13 =	vadd.f32 v13, v17;
	v12 =	vadd.f32 v14, v16;
	v11 =	vld [tilespmem:s0+$0xFFFFFFF0];
	[tilespmem:s23+$0x0] =	vst v15  }
.LBB2_11:
0x123: {  	v14 =	vld [tilespmem:s19+$0x0];
	s26 =	sadd.s32 $0x8, s26;
	v2 =	vadd.f32 v8, v2  }
0x124: {  	s0 =	sadd.s32 $0x400, s0;
	v8 =	vld [tilespmem:s19+$0xFFFFFFA0];
	p0 =	slt.u32 s26, $0x38;
	[tilespmem:s23+$0xFFFFFF90] =	vst v13;
	v3 =	vadd.f32 v7, v3  }
0x125: {  	v7 =	vld [tilespmem:s0+$0x0];
	[tilespmem:s23+$0xFFFFFFA0] =	vst v12;
	v5 =	vadd.f32 v9, v5  }
0x126: {  	v9 =	vld [tilespmem:s19+$0xFFFFFFB0];
	[tilespmem:s23+$0xFFFFFFB0] =	vst v2;
	v2 =	vadd.f32 v10, v4  }
0x127: {  	v4 =	vld [tilespmem:s19+$0xFFFFFFC0];
	[tilespmem:s23+$0xFFFFFFC0] =	vst v3;
	v3 =	vadd.f32 v11, v6  }
0x128: {  	v6 =	vld [tilespmem:s19+$0xFFFFFFD0];
	v10 =	vmul.f32 $3.200000000e+01, v14;
	[tilespmem:s23+$0xFFFFFFD0] =	vst v5  }
0x129: {  	v11 =	vmul.f32 $3.200000000e+01, v8;
	v12 =	vld [tilespmem:s19+$0xFFFFFFE0];
	[tilespmem:s23+$0xFFFFFFE0] =	vst v2  }
0x12a: {  	v13 =	vld [tilespmem:s19+$0xFFFFFFF0];
	v5 =	vadd.f32 v7, v10;
	[tilespmem:s23+$0xFFFFFFF0] =	vst v3  }
0x12b: {  	s23 =	sadd.s32 $0x400, s23;
	v10 =	vld [tilespmem:s19+$0xFFFFFF90];
	v2 =	vmul.f32 $3.200000000e+01, v9  }
0x12c: {  	v14 =	vld [tilespmem:s0+$0xFFFFFF90];
	v3 =	vmul.f32 $3.200000000e+01, v4;
	[tilespmem:s23+$0x0] =	vst v5  }
0x12d: {  	v15 =	vld [tilespmem:s0+$0xFFFFFFA0];
	v5 =	vmul.f32 $3.200000000e+01, v6  }
.Ltmp6:
0x12e: {  	v8 =	vld [tilespmem:s0+$0xFFFFFFB0];
	v4 =	vmul.f32 $3.200000000e+01, v12;
	(pc) =	sbr.rel @p0 .LBB2_11-.Ltmp6, $4  }
0x12f: {  	v7 =	vld [tilespmem:s0+$0xFFFFFFC0];
	v6 =	vmul.f32 $3.200000000e+01, v13  }
0x130: {  	v12 =	vmul.f32 $3.200000000e+01, v10;
	v9 =	vld [tilespmem:s0+$0xFFFFFFD0]  }
0x131: {  	v10 =	vld [tilespmem:s0+$0xFFFFFFE0]  }
0x132: {  	s19 =	sadd.s32 $0x400, s19;
	v13 =	vadd.f32 v14, v12;
	v12 =	vadd.f32 v15, v11;
	v11 =	vld [tilespmem:s0+$0xFFFFFFF0]  }
0x133: {  	_ = 	snop  }
0x134: {  	v2 =	vadd.f32 v8, v2;
	[tilespmem:s23+$0xFFFFFF90] =	vst v13  }
0x135: {  	v3 =	vadd.f32 v7, v3;
	[tilespmem:s23+$0xFFFFFFA0] =	vst v12  }
0x136: {  	v5 =	vadd.f32 v9, v5;
	[tilespmem:s23+$0xFFFFFFB0] =	vst v2  }
0x137: {  	v2 =	vadd.f32 v10, v4;
	[tilespmem:s23+$0xFFFFFFC0] =	vst v3  }
0x138: {  	v3 =	vadd.f32 v11, v6;
	[tilespmem:s23+$0xFFFFFFD0] =	vst v5  }
0x139: {  	[tilespmem:s23+$0xFFFFFFE0] =	vst v2  }
0x13a: {  	[tilespmem:s23+$0xFFFFFFF0] =	vst v3  }
0x13b: {  	v2 =	vld [tilespmem:s4+$0x0]  }
0x13c: {  	v3 =	vld [tilespmem:s4+$0xFFFFFFA0]  }
0x13d: {  	v4 =	vld [tilespmem:s25+$0x0]  }
0x13e: {  	v5 =	vld [tilespmem:s4+$0xFFFFFFB0]  }
0x13f: {  	v6 =	vld [tilespmem:s4+$0xFFFFFFC0]  }
0x140: {  	v10 =	vld [tilespmem:s4+$0xFFFFFFD0]  }
0x141: {  	v11 =	vld [tilespmem:s4+$0xFFFFFFE0]  }
0x142: {  	v12 =	vld [tilespmem:s4+$0xFFFFFFF0]  }
0x143: {  	v9 =	vld [tilespmem:s4+$0xFFFFFF90]  }
0x144: {  	v13 =	vld [tilespmem:s25+$0xFFFFFF90]  }
0x145: {  	v14 =	vld [tilespmem:s25+$0xFFFFFFA0]  }
0x146: {  	v8 =	vld [tilespmem:s25+$0xFFFFFFB0];
	v15 =	vmul.f32 $3.200000000e+01, v2  }
0x147: {  	v7 =	vld [tilespmem:s25+$0xFFFFFFC0];
	v16 =	vmul.f32 $3.200000000e+01, v3;
	v2 =	vmul.f32 $3.200000000e+01, v5  }
0x148: {  	v3 =	vmul.f32 $3.200000000e+01, v6;
	v17 =	vmul.f32 $3.200000000e+01, v9;
	v9 =	vld [tilespmem:s25+$0xFFFFFFD0];
	v15 =	vadd.f32 v4, v15  }
0x149: {  	s0 =	simm.s32 $0x8470;
	s26 =	simm.s32 $0x470;
	v5 =	vmul.f32 $3.200000000e+01, v10;
	v10 =	vld [tilespmem:s25+$0xFFFFFFE0];
	v6 =	vmul.f32 $3.200000000e+01, v12  }
0x14a: {  	s19 =	simm.s32 $0x87F0;
	s23 =	simm.s32 $0x10470;
	s4 =	simm.s32 $0x0;
	v4 =	vmul.f32 $3.200000000e+01, v11;
	v13 =	vadd.f32 v13, v17;
	v12 =	vadd.f32 v14, v16;
	v11 =	vld [tilespmem:s25+$0xFFFFFFF0];
	[tilespmem:s22+$0x0] =	vst v15  }
.LBB2_13:
0x14b: {  	v14 =	vld [tilespmem:s19+$0x0];
	s4 =	sadd.s32 $0x8, s4;
	v2 =	vadd.f32 v8, v2  }
0x14c: {  	s25 =	sadd.s32 $0x400, s25;
	v8 =	vld [tilespmem:s19+$0xFFFFFFA0];
	p0 =	slt.u32 s4, $0x38;
	[tilespmem:s22+$0xFFFFFF90] =	vst v13;
	v3 =	vadd.f32 v7, v3  }
0x14d: {  	v7 =	vld [tilespmem:s25+$0x0];
	[tilespmem:s22+$0xFFFFFFA0] =	vst v12;
	v5 =	vadd.f32 v9, v5  }
0x14e: {  	v9 =	vld [tilespmem:s19+$0xFFFFFFB0];
	[tilespmem:s22+$0xFFFFFFB0] =	vst v2;
	v2 =	vadd.f32 v10, v4  }
0x14f: {  	v4 =	vld [tilespmem:s19+$0xFFFFFFC0];
	[tilespmem:s22+$0xFFFFFFC0] =	vst v3;
	v3 =	vadd.f32 v11, v6  }
0x150: {  	v6 =	vld [tilespmem:s19+$0xFFFFFFD0];
	v10 =	vmul.f32 $3.200000000e+01, v14;
	[tilespmem:s22+$0xFFFFFFD0] =	vst v5  }
0x151: {  	v11 =	vmul.f32 $3.200000000e+01, v8;
	v12 =	vld [tilespmem:s19+$0xFFFFFFE0];
	[tilespmem:s22+$0xFFFFFFE0] =	vst v2  }
0x152: {  	v13 =	vld [tilespmem:s19+$0xFFFFFFF0];
	v5 =	vadd.f32 v7, v10;
	[tilespmem:s22+$0xFFFFFFF0] =	vst v3  }
0x153: {  	s22 =	sadd.s32 $0x400, s22;
	v10 =	vld [tilespmem:s19+$0xFFFFFF90];
	v2 =	vmul.f32 $3.200000000e+01, v9  }
0x154: {  	v14 =	vld [tilespmem:s25+$0xFFFFFF90];
	v3 =	vmul.f32 $3.200000000e+01, v4;
	[tilespmem:s22+$0x0] =	vst v5  }
0x155: {  	v15 =	vld [tilespmem:s25+$0xFFFFFFA0];
	v5 =	vmul.f32 $3.200000000e+01, v6  }
.Ltmp7:
0x156: {  	v8 =	vld [tilespmem:s25+$0xFFFFFFB0];
	v4 =	vmul.f32 $3.200000000e+01, v12;
	(pc) =	sbr.rel @p0 .LBB2_13-.Ltmp7, $4  }
0x157: {  	v7 =	vld [tilespmem:s25+$0xFFFFFFC0];
	v6 =	vmul.f32 $3.200000000e+01, v13  }
0x158: {  	v12 =	vmul.f32 $3.200000000e+01, v10;
	v9 =	vld [tilespmem:s25+$0xFFFFFFD0]  }
0x159: {  	v10 =	vld [tilespmem:s25+$0xFFFFFFE0]  }
0x15a: {  	s19 =	sadd.s32 $0x400, s19;
	v13 =	vadd.f32 v14, v12;
	v12 =	vadd.f32 v15, v11;
	v11 =	vld [tilespmem:s25+$0xFFFFFFF0]  }
0x15b: {  	_ = 	snop  }
0x15c: {  	v2 =	vadd.f32 v8, v2;
	[tilespmem:s22+$0xFFFFFF90] =	vst v13  }
0x15d: {  	v3 =	vadd.f32 v7, v3;
	[tilespmem:s22+$0xFFFFFFA0] =	vst v12  }
0x15e: {  	v5 =	vadd.f32 v9, v5;
	[tilespmem:s22+$0xFFFFFFB0] =	vst v2  }
0x15f: {  	v2 =	vadd.f32 v10, v4;
	[tilespmem:s22+$0xFFFFFFC0] =	vst v3  }
0x160: {  	v3 =	vadd.f32 v11, v6;
	[tilespmem:s22+$0xFFFFFFD0] =	vst v5  }
0x161: {  	[tilespmem:s22+$0xFFFFFFE0] =	vst v2  }
0x162: {  	[tilespmem:s22+$0xFFFFFFF0] =	vst v3  }
0x163: {  	v2 =	vld [tilespmem:s0+$0x0]  }
0x164: {  	v3 =	vld [tilespmem:s0+$0xFFFFFFA0]  }
0x165: {  	v4 =	vld [tilespmem:s26+$0x0]  }
0x166: {  	v5 =	vld [tilespmem:s0+$0xFFFFFFB0]  }
0x167: {  	v6 =	vld [tilespmem:s0+$0xFFFFFFC0]  }
0x168: {  	v10 =	vld [tilespmem:s0+$0xFFFFFFD0]  }
0x169: {  	v11 =	vld [tilespmem:s0+$0xFFFFFFE0]  }
0x16a: {  	v12 =	vld [tilespmem:s0+$0xFFFFFFF0]  }
0x16b: {  	v9 =	vld [tilespmem:s0+$0xFFFFFF90]  }
0x16c: {  	v13 =	vld [tilespmem:s26+$0xFFFFFF90]  }
0x16d: {  	v14 =	vld [tilespmem:s26+$0xFFFFFFA0]  }
0x16e: {  	v8 =	vld [tilespmem:s26+$0xFFFFFFB0];
	v15 =	vmul.f32 $3.200000000e+01, v2  }
0x16f: {  	v7 =	vld [tilespmem:s26+$0xFFFFFFC0];
	v16 =	vmul.f32 $3.200000000e+01, v3;
	v2 =	vmul.f32 $3.200000000e+01, v5  }
0x170: {  	v3 =	vmul.f32 $3.200000000e+01, v6;
	v17 =	vmul.f32 $3.200000000e+01, v9;
	v9 =	vld [tilespmem:s26+$0xFFFFFFD0];
	v15 =	vadd.f32 v4, v15  }
0x171: {  	s25 =	simm.s32 $0x0;
	s4 =	simm.s32 $0x84F0;
	v5 =	vmul.f32 $3.200000000e+01, v10;
	v10 =	vld [tilespmem:s26+$0xFFFFFFE0];
	v6 =	vmul.f32 $3.200000000e+01, v12  }
0x172: {  	s19 =	simm.s32 $0x8870;
	s22 =	simm.s32 $0x104F0;
	s0 =	simm.s32 $0x4F0;
	v4 =	vmul.f32 $3.200000000e+01, v11;
	v13 =	vadd.f32 v13, v17;
	v12 =	vadd.f32 v14, v16;
	v11 =	vld [tilespmem:s26+$0xFFFFFFF0];
	[tilespmem:s23+$0x0] =	vst v15  }
.LBB2_15:
0x173: {  	v14 =	vld [tilespmem:s19+$0x0];
	s25 =	sadd.s32 $0x8, s25;
	v2 =	vadd.f32 v8, v2  }
0x174: {  	s26 =	sadd.s32 $0x400, s26;
	v8 =	vld [tilespmem:s19+$0xFFFFFFA0];
	p0 =	slt.u32 s25, $0x38;
	[tilespmem:s23+$0xFFFFFF90] =	vst v13;
	v3 =	vadd.f32 v7, v3  }
0x175: {  	v7 =	vld [tilespmem:s26+$0x0];
	[tilespmem:s23+$0xFFFFFFA0] =	vst v12;
	v5 =	vadd.f32 v9, v5  }
0x176: {  	v9 =	vld [tilespmem:s19+$0xFFFFFFB0];
	[tilespmem:s23+$0xFFFFFFB0] =	vst v2;
	v2 =	vadd.f32 v10, v4  }
0x177: {  	v4 =	vld [tilespmem:s19+$0xFFFFFFC0];
	[tilespmem:s23+$0xFFFFFFC0] =	vst v3;
	v3 =	vadd.f32 v11, v6  }
0x178: {  	v6 =	vld [tilespmem:s19+$0xFFFFFFD0];
	v10 =	vmul.f32 $3.200000000e+01, v14;
	[tilespmem:s23+$0xFFFFFFD0] =	vst v5  }
0x179: {  	v11 =	vmul.f32 $3.200000000e+01, v8;
	v12 =	vld [tilespmem:s19+$0xFFFFFFE0];
	[tilespmem:s23+$0xFFFFFFE0] =	vst v2  }
0x17a: {  	v13 =	vld [tilespmem:s19+$0xFFFFFFF0];
	v5 =	vadd.f32 v7, v10;
	[tilespmem:s23+$0xFFFFFFF0] =	vst v3  }
0x17b: {  	s23 =	sadd.s32 $0x400, s23;
	v10 =	vld [tilespmem:s19+$0xFFFFFF90];
	v2 =	vmul.f32 $3.200000000e+01, v9  }
0x17c: {  	v14 =	vld [tilespmem:s26+$0xFFFFFF90];
	v3 =	vmul.f32 $3.200000000e+01, v4;
	[tilespmem:s23+$0x0] =	vst v5  }
0x17d: {  	v15 =	vld [tilespmem:s26+$0xFFFFFFA0];
	v5 =	vmul.f32 $3.200000000e+01, v6  }
.Ltmp8:
0x17e: {  	v8 =	vld [tilespmem:s26+$0xFFFFFFB0];
	v4 =	vmul.f32 $3.200000000e+01, v12;
	(pc) =	sbr.rel @p0 .LBB2_15-.Ltmp8, $4  }
0x17f: {  	v7 =	vld [tilespmem:s26+$0xFFFFFFC0];
	v6 =	vmul.f32 $3.200000000e+01, v13  }
0x180: {  	v12 =	vmul.f32 $3.200000000e+01, v10;
	v9 =	vld [tilespmem:s26+$0xFFFFFFD0]  }
0x181: {  	v10 =	vld [tilespmem:s26+$0xFFFFFFE0]  }
0x182: {  	s19 =	sadd.s32 $0x400, s19;
	v13 =	vadd.f32 v14, v12;
	v12 =	vadd.f32 v15, v11;
	v11 =	vld [tilespmem:s26+$0xFFFFFFF0]  }
0x183: {  	_ = 	snop  }
0x184: {  	v2 =	vadd.f32 v8, v2;
	[tilespmem:s23+$0xFFFFFF90] =	vst v13  }
0x185: {  	v3 =	vadd.f32 v7, v3;
	[tilespmem:s23+$0xFFFFFFA0] =	vst v12  }
0x186: {  	v5 =	vadd.f32 v9, v5;
	[tilespmem:s23+$0xFFFFFFB0] =	vst v2  }
0x187: {  	v2 =	vadd.f32 v10, v4;
	[tilespmem:s23+$0xFFFFFFC0] =	vst v3  }
0x188: {  	v3 =	vadd.f32 v11, v6;
	[tilespmem:s23+$0xFFFFFFD0] =	vst v5  }
0x189: {  	[tilespmem:s23+$0xFFFFFFE0] =	vst v2  }
0x18a: {  	[tilespmem:s23+$0xFFFFFFF0] =	vst v3  }
0x18b: {  	v2 =	vld [tilespmem:s4+$0x0]  }
0x18c: {  	v3 =	vld [tilespmem:s4+$0xFFFFFFA0]  }
0x18d: {  	v5 =	vld [tilespmem:s0+$0x0]  }
0x18e: {  	v4 =	vld [tilespmem:s4+$0xFFFFFFB0]  }
0x18f: {  	v6 =	vld [tilespmem:s4+$0xFFFFFFC0]  }
0x190: {  	v8 =	vld [tilespmem:s4+$0xFFFFFFD0]  }
0x191: {  	v11 =	vld [tilespmem:s4+$0xFFFFFFE0]  }
0x192: {  	v12 =	vld [tilespmem:s4+$0xFFFFFFF0]  }
0x193: {  	v10 =	vld [tilespmem:s4+$0xFFFFFF90]  }
0x194: {  	v13 =	vld [tilespmem:s0+$0xFFFFFF90]  }
0x195: {  	v14 =	vld [tilespmem:s0+$0xFFFFFFA0]  }
0x196: {  	v9 =	vld [tilespmem:s0+$0xFFFFFFB0];
	v2 =	vmul.f32 $3.200000000e+01, v2  }
0x197: {  	v7 =	vld [tilespmem:s0+$0xFFFFFFC0];
	v15 =	vmul.f32 $3.200000000e+01, v3;
	v4 =	vmul.f32 $3.200000000e+01, v4  }
0x198: {  	v16 =	vmul.f32 $3.200000000e+01, v10;
	v10 =	vld [tilespmem:s0+$0xFFFFFFD0];
	v3 =	vadd.f32 v5, v2;
	v5 =	vmul.f32 $3.200000000e+01, v6  }
0x199: {  	v6 =	vmul.f32 $3.200000000e+01, v8;
	v2 =	vmul.f32 $3.200000000e+01, v11;
	v8 =	vld [tilespmem:s0+$0xFFFFFFE0]  }
0x19a: {  	s19 =	simm.s32 $0x88F0;
	s4 =	simm.s32 $0x0;
	v13 =	vadd.f32 v13, v16;
	v11 =	vld [tilespmem:s0+$0xFFFFFFF0];
	[tilespmem:s22+$0x0] =	vst v3;
	v3 =	vmul.f32 $3.200000000e+01, v12;
	v12 =	vadd.f32 v14, v15  }
.LBB2_17:
0x19b: {  	v14 =	vld [tilespmem:s19+$0x0];
	s4 =	sadd.s32 $0x8, s4;
	v4 =	vadd.f32 v9, v4  }
0x19c: {  	s0 =	sadd.s32 $0x400, s0;
	v9 =	vld [tilespmem:s19+$0xFFFFFFA0];
	p0 =	slt.u32 s4, $0x38;
	[tilespmem:s22+$0xFFFFFF90] =	vst v13;
	v5 =	vadd.f32 v7, v5  }
0x19d: {  	v7 =	vld [tilespmem:s0+$0x0];
	[tilespmem:s22+$0xFFFFFFA0] =	vst v12;
	v6 =	vadd.f32 v10, v6  }
0x19e: {  	v10 =	vld [tilespmem:s19+$0xFFFFFFB0];
	[tilespmem:s22+$0xFFFFFFB0] =	vst v4;
	v2 =	vadd.f32 v8, v2  }
0x19f: {  	v8 =	vld [tilespmem:s19+$0xFFFFFFC0];
	[tilespmem:s22+$0xFFFFFFC0] =	vst v5;
	v3 =	vadd.f32 v11, v3  }
0x1a0: {  	v11 =	vld [tilespmem:s19+$0xFFFFFFD0];
	v4 =	vmul.f32 $3.200000000e+01, v14;
	[tilespmem:s22+$0xFFFFFFD0] =	vst v6  }
0x1a1: {  	v12 =	vmul.f32 $3.200000000e+01, v9;
	v13 =	vld [tilespmem:s19+$0xFFFFFFE0];
	[tilespmem:s22+$0xFFFFFFE0] =	vst v2  }
0x1a2: {  	v14 =	vld [tilespmem:s19+$0xFFFFFFF0];
	v2 =	vadd.f32 v7, v4;
	[tilespmem:s22+$0xFFFFFFF0] =	vst v3  }
0x1a3: {  	s22 =	sadd.s32 $0x400, s22;
	v15 =	vld [tilespmem:s19+$0xFFFFFF90];
	v4 =	vmul.f32 $3.200000000e+01, v10  }
0x1a4: {  	v16 =	vld [tilespmem:s0+$0xFFFFFF90];
	v5 =	vmul.f32 $3.200000000e+01, v8;
	[tilespmem:s22+$0x0] =	vst v2  }
0x1a5: {  	v17 =	vld [tilespmem:s0+$0xFFFFFFA0];
	v6 =	vmul.f32 $3.200000000e+01, v11  }
.Ltmp9:
0x1a6: {  	v9 =	vld [tilespmem:s0+$0xFFFFFFB0];
	v2 =	vmul.f32 $3.200000000e+01, v13;
	(pc) =	sbr.rel @p0 .LBB2_17-.Ltmp9, $4  }
0x1a7: {  	v7 =	vld [tilespmem:s0+$0xFFFFFFC0];
	v3 =	vmul.f32 $3.200000000e+01, v14  }
0x1a8: {  	v11 =	vmul.f32 $3.200000000e+01, v15;
	v10 =	vld [tilespmem:s0+$0xFFFFFFD0]  }
0x1a9: {  	v8 =	vld [tilespmem:s0+$0xFFFFFFE0]  }
0x1aa: {  	s19 =	sadd.s32 $0x400, s19;
	v13 =	vadd.f32 v16, v11;
	v12 =	vadd.f32 v17, v12;
	v11 =	vld [tilespmem:s0+$0xFFFFFFF0]  }
0x1ab: {  	_ = 	snop  }
0x1ac: {  	v4 =	vadd.f32 v9, v4;
	[tilespmem:s22+$0xFFFFFF90] =	vst v13  }
0x1ad: {  	v5 =	vadd.f32 v7, v5;
	[tilespmem:s22+$0xFFFFFFA0] =	vst v12  }
0x1ae: {  	v6 =	vadd.f32 v10, v6;
	[tilespmem:s22+$0xFFFFFFB0] =	vst v4  }
0x1af: {  	v2 =	vadd.f32 v8, v2;
	[tilespmem:s22+$0xFFFFFFC0] =	vst v5  }
0x1b0: {  	v3 =	vadd.f32 v11, v3;
	[tilespmem:s22+$0xFFFFFFD0] =	vst v6  }
0x1b1: {  	[tilespmem:s22+$0xFFFFFFE0] =	vst v2  }
0x1b2: {  	s0 =	sadd.s32 s17, s16;
	s4 =	simm.s32 $0x10300;
	[tilespmem:s22+$0xFFFFFFF0] =	vst v3  }
0x1b3: {  	[hbm4b:s0+s6] =	stream.linear.scatter [tilespmem:s4], [sflag:$0x5], $0x200, $0x38;
	[tilespmem:$0x18100] =	vst v63  }
0x1b4: {  	s19 =	simm.s32 $0x10700;
	s24 =	sadd.s32 $0x80, s0  }
0x1b5: {  	[hbm4b:s24+s6] =	stream.linear.scatter [tilespmem:s19], [sflag:$0x5], $0x200, $0x38;
	[tilespmem:$0x18100] =	vst v63  }
0x1b6: {  	s26 =	simm.s32 $0x10B00;
	s25 =	sadd.s32 $0x100, s0  }
0x1b7: {  	[hbm4b:s25+s6] =	stream.linear.scatter [tilespmem:s26], [sflag:$0x5], $0x200, $0x38;
	[tilespmem:$0x18100] =	vst v63  }
0x1b8: {  	s22 =	simm.s32 $0x10F00;
	s19 =	sadd.s32 $0x180, s0  }
0x1b9: {  	[hbm4b:s19+s6] =	stream.linear.scatter [tilespmem:s22], [sflag:$0x5], $0x200, $0x38;
	[tilespmem:$0x18100] =	vst v63  }
0x1ba: {  	s23 =	sadd.s32 $0x200, s0;
	s24 =	simm.s32 $0x11300  }
0x1bb: {  	[hbm4b:s23+s6] =	stream.linear.scatter [tilespmem:s24], [sflag:$0x5], $0x200, $0x38;
	[tilespmem:$0x18100] =	vst v63  }
0x1bc: {  	s25 =	sadd.s32 $0x280, s0;
	s26 =	simm.s32 $0x11700  }
0x1bd: {  	[hbm4b:s25+s6] =	stream.linear.scatter [tilespmem:s26], [sflag:$0x5], $0x200, $0x38;
	[tilespmem:$0x18100] =	vst v63  }
0x1be: {  	s19 =	sadd.s32 $0x300, s0;
	s22 =	simm.s32 $0x11B00  }
0x1bf: {  	[hbm4b:s19+s6] =	stream.linear.scatter [tilespmem:s22], [sflag:$0x5], $0x200, $0x38;
	[tilespmem:$0x18100] =	vst v63  }
0x1c0: {  	s0 =	sadd.s32 $0x380, s0;
	s23 =	simm.s32 $0x11F00  }
0x1c1: {  	[hbm4b:s0+s6] =	stream.linear.scatter [tilespmem:s23], [sflag:$0x5], $0x200, $0x38;
	[tilespmem:$0x18100] =	vst v63  }
0x1c2: {  	_ =	swait.ge [sflag:s29], $0x2000  }
0x1c3: {  	[sflag:s29] =	ssyncset.done $0x0  }
0x1c4: {  	[sflag:s29] =	ssyncadd.s32 $0xFFFFE000  }
0x1c5: {  	_ =	swait.ge [sflag:s29], $0x2000  }
0x1c6: {  	[sflag:s29] =	ssyncset.done $0x0  }
0x1c7: {  	p0 =	seq.s32 s14, $0x7;
	[sflag:s29] =	ssyncadd.s32 $0xFFFFE000  }
0x1c8: {  	v2 =	vld.msk @!p0 [tilespmem:s15+$0x20], $0xff;
	_ =	sdelay $0x4  }
0x1c9: {  	v3 =	vshll.u32 @!p0 v2, $0x3  }
0x1ca: {  	v4 =	vlaneseq.u32 @!p0;
	v2 =	vand.u32 @!p0 $0x7, v2;
	v3 =	vand.u32 @!p0 $0xFFFFFFC0, v3  }
0x1cb: {  	v2 =	vor.u32 @!p0 v2, v3;
	v3 =	vand.u32 @!p0 $0x7, v4;
	v4 =	vshrl.u32 @!p0 v4, $0x3  }
0x1cc: {  	v2 =	vperm.xlane @!p0 v2, v3;
	v3 =	vmul.u32 @!p0 $0x8, v4;
	_ =	sdelay $0x1  }
0x1cd: {  	v2 =	vadd.s32 @!p0 v3, v2;
	_ =	sdelay $0x3  }
0x1ce: {  	vm1 =	vmmov @!p0 $0xffff;
	s4 =	simm.s32 @!p0 $0x100;
	s0 =	simm.s32 @!p0 $0x0  }
0x1cf: {  	[tilespmem:s4], [sflag:$0x1] =	stream.indirect_vreg.gather @!p0 [hbm4b:s2+s0], $0x80, v2, vm1, $0xb8;
	[tilespmem:$0x18100] =	vst v63  }
0x1d0: {  	s4 =	simm.s32 @!p0 $0x900  }
0x1d1: {  	[tilespmem:s4], [sflag:$0x1] =	stream.indirect_vreg.gather @!p0 [hbm4b:s9+s0], $0x80, v2, vm1, $0xb8;
	[tilespmem:$0x18100] =	vst v63  }
0x1d2: {  	s4 =	simm.s32 @!p0 $0x1100  }
0x1d3: {  	[tilespmem:s4], [sflag:$0x1] =	stream.indirect_vreg.gather @!p0 [hbm4b:s10+s0], $0x80, v2, vm1, $0xb8;
	[tilespmem:$0x18100] =	vst v63  }
0x1d4: {  	s4 =	sadd.s32 @!p0 $0x20, s15  }
0x1d5: {  	s19 =	simm.s32 @!p0 $0x1900;
	s4 =	sadd.s32 @!p0 s7, s4  }
0x1d6: {  	[tilespmem:s19], [sflag:$0x1] =	stream.indirect_vreg.gather @!p0 [hbm4b:s11+s0], $0x80, v2, vm1, $0xb8;
	[tilespmem:$0x18100] =	vst v63  }
0x1d7: {  	s4 =	sshll.u32 @!p0 s4, $0x7  }
0x1d8: {  	s19 =	simm.s32 @!p0 $0x8100;
	s4 =	sadd.s32 @!p0 s1, s4  }
0x1d9: {  	[tilespmem:s19], [sflag:$0x1] =	stream.linear.gather @!p0 [hbm4b:s4+s0], $0x2000, $0x38;
	[tilespmem:$0x18100] =	vst v63  }
0x1da: {  	_ =	swait.ge [sflag:s31], $0x2000  }
0x1db: {  	[sflag:s31] =	ssyncset.done $0x0  }
0x1dc: {  	[sflag:s31] =	ssyncadd.s32 $0xFFFFE000  }
0x1dd: {  	_ =	swait.ge [sflag:s31], $0x2000  }
0x1de: {  	s25 =	simm.s32 $0x2100;
	s22 =	sor.u32 $0x400, s17;
	[sflag:s31] =	ssyncset.done $0x0  }
0x1df: {  	s26 =	simm.s32 $0xA140;
	s24 =	sadd.s32 s5, s22;
	[sflag:s31] =	ssyncadd.s32 $0xFFFFE000  }
0x1e0: {  	[hbm4b:s24+s6] =	stream.linear.scatter [tilespmem:s25], [sflag:$0x6], $0x2000, $0x38;
	[tilespmem:$0x18100] =	vst v63  }
0x1e1: {  	v2 =	vld [tilespmem:s26+$0x30]  }
0x1e2: {  	s0 =	simm.s32 $0x2140;
	v3 =	vld [tilespmem:s26+$0xFFFFFFD0]  }
0x1e3: {  	v4 =	vld [tilespmem:s0+$0x30]  }
0x1e4: {  	v5 =	vld [tilespmem:s26+$0xFFFFFFE0]  }
0x1e5: {  	v6 =	vld [tilespmem:s26+$0xFFFFFFF0]  }
0x1e6: {  	v10 =	vld [tilespmem:s26+$0x0]  }
0x1e7: {  	v11 =	vld [tilespmem:s26+$0x10]  }
0x1e8: {  	v12 =	vld [tilespmem:s26+$0x20]  }
0x1e9: {  	v9 =	vld [tilespmem:s26+$0xFFFFFFC0]  }
0x1ea: {  	v13 =	vld [tilespmem:s0+$0xFFFFFFC0]  }
0x1eb: {  	v14 =	vld [tilespmem:s0+$0xFFFFFFD0]  }
0x1ec: {  	v8 =	vld [tilespmem:s0+$0xFFFFFFE0];
	v15 =	vmul.f32 $3.200000000e+01, v2  }
0x1ed: {  	v7 =	vld [tilespmem:s0+$0xFFFFFFF0];
	v16 =	vmul.f32 $3.200000000e+01, v3;
	v2 =	vmul.f32 $3.200000000e+01, v5  }
0x1ee: {  	v3 =	vmul.f32 $3.200000000e+01, v6;
	v17 =	vmul.f32 $3.200000000e+01, v9;
	v9 =	vld [tilespmem:s0+$0x0];
	v15 =	vadd.f32 v4, v15  }
0x1ef: {  	s23 =	simm.s32 $0x121F0;
	s19 =	simm.s32 $0x0;
	s25 =	simm.s32 $0x12140;
	v5 =	vmul.f32 $3.200000000e+01, v10;
	v10 =	vld [tilespmem:s0+$0x10];
	v6 =	vmul.f32 $3.200000000e+01, v12  }
0x1f0: {  	s4 =	simm.s32 $0xA1F0;
	s24 =	simm.s32 $0xA540;
	s26 =	simm.s32 $0x21F0;
	v4 =	vmul.f32 $3.200000000e+01, v11;
	v13 =	vadd.f32 v13, v17;
	v12 =	vadd.f32 v14, v16;
	v11 =	vld [tilespmem:s0+$0x20];
	[tilespmem:s25+$0x30] =	vst v15  }
.LBB2_19:
0x1f1: {  	v14 =	vld [tilespmem:s24+$0x30];
	s19 =	sadd.s32 $0x8, s19;
	v2 =	vadd.f32 v8, v2  }
0x1f2: {  	s0 =	sadd.s32 $0x400, s0;
	v8 =	vld [tilespmem:s24+$0xFFFFFFD0];
	p1 =	slt.u32 s19, $0x38;
	[tilespmem:s25+$0xFFFFFFC0] =	vst v13;
	v3 =	vadd.f32 v7, v3  }
0x1f3: {  	v7 =	vld [tilespmem:s0+$0x30];
	[tilespmem:s25+$0xFFFFFFD0] =	vst v12;
	v5 =	vadd.f32 v9, v5  }
0x1f4: {  	v9 =	vld [tilespmem:s24+$0xFFFFFFE0];
	[tilespmem:s25+$0xFFFFFFE0] =	vst v2;
	v2 =	vadd.f32 v10, v4  }
0x1f5: {  	v4 =	vld [tilespmem:s24+$0xFFFFFFF0];
	[tilespmem:s25+$0xFFFFFFF0] =	vst v3;
	v3 =	vadd.f32 v11, v6  }
0x1f6: {  	v6 =	vld [tilespmem:s24+$0x0];
	v10 =	vmul.f32 $3.200000000e+01, v14;
	[tilespmem:s25+$0x0] =	vst v5  }
0x1f7: {  	v11 =	vmul.f32 $3.200000000e+01, v8;
	v12 =	vld [tilespmem:s24+$0x10];
	[tilespmem:s25+$0x10] =	vst v2  }
0x1f8: {  	v13 =	vld [tilespmem:s24+$0x20];
	v5 =	vadd.f32 v7, v10;
	[tilespmem:s25+$0x20] =	vst v3  }
0x1f9: {  	s25 =	sadd.s32 $0x400, s25;
	v10 =	vld [tilespmem:s24+$0xFFFFFFC0];
	v2 =	vmul.f32 $3.200000000e+01, v9  }
0x1fa: {  	v14 =	vld [tilespmem:s0+$0xFFFFFFC0];
	v3 =	vmul.f32 $3.200000000e+01, v4;
	[tilespmem:s25+$0x30] =	vst v5  }
0x1fb: {  	v15 =	vld [tilespmem:s0+$0xFFFFFFD0];
	v5 =	vmul.f32 $3.200000000e+01, v6  }
.Ltmp10:
0x1fc: {  	v8 =	vld [tilespmem:s0+$0xFFFFFFE0];
	v4 =	vmul.f32 $3.200000000e+01, v12;
	(pc) =	sbr.rel @p1 .LBB2_19-.Ltmp10, $4  }
0x1fd: {  	v7 =	vld [tilespmem:s0+$0xFFFFFFF0];
	v6 =	vmul.f32 $3.200000000e+01, v13  }
0x1fe: {  	v12 =	vmul.f32 $3.200000000e+01, v10;
	v9 =	vld [tilespmem:s0+$0x0]  }
0x1ff: {  	v10 =	vld [tilespmem:s0+$0x10]  }
0x200: {  	s24 =	sadd.s32 $0x400, s24;
	v13 =	vadd.f32 v14, v12;
	v12 =	vadd.f32 v15, v11;
	v11 =	vld [tilespmem:s0+$0x20]  }
0x201: {  	_ = 	snop  }
0x202: {  	v2 =	vadd.f32 v8, v2;
	[tilespmem:s25+$0xFFFFFFC0] =	vst v13  }
0x203: {  	v3 =	vadd.f32 v7, v3;
	[tilespmem:s25+$0xFFFFFFD0] =	vst v12  }
0x204: {  	v5 =	vadd.f32 v9, v5;
	[tilespmem:s25+$0xFFFFFFE0] =	vst v2  }
0x205: {  	v2 =	vadd.f32 v10, v4;
	[tilespmem:s25+$0xFFFFFFF0] =	vst v3  }
0x206: {  	v3 =	vadd.f32 v11, v6;
	[tilespmem:s25+$0x0] =	vst v5  }
0x207: {  	[tilespmem:s25+$0x10] =	vst v2  }
0x208: {  	[tilespmem:s25+$0x20] =	vst v3  }
0x209: {  	v2 =	vld [tilespmem:s4+$0x0]  }
0x20a: {  	v3 =	vld [tilespmem:s4+$0xFFFFFFA0]  }
0x20b: {  	v4 =	vld [tilespmem:s26+$0x0]  }
0x20c: {  	v5 =	vld [tilespmem:s4+$0xFFFFFFB0]  }
0x20d: {  	v6 =	vld [tilespmem:s4+$0xFFFFFFC0]  }
0x20e: {  	v10 =	vld [tilespmem:s4+$0xFFFFFFD0]  }
0x20f: {  	v11 =	vld [tilespmem:s4+$0xFFFFFFE0]  }
0x210: {  	v12 =	vld [tilespmem:s4+$0xFFFFFFF0]  }
0x211: {  	v9 =	vld [tilespmem:s4+$0xFFFFFF90]  }
0x212: {  	v13 =	vld [tilespmem:s26+$0xFFFFFF90]  }
0x213: {  	v14 =	vld [tilespmem:s26+$0xFFFFFFA0]  }
0x214: {  	v8 =	vld [tilespmem:s26+$0xFFFFFFB0];
	v15 =	vmul.f32 $3.200000000e+01, v2  }
0x215: {  	v7 =	vld [tilespmem:s26+$0xFFFFFFC0];
	v16 =	vmul.f32 $3.200000000e+01, v3;
	v2 =	vmul.f32 $3.200000000e+01, v5  }
0x216: {  	v3 =	vmul.f32 $3.200000000e+01, v6;
	v17 =	vmul.f32 $3.200000000e+01, v9;
	v9 =	vld [tilespmem:s26+$0xFFFFFFD0];
	v15 =	vadd.f32 v4, v15  }
0x217: {  	s19 =	simm.s32 $0x0;
	s0 =	simm.s32 $0x2270;
	v5 =	vmul.f32 $3.200000000e+01, v10;
	v10 =	vld [tilespmem:s26+$0xFFFFFFE0];
	v6 =	vmul.f32 $3.200000000e+01, v12  }
0x218: {  	s24 =	simm.s32 $0xA5F0;
	s25 =	simm.s32 $0x12270;
	s4 =	simm.s32 $0xA270;
	v4 =	vmul.f32 $3.200000000e+01, v11;
	v13 =	vadd.f32 v13, v17;
	v12 =	vadd.f32 v14, v16;
	v11 =	vld [tilespmem:s26+$0xFFFFFFF0];
	[tilespmem:s23+$0x0] =	vst v15  }
.LBB2_21:
0x219: {  	v14 =	vld [tilespmem:s24+$0x0];
	s19 =	sadd.s32 $0x8, s19;
	v2 =	vadd.f32 v8, v2  }
0x21a: {  	s26 =	sadd.s32 $0x400, s26;
	v8 =	vld [tilespmem:s24+$0xFFFFFFA0];
	p1 =	slt.u32 s19, $0x38;
	[tilespmem:s23+$0xFFFFFF90] =	vst v13;
	v3 =	vadd.f32 v7, v3  }
0x21b: {  	v7 =	vld [tilespmem:s26+$0x0];
	[tilespmem:s23+$0xFFFFFFA0] =	vst v12;
	v5 =	vadd.f32 v9, v5  }
0x21c: {  	v9 =	vld [tilespmem:s24+$0xFFFFFFB0];
	[tilespmem:s23+$0xFFFFFFB0] =	vst v2;
	v2 =	vadd.f32 v10, v4  }
0x21d: {  	v4 =	vld [tilespmem:s24+$0xFFFFFFC0];
	[tilespmem:s23+$0xFFFFFFC0] =	vst v3;
	v3 =	vadd.f32 v11, v6  }
0x21e: {  	v6 =	vld [tilespmem:s24+$0xFFFFFFD0];
	v10 =	vmul.f32 $3.200000000e+01, v14;
	[tilespmem:s23+$0xFFFFFFD0] =	vst v5  }
0x21f: {  	v11 =	vmul.f32 $3.200000000e+01, v8;
	v12 =	vld [tilespmem:s24+$0xFFFFFFE0];
	[tilespmem:s23+$0xFFFFFFE0] =	vst v2  }
0x220: {  	v13 =	vld [tilespmem:s24+$0xFFFFFFF0];
	v5 =	vadd.f32 v7, v10;
	[tilespmem:s23+$0xFFFFFFF0] =	vst v3  }
0x221: {  	s23 =	sadd.s32 $0x400, s23;
	v10 =	vld [tilespmem:s24+$0xFFFFFF90];
	v2 =	vmul.f32 $3.200000000e+01, v9  }
0x222: {  	v14 =	vld [tilespmem:s26+$0xFFFFFF90];
	v3 =	vmul.f32 $3.200000000e+01, v4;
	[tilespmem:s23+$0x0] =	vst v5  }
0x223: {  	v15 =	vld [tilespmem:s26+$0xFFFFFFA0];
	v5 =	vmul.f32 $3.200000000e+01, v6  }
.Ltmp11:
0x224: {  	v8 =	vld [tilespmem:s26+$0xFFFFFFB0];
	v4 =	vmul.f32 $3.200000000e+01, v12;
	(pc) =	sbr.rel @p1 .LBB2_21-.Ltmp11, $4  }
0x225: {  	v7 =	vld [tilespmem:s26+$0xFFFFFFC0];
	v6 =	vmul.f32 $3.200000000e+01, v13  }
0x226: {  	v12 =	vmul.f32 $3.200000000e+01, v10;
	v9 =	vld [tilespmem:s26+$0xFFFFFFD0]  }
0x227: {  	v10 =	vld [tilespmem:s26+$0xFFFFFFE0]  }
0x228: {  	s24 =	sadd.s32 $0x400, s24;
	v13 =	vadd.f32 v14, v12;
	v12 =	vadd.f32 v15, v11;
	v11 =	vld [tilespmem:s26+$0xFFFFFFF0]  }
0x229: {  	_ = 	snop  }
0x22a: {  	v2 =	vadd.f32 v8, v2;
	[tilespmem:s23+$0xFFFFFF90] =	vst v13  }
0x22b: {  	v3 =	vadd.f32 v7, v3;
	[tilespmem:s23+$0xFFFFFFA0] =	vst v12  }
0x22c: {  	v5 =	vadd.f32 v9, v5;
	[tilespmem:s23+$0xFFFFFFB0] =	vst v2  }
0x22d: {  	v2 =	vadd.f32 v10, v4;
	[tilespmem:s23+$0xFFFFFFC0] =	vst v3  }
0x22e: {  	v3 =	vadd.f32 v11, v6;
	[tilespmem:s23+$0xFFFFFFD0] =	vst v5  }
0x22f: {  	[tilespmem:s23+$0xFFFFFFE0] =	vst v2  }
0x230: {  	[tilespmem:s23+$0xFFFFFFF0] =	vst v3  }
0x231: {  	v2 =	vld [tilespmem:s4+$0x0]  }
0x232: {  	v3 =	vld [tilespmem:s4+$0xFFFFFFA0]  }
0x233: {  	v4 =	vld [tilespmem:s0+$0x0]  }
0x234: {  	v5 =	vld [tilespmem:s4+$0xFFFFFFB0]  }
0x235: {  	v6 =	vld [tilespmem:s4+$0xFFFFFFC0]  }
0x236: {  	v10 =	vld [tilespmem:s4+$0xFFFFFFD0]  }
0x237: {  	v11 =	vld [tilespmem:s4+$0xFFFFFFE0]  }
0x238: {  	v12 =	vld [tilespmem:s4+$0xFFFFFFF0]  }
0x239: {  	v9 =	vld [tilespmem:s4+$0xFFFFFF90]  }
0x23a: {  	v13 =	vld [tilespmem:s0+$0xFFFFFF90]  }
0x23b: {  	v14 =	vld [tilespmem:s0+$0xFFFFFFA0]  }
0x23c: {  	v8 =	vld [tilespmem:s0+$0xFFFFFFB0];
	v15 =	vmul.f32 $3.200000000e+01, v2  }
0x23d: {  	v7 =	vld [tilespmem:s0+$0xFFFFFFC0];
	v16 =	vmul.f32 $3.200000000e+01, v3;
	v2 =	vmul.f32 $3.200000000e+01, v5  }
0x23e: {  	v3 =	vmul.f32 $3.200000000e+01, v6;
	v17 =	vmul.f32 $3.200000000e+01, v9;
	v9 =	vld [tilespmem:s0+$0xFFFFFFD0];
	v15 =	vadd.f32 v4, v15  }
0x23f: {  	s19 =	simm.s32 $0x0;
	s26 =	simm.s32 $0x22F0;
	v5 =	vmul.f32 $3.200000000e+01, v10;
	v10 =	vld [tilespmem:s0+$0xFFFFFFE0];
	v6 =	vmul.f32 $3.200000000e+01, v12  }
0x240: {  	s24 =	simm.s32 $0xA670;
	s23 =	simm.s32 $0x122F0;
	s4 =	simm.s32 $0xA2F0;
	v4 =	vmul.f32 $3.200000000e+01, v11;
	v13 =	vadd.f32 v13, v17;
	v12 =	vadd.f32 v14, v16;
	v11 =	vld [tilespmem:s0+$0xFFFFFFF0];
	[tilespmem:s25+$0x0] =	vst v15  }
.LBB2_23:
0x241: {  	v14 =	vld [tilespmem:s24+$0x0];
	s19 =	sadd.s32 $0x8, s19;
	v2 =	vadd.f32 v8, v2  }
0x242: {  	s0 =	sadd.s32 $0x400, s0;
	v8 =	vld [tilespmem:s24+$0xFFFFFFA0];
	p1 =	slt.u32 s19, $0x38;
	[tilespmem:s25+$0xFFFFFF90] =	vst v13;
	v3 =	vadd.f32 v7, v3  }
0x243: {  	v7 =	vld [tilespmem:s0+$0x0];
	[tilespmem:s25+$0xFFFFFFA0] =	vst v12;
	v5 =	vadd.f32 v9, v5  }
0x244: {  	v9 =	vld [tilespmem:s24+$0xFFFFFFB0];
	[tilespmem:s25+$0xFFFFFFB0] =	vst v2;
	v2 =	vadd.f32 v10, v4  }
0x245: {  	v4 =	vld [tilespmem:s24+$0xFFFFFFC0];
	[tilespmem:s25+$0xFFFFFFC0] =	vst v3;
	v3 =	vadd.f32 v11, v6  }
0x246: {  	v6 =	vld [tilespmem:s24+$0xFFFFFFD0];
	v10 =	vmul.f32 $3.200000000e+01, v14;
	[tilespmem:s25+$0xFFFFFFD0] =	vst v5  }
0x247: {  	v11 =	vmul.f32 $3.200000000e+01, v8;
	v12 =	vld [tilespmem:s24+$0xFFFFFFE0];
	[tilespmem:s25+$0xFFFFFFE0] =	vst v2  }
0x248: {  	v13 =	vld [tilespmem:s24+$0xFFFFFFF0];
	v5 =	vadd.f32 v7, v10;
	[tilespmem:s25+$0xFFFFFFF0] =	vst v3  }
0x249: {  	s25 =	sadd.s32 $0x400, s25;
	v10 =	vld [tilespmem:s24+$0xFFFFFF90];
	v2 =	vmul.f32 $3.200000000e+01, v9  }
0x24a: {  	v14 =	vld [tilespmem:s0+$0xFFFFFF90];
	v3 =	vmul.f32 $3.200000000e+01, v4;
	[tilespmem:s25+$0x0] =	vst v5  }
0x24b: {  	v15 =	vld [tilespmem:s0+$0xFFFFFFA0];
	v5 =	vmul.f32 $3.200000000e+01, v6  }
.Ltmp12:
0x24c: {  	v8 =	vld [tilespmem:s0+$0xFFFFFFB0];
	v4 =	vmul.f32 $3.200000000e+01, v12;
	(pc) =	sbr.rel @p1 .LBB2_23-.Ltmp12, $4  }
0x24d: {  	v7 =	vld [tilespmem:s0+$0xFFFFFFC0];
	v6 =	vmul.f32 $3.200000000e+01, v13  }
0x24e: {  	v12 =	vmul.f32 $3.200000000e+01, v10;
	v9 =	vld [tilespmem:s0+$0xFFFFFFD0]  }
0x24f: {  	v10 =	vld [tilespmem:s0+$0xFFFFFFE0]  }
0x250: {  	s24 =	sadd.s32 $0x400, s24;
	v13 =	vadd.f32 v14, v12;
	v12 =	vadd.f32 v15, v11;
	v11 =	vld [tilespmem:s0+$0xFFFFFFF0]  }
0x251: {  	_ = 	snop  }
0x252: {  	v2 =	vadd.f32 v8, v2;
	[tilespmem:s25+$0xFFFFFF90] =	vst v13  }
0x253: {  	v3 =	vadd.f32 v7, v3;
	[tilespmem:s25+$0xFFFFFFA0] =	vst v12  }
0x254: {  	v5 =	vadd.f32 v9, v5;
	[tilespmem:s25+$0xFFFFFFB0] =	vst v2  }
0x255: {  	v2 =	vadd.f32 v10, v4;
	[tilespmem:s25+$0xFFFFFFC0] =	vst v3  }
0x256: {  	v3 =	vadd.f32 v11, v6;
	[tilespmem:s25+$0xFFFFFFD0] =	vst v5  }
0x257: {  	[tilespmem:s25+$0xFFFFFFE0] =	vst v2  }
0x258: {  	[tilespmem:s25+$0xFFFFFFF0] =	vst v3  }
0x259: {  	v2 =	vld [tilespmem:s4+$0x0]  }
0x25a: {  	v3 =	vld [tilespmem:s4+$0xFFFFFFA0]  }
0x25b: {  	v5 =	vld [tilespmem:s26+$0x0]  }
0x25c: {  	v4 =	vld [tilespmem:s4+$0xFFFFFFB0]  }
0x25d: {  	v6 =	vld [tilespmem:s4+$0xFFFFFFC0]  }
0x25e: {  	v8 =	vld [tilespmem:s4+$0xFFFFFFD0]  }
0x25f: {  	v11 =	vld [tilespmem:s4+$0xFFFFFFE0]  }
0x260: {  	v12 =	vld [tilespmem:s4+$0xFFFFFFF0]  }
0x261: {  	v10 =	vld [tilespmem:s4+$0xFFFFFF90]  }
0x262: {  	v13 =	vld [tilespmem:s26+$0xFFFFFF90]  }
0x263: {  	v14 =	vld [tilespmem:s26+$0xFFFFFFA0]  }
0x264: {  	v9 =	vld [tilespmem:s26+$0xFFFFFFB0];
	v2 =	vmul.f32 $3.200000000e+01, v2  }
0x265: {  	v7 =	vld [tilespmem:s26+$0xFFFFFFC0];
	v15 =	vmul.f32 $3.200000000e+01, v3;
	v4 =	vmul.f32 $3.200000000e+01, v4  }
0x266: {  	v16 =	vmul.f32 $3.200000000e+01, v10;
	v10 =	vld [tilespmem:s26+$0xFFFFFFD0];
	v3 =	vadd.f32 v5, v2;
	v5 =	vmul.f32 $3.200000000e+01, v6  }
0x267: {  	v6 =	vmul.f32 $3.200000000e+01, v8;
	v2 =	vmul.f32 $3.200000000e+01, v11;
	v8 =	vld [tilespmem:s26+$0xFFFFFFE0]  }
0x268: {  	s0 =	simm.s32 $0x0;
	s4 =	simm.s32 $0xA6F0;
	v13 =	vadd.f32 v13, v16;
	v11 =	vld [tilespmem:s26+$0xFFFFFFF0];
	[tilespmem:s23+$0x0] =	vst v3;
	v3 =	vmul.f32 $3.200000000e+01, v12;
	v12 =	vadd.f32 v14, v15  }
.LBB2_25:
0x269: {  	v14 =	vld [tilespmem:s4+$0x0];
	s0 =	sadd.s32 $0x8, s0;
	v4 =	vadd.f32 v9, v4  }
0x26a: {  	s26 =	sadd.s32 $0x400, s26;
	v9 =	vld [tilespmem:s4+$0xFFFFFFA0];
	p1 =	slt.u32 s0, $0x38;
	[tilespmem:s23+$0xFFFFFF90] =	vst v13;
	v5 =	vadd.f32 v7, v5  }
0x26b: {  	v7 =	vld [tilespmem:s26+$0x0];
	[tilespmem:s23+$0xFFFFFFA0] =	vst v12;
	v6 =	vadd.f32 v10, v6  }
0x26c: {  	v10 =	vld [tilespmem:s4+$0xFFFFFFB0];
	[tilespmem:s23+$0xFFFFFFB0] =	vst v4;
	v2 =	vadd.f32 v8, v2  }
0x26d: {  	v8 =	vld [tilespmem:s4+$0xFFFFFFC0];
	[tilespmem:s23+$0xFFFFFFC0] =	vst v5;
	v3 =	vadd.f32 v11, v3  }
0x26e: {  	v11 =	vld [tilespmem:s4+$0xFFFFFFD0];
	v4 =	vmul.f32 $3.200000000e+01, v14;
	[tilespmem:s23+$0xFFFFFFD0] =	vst v6  }
0x26f: {  	v12 =	vmul.f32 $3.200000000e+01, v9;
	v13 =	vld [tilespmem:s4+$0xFFFFFFE0];
	[tilespmem:s23+$0xFFFFFFE0] =	vst v2  }
0x270: {  	v14 =	vld [tilespmem:s4+$0xFFFFFFF0];
	v2 =	vadd.f32 v7, v4;
	[tilespmem:s23+$0xFFFFFFF0] =	vst v3  }
0x271: {  	s23 =	sadd.s32 $0x400, s23;
	v15 =	vld [tilespmem:s4+$0xFFFFFF90];
	v4 =	vmul.f32 $3.200000000e+01, v10  }
0x272: {  	v16 =	vld [tilespmem:s26+$0xFFFFFF90];
	v5 =	vmul.f32 $3.200000000e+01, v8;
	[tilespmem:s23+$0x0] =	vst v2  }
0x273: {  	v17 =	vld [tilespmem:s26+$0xFFFFFFA0];
	v6 =	vmul.f32 $3.200000000e+01, v11  }
.Ltmp13:
0x274: {  	v9 =	vld [tilespmem:s26+$0xFFFFFFB0];
	v2 =	vmul.f32 $3.200000000e+01, v13;
	(pc) =	sbr.rel @p1 .LBB2_25-.Ltmp13, $4  }
0x275: {  	v7 =	vld [tilespmem:s26+$0xFFFFFFC0];
	v3 =	vmul.f32 $3.200000000e+01, v14  }
0x276: {  	v11 =	vmul.f32 $3.200000000e+01, v15;
	v10 =	vld [tilespmem:s26+$0xFFFFFFD0]  }
0x277: {  	v8 =	vld [tilespmem:s26+$0xFFFFFFE0]  }
0x278: {  	s4 =	sadd.s32 $0x400, s4;
	v13 =	vadd.f32 v16, v11;
	v12 =	vadd.f32 v17, v12;
	v11 =	vld [tilespmem:s26+$0xFFFFFFF0]  }
0x279: {  	_ = 	snop  }
0x27a: {  	v4 =	vadd.f32 v9, v4;
	[tilespmem:s23+$0xFFFFFF90] =	vst v13  }
0x27b: {  	v5 =	vadd.f32 v7, v5;
	[tilespmem:s23+$0xFFFFFFA0] =	vst v12  }
0x27c: {  	v6 =	vadd.f32 v10, v6;
	[tilespmem:s23+$0xFFFFFFB0] =	vst v4  }
0x27d: {  	v2 =	vadd.f32 v8, v2;
	[tilespmem:s23+$0xFFFFFFC0] =	vst v5  }
0x27e: {  	v3 =	vadd.f32 v11, v3;
	[tilespmem:s23+$0xFFFFFFD0] =	vst v6  }
0x27f: {  	[tilespmem:s23+$0xFFFFFFE0] =	vst v2  }
0x280: {  	s0 =	sadd.s32 s3, s22;
	s4 =	simm.s32 $0x12100;
	[tilespmem:s23+$0xFFFFFFF0] =	vst v3  }
0x281: {  	[hbm4b:s0+s6] =	stream.linear.scatter [tilespmem:s4], [sflag:$0x6], $0x200, $0x38;
	[tilespmem:$0x18100] =	vst v63  }
0x282: {  	s19 =	simm.s32 $0x12500;
	s26 =	sadd.s32 $0x80, s0  }
0x283: {  	[hbm4b:s26+s6] =	stream.linear.scatter [tilespmem:s19], [sflag:$0x6], $0x200, $0x38;
	[tilespmem:$0x18100] =	vst v63  }
0x284: {  	s24 =	simm.s32 $0x12900;
	s23 =	sadd.s32 $0x100, s0  }
0x285: {  	[hbm4b:s23+s6] =	stream.linear.scatter [tilespmem:s24], [sflag:$0x6], $0x200, $0x38;
	[tilespmem:$0x18100] =	vst v63  }
0x286: {  	s25 =	sadd.s32 $0x180, s0;
	s26 =	simm.s32 $0x12D00  }
0x287: {  	[hbm4b:s25+s6] =	stream.linear.scatter [tilespmem:s26], [sflag:$0x6], $0x200, $0x38;
	[tilespmem:$0x18100] =	vst v63  }
0x288: {  	s23 =	sadd.s32 $0x200, s0;
	s24 =	simm.s32 $0x13100  }
0x289: {  	[hbm4b:s23+s6] =	stream.linear.scatter [tilespmem:s24], [sflag:$0x6], $0x200, $0x38;
	[tilespmem:$0x18100] =	vst v63  }
0x28a: {  	s25 =	sadd.s32 $0x280, s0;
	s26 =	simm.s32 $0x13500  }
0x28b: {  	[hbm4b:s25+s6] =	stream.linear.scatter [tilespmem:s26], [sflag:$0x6], $0x200, $0x38;
	[tilespmem:$0x18100] =	vst v63  }
0x28c: {  	s23 =	sadd.s32 $0x300, s0;
	s24 =	simm.s32 $0x13900  }
0x28d: {  	[hbm4b:s23+s6] =	stream.linear.scatter [tilespmem:s24], [sflag:$0x6], $0x200, $0x38;
	[tilespmem:$0x18100] =	vst v63  }
0x28e: {  	s0 =	sadd.s32 $0x380, s0;
	s25 =	simm.s32 $0x13D00;
	s26 =	simm.s32 $0xA370  }
0x28f: {  	[hbm4b:s0+s6] =	stream.linear.scatter [tilespmem:s25], [sflag:$0x6], $0x200, $0x38;
	[tilespmem:$0x18100] =	vst v63  }
0x290: {  	v2 =	vld [tilespmem:s26+$0x0]  }
0x291: {  	s0 =	simm.s32 $0x2370;
	v3 =	vld [tilespmem:s26+$0xFFFFFFA0]  }
0x292: {  	v4 =	vld [tilespmem:s0+$0x0]  }
0x293: {  	v5 =	vld [tilespmem:s26+$0xFFFFFFB0]  }
0x294: {  	v6 =	vld [tilespmem:s26+$0xFFFFFFC0]  }
0x295: {  	v10 =	vld [tilespmem:s26+$0xFFFFFFD0]  }
0x296: {  	v11 =	vld [tilespmem:s26+$0xFFFFFFE0]  }
0x297: {  	v12 =	vld [tilespmem:s26+$0xFFFFFFF0]  }
0x298: {  	v9 =	vld [tilespmem:s26+$0xFFFFFF90]  }
0x299: {  	v13 =	vld [tilespmem:s0+$0xFFFFFF90]  }
0x29a: {  	v14 =	vld [tilespmem:s0+$0xFFFFFFA0]  }
0x29b: {  	v8 =	vld [tilespmem:s0+$0xFFFFFFB0];
	v15 =	vmul.f32 $3.200000000e+01, v2  }
0x29c: {  	v7 =	vld [tilespmem:s0+$0xFFFFFFC0];
	v16 =	vmul.f32 $3.200000000e+01, v3;
	v2 =	vmul.f32 $3.200000000e+01, v5  }
0x29d: {  	v3 =	vmul.f32 $3.200000000e+01, v6;
	v17 =	vmul.f32 $3.200000000e+01, v9;
	v9 =	vld [tilespmem:s0+$0xFFFFFFD0];
	v15 =	vadd.f32 v4, v15  }
0x29e: {  	s4 =	simm.s32 $0xA3F0;
	s19 =	simm.s32 $0x0;
	s25 =	simm.s32 $0x12370;
	v5 =	vmul.f32 $3.200000000e+01, v10;
	v10 =	vld [tilespmem:s0+$0xFFFFFFE0];
	v6 =	vmul.f32 $3.200000000e+01, v12  }
0x29f: {  	s23 =	simm.s32 $0x123F0;
	s24 =	simm.s32 $0xA770;
	s26 =	simm.s32 $0x23F0;
	v4 =	vmul.f32 $3.200000000e+01, v11;
	v13 =	vadd.f32 v13, v17;
	v12 =	vadd.f32 v14, v16;
	v11 =	vld [tilespmem:s0+$0xFFFFFFF0];
	[tilespmem:s25+$0x0] =	vst v15  }
.LBB2_27:
0x2a0: {  	v14 =	vld [tilespmem:s24+$0x0];
	s19 =	sadd.s32 $0x8, s19;
	v2 =	vadd.f32 v8, v2  }
0x2a1: {  	s0 =	sadd.s32 $0x400, s0;
	v8 =	vld [tilespmem:s24+$0xFFFFFFA0];
	p1 =	slt.u32 s19, $0x38;
	[tilespmem:s25+$0xFFFFFF90] =	vst v13;
	v3 =	vadd.f32 v7, v3  }
0x2a2: {  	v7 =	vld [tilespmem:s0+$0x0];
	[tilespmem:s25+$0xFFFFFFA0] =	vst v12;
	v5 =	vadd.f32 v9, v5  }
0x2a3: {  	v9 =	vld [tilespmem:s24+$0xFFFFFFB0];
	[tilespmem:s25+$0xFFFFFFB0] =	vst v2;
	v2 =	vadd.f32 v10, v4  }
0x2a4: {  	v4 =	vld [tilespmem:s24+$0xFFFFFFC0];
	[tilespmem:s25+$0xFFFFFFC0] =	vst v3;
	v3 =	vadd.f32 v11, v6  }
0x2a5: {  	v6 =	vld [tilespmem:s24+$0xFFFFFFD0];
	v10 =	vmul.f32 $3.200000000e+01, v14;
	[tilespmem:s25+$0xFFFFFFD0] =	vst v5  }
0x2a6: {  	v11 =	vmul.f32 $3.200000000e+01, v8;
	v12 =	vld [tilespmem:s24+$0xFFFFFFE0];
	[tilespmem:s25+$0xFFFFFFE0] =	vst v2  }
0x2a7: {  	v13 =	vld [tilespmem:s24+$0xFFFFFFF0];
	v5 =	vadd.f32 v7, v10;
	[tilespmem:s25+$0xFFFFFFF0] =	vst v3  }
0x2a8: {  	s25 =	sadd.s32 $0x400, s25;
	v10 =	vld [tilespmem:s24+$0xFFFFFF90];
	v2 =	vmul.f32 $3.200000000e+01, v9  }
0x2a9: {  	v14 =	vld [tilespmem:s0+$0xFFFFFF90];
	v3 =	vmul.f32 $3.200000000e+01, v4;
	[tilespmem:s25+$0x0] =	vst v5  }
0x2aa: {  	v15 =	vld [tilespmem:s0+$0xFFFFFFA0];
	v5 =	vmul.f32 $3.200000000e+01, v6  }
.Ltmp14:
0x2ab: {  	v8 =	vld [tilespmem:s0+$0xFFFFFFB0];
	v4 =	vmul.f32 $3.200000000e+01, v12;
	(pc) =	sbr.rel @p1 .LBB2_27-.Ltmp14, $4  }
0x2ac: {  	v7 =	vld [tilespmem:s0+$0xFFFFFFC0];
	v6 =	vmul.f32 $3.200000000e+01, v13  }
0x2ad: {  	v12 =	vmul.f32 $3.200000000e+01, v10;
	v9 =	vld [tilespmem:s0+$0xFFFFFFD0]  }
0x2ae: {  	v10 =	vld [tilespmem:s0+$0xFFFFFFE0]  }
0x2af: {  	s24 =	sadd.s32 $0x400, s24;
	v13 =	vadd.f32 v14, v12;
	v12 =	vadd.f32 v15, v11;
	v11 =	vld [tilespmem:s0+$0xFFFFFFF0]  }
0x2b0: {  	_ = 	snop  }
0x2b1: {  	v2 =	vadd.f32 v8, v2;
	[tilespmem:s25+$0xFFFFFF90] =	vst v13  }
0x2b2: {  	v3 =	vadd.f32 v7, v3;
	[tilespmem:s25+$0xFFFFFFA0] =	vst v12  }
0x2b3: {  	v5 =	vadd.f32 v9, v5;
	[tilespmem:s25+$0xFFFFFFB0] =	vst v2  }
0x2b4: {  	v2 =	vadd.f32 v10, v4;
	[tilespmem:s25+$0xFFFFFFC0] =	vst v3  }
0x2b5: {  	v3 =	vadd.f32 v11, v6;
	[tilespmem:s25+$0xFFFFFFD0] =	vst v5  }
0x2b6: {  	[tilespmem:s25+$0xFFFFFFE0] =	vst v2  }
0x2b7: {  	[tilespmem:s25+$0xFFFFFFF0] =	vst v3  }
0x2b8: {  	v2 =	vld [tilespmem:s4+$0x0]  }
0x2b9: {  	v3 =	vld [tilespmem:s4+$0xFFFFFFA0]  }
0x2ba: {  	v4 =	vld [tilespmem:s26+$0x0]  }
0x2bb: {  	v5 =	vld [tilespmem:s4+$0xFFFFFFB0]  }
0x2bc: {  	v6 =	vld [tilespmem:s4+$0xFFFFFFC0]  }
0x2bd: {  	v10 =	vld [tilespmem:s4+$0xFFFFFFD0]  }
0x2be: {  	v11 =	vld [tilespmem:s4+$0xFFFFFFE0]  }
0x2bf: {  	v12 =	vld [tilespmem:s4+$0xFFFFFFF0]  }
0x2c0: {  	v9 =	vld [tilespmem:s4+$0xFFFFFF90]  }
0x2c1: {  	v13 =	vld [tilespmem:s26+$0xFFFFFF90]  }
0x2c2: {  	v14 =	vld [tilespmem:s26+$0xFFFFFFA0]  }
0x2c3: {  	v8 =	vld [tilespmem:s26+$0xFFFFFFB0];
	v15 =	vmul.f32 $3.200000000e+01, v2  }
0x2c4: {  	v7 =	vld [tilespmem:s26+$0xFFFFFFC0];
	v16 =	vmul.f32 $3.200000000e+01, v3;
	v2 =	vmul.f32 $3.200000000e+01, v5  }
0x2c5: {  	v3 =	vmul.f32 $3.200000000e+01, v6;
	v17 =	vmul.f32 $3.200000000e+01, v9;
	v9 =	vld [tilespmem:s26+$0xFFFFFFD0];
	v15 =	vadd.f32 v4, v15  }
0x2c6: {  	s19 =	simm.s32 $0x0;
	s0 =	simm.s32 $0x2470;
	v5 =	vmul.f32 $3.200000000e+01, v10;
	v10 =	vld [tilespmem:s26+$0xFFFFFFE0];
	v6 =	vmul.f32 $3.200000000e+01, v12  }
0x2c7: {  	s24 =	simm.s32 $0xA7F0;
	s25 =	simm.s32 $0x12470;
	s4 =	simm.s32 $0xA470;
	v4 =	vmul.f32 $3.200000000e+01, v11;
	v13 =	vadd.f32 v13, v17;
	v12 =	vadd.f32 v14, v16;
	v11 =	vld [tilespmem:s26+$0xFFFFFFF0];
	[tilespmem:s23+$0x0] =	vst v15  }
.LBB2_29:
0x2c8: {  	v14 =	vld [tilespmem:s24+$0x0];
	s19 =	sadd.s32 $0x8, s19;
	v2 =	vadd.f32 v8, v2  }
0x2c9: {  	s26 =	sadd.s32 $0x400, s26;
	v8 =	vld [tilespmem:s24+$0xFFFFFFA0];
	p1 =	slt.u32 s19, $0x38;
	[tilespmem:s23+$0xFFFFFF90] =	vst v13;
	v3 =	vadd.f32 v7, v3  }
0x2ca: {  	v7 =	vld [tilespmem:s26+$0x0];
	[tilespmem:s23+$0xFFFFFFA0] =	vst v12;
	v5 =	vadd.f32 v9, v5  }
0x2cb: {  	v9 =	vld [tilespmem:s24+$0xFFFFFFB0];
	[tilespmem:s23+$0xFFFFFFB0] =	vst v2;
	v2 =	vadd.f32 v10, v4  }
0x2cc: {  	v4 =	vld [tilespmem:s24+$0xFFFFFFC0];
	[tilespmem:s23+$0xFFFFFFC0] =	vst v3;
	v3 =	vadd.f32 v11, v6  }
0x2cd: {  	v6 =	vld [tilespmem:s24+$0xFFFFFFD0];
	v10 =	vmul.f32 $3.200000000e+01, v14;
	[tilespmem:s23+$0xFFFFFFD0] =	vst v5  }
0x2ce: {  	v11 =	vmul.f32 $3.200000000e+01, v8;
	v12 =	vld [tilespmem:s24+$0xFFFFFFE0];
	[tilespmem:s23+$0xFFFFFFE0] =	vst v2  }
0x2cf: {  	v13 =	vld [tilespmem:s24+$0xFFFFFFF0];
	v5 =	vadd.f32 v7, v10;
	[tilespmem:s23+$0xFFFFFFF0] =	vst v3  }
0x2d0: {  	s23 =	sadd.s32 $0x400, s23;
	v10 =	vld [tilespmem:s24+$0xFFFFFF90];
	v2 =	vmul.f32 $3.200000000e+01, v9  }
0x2d1: {  	v14 =	vld [tilespmem:s26+$0xFFFFFF90];
	v3 =	vmul.f32 $3.200000000e+01, v4;
	[tilespmem:s23+$0x0] =	vst v5  }
0x2d2: {  	v15 =	vld [tilespmem:s26+$0xFFFFFFA0];
	v5 =	vmul.f32 $3.200000000e+01, v6  }
.Ltmp15:
0x2d3: {  	v8 =	vld [tilespmem:s26+$0xFFFFFFB0];
	v4 =	vmul.f32 $3.200000000e+01, v12;
	(pc) =	sbr.rel @p1 .LBB2_29-.Ltmp15, $4  }
0x2d4: {  	v7 =	vld [tilespmem:s26+$0xFFFFFFC0];
	v6 =	vmul.f32 $3.200000000e+01, v13  }
0x2d5: {  	v12 =	vmul.f32 $3.200000000e+01, v10;
	v9 =	vld [tilespmem:s26+$0xFFFFFFD0]  }
0x2d6: {  	v10 =	vld [tilespmem:s26+$0xFFFFFFE0]  }
0x2d7: {  	s24 =	sadd.s32 $0x400, s24;
	v13 =	vadd.f32 v14, v12;
	v12 =	vadd.f32 v15, v11;
	v11 =	vld [tilespmem:s26+$0xFFFFFFF0]  }
0x2d8: {  	_ = 	snop  }
0x2d9: {  	v2 =	vadd.f32 v8, v2;
	[tilespmem:s23+$0xFFFFFF90] =	vst v13  }
0x2da: {  	v3 =	vadd.f32 v7, v3;
	[tilespmem:s23+$0xFFFFFFA0] =	vst v12  }
0x2db: {  	v5 =	vadd.f32 v9, v5;
	[tilespmem:s23+$0xFFFFFFB0] =	vst v2  }
0x2dc: {  	v2 =	vadd.f32 v10, v4;
	[tilespmem:s23+$0xFFFFFFC0] =	vst v3  }
0x2dd: {  	v3 =	vadd.f32 v11, v6;
	[tilespmem:s23+$0xFFFFFFD0] =	vst v5  }
0x2de: {  	[tilespmem:s23+$0xFFFFFFE0] =	vst v2  }
0x2df: {  	[tilespmem:s23+$0xFFFFFFF0] =	vst v3  }
0x2e0: {  	v2 =	vld [tilespmem:s4+$0x0]  }
0x2e1: {  	v3 =	vld [tilespmem:s4+$0xFFFFFFA0]  }
0x2e2: {  	v4 =	vld [tilespmem:s0+$0x0]  }
0x2e3: {  	v5 =	vld [tilespmem:s4+$0xFFFFFFB0]  }
0x2e4: {  	v6 =	vld [tilespmem:s4+$0xFFFFFFC0]  }
0x2e5: {  	v10 =	vld [tilespmem:s4+$0xFFFFFFD0]  }
0x2e6: {  	v11 =	vld [tilespmem:s4+$0xFFFFFFE0]  }
0x2e7: {  	v12 =	vld [tilespmem:s4+$0xFFFFFFF0]  }
0x2e8: {  	v9 =	vld [tilespmem:s4+$0xFFFFFF90]  }
0x2e9: {  	v13 =	vld [tilespmem:s0+$0xFFFFFF90]  }
0x2ea: {  	v14 =	vld [tilespmem:s0+$0xFFFFFFA0]  }
0x2eb: {  	v8 =	vld [tilespmem:s0+$0xFFFFFFB0];
	v15 =	vmul.f32 $3.200000000e+01, v2  }
0x2ec: {  	v7 =	vld [tilespmem:s0+$0xFFFFFFC0];
	v16 =	vmul.f32 $3.200000000e+01, v3;
	v2 =	vmul.f32 $3.200000000e+01, v5  }
0x2ed: {  	v3 =	vmul.f32 $3.200000000e+01, v6;
	v17 =	vmul.f32 $3.200000000e+01, v9;
	v9 =	vld [tilespmem:s0+$0xFFFFFFD0];
	v15 =	vadd.f32 v4, v15  }
0x2ee: {  	s19 =	simm.s32 $0x0;
	s26 =	simm.s32 $0x24F0;
	v5 =	vmul.f32 $3.200000000e+01, v10;
	v10 =	vld [tilespmem:s0+$0xFFFFFFE0];
	v6 =	vmul.f32 $3.200000000e+01, v12  }
0x2ef: {  	s24 =	simm.s32 $0xA870;
	s23 =	simm.s32 $0x124F0;
	s4 =	simm.s32 $0xA4F0;
	v4 =	vmul.f32 $3.200000000e+01, v11;
	v13 =	vadd.f32 v13, v17;
	v12 =	vadd.f32 v14, v16;
	v11 =	vld [tilespmem:s0+$0xFFFFFFF0];
	[tilespmem:s25+$0x0] =	vst v15  }
.LBB2_31:
0x2f0: {  	v14 =	vld [tilespmem:s24+$0x0];
	s19 =	sadd.s32 $0x8, s19;
	v2 =	vadd.f32 v8, v2  }
0x2f1: {  	s0 =	sadd.s32 $0x400, s0;
	v8 =	vld [tilespmem:s24+$0xFFFFFFA0];
	p1 =	slt.u32 s19, $0x38;
	[tilespmem:s25+$0xFFFFFF90] =	vst v13;
	v3 =	vadd.f32 v7, v3  }
0x2f2: {  	v7 =	vld [tilespmem:s0+$0x0];
	[tilespmem:s25+$0xFFFFFFA0] =	vst v12;
	v5 =	vadd.f32 v9, v5  }
0x2f3: {  	v9 =	vld [tilespmem:s24+$0xFFFFFFB0];
	[tilespmem:s25+$0xFFFFFFB0] =	vst v2;
	v2 =	vadd.f32 v10, v4  }
0x2f4: {  	v4 =	vld [tilespmem:s24+$0xFFFFFFC0];
	[tilespmem:s25+$0xFFFFFFC0] =	vst v3;
	v3 =	vadd.f32 v11, v6  }
0x2f5: {  	v6 =	vld [tilespmem:s24+$0xFFFFFFD0];
	v10 =	vmul.f32 $3.200000000e+01, v14;
	[tilespmem:s25+$0xFFFFFFD0] =	vst v5  }
0x2f6: {  	v11 =	vmul.f32 $3.200000000e+01, v8;
	v12 =	vld [tilespmem:s24+$0xFFFFFFE0];
	[tilespmem:s25+$0xFFFFFFE0] =	vst v2  }
0x2f7: {  	v13 =	vld [tilespmem:s24+$0xFFFFFFF0];
	v5 =	vadd.f32 v7, v10;
	[tilespmem:s25+$0xFFFFFFF0] =	vst v3  }
0x2f8: {  	s25 =	sadd.s32 $0x400, s25;
	v10 =	vld [tilespmem:s24+$0xFFFFFF90];
	v2 =	vmul.f32 $3.200000000e+01, v9  }
0x2f9: {  	v14 =	vld [tilespmem:s0+$0xFFFFFF90];
	v3 =	vmul.f32 $3.200000000e+01, v4;
	[tilespmem:s25+$0x0] =	vst v5  }
0x2fa: {  	v15 =	vld [tilespmem:s0+$0xFFFFFFA0];
	v5 =	vmul.f32 $3.200000000e+01, v6  }
.Ltmp16:
0x2fb: {  	v8 =	vld [tilespmem:s0+$0xFFFFFFB0];
	v4 =	vmul.f32 $3.200000000e+01, v12;
	(pc) =	sbr.rel @p1 .LBB2_31-.Ltmp16, $4  }
0x2fc: {  	v7 =	vld [tilespmem:s0+$0xFFFFFFC0];
	v6 =	vmul.f32 $3.200000000e+01, v13  }
0x2fd: {  	v12 =	vmul.f32 $3.200000000e+01, v10;
	v9 =	vld [tilespmem:s0+$0xFFFFFFD0]  }
0x2fe: {  	v10 =	vld [tilespmem:s0+$0xFFFFFFE0]  }
0x2ff: {  	s24 =	sadd.s32 $0x400, s24;
	v13 =	vadd.f32 v14, v12;
	v12 =	vadd.f32 v15, v11;
	v11 =	vld [tilespmem:s0+$0xFFFFFFF0]  }
0x300: {  	_ = 	snop  }
0x301: {  	v2 =	vadd.f32 v8, v2;
	[tilespmem:s25+$0xFFFFFF90] =	vst v13  }
0x302: {  	v3 =	vadd.f32 v7, v3;
	[tilespmem:s25+$0xFFFFFFA0] =	vst v12  }
0x303: {  	v5 =	vadd.f32 v9, v5;
	[tilespmem:s25+$0xFFFFFFB0] =	vst v2  }
0x304: {  	v2 =	vadd.f32 v10, v4;
	[tilespmem:s25+$0xFFFFFFC0] =	vst v3  }
0x305: {  	v3 =	vadd.f32 v11, v6;
	[tilespmem:s25+$0xFFFFFFD0] =	vst v5  }
0x306: {  	[tilespmem:s25+$0xFFFFFFE0] =	vst v2  }
0x307: {  	[tilespmem:s25+$0xFFFFFFF0] =	vst v3  }
0x308: {  	v2 =	vld [tilespmem:s4+$0x0]  }
0x309: {  	v3 =	vld [tilespmem:s4+$0xFFFFFFA0]  }
0x30a: {  	v5 =	vld [tilespmem:s26+$0x0]  }
0x30b: {  	v4 =	vld [tilespmem:s4+$0xFFFFFFB0]  }
0x30c: {  	v6 =	vld [tilespmem:s4+$0xFFFFFFC0]  }
0x30d: {  	v8 =	vld [tilespmem:s4+$0xFFFFFFD0]  }
0x30e: {  	v11 =	vld [tilespmem:s4+$0xFFFFFFE0]  }
0x30f: {  	v12 =	vld [tilespmem:s4+$0xFFFFFFF0]  }
0x310: {  	v10 =	vld [tilespmem:s4+$0xFFFFFF90]  }
0x311: {  	v13 =	vld [tilespmem:s26+$0xFFFFFF90]  }
0x312: {  	v14 =	vld [tilespmem:s26+$0xFFFFFFA0]  }
0x313: {  	v9 =	vld [tilespmem:s26+$0xFFFFFFB0];
	v2 =	vmul.f32 $3.200000000e+01, v2  }
0x314: {  	v7 =	vld [tilespmem:s26+$0xFFFFFFC0];
	v15 =	vmul.f32 $3.200000000e+01, v3;
	v4 =	vmul.f32 $3.200000000e+01, v4  }
0x315: {  	v16 =	vmul.f32 $3.200000000e+01, v10;
	v10 =	vld [tilespmem:s26+$0xFFFFFFD0];
	v3 =	vadd.f32 v5, v2;
	v5 =	vmul.f32 $3.200000000e+01, v6  }
0x316: {  	v6 =	vmul.f32 $3.200000000e+01, v8;
	v2 =	vmul.f32 $3.200000000e+01, v11;
	v8 =	vld [tilespmem:s26+$0xFFFFFFE0]  }
0x317: {  	s0 =	simm.s32 $0x0;
	s4 =	simm.s32 $0xA8F0;
	v13 =	vadd.f32 v13, v16;
	v11 =	vld [tilespmem:s26+$0xFFFFFFF0];
	[tilespmem:s23+$0x0] =	vst v3;
	v3 =	vmul.f32 $3.200000000e+01, v12;
	v12 =	vadd.f32 v14, v15  }
.LBB2_33:
0x318: {  	v14 =	vld [tilespmem:s4+$0x0];
	s0 =	sadd.s32 $0x8, s0;
	v4 =	vadd.f32 v9, v4  }
0x319: {  	s26 =	sadd.s32 $0x400, s26;
	v9 =	vld [tilespmem:s4+$0xFFFFFFA0];
	p1 =	slt.u32 s0, $0x38;
	[tilespmem:s23+$0xFFFFFF90] =	vst v13;
	v5 =	vadd.f32 v7, v5  }
0x31a: {  	v7 =	vld [tilespmem:s26+$0x0];
	[tilespmem:s23+$0xFFFFFFA0] =	vst v12;
	v6 =	vadd.f32 v10, v6  }
0x31b: {  	v10 =	vld [tilespmem:s4+$0xFFFFFFB0];
	[tilespmem:s23+$0xFFFFFFB0] =	vst v4;
	v2 =	vadd.f32 v8, v2  }
0x31c: {  	v8 =	vld [tilespmem:s4+$0xFFFFFFC0];
	[tilespmem:s23+$0xFFFFFFC0] =	vst v5;
	v3 =	vadd.f32 v11, v3  }
0x31d: {  	v11 =	vld [tilespmem:s4+$0xFFFFFFD0];
	v4 =	vmul.f32 $3.200000000e+01, v14;
	[tilespmem:s23+$0xFFFFFFD0] =	vst v6  }
0x31e: {  	v12 =	vmul.f32 $3.200000000e+01, v9;
	v13 =	vld [tilespmem:s4+$0xFFFFFFE0];
	[tilespmem:s23+$0xFFFFFFE0] =	vst v2  }
0x31f: {  	v14 =	vld [tilespmem:s4+$0xFFFFFFF0];
	v2 =	vadd.f32 v7, v4;
	[tilespmem:s23+$0xFFFFFFF0] =	vst v3  }
0x320: {  	s23 =	sadd.s32 $0x400, s23;
	v15 =	vld [tilespmem:s4+$0xFFFFFF90];
	v4 =	vmul.f32 $3.200000000e+01, v10  }
0x321: {  	v16 =	vld [tilespmem:s26+$0xFFFFFF90];
	v5 =	vmul.f32 $3.200000000e+01, v8;
	[tilespmem:s23+$0x0] =	vst v2  }
0x322: {  	v17 =	vld [tilespmem:s26+$0xFFFFFFA0];
	v6 =	vmul.f32 $3.200000000e+01, v11  }
.Ltmp17:
0x323: {  	v9 =	vld [tilespmem:s26+$0xFFFFFFB0];
	v2 =	vmul.f32 $3.200000000e+01, v13;
	(pc) =	sbr.rel @p1 .LBB2_33-.Ltmp17, $4  }
0x324: {  	v7 =	vld [tilespmem:s26+$0xFFFFFFC0];
	v3 =	vmul.f32 $3.200000000e+01, v14  }
0x325: {  	v11 =	vmul.f32 $3.200000000e+01, v15;
	v10 =	vld [tilespmem:s26+$0xFFFFFFD0]  }
0x326: {  	v8 =	vld [tilespmem:s26+$0xFFFFFFE0]  }
0x327: {  	s4 =	sadd.s32 $0x400, s4;
	v13 =	vadd.f32 v16, v11;
	v12 =	vadd.f32 v17, v12;
	v11 =	vld [tilespmem:s26+$0xFFFFFFF0]  }
0x328: {  	_ = 	snop  }
0x329: {  	v4 =	vadd.f32 v9, v4;
	[tilespmem:s23+$0xFFFFFF90] =	vst v13  }
0x32a: {  	v5 =	vadd.f32 v7, v5;
	[tilespmem:s23+$0xFFFFFFA0] =	vst v12  }
0x32b: {  	v6 =	vadd.f32 v10, v6;
	[tilespmem:s23+$0xFFFFFFB0] =	vst v4  }
0x32c: {  	v2 =	vadd.f32 v8, v2;
	[tilespmem:s23+$0xFFFFFFC0] =	vst v5  }
0x32d: {  	v3 =	vadd.f32 v11, v3;
	[tilespmem:s23+$0xFFFFFFD0] =	vst v6  }
0x32e: {  	[tilespmem:s23+$0xFFFFFFE0] =	vst v2  }
0x32f: {  	s0 =	sadd.s32 s22, s16;
	s4 =	simm.s32 $0x12300;
	[tilespmem:s23+$0xFFFFFFF0] =	vst v3  }
0x330: {  	[hbm4b:s0+s6] =	stream.linear.scatter [tilespmem:s4], [sflag:$0x6], $0x200, $0x38;
	[tilespmem:$0x18100] =	vst v63  }
0x331: {  	s19 =	simm.s32 $0x12700;
	s24 =	sadd.s32 $0x80, s0  }
0x332: {  	[hbm4b:s24+s6] =	stream.linear.scatter [tilespmem:s19], [sflag:$0x6], $0x200, $0x38;
	[tilespmem:$0x18100] =	vst v63  }
0x333: {  	s26 =	simm.s32 $0x12B00;
	s25 =	sadd.s32 $0x100, s0  }
0x334: {  	[hbm4b:s25+s6] =	stream.linear.scatter [tilespmem:s26], [sflag:$0x6], $0x200, $0x38;
	[tilespmem:$0x18100] =	vst v63  }
0x335: {  	s22 =	simm.s32 $0x12F00;
	s19 =	sadd.s32 $0x180, s0  }
0x336: {  	[hbm4b:s19+s6] =	stream.linear.scatter [tilespmem:s22], [sflag:$0x6], $0x200, $0x38;
	[tilespmem:$0x18100] =	vst v63  }
0x337: {  	s23 =	sadd.s32 $0x200, s0;
	s24 =	simm.s32 $0x13300  }
0x338: {  	[hbm4b:s23+s6] =	stream.linear.scatter [tilespmem:s24], [sflag:$0x6], $0x200, $0x38;
	[tilespmem:$0x18100] =	vst v63  }
0x339: {  	s25 =	sadd.s32 $0x280, s0;
	s26 =	simm.s32 $0x13700  }
0x33a: {  	[hbm4b:s25+s6] =	stream.linear.scatter [tilespmem:s26], [sflag:$0x6], $0x200, $0x38;
	[tilespmem:$0x18100] =	vst v63  }
0x33b: {  	s22 =	sadd.s32 $0x300, s0;
	s23 =	simm.s32 $0x13B00  }
0x33c: {  	[hbm4b:s22+s6] =	stream.linear.scatter [tilespmem:s23], [sflag:$0x6], $0x200, $0x38;
	[tilespmem:$0x18100] =	vst v63  }
0x33d: {  	s0 =	sadd.s32 $0x380, s0;
	s24 =	simm.s32 $0x13F00  }
0x33e: {  	[hbm4b:s0+s6] =	stream.linear.scatter [tilespmem:s24], [sflag:$0x6], $0x200, $0x38;
	[tilespmem:$0x18100] =	vst v63  }
0x33f: {  	_ =	swait.ge [sflag:s20], $0x2000  }
0x340: {  	[sflag:s20] =	ssyncset.done $0x0  }
0x341: {  	[sflag:s20] =	ssyncadd.s32 $0xFFFFE000  }
0x342: {  	_ =	swait.ge [sflag:s20], $0x2000  }
0x343: {  	[sflag:s20] =	ssyncset.done $0x0  }
0x344: {  	[sflag:s20] =	ssyncadd.s32 $0xFFFFE000  }
0x345: {  	v2 =	vld.msk @!p0 [tilespmem:s15+$0x28], $0xff;
	_ =	sdelay $0x4  }
0x346: {  	v3 =	vshll.u32 @!p0 v2, $0x3  }
0x347: {  	v4 =	vlaneseq.u32 @!p0;
	v2 =	vand.u32 @!p0 $0x7, v2;
	v3 =	vand.u32 @!p0 $0xFFFFFFC0, v3  }
0x348: {  	v2 =	vor.u32 @!p0 v2, v3;
	v3 =	vand.u32 @!p0 $0x7, v4;
	v4 =	vshrl.u32 @!p0 v4, $0x3  }
0x349: {  	v2 =	vperm.xlane @!p0 v2, v3;
	v3 =	vmul.u32 @!p0 $0x8, v4;
	_ =	sdelay $0x1  }
0x34a: {  	v2 =	vadd.s32 @!p0 v3, v2;
	_ =	sdelay $0x3  }
0x34b: {  	s4 =	simm.s32 @!p0 $0x2100;
	s0 =	simm.s32 @!p0 $0x0  }
0x34c: {  	[tilespmem:s4], [sflag:$0x2] =	stream.indirect_vreg.gather @!p0 [hbm4b:s2+s0], $0x80, v2, vm1, $0xb8;
	[tilespmem:$0x18100] =	vst v63  }
0x34d: {  	s4 =	simm.s32 @!p0 $0x2900  }
0x34e: {  	[tilespmem:s4], [sflag:$0x2] =	stream.indirect_vreg.gather @!p0 [hbm4b:s9+s0], $0x80, v2, vm1, $0xb8;
	[tilespmem:$0x18100] =	vst v63  }
0x34f: {  	s4 =	simm.s32 @!p0 $0x3100  }
0x350: {  	[tilespmem:s4], [sflag:$0x2] =	stream.indirect_vreg.gather @!p0 [hbm4b:s10+s0], $0x80, v2, vm1, $0xb8;
	[tilespmem:$0x18100] =	vst v63  }
0x351: {  	s4 =	sadd.s32 @!p0 $0x28, s15  }
0x352: {  	s19 =	simm.s32 @!p0 $0x3900;
	s4 =	sadd.s32 @!p0 s7, s4  }
0x353: {  	[tilespmem:s19], [sflag:$0x2] =	stream.indirect_vreg.gather @!p0 [hbm4b:s11+s0], $0x80, v2, vm1, $0xb8;
	[tilespmem:$0x18100] =	vst v63  }
0x354: {  	s4 =	sshll.u32 @!p0 s4, $0x7  }
0x355: {  	s19 =	simm.s32 @!p0 $0xA100;
	s4 =	sadd.s32 @!p0 s1, s4  }
0x356: {  	[tilespmem:s19], [sflag:$0x2] =	stream.linear.gather @!p0 [hbm4b:s4+s0], $0x2000, $0x38;
	[tilespmem:$0x18100] =	vst v63  }
0x357: {  	_ =	swait.ge [sflag:s8], $0x2000  }
0x358: {  	[sflag:s8] =	ssyncset.done $0x0  }
0x359: {  	[sflag:s8] =	ssyncadd.s32 $0xFFFFE000  }
0x35a: {  	_ =	swait.ge [sflag:s8], $0x2000  }
0x35b: {  	s22 =	sor.u32 $0x800, s17;
	[sflag:s8] =	ssyncset.done $0x0  }
0x35c: {  	s26 =	simm.s32 $0xC140;
	s25 =	sadd.s32 s5, s22;
	[sflag:s8] =	ssyncadd.s32 $0xFFFFE000  }
0x35d: {  	[hbm4b:s25+s6] =	stream.linear.scatter [tilespmem:s30], [sflag:$0x7], $0x2000, $0x38;
	[tilespmem:$0x18100] =	vst v63  }
0x35e: {  	v2 =	vld [tilespmem:s26+$0x30]  }
0x35f: {  	s0 =	simm.s32 $0x4140;
	v3 =	vld [tilespmem:s26+$0xFFFFFFD0]  }
0x360: {  	v4 =	vld [tilespmem:s0+$0x30]  }
0x361: {  	v5 =	vld [tilespmem:s26+$0xFFFFFFE0]  }
0x362: {  	v6 =	vld [tilespmem:s26+$0xFFFFFFF0]  }
0x363: {  	v10 =	vld [tilespmem:s26+$0x0]  }
0x364: {  	v11 =	vld [tilespmem:s26+$0x10]  }
0x365: {  	v12 =	vld [tilespmem:s26+$0x20]  }
0x366: {  	v9 =	vld [tilespmem:s26+$0xFFFFFFC0]  }
0x367: {  	v13 =	vld [tilespmem:s0+$0xFFFFFFC0]  }
0x368: {  	v14 =	vld [tilespmem:s0+$0xFFFFFFD0]  }
0x369: {  	v8 =	vld [tilespmem:s0+$0xFFFFFFE0];
	v15 =	vmul.f32 $3.200000000e+01, v2  }
0x36a: {  	v7 =	vld [tilespmem:s0+$0xFFFFFFF0];
	v16 =	vmul.f32 $3.200000000e+01, v3;
	v2 =	vmul.f32 $3.200000000e+01, v5  }
0x36b: {  	v3 =	vmul.f32 $3.200000000e+01, v6;
	v17 =	vmul.f32 $3.200000000e+01, v9;
	v9 =	vld [tilespmem:s0+$0x0];
	v15 =	vadd.f32 v4, v15  }
0x36c: {  	s23 =	simm.s32 $0x141F0;
	s24 =	simm.s32 $0xC540;
	s25 =	simm.s32 $0x14140;
	v5 =	vmul.f32 $3.200000000e+01, v10;
	v10 =	vld [tilespmem:s0+$0x10];
	v6 =	vmul.f32 $3.200000000e+01, v12  }
0x36d: {  	s19 =	simm.s32 $0x0;
	s4 =	simm.s32 $0xC1F0;
	s26 =	simm.s32 $0x41F0;
	v4 =	vmul.f32 $3.200000000e+01, v11;
	v13 =	vadd.f32 v13, v17;
	v12 =	vadd.f32 v14, v16;
	v11 =	vld [tilespmem:s0+$0x20];
	[tilespmem:s25+$0x30] =	vst v15  }
.LBB2_35:
0x36e: {  	v14 =	vld [tilespmem:s24+$0x30];
	s19 =	sadd.s32 $0x8, s19;
	v2 =	vadd.f32 v8, v2  }
0x36f: {  	s0 =	sadd.s32 $0x400, s0;
	v8 =	vld [tilespmem:s24+$0xFFFFFFD0];
	p1 =	slt.u32 s19, $0x38;
	[tilespmem:s25+$0xFFFFFFC0] =	vst v13;
	v3 =	vadd.f32 v7, v3  }
0x370: {  	v7 =	vld [tilespmem:s0+$0x30];
	[tilespmem:s25+$0xFFFFFFD0] =	vst v12;
	v5 =	vadd.f32 v9, v5  }
0x371: {  	v9 =	vld [tilespmem:s24+$0xFFFFFFE0];
	[tilespmem:s25+$0xFFFFFFE0] =	vst v2;
	v2 =	vadd.f32 v10, v4  }
0x372: {  	v4 =	vld [tilespmem:s24+$0xFFFFFFF0];
	[tilespmem:s25+$0xFFFFFFF0] =	vst v3;
	v3 =	vadd.f32 v11, v6  }
0x373: {  	v6 =	vld [tilespmem:s24+$0x0];
	v10 =	vmul.f32 $3.200000000e+01, v14;
	[tilespmem:s25+$0x0] =	vst v5  }
0x374: {  	v11 =	vmul.f32 $3.200000000e+01, v8;
	v12 =	vld [tilespmem:s24+$0x10];
	[tilespmem:s25+$0x10] =	vst v2  }
0x375: {  	v13 =	vld [tilespmem:s24+$0x20];
	v5 =	vadd.f32 v7, v10;
	[tilespmem:s25+$0x20] =	vst v3  }
0x376: {  	s25 =	sadd.s32 $0x400, s25;
	v10 =	vld [tilespmem:s24+$0xFFFFFFC0];
	v2 =	vmul.f32 $3.200000000e+01, v9  }
0x377: {  	v14 =	vld [tilespmem:s0+$0xFFFFFFC0];
	v3 =	vmul.f32 $3.200000000e+01, v4;
	[tilespmem:s25+$0x30] =	vst v5  }
0x378: {  	v15 =	vld [tilespmem:s0+$0xFFFFFFD0];
	v5 =	vmul.f32 $3.200000000e+01, v6  }
.Ltmp18:
0x379: {  	v8 =	vld [tilespmem:s0+$0xFFFFFFE0];
	v4 =	vmul.f32 $3.200000000e+01, v12;
	(pc) =	sbr.rel @p1 .LBB2_35-.Ltmp18, $4  }
0x37a: {  	v7 =	vld [tilespmem:s0+$0xFFFFFFF0];
	v6 =	vmul.f32 $3.200000000e+01, v13  }
0x37b: {  	v12 =	vmul.f32 $3.200000000e+01, v10;
	v9 =	vld [tilespmem:s0+$0x0]  }
0x37c: {  	v10 =	vld [tilespmem:s0+$0x10]  }
0x37d: {  	s24 =	sadd.s32 $0x400, s24;
	v13 =	vadd.f32 v14, v12;
	v12 =	vadd.f32 v15, v11;
	v11 =	vld [tilespmem:s0+$0x20]  }
0x37e: {  	_ = 	snop  }
0x37f: {  	v2 =	vadd.f32 v8, v2;
	[tilespmem:s25+$0xFFFFFFC0] =	vst v13  }
0x380: {  	v3 =	vadd.f32 v7, v3;
	[tilespmem:s25+$0xFFFFFFD0] =	vst v12  }
0x381: {  	v5 =	vadd.f32 v9, v5;
	[tilespmem:s25+$0xFFFFFFE0] =	vst v2  }
0x382: {  	v2 =	vadd.f32 v10, v4;
	[tilespmem:s25+$0xFFFFFFF0] =	vst v3  }
0x383: {  	v3 =	vadd.f32 v11, v6;
	[tilespmem:s25+$0x0] =	vst v5  }
0x384: {  	[tilespmem:s25+$0x10] =	vst v2  }
0x385: {  	[tilespmem:s25+$0x20] =	vst v3  }
0x386: {  	v2 =	vld [tilespmem:s4+$0x0]  }
0x387: {  	v3 =	vld [tilespmem:s4+$0xFFFFFFA0]  }
0x388: {  	v4 =	vld [tilespmem:s26+$0x0]  }
0x389: {  	v5 =	vld [tilespmem:s4+$0xFFFFFFB0]  }
0x38a: {  	v6 =	vld [tilespmem:s4+$0xFFFFFFC0]  }
0x38b: {  	v10 =	vld [tilespmem:s4+$0xFFFFFFD0]  }
0x38c: {  	v11 =	vld [tilespmem:s4+$0xFFFFFFE0]  }
0x38d: {  	v12 =	vld [tilespmem:s4+$0xFFFFFFF0]  }
0x38e: {  	v9 =	vld [tilespmem:s4+$0xFFFFFF90]  }
0x38f: {  	v13 =	vld [tilespmem:s26+$0xFFFFFF90]  }
0x390: {  	v14 =	vld [tilespmem:s26+$0xFFFFFFA0]  }
0x391: {  	v8 =	vld [tilespmem:s26+$0xFFFFFFB0];
	v15 =	vmul.f32 $3.200000000e+01, v2  }
0x392: {  	v7 =	vld [tilespmem:s26+$0xFFFFFFC0];
	v16 =	vmul.f32 $3.200000000e+01, v3;
	v2 =	vmul.f32 $3.200000000e+01, v5  }
0x393: {  	v3 =	vmul.f32 $3.200000000e+01, v6;
	v17 =	vmul.f32 $3.200000000e+01, v9;
	v9 =	vld [tilespmem:s26+$0xFFFFFFD0];
	v15 =	vadd.f32 v4, v15  }
0x394: {  	s19 =	simm.s32 $0x0;
	s0 =	simm.s32 $0x4270;
	v5 =	vmul.f32 $3.200000000e+01, v10;
	v10 =	vld [tilespmem:s26+$0xFFFFFFE0];
	v6 =	vmul.f32 $3.200000000e+01, v12  }
0x395: {  	s24 =	simm.s32 $0xC5F0;
	s25 =	simm.s32 $0x14270;
	s4 =	simm.s32 $0xC270;
	v4 =	vmul.f32 $3.200000000e+01, v11;
	v13 =	vadd.f32 v13, v17;
	v12 =	vadd.f32 v14, v16;
	v11 =	vld [tilespmem:s26+$0xFFFFFFF0];
	[tilespmem:s23+$0x0] =	vst v15  }
.LBB2_37:
0x396: {  	v14 =	vld [tilespmem:s24+$0x0];
	s19 =	sadd.s32 $0x8, s19;
	v2 =	vadd.f32 v8, v2  }
0x397: {  	s26 =	sadd.s32 $0x400, s26;
	v8 =	vld [tilespmem:s24+$0xFFFFFFA0];
	p1 =	slt.u32 s19, $0x38;
	[tilespmem:s23+$0xFFFFFF90] =	vst v13;
	v3 =	vadd.f32 v7, v3  }
0x398: {  	v7 =	vld [tilespmem:s26+$0x0];
	[tilespmem:s23+$0xFFFFFFA0] =	vst v12;
	v5 =	vadd.f32 v9, v5  }
0x399: {  	v9 =	vld [tilespmem:s24+$0xFFFFFFB0];
	[tilespmem:s23+$0xFFFFFFB0] =	vst v2;
	v2 =	vadd.f32 v10, v4  }
0x39a: {  	v4 =	vld [tilespmem:s24+$0xFFFFFFC0];
	[tilespmem:s23+$0xFFFFFFC0] =	vst v3;
	v3 =	vadd.f32 v11, v6  }
0x39b: {  	v6 =	vld [tilespmem:s24+$0xFFFFFFD0];
	v10 =	vmul.f32 $3.200000000e+01, v14;
	[tilespmem:s23+$0xFFFFFFD0] =	vst v5  }
0x39c: {  	v11 =	vmul.f32 $3.200000000e+01, v8;
	v12 =	vld [tilespmem:s24+$0xFFFFFFE0];
	[tilespmem:s23+$0xFFFFFFE0] =	vst v2  }
0x39d: {  	v13 =	vld [tilespmem:s24+$0xFFFFFFF0];
	v5 =	vadd.f32 v7, v10;
	[tilespmem:s23+$0xFFFFFFF0] =	vst v3  }
0x39e: {  	s23 =	sadd.s32 $0x400, s23;
	v10 =	vld [tilespmem:s24+$0xFFFFFF90];
	v2 =	vmul.f32 $3.200000000e+01, v9  }
0x39f: {  	v14 =	vld [tilespmem:s26+$0xFFFFFF90];
	v3 =	vmul.f32 $3.200000000e+01, v4;
	[tilespmem:s23+$0x0] =	vst v5  }
0x3a0: {  	v15 =	vld [tilespmem:s26+$0xFFFFFFA0];
	v5 =	vmul.f32 $3.200000000e+01, v6  }
.Ltmp19:
0x3a1: {  	v8 =	vld [tilespmem:s26+$0xFFFFFFB0];
	v4 =	vmul.f32 $3.200000000e+01, v12;
	(pc) =	sbr.rel @p1 .LBB2_37-.Ltmp19, $4  }
0x3a2: {  	v7 =	vld [tilespmem:s26+$0xFFFFFFC0];
	v6 =	vmul.f32 $3.200000000e+01, v13  }
0x3a3: {  	v12 =	vmul.f32 $3.200000000e+01, v10;
	v9 =	vld [tilespmem:s26+$0xFFFFFFD0]  }
0x3a4: {  	v10 =	vld [tilespmem:s26+$0xFFFFFFE0]  }
0x3a5: {  	s24 =	sadd.s32 $0x400, s24;
	v13 =	vadd.f32 v14, v12;
	v12 =	vadd.f32 v15, v11;
	v11 =	vld [tilespmem:s26+$0xFFFFFFF0]  }
0x3a6: {  	_ = 	snop  }
0x3a7: {  	v2 =	vadd.f32 v8, v2;
	[tilespmem:s23+$0xFFFFFF90] =	vst v13  }
0x3a8: {  	v3 =	vadd.f32 v7, v3;
	[tilespmem:s23+$0xFFFFFFA0] =	vst v12  }
0x3a9: {  	v5 =	vadd.f32 v9, v5;
	[tilespmem:s23+$0xFFFFFFB0] =	vst v2  }
0x3aa: {  	v2 =	vadd.f32 v10, v4;
	[tilespmem:s23+$0xFFFFFFC0] =	vst v3  }
0x3ab: {  	v3 =	vadd.f32 v11, v6;
	[tilespmem:s23+$0xFFFFFFD0] =	vst v5  }
0x3ac: {  	[tilespmem:s23+$0xFFFFFFE0] =	vst v2  }
0x3ad: {  	[tilespmem:s23+$0xFFFFFFF0] =	vst v3  }
0x3ae: {  	v2 =	vld [tilespmem:s4+$0x0]  }
0x3af: {  	v3 =	vld [tilespmem:s4+$0xFFFFFFA0]  }
0x3b0: {  	v4 =	vld [tilespmem:s0+$0x0]  }
0x3b1: {  	v5 =	vld [tilespmem:s4+$0xFFFFFFB0]  }
0x3b2: {  	v6 =	vld [tilespmem:s4+$0xFFFFFFC0]  }
0x3b3: {  	v10 =	vld [tilespmem:s4+$0xFFFFFFD0]  }
0x3b4: {  	v11 =	vld [tilespmem:s4+$0xFFFFFFE0]  }
0x3b5: {  	v12 =	vld [tilespmem:s4+$0xFFFFFFF0]  }
0x3b6: {  	v9 =	vld [tilespmem:s4+$0xFFFFFF90]  }
0x3b7: {  	v13 =	vld [tilespmem:s0+$0xFFFFFF90]  }
0x3b8: {  	v14 =	vld [tilespmem:s0+$0xFFFFFFA0]  }
0x3b9: {  	v8 =	vld [tilespmem:s0+$0xFFFFFFB0];
	v15 =	vmul.f32 $3.200000000e+01, v2  }
0x3ba: {  	v7 =	vld [tilespmem:s0+$0xFFFFFFC0];
	v16 =	vmul.f32 $3.200000000e+01, v3;
	v2 =	vmul.f32 $3.200000000e+01, v5  }
0x3bb: {  	v3 =	vmul.f32 $3.200000000e+01, v6;
	v17 =	vmul.f32 $3.200000000e+01, v9;
	v9 =	vld [tilespmem:s0+$0xFFFFFFD0];
	v15 =	vadd.f32 v4, v15  }
0x3bc: {  	s19 =	simm.s32 $0x0;
	s26 =	simm.s32 $0x42F0;
	v5 =	vmul.f32 $3.200000000e+01, v10;
	v10 =	vld [tilespmem:s0+$0xFFFFFFE0];
	v6 =	vmul.f32 $3.200000000e+01, v12  }
0x3bd: {  	s24 =	simm.s32 $0xC670;
	s23 =	simm.s32 $0x142F0;
	s4 =	simm.s32 $0xC2F0;
	v4 =	vmul.f32 $3.200000000e+01, v11;
	v13 =	vadd.f32 v13, v17;
	v12 =	vadd.f32 v14, v16;
	v11 =	vld [tilespmem:s0+$0xFFFFFFF0];
	[tilespmem:s25+$0x0] =	vst v15  }
.LBB2_39:
0x3be: {  	v14 =	vld [tilespmem:s24+$0x0];
	s19 =	sadd.s32 $0x8, s19;
	v2 =	vadd.f32 v8, v2  }
0x3bf: {  	s0 =	sadd.s32 $0x400, s0;
	v8 =	vld [tilespmem:s24+$0xFFFFFFA0];
	p1 =	slt.u32 s19, $0x38;
	[tilespmem:s25+$0xFFFFFF90] =	vst v13;
	v3 =	vadd.f32 v7, v3  }
0x3c0: {  	v7 =	vld [tilespmem:s0+$0x0];
	[tilespmem:s25+$0xFFFFFFA0] =	vst v12;
	v5 =	vadd.f32 v9, v5  }
0x3c1: {  	v9 =	vld [tilespmem:s24+$0xFFFFFFB0];
	[tilespmem:s25+$0xFFFFFFB0] =	vst v2;
	v2 =	vadd.f32 v10, v4  }
0x3c2: {  	v4 =	vld [tilespmem:s24+$0xFFFFFFC0];
	[tilespmem:s25+$0xFFFFFFC0] =	vst v3;
	v3 =	vadd.f32 v11, v6  }
0x3c3: {  	v6 =	vld [tilespmem:s24+$0xFFFFFFD0];
	v10 =	vmul.f32 $3.200000000e+01, v14;
	[tilespmem:s25+$0xFFFFFFD0] =	vst v5  }
0x3c4: {  	v11 =	vmul.f32 $3.200000000e+01, v8;
	v12 =	vld [tilespmem:s24+$0xFFFFFFE0];
	[tilespmem:s25+$0xFFFFFFE0] =	vst v2  }
0x3c5: {  	v13 =	vld [tilespmem:s24+$0xFFFFFFF0];
	v5 =	vadd.f32 v7, v10;
	[tilespmem:s25+$0xFFFFFFF0] =	vst v3  }
0x3c6: {  	s25 =	sadd.s32 $0x400, s25;
	v10 =	vld [tilespmem:s24+$0xFFFFFF90];
	v2 =	vmul.f32 $3.200000000e+01, v9  }
0x3c7: {  	v14 =	vld [tilespmem:s0+$0xFFFFFF90];
	v3 =	vmul.f32 $3.200000000e+01, v4;
	[tilespmem:s25+$0x0] =	vst v5  }
0x3c8: {  	v15 =	vld [tilespmem:s0+$0xFFFFFFA0];
	v5 =	vmul.f32 $3.200000000e+01, v6  }
.Ltmp20:
0x3c9: {  	v8 =	vld [tilespmem:s0+$0xFFFFFFB0];
	v4 =	vmul.f32 $3.200000000e+01, v12;
	(pc) =	sbr.rel @p1 .LBB2_39-.Ltmp20, $4  }
0x3ca: {  	v7 =	vld [tilespmem:s0+$0xFFFFFFC0];
	v6 =	vmul.f32 $3.200000000e+01, v13  }
0x3cb: {  	v12 =	vmul.f32 $3.200000000e+01, v10;
	v9 =	vld [tilespmem:s0+$0xFFFFFFD0]  }
0x3cc: {  	v10 =	vld [tilespmem:s0+$0xFFFFFFE0]  }
0x3cd: {  	s24 =	sadd.s32 $0x400, s24;
	v13 =	vadd.f32 v14, v12;
	v12 =	vadd.f32 v15, v11;
	v11 =	vld [tilespmem:s0+$0xFFFFFFF0]  }
0x3ce: {  	_ = 	snop  }
0x3cf: {  	v2 =	vadd.f32 v8, v2;
	[tilespmem:s25+$0xFFFFFF90] =	vst v13  }
0x3d0: {  	v3 =	vadd.f32 v7, v3;
	[tilespmem:s25+$0xFFFFFFA0] =	vst v12  }
0x3d1: {  	v5 =	vadd.f32 v9, v5;
	[tilespmem:s25+$0xFFFFFFB0] =	vst v2  }
0x3d2: {  	v2 =	vadd.f32 v10, v4;
	[tilespmem:s25+$0xFFFFFFC0] =	vst v3  }
0x3d3: {  	v3 =	vadd.f32 v11, v6;
	[tilespmem:s25+$0xFFFFFFD0] =	vst v5  }
0x3d4: {  	[tilespmem:s25+$0xFFFFFFE0] =	vst v2  }
0x3d5: {  	[tilespmem:s25+$0xFFFFFFF0] =	vst v3  }
0x3d6: {  	v2 =	vld [tilespmem:s4+$0x0]  }
0x3d7: {  	v3 =	vld [tilespmem:s4+$0xFFFFFFA0]  }
0x3d8: {  	v5 =	vld [tilespmem:s26+$0x0]  }
0x3d9: {  	v4 =	vld [tilespmem:s4+$0xFFFFFFB0]  }
0x3da: {  	v6 =	vld [tilespmem:s4+$0xFFFFFFC0]  }
0x3db: {  	v8 =	vld [tilespmem:s4+$0xFFFFFFD0]  }
0x3dc: {  	v11 =	vld [tilespmem:s4+$0xFFFFFFE0]  }
0x3dd: {  	v12 =	vld [tilespmem:s4+$0xFFFFFFF0]  }
0x3de: {  	v10 =	vld [tilespmem:s4+$0xFFFFFF90]  }
0x3df: {  	v13 =	vld [tilespmem:s26+$0xFFFFFF90]  }
0x3e0: {  	v14 =	vld [tilespmem:s26+$0xFFFFFFA0]  }
0x3e1: {  	v9 =	vld [tilespmem:s26+$0xFFFFFFB0];
	v2 =	vmul.f32 $3.200000000e+01, v2  }
0x3e2: {  	v7 =	vld [tilespmem:s26+$0xFFFFFFC0];
	v15 =	vmul.f32 $3.200000000e+01, v3;
	v4 =	vmul.f32 $3.200000000e+01, v4  }
0x3e3: {  	v16 =	vmul.f32 $3.200000000e+01, v10;
	v10 =	vld [tilespmem:s26+$0xFFFFFFD0];
	v3 =	vadd.f32 v5, v2;
	v5 =	vmul.f32 $3.200000000e+01, v6  }
0x3e4: {  	v6 =	vmul.f32 $3.200000000e+01, v8;
	v2 =	vmul.f32 $3.200000000e+01, v11;
	v8 =	vld [tilespmem:s26+$0xFFFFFFE0]  }
0x3e5: {  	s0 =	simm.s32 $0x0;
	s4 =	simm.s32 $0xC6F0;
	v13 =	vadd.f32 v13, v16;
	v11 =	vld [tilespmem:s26+$0xFFFFFFF0];
	[tilespmem:s23+$0x0] =	vst v3;
	v3 =	vmul.f32 $3.200000000e+01, v12;
	v12 =	vadd.f32 v14, v15  }
.LBB2_41:
0x3e6: {  	v14 =	vld [tilespmem:s4+$0x0];
	s0 =	sadd.s32 $0x8, s0;
	v4 =	vadd.f32 v9, v4  }
0x3e7: {  	s26 =	sadd.s32 $0x400, s26;
	v9 =	vld [tilespmem:s4+$0xFFFFFFA0];
	p1 =	slt.u32 s0, $0x38;
	[tilespmem:s23+$0xFFFFFF90] =	vst v13;
	v5 =	vadd.f32 v7, v5  }
0x3e8: {  	v7 =	vld [tilespmem:s26+$0x0];
	[tilespmem:s23+$0xFFFFFFA0] =	vst v12;
	v6 =	vadd.f32 v10, v6  }
0x3e9: {  	v10 =	vld [tilespmem:s4+$0xFFFFFFB0];
	[tilespmem:s23+$0xFFFFFFB0] =	vst v4;
	v2 =	vadd.f32 v8, v2  }
0x3ea: {  	v8 =	vld [tilespmem:s4+$0xFFFFFFC0];
	[tilespmem:s23+$0xFFFFFFC0] =	vst v5;
	v3 =	vadd.f32 v11, v3  }
0x3eb: {  	v11 =	vld [tilespmem:s4+$0xFFFFFFD0];
	v4 =	vmul.f32 $3.200000000e+01, v14;
	[tilespmem:s23+$0xFFFFFFD0] =	vst v6  }
0x3ec: {  	v12 =	vmul.f32 $3.200000000e+01, v9;
	v13 =	vld [tilespmem:s4+$0xFFFFFFE0];
	[tilespmem:s23+$0xFFFFFFE0] =	vst v2  }
0x3ed: {  	v14 =	vld [tilespmem:s4+$0xFFFFFFF0];
	v2 =	vadd.f32 v7, v4;
	[tilespmem:s23+$0xFFFFFFF0] =	vst v3  }
0x3ee: {  	s23 =	sadd.s32 $0x400, s23;
	v15 =	vld [tilespmem:s4+$0xFFFFFF90];
	v4 =	vmul.f32 $3.200000000e+01, v10  }
0x3ef: {  	v16 =	vld [tilespmem:s26+$0xFFFFFF90];
	v5 =	vmul.f32 $3.200000000e+01, v8;
	[tilespmem:s23+$0x0] =	vst v2  }
0x3f0: {  	v17 =	vld [tilespmem:s26+$0xFFFFFFA0];
	v6 =	vmul.f32 $3.200000000e+01, v11  }
.Ltmp21:
0x3f1: {  	v9 =	vld [tilespmem:s26+$0xFFFFFFB0];
	v2 =	vmul.f32 $3.200000000e+01, v13;
	(pc) =	sbr.rel @p1 .LBB2_41-.Ltmp21, $4  }
0x3f2: {  	v7 =	vld [tilespmem:s26+$0xFFFFFFC0];
	v3 =	vmul.f32 $3.200000000e+01, v14  }
0x3f3: {  	v11 =	vmul.f32 $3.200000000e+01, v15;
	v10 =	vld [tilespmem:s26+$0xFFFFFFD0]  }
0x3f4: {  	v8 =	vld [tilespmem:s26+$0xFFFFFFE0]  }
0x3f5: {  	s4 =	sadd.s32 $0x400, s4;
	v13 =	vadd.f32 v16, v11;
	v12 =	vadd.f32 v17, v12;
	v11 =	vld [tilespmem:s26+$0xFFFFFFF0]  }
0x3f6: {  	_ = 	snop  }
0x3f7: {  	v4 =	vadd.f32 v9, v4;
	[tilespmem:s23+$0xFFFFFF90] =	vst v13  }
0x3f8: {  	v5 =	vadd.f32 v7, v5;
	[tilespmem:s23+$0xFFFFFFA0] =	vst v12  }
0x3f9: {  	v6 =	vadd.f32 v10, v6;
	[tilespmem:s23+$0xFFFFFFB0] =	vst v4  }
0x3fa: {  	v2 =	vadd.f32 v8, v2;
	[tilespmem:s23+$0xFFFFFFC0] =	vst v5  }
0x3fb: {  	v3 =	vadd.f32 v11, v3;
	[tilespmem:s23+$0xFFFFFFD0] =	vst v6  }
0x3fc: {  	[tilespmem:s23+$0xFFFFFFE0] =	vst v2  }
0x3fd: {  	s0 =	sadd.s32 s3, s22;
	s4 =	simm.s32 $0x14100;
	[tilespmem:s23+$0xFFFFFFF0] =	vst v3  }
0x3fe: {  	[hbm4b:s0+s6] =	stream.linear.scatter [tilespmem:s4], [sflag:$0x7], $0x200, $0x38;
	[tilespmem:$0x18100] =	vst v63  }
0x3ff: {  	s19 =	simm.s32 $0x14500;
	s26 =	sadd.s32 $0x80, s0  }
0x400: {  	[hbm4b:s26+s6] =	stream.linear.scatter [tilespmem:s19], [sflag:$0x7], $0x200, $0x38;
	[tilespmem:$0x18100] =	vst v63  }
0x401: {  	s24 =	simm.s32 $0x14900;
	s23 =	sadd.s32 $0x100, s0  }
0x402: {  	[hbm4b:s23+s6] =	stream.linear.scatter [tilespmem:s24], [sflag:$0x7], $0x200, $0x38;
	[tilespmem:$0x18100] =	vst v63  }
0x403: {  	s25 =	sadd.s32 $0x180, s0;
	s26 =	simm.s32 $0x14D00  }
0x404: {  	[hbm4b:s25+s6] =	stream.linear.scatter [tilespmem:s26], [sflag:$0x7], $0x200, $0x38;
	[tilespmem:$0x18100] =	vst v63  }
0x405: {  	s23 =	sadd.s32 $0x200, s0;
	s24 =	simm.s32 $0x15100  }
0x406: {  	[hbm4b:s23+s6] =	stream.linear.scatter [tilespmem:s24], [sflag:$0x7], $0x200, $0x38;
	[tilespmem:$0x18100] =	vst v63  }
0x407: {  	s25 =	sadd.s32 $0x280, s0;
	s26 =	simm.s32 $0x15500  }
0x408: {  	[hbm4b:s25+s6] =	stream.linear.scatter [tilespmem:s26], [sflag:$0x7], $0x200, $0x38;
	[tilespmem:$0x18100] =	vst v63  }
0x409: {  	s23 =	sadd.s32 $0x300, s0;
	s24 =	simm.s32 $0x15900  }
0x40a: {  	[hbm4b:s23+s6] =	stream.linear.scatter [tilespmem:s24], [sflag:$0x7], $0x200, $0x38;
	[tilespmem:$0x18100] =	vst v63  }
0x40b: {  	s0 =	sadd.s32 $0x380, s0;
	s25 =	simm.s32 $0x15D00;
	s26 =	simm.s32 $0xC370  }
0x40c: {  	[hbm4b:s0+s6] =	stream.linear.scatter [tilespmem:s25], [sflag:$0x7], $0x200, $0x38;
	[tilespmem:$0x18100] =	vst v63  }
0x40d: {  	v2 =	vld [tilespmem:s26+$0x0]  }
0x40e: {  	s0 =	simm.s32 $0x4370;
	v3 =	vld [tilespmem:s26+$0xFFFFFFA0]  }
0x40f: {  	v4 =	vld [tilespmem:s0+$0x0]  }
0x410: {  	v5 =	vld [tilespmem:s26+$0xFFFFFFB0]  }
0x411: {  	v6 =	vld [tilespmem:s26+$0xFFFFFFC0]  }
0x412: {  	v10 =	vld [tilespmem:s26+$0xFFFFFFD0]  }
0x413: {  	v11 =	vld [tilespmem:s26+$0xFFFFFFE0]  }
0x414: {  	v12 =	vld [tilespmem:s26+$0xFFFFFFF0]  }
0x415: {  	v9 =	vld [tilespmem:s26+$0xFFFFFF90]  }
0x416: {  	v13 =	vld [tilespmem:s0+$0xFFFFFF90]  }
0x417: {  	v14 =	vld [tilespmem:s0+$0xFFFFFFA0]  }
0x418: {  	v8 =	vld [tilespmem:s0+$0xFFFFFFB0];
	v15 =	vmul.f32 $3.200000000e+01, v2  }
0x419: {  	v7 =	vld [tilespmem:s0+$0xFFFFFFC0];
	v16 =	vmul.f32 $3.200000000e+01, v3;
	v2 =	vmul.f32 $3.200000000e+01, v5  }
0x41a: {  	v3 =	vmul.f32 $3.200000000e+01, v6;
	v17 =	vmul.f32 $3.200000000e+01, v9;
	v9 =	vld [tilespmem:s0+$0xFFFFFFD0];
	v15 =	vadd.f32 v4, v15  }
0x41b: {  	s4 =	simm.s32 $0xC3F0;
	s19 =	simm.s32 $0x0;
	s25 =	simm.s32 $0x14370;
	v5 =	vmul.f32 $3.200000000e+01, v10;
	v10 =	vld [tilespmem:s0+$0xFFFFFFE0];
	v6 =	vmul.f32 $3.200000000e+01, v12  }
0x41c: {  	s23 =	simm.s32 $0x143F0;
	s24 =	simm.s32 $0xC770;
	s26 =	simm.s32 $0x43F0;
	v4 =	vmul.f32 $3.200000000e+01, v11;
	v13 =	vadd.f32 v13, v17;
	v12 =	vadd.f32 v14, v16;
	v11 =	vld [tilespmem:s0+$0xFFFFFFF0];
	[tilespmem:s25+$0x0] =	vst v15  }
.LBB2_43:
0x41d: {  	v14 =	vld [tilespmem:s24+$0x0];
	s19 =	sadd.s32 $0x8, s19;
	v2 =	vadd.f32 v8, v2  }
0x41e: {  	s0 =	sadd.s32 $0x400, s0;
	v8 =	vld [tilespmem:s24+$0xFFFFFFA0];
	p1 =	slt.u32 s19, $0x38;
	[tilespmem:s25+$0xFFFFFF90] =	vst v13;
	v3 =	vadd.f32 v7, v3  }
0x41f: {  	v7 =	vld [tilespmem:s0+$0x0];
	[tilespmem:s25+$0xFFFFFFA0] =	vst v12;
	v5 =	vadd.f32 v9, v5  }
0x420: {  	v9 =	vld [tilespmem:s24+$0xFFFFFFB0];
	[tilespmem:s25+$0xFFFFFFB0] =	vst v2;
	v2 =	vadd.f32 v10, v4  }
0x421: {  	v4 =	vld [tilespmem:s24+$0xFFFFFFC0];
	[tilespmem:s25+$0xFFFFFFC0] =	vst v3;
	v3 =	vadd.f32 v11, v6  }
0x422: {  	v6 =	vld [tilespmem:s24+$0xFFFFFFD0];
	v10 =	vmul.f32 $3.200000000e+01, v14;
	[tilespmem:s25+$0xFFFFFFD0] =	vst v5  }
0x423: {  	v11 =	vmul.f32 $3.200000000e+01, v8;
	v12 =	vld [tilespmem:s24+$0xFFFFFFE0];
	[tilespmem:s25+$0xFFFFFFE0] =	vst v2  }
0x424: {  	v13 =	vld [tilespmem:s24+$0xFFFFFFF0];
	v5 =	vadd.f32 v7, v10;
	[tilespmem:s25+$0xFFFFFFF0] =	vst v3  }
0x425: {  	s25 =	sadd.s32 $0x400, s25;
	v10 =	vld [tilespmem:s24+$0xFFFFFF90];
	v2 =	vmul.f32 $3.200000000e+01, v9  }
0x426: {  	v14 =	vld [tilespmem:s0+$0xFFFFFF90];
	v3 =	vmul.f32 $3.200000000e+01, v4;
	[tilespmem:s25+$0x0] =	vst v5  }
0x427: {  	v15 =	vld [tilespmem:s0+$0xFFFFFFA0];
	v5 =	vmul.f32 $3.200000000e+01, v6  }
.Ltmp22:
0x428: {  	v8 =	vld [tilespmem:s0+$0xFFFFFFB0];
	v4 =	vmul.f32 $3.200000000e+01, v12;
	(pc) =	sbr.rel @p1 .LBB2_43-.Ltmp22, $4  }
0x429: {  	v7 =	vld [tilespmem:s0+$0xFFFFFFC0];
	v6 =	vmul.f32 $3.200000000e+01, v13  }
0x42a: {  	v12 =	vmul.f32 $3.200000000e+01, v10;
	v9 =	vld [tilespmem:s0+$0xFFFFFFD0]  }
0x42b: {  	v10 =	vld [tilespmem:s0+$0xFFFFFFE0]  }
0x42c: {  	s24 =	sadd.s32 $0x400, s24;
	v13 =	vadd.f32 v14, v12;
	v12 =	vadd.f32 v15, v11;
	v11 =	vld [tilespmem:s0+$0xFFFFFFF0]  }
0x42d: {  	_ = 	snop  }
0x42e: {  	v2 =	vadd.f32 v8, v2;
	[tilespmem:s25+$0xFFFFFF90] =	vst v13  }
0x42f: {  	v3 =	vadd.f32 v7, v3;
	[tilespmem:s25+$0xFFFFFFA0] =	vst v12  }
0x430: {  	v5 =	vadd.f32 v9, v5;
	[tilespmem:s25+$0xFFFFFFB0] =	vst v2  }
0x431: {  	v2 =	vadd.f32 v10, v4;
	[tilespmem:s25+$0xFFFFFFC0] =	vst v3  }
0x432: {  	v3 =	vadd.f32 v11, v6;
	[tilespmem:s25+$0xFFFFFFD0] =	vst v5  }
0x433: {  	[tilespmem:s25+$0xFFFFFFE0] =	vst v2  }
0x434: {  	[tilespmem:s25+$0xFFFFFFF0] =	vst v3  }
0x435: {  	v2 =	vld [tilespmem:s4+$0x0]  }
0x436: {  	v3 =	vld [tilespmem:s4+$0xFFFFFFA0]  }
0x437: {  	v4 =	vld [tilespmem:s26+$0x0]  }
0x438: {  	v5 =	vld [tilespmem:s4+$0xFFFFFFB0]  }
0x439: {  	v6 =	vld [tilespmem:s4+$0xFFFFFFC0]  }
0x43a: {  	v10 =	vld [tilespmem:s4+$0xFFFFFFD0]  }
0x43b: {  	v11 =	vld [tilespmem:s4+$0xFFFFFFE0]  }
0x43c: {  	v12 =	vld [tilespmem:s4+$0xFFFFFFF0]  }
0x43d: {  	v9 =	vld [tilespmem:s4+$0xFFFFFF90]  }
0x43e: {  	v13 =	vld [tilespmem:s26+$0xFFFFFF90]  }
0x43f: {  	v14 =	vld [tilespmem:s26+$0xFFFFFFA0]  }
0x440: {  	v8 =	vld [tilespmem:s26+$0xFFFFFFB0];
	v15 =	vmul.f32 $3.200000000e+01, v2  }
0x441: {  	v7 =	vld [tilespmem:s26+$0xFFFFFFC0];
	v16 =	vmul.f32 $3.200000000e+01, v3;
	v2 =	vmul.f32 $3.200000000e+01, v5  }
0x442: {  	v3 =	vmul.f32 $3.200000000e+01, v6;
	v17 =	vmul.f32 $3.200000000e+01, v9;
	v9 =	vld [tilespmem:s26+$0xFFFFFFD0];
	v15 =	vadd.f32 v4, v15  }
0x443: {  	s19 =	simm.s32 $0x0;
	s0 =	simm.s32 $0x4470;
	v5 =	vmul.f32 $3.200000000e+01, v10;
	v10 =	vld [tilespmem:s26+$0xFFFFFFE0];
	v6 =	vmul.f32 $3.200000000e+01, v12  }
0x444: {  	s24 =	simm.s32 $0xC7F0;
	s25 =	simm.s32 $0x14470;
	s4 =	simm.s32 $0xC470;
	v4 =	vmul.f32 $3.200000000e+01, v11;
	v13 =	vadd.f32 v13, v17;
	v12 =	vadd.f32 v14, v16;
	v11 =	vld [tilespmem:s26+$0xFFFFFFF0];
	[tilespmem:s23+$0x0] =	vst v15  }
.LBB2_45:
0x445: {  	v14 =	vld [tilespmem:s24+$0x0];
	s19 =	sadd.s32 $0x8, s19;
	v2 =	vadd.f32 v8, v2  }
0x446: {  	s26 =	sadd.s32 $0x400, s26;
	v8 =	vld [tilespmem:s24+$0xFFFFFFA0];
	p1 =	slt.u32 s19, $0x38;
	[tilespmem:s23+$0xFFFFFF90] =	vst v13;
	v3 =	vadd.f32 v7, v3  }
0x447: {  	v7 =	vld [tilespmem:s26+$0x0];
	[tilespmem:s23+$0xFFFFFFA0] =	vst v12;
	v5 =	vadd.f32 v9, v5  }
0x448: {  	v9 =	vld [tilespmem:s24+$0xFFFFFFB0];
	[tilespmem:s23+$0xFFFFFFB0] =	vst v2;
	v2 =	vadd.f32 v10, v4  }
0x449: {  	v4 =	vld [tilespmem:s24+$0xFFFFFFC0];
	[tilespmem:s23+$0xFFFFFFC0] =	vst v3;
	v3 =	vadd.f32 v11, v6  }
0x44a: {  	v6 =	vld [tilespmem:s24+$0xFFFFFFD0];
	v10 =	vmul.f32 $3.200000000e+01, v14;
	[tilespmem:s23+$0xFFFFFFD0] =	vst v5  }
0x44b: {  	v11 =	vmul.f32 $3.200000000e+01, v8;
	v12 =	vld [tilespmem:s24+$0xFFFFFFE0];
	[tilespmem:s23+$0xFFFFFFE0] =	vst v2  }
0x44c: {  	v13 =	vld [tilespmem:s24+$0xFFFFFFF0];
	v5 =	vadd.f32 v7, v10;
	[tilespmem:s23+$0xFFFFFFF0] =	vst v3  }
0x44d: {  	s23 =	sadd.s32 $0x400, s23;
	v10 =	vld [tilespmem:s24+$0xFFFFFF90];
	v2 =	vmul.f32 $3.200000000e+01, v9  }
0x44e: {  	v14 =	vld [tilespmem:s26+$0xFFFFFF90];
	v3 =	vmul.f32 $3.200000000e+01, v4;
	[tilespmem:s23+$0x0] =	vst v5  }
0x44f: {  	v15 =	vld [tilespmem:s26+$0xFFFFFFA0];
	v5 =	vmul.f32 $3.200000000e+01, v6  }
.Ltmp23:
0x450: {  	v8 =	vld [tilespmem:s26+$0xFFFFFFB0];
	v4 =	vmul.f32 $3.200000000e+01, v12;
	(pc) =	sbr.rel @p1 .LBB2_45-.Ltmp23, $4  }
0x451: {  	v7 =	vld [tilespmem:s26+$0xFFFFFFC0];
	v6 =	vmul.f32 $3.200000000e+01, v13  }
0x452: {  	v12 =	vmul.f32 $3.200000000e+01, v10;
	v9 =	vld [tilespmem:s26+$0xFFFFFFD0]  }
0x453: {  	v10 =	vld [tilespmem:s26+$0xFFFFFFE0]  }
0x454: {  	s24 =	sadd.s32 $0x400, s24;
	v13 =	vadd.f32 v14, v12;
	v12 =	vadd.f32 v15, v11;
	v11 =	vld [tilespmem:s26+$0xFFFFFFF0]  }
0x455: {  	_ = 	snop  }
0x456: {  	v2 =	vadd.f32 v8, v2;
	[tilespmem:s23+$0xFFFFFF90] =	vst v13  }
0x457: {  	v3 =	vadd.f32 v7, v3;
	[tilespmem:s23+$0xFFFFFFA0] =	vst v12  }
0x458: {  	v5 =	vadd.f32 v9, v5;
	[tilespmem:s23+$0xFFFFFFB0] =	vst v2  }
0x459: {  	v2 =	vadd.f32 v10, v4;
	[tilespmem:s23+$0xFFFFFFC0] =	vst v3  }
0x45a: {  	v3 =	vadd.f32 v11, v6;
	[tilespmem:s23+$0xFFFFFFD0] =	vst v5  }
0x45b: {  	[tilespmem:s23+$0xFFFFFFE0] =	vst v2  }
0x45c: {  	[tilespmem:s23+$0xFFFFFFF0] =	vst v3  }
0x45d: {  	v2 =	vld [tilespmem:s4+$0x0]  }
0x45e: {  	v3 =	vld [tilespmem:s4+$0xFFFFFFA0]  }
0x45f: {  	v4 =	vld [tilespmem:s0+$0x0]  }
0x460: {  	v5 =	vld [tilespmem:s4+$0xFFFFFFB0]  }
0x461: {  	v6 =	vld [tilespmem:s4+$0xFFFFFFC0]  }
0x462: {  	v10 =	vld [tilespmem:s4+$0xFFFFFFD0]  }
0x463: {  	v11 =	vld [tilespmem:s4+$0xFFFFFFE0]  }
0x464: {  	v12 =	vld [tilespmem:s4+$0xFFFFFFF0]  }
0x465: {  	v9 =	vld [tilespmem:s4+$0xFFFFFF90]  }
0x466: {  	v13 =	vld [tilespmem:s0+$0xFFFFFF90]  }
0x467: {  	v14 =	vld [tilespmem:s0+$0xFFFFFFA0]  }
0x468: {  	v8 =	vld [tilespmem:s0+$0xFFFFFFB0];
	v15 =	vmul.f32 $3.200000000e+01, v2  }
0x469: {  	v7 =	vld [tilespmem:s0+$0xFFFFFFC0];
	v16 =	vmul.f32 $3.200000000e+01, v3;
	v2 =	vmul.f32 $3.200000000e+01, v5  }
0x46a: {  	v3 =	vmul.f32 $3.200000000e+01, v6;
	v17 =	vmul.f32 $3.200000000e+01, v9;
	v9 =	vld [tilespmem:s0+$0xFFFFFFD0];
	v15 =	vadd.f32 v4, v15  }
0x46b: {  	s19 =	simm.s32 $0x0;
	s26 =	simm.s32 $0x44F0;
	v5 =	vmul.f32 $3.200000000e+01, v10;
	v10 =	vld [tilespmem:s0+$0xFFFFFFE0];
	v6 =	vmul.f32 $3.200000000e+01, v12  }
0x46c: {  	s24 =	simm.s32 $0xC870;
	s23 =	simm.s32 $0x144F0;
	s4 =	simm.s32 $0xC4F0;
	v4 =	vmul.f32 $3.200000000e+01, v11;
	v13 =	vadd.f32 v13, v17;
	v12 =	vadd.f32 v14, v16;
	v11 =	vld [tilespmem:s0+$0xFFFFFFF0];
	[tilespmem:s25+$0x0] =	vst v15  }
.LBB2_47:
0x46d: {  	v14 =	vld [tilespmem:s24+$0x0];
	s19 =	sadd.s32 $0x8, s19;
	v2 =	vadd.f32 v8, v2  }
0x46e: {  	s0 =	sadd.s32 $0x400, s0;
	v8 =	vld [tilespmem:s24+$0xFFFFFFA0];
	p1 =	slt.u32 s19, $0x38;
	[tilespmem:s25+$0xFFFFFF90] =	vst v13;
	v3 =	vadd.f32 v7, v3  }
0x46f: {  	v7 =	vld [tilespmem:s0+$0x0];
	[tilespmem:s25+$0xFFFFFFA0] =	vst v12;
	v5 =	vadd.f32 v9, v5  }
0x470: {  	v9 =	vld [tilespmem:s24+$0xFFFFFFB0];
	[tilespmem:s25+$0xFFFFFFB0] =	vst v2;
	v2 =	vadd.f32 v10, v4  }
0x471: {  	v4 =	vld [tilespmem:s24+$0xFFFFFFC0];
	[tilespmem:s25+$0xFFFFFFC0] =	vst v3;
	v3 =	vadd.f32 v11, v6  }
0x472: {  	v6 =	vld [tilespmem:s24+$0xFFFFFFD0];
	v10 =	vmul.f32 $3.200000000e+01, v14;
	[tilespmem:s25+$0xFFFFFFD0] =	vst v5  }
0x473: {  	v11 =	vmul.f32 $3.200000000e+01, v8;
	v12 =	vld [tilespmem:s24+$0xFFFFFFE0];
	[tilespmem:s25+$0xFFFFFFE0] =	vst v2  }
0x474: {  	v13 =	vld [tilespmem:s24+$0xFFFFFFF0];
	v5 =	vadd.f32 v7, v10;
	[tilespmem:s25+$0xFFFFFFF0] =	vst v3  }
0x475: {  	s25 =	sadd.s32 $0x400, s25;
	v10 =	vld [tilespmem:s24+$0xFFFFFF90];
	v2 =	vmul.f32 $3.200000000e+01, v9  }
0x476: {  	v14 =	vld [tilespmem:s0+$0xFFFFFF90];
	v3 =	vmul.f32 $3.200000000e+01, v4;
	[tilespmem:s25+$0x0] =	vst v5  }
0x477: {  	v15 =	vld [tilespmem:s0+$0xFFFFFFA0];
	v5 =	vmul.f32 $3.200000000e+01, v6  }
.Ltmp24:
0x478: {  	v8 =	vld [tilespmem:s0+$0xFFFFFFB0];
	v4 =	vmul.f32 $3.200000000e+01, v12;
	(pc) =	sbr.rel @p1 .LBB2_47-.Ltmp24, $4  }
0x479: {  	v7 =	vld [tilespmem:s0+$0xFFFFFFC0];
	v6 =	vmul.f32 $3.200000000e+01, v13  }
0x47a: {  	v12 =	vmul.f32 $3.200000000e+01, v10;
	v9 =	vld [tilespmem:s0+$0xFFFFFFD0]  }
0x47b: {  	v10 =	vld [tilespmem:s0+$0xFFFFFFE0]  }
0x47c: {  	s24 =	sadd.s32 $0x400, s24;
	v13 =	vadd.f32 v14, v12;
	v12 =	vadd.f32 v15, v11;
	v11 =	vld [tilespmem:s0+$0xFFFFFFF0]  }
0x47d: {  	_ = 	snop  }
0x47e: {  	v2 =	vadd.f32 v8, v2;
	[tilespmem:s25+$0xFFFFFF90] =	vst v13  }
0x47f: {  	v3 =	vadd.f32 v7, v3;
	[tilespmem:s25+$0xFFFFFFA0] =	vst v12  }
0x480: {  	v5 =	vadd.f32 v9, v5;
	[tilespmem:s25+$0xFFFFFFB0] =	vst v2  }
0x481: {  	v2 =	vadd.f32 v10, v4;
	[tilespmem:s25+$0xFFFFFFC0] =	vst v3  }
0x482: {  	v3 =	vadd.f32 v11, v6;
	[tilespmem:s25+$0xFFFFFFD0] =	vst v5  }
0x483: {  	[tilespmem:s25+$0xFFFFFFE0] =	vst v2  }
0x484: {  	[tilespmem:s25+$0xFFFFFFF0] =	vst v3  }
0x485: {  	v2 =	vld [tilespmem:s4+$0x0]  }
0x486: {  	v3 =	vld [tilespmem:s4+$0xFFFFFFA0]  }
0x487: {  	v5 =	vld [tilespmem:s26+$0x0]  }
0x488: {  	v4 =	vld [tilespmem:s4+$0xFFFFFFB0]  }
0x489: {  	v6 =	vld [tilespmem:s4+$0xFFFFFFC0]  }
0x48a: {  	v8 =	vld [tilespmem:s4+$0xFFFFFFD0]  }
0x48b: {  	v11 =	vld [tilespmem:s4+$0xFFFFFFE0]  }
0x48c: {  	v12 =	vld [tilespmem:s4+$0xFFFFFFF0]  }
0x48d: {  	v10 =	vld [tilespmem:s4+$0xFFFFFF90]  }
0x48e: {  	v13 =	vld [tilespmem:s26+$0xFFFFFF90]  }
0x48f: {  	v14 =	vld [tilespmem:s26+$0xFFFFFFA0]  }
0x490: {  	v9 =	vld [tilespmem:s26+$0xFFFFFFB0];
	v2 =	vmul.f32 $3.200000000e+01, v2  }
0x491: {  	v7 =	vld [tilespmem:s26+$0xFFFFFFC0];
	v15 =	vmul.f32 $3.200000000e+01, v3;
	v4 =	vmul.f32 $3.200000000e+01, v4  }
0x492: {  	v16 =	vmul.f32 $3.200000000e+01, v10;
	v10 =	vld [tilespmem:s26+$0xFFFFFFD0];
	v3 =	vadd.f32 v5, v2;
	v5 =	vmul.f32 $3.200000000e+01, v6  }
0x493: {  	v6 =	vmul.f32 $3.200000000e+01, v8;
	v2 =	vmul.f32 $3.200000000e+01, v11;
	v8 =	vld [tilespmem:s26+$0xFFFFFFE0]  }
0x494: {  	s0 =	simm.s32 $0x0;
	s4 =	simm.s32 $0xC8F0;
	v13 =	vadd.f32 v13, v16;
	v11 =	vld [tilespmem:s26+$0xFFFFFFF0];
	[tilespmem:s23+$0x0] =	vst v3;
	v3 =	vmul.f32 $3.200000000e+01, v12;
	v12 =	vadd.f32 v14, v15  }
.LBB2_49:
0x495: {  	v14 =	vld [tilespmem:s4+$0x0];
	s0 =	sadd.s32 $0x8, s0;
	v4 =	vadd.f32 v9, v4  }
0x496: {  	s26 =	sadd.s32 $0x400, s26;
	v9 =	vld [tilespmem:s4+$0xFFFFFFA0];
	p1 =	slt.u32 s0, $0x38;
	[tilespmem:s23+$0xFFFFFF90] =	vst v13;
	v5 =	vadd.f32 v7, v5  }
0x497: {  	v7 =	vld [tilespmem:s26+$0x0];
	[tilespmem:s23+$0xFFFFFFA0] =	vst v12;
	v6 =	vadd.f32 v10, v6  }
0x498: {  	v10 =	vld [tilespmem:s4+$0xFFFFFFB0];
	[tilespmem:s23+$0xFFFFFFB0] =	vst v4;
	v2 =	vadd.f32 v8, v2  }
0x499: {  	v8 =	vld [tilespmem:s4+$0xFFFFFFC0];
	[tilespmem:s23+$0xFFFFFFC0] =	vst v5;
	v3 =	vadd.f32 v11, v3  }
0x49a: {  	v11 =	vld [tilespmem:s4+$0xFFFFFFD0];
	v4 =	vmul.f32 $3.200000000e+01, v14;
	[tilespmem:s23+$0xFFFFFFD0] =	vst v6  }
0x49b: {  	v12 =	vmul.f32 $3.200000000e+01, v9;
	v13 =	vld [tilespmem:s4+$0xFFFFFFE0];
	[tilespmem:s23+$0xFFFFFFE0] =	vst v2  }
0x49c: {  	v14 =	vld [tilespmem:s4+$0xFFFFFFF0];
	v2 =	vadd.f32 v7, v4;
	[tilespmem:s23+$0xFFFFFFF0] =	vst v3  }
0x49d: {  	s23 =	sadd.s32 $0x400, s23;
	v15 =	vld [tilespmem:s4+$0xFFFFFF90];
	v4 =	vmul.f32 $3.200000000e+01, v10  }
0x49e: {  	v16 =	vld [tilespmem:s26+$0xFFFFFF90];
	v5 =	vmul.f32 $3.200000000e+01, v8;
	[tilespmem:s23+$0x0] =	vst v2  }
0x49f: {  	v17 =	vld [tilespmem:s26+$0xFFFFFFA0];
	v6 =	vmul.f32 $3.200000000e+01, v11  }
.Ltmp25:
0x4a0: {  	v9 =	vld [tilespmem:s26+$0xFFFFFFB0];
	v2 =	vmul.f32 $3.200000000e+01, v13;
	(pc) =	sbr.rel @p1 .LBB2_49-.Ltmp25, $4  }
0x4a1: {  	v7 =	vld [tilespmem:s26+$0xFFFFFFC0];
	v3 =	vmul.f32 $3.200000000e+01, v14  }
0x4a2: {  	v11 =	vmul.f32 $3.200000000e+01, v15;
	v10 =	vld [tilespmem:s26+$0xFFFFFFD0]  }
0x4a3: {  	v8 =	vld [tilespmem:s26+$0xFFFFFFE0]  }
0x4a4: {  	s4 =	sadd.s32 $0x400, s4;
	v13 =	vadd.f32 v16, v11;
	v12 =	vadd.f32 v17, v12;
	v11 =	vld [tilespmem:s26+$0xFFFFFFF0]  }
0x4a5: {  	_ = 	snop  }
0x4a6: {  	v4 =	vadd.f32 v9, v4;
	[tilespmem:s23+$0xFFFFFF90] =	vst v13  }
0x4a7: {  	v5 =	vadd.f32 v7, v5;
	[tilespmem:s23+$0xFFFFFFA0] =	vst v12  }
0x4a8: {  	v6 =	vadd.f32 v10, v6;
	[tilespmem:s23+$0xFFFFFFB0] =	vst v4  }
0x4a9: {  	v2 =	vadd.f32 v8, v2;
	[tilespmem:s23+$0xFFFFFFC0] =	vst v5  }
0x4aa: {  	v3 =	vadd.f32 v11, v3;
	[tilespmem:s23+$0xFFFFFFD0] =	vst v6  }
0x4ab: {  	[tilespmem:s23+$0xFFFFFFE0] =	vst v2  }
0x4ac: {  	s0 =	sadd.s32 s22, s16;
	s4 =	simm.s32 $0x14300;
	[tilespmem:s23+$0xFFFFFFF0] =	vst v3  }
0x4ad: {  	[hbm4b:s0+s6] =	stream.linear.scatter [tilespmem:s4], [sflag:$0x7], $0x200, $0x38;
	[tilespmem:$0x18100] =	vst v63  }
0x4ae: {  	s19 =	simm.s32 $0x14700;
	s24 =	sadd.s32 $0x80, s0  }
0x4af: {  	[hbm4b:s24+s6] =	stream.linear.scatter [tilespmem:s19], [sflag:$0x7], $0x200, $0x38;
	[tilespmem:$0x18100] =	vst v63  }
0x4b0: {  	s26 =	simm.s32 $0x14B00;
	s25 =	sadd.s32 $0x100, s0  }
0x4b1: {  	[hbm4b:s25+s6] =	stream.linear.scatter [tilespmem:s26], [sflag:$0x7], $0x200, $0x38;
	[tilespmem:$0x18100] =	vst v63  }
0x4b2: {  	s22 =	simm.s32 $0x14F00;
	s19 =	sadd.s32 $0x180, s0  }
0x4b3: {  	[hbm4b:s19+s6] =	stream.linear.scatter [tilespmem:s22], [sflag:$0x7], $0x200, $0x38;
	[tilespmem:$0x18100] =	vst v63  }
0x4b4: {  	s23 =	sadd.s32 $0x200, s0;
	s24 =	simm.s32 $0x15300  }
0x4b5: {  	[hbm4b:s23+s6] =	stream.linear.scatter [tilespmem:s24], [sflag:$0x7], $0x200, $0x38;
	[tilespmem:$0x18100] =	vst v63  }
0x4b6: {  	s25 =	sadd.s32 $0x280, s0;
	s26 =	simm.s32 $0x15700  }
0x4b7: {  	[hbm4b:s25+s6] =	stream.linear.scatter [tilespmem:s26], [sflag:$0x7], $0x200, $0x38;
	[tilespmem:$0x18100] =	vst v63  }
0x4b8: {  	s22 =	sadd.s32 $0x300, s0;
	s23 =	simm.s32 $0x15B00  }
0x4b9: {  	[hbm4b:s22+s6] =	stream.linear.scatter [tilespmem:s23], [sflag:$0x7], $0x200, $0x38;
	[tilespmem:$0x18100] =	vst v63  }
0x4ba: {  	s0 =	sadd.s32 $0x380, s0;
	s24 =	simm.s32 $0x15F00  }
0x4bb: {  	[hbm4b:s0+s6] =	stream.linear.scatter [tilespmem:s24], [sflag:$0x7], $0x200, $0x38;
	[tilespmem:$0x18100] =	vst v63  }
0x4bc: {  	_ =	swait.ge [sflag:s12], $0x2000  }
0x4bd: {  	[sflag:s12] =	ssyncset.done $0x0  }
0x4be: {  	[sflag:s12] =	ssyncadd.s32 $0xFFFFE000  }
0x4bf: {  	_ =	swait.ge [sflag:s12], $0x2000  }
0x4c0: {  	[sflag:s12] =	ssyncset.done $0x0  }
0x4c1: {  	[sflag:s12] =	ssyncadd.s32 $0xFFFFE000  }
0x4c2: {  	v2 =	vld.msk @!p0 [tilespmem:s15+$0x30], $0xff;
	_ =	sdelay $0x4  }
0x4c3: {  	v3 =	vshll.u32 @!p0 v2, $0x3  }
0x4c4: {  	v4 =	vlaneseq.u32 @!p0;
	v2 =	vand.u32 @!p0 $0x7, v2;
	v3 =	vand.u32 @!p0 $0xFFFFFFC0, v3  }
0x4c5: {  	v2 =	vor.u32 @!p0 v2, v3;
	v3 =	vand.u32 @!p0 $0x7, v4;
	v4 =	vshrl.u32 @!p0 v4, $0x3  }
0x4c6: {  	v2 =	vperm.xlane @!p0 v2, v3;
	v3 =	vmul.u32 @!p0 $0x8, v4;
	_ =	sdelay $0x1  }
0x4c7: {  	v2 =	vadd.s32 @!p0 v3, v2;
	_ =	sdelay $0x3  }
0x4c8: {  	s4 =	simm.s32 @!p0 $0x4100;
	s0 =	simm.s32 @!p0 $0x0  }
0x4c9: {  	[tilespmem:s4], [sflag:$0x3] =	stream.indirect_vreg.gather @!p0 [hbm4b:s2+s0], $0x80, v2, vm1, $0xb8;
	[tilespmem:$0x18100] =	vst v63  }
0x4ca: {  	s4 =	simm.s32 @!p0 $0x4900  }
0x4cb: {  	[tilespmem:s4], [sflag:$0x3] =	stream.indirect_vreg.gather @!p0 [hbm4b:s9+s0], $0x80, v2, vm1, $0xb8;
	[tilespmem:$0x18100] =	vst v63  }
0x4cc: {  	s4 =	simm.s32 @!p0 $0x5100  }
0x4cd: {  	[tilespmem:s4], [sflag:$0x3] =	stream.indirect_vreg.gather @!p0 [hbm4b:s10+s0], $0x80, v2, vm1, $0xb8;
	[tilespmem:$0x18100] =	vst v63  }
0x4ce: {  	s4 =	sadd.s32 @!p0 $0x30, s15  }
0x4cf: {  	s19 =	simm.s32 @!p0 $0x5900;
	s4 =	sadd.s32 @!p0 s7, s4  }
0x4d0: {  	[tilespmem:s19], [sflag:$0x3] =	stream.indirect_vreg.gather @!p0 [hbm4b:s11+s0], $0x80, v2, vm1, $0xb8;
	[tilespmem:$0x18100] =	vst v63  }
0x4d1: {  	s4 =	sshll.u32 @!p0 s4, $0x7  }
0x4d2: {  	s19 =	simm.s32 @!p0 $0xC100;
	s4 =	sadd.s32 @!p0 s1, s4  }
0x4d3: {  	[tilespmem:s19], [sflag:$0x3] =	stream.linear.gather @!p0 [hbm4b:s4+s0], $0x2000, $0x38;
	[tilespmem:$0x18100] =	vst v63  }
0x4d4: {  	_ =	swait.ge [sflag:s18], $0x2000  }
0x4d5: {  	[sflag:s18] =	ssyncset.done $0x0  }
0x4d6: {  	[sflag:s18] =	ssyncadd.s32 $0xFFFFE000  }
0x4d7: {  	_ =	swait.ge [sflag:s18], $0x2000  }
0x4d8: {  	s17 =	sor.u32 $0xC00, s17;
	[sflag:s18] =	ssyncset.done $0x0  }
0x4d9: {  	s25 =	sadd.s32 s5, s17;
	s26 =	simm.s32 $0xE140;
	[sflag:s18] =	ssyncadd.s32 $0xFFFFE000  }
0x4da: {  	[hbm4b:s25+s6] =	stream.linear.scatter [tilespmem:s21], [sflag:$0x8], $0x2000, $0x38;
	[tilespmem:$0x18100] =	vst v63  }
0x4db: {  	v2 =	vld [tilespmem:s26+$0x30]  }
0x4dc: {  	s0 =	simm.s32 $0x6140;
	v3 =	vld [tilespmem:s26+$0xFFFFFFD0]  }
0x4dd: {  	v4 =	vld [tilespmem:s0+$0x30]  }
0x4de: {  	v5 =	vld [tilespmem:s26+$0xFFFFFFE0]  }
0x4df: {  	v6 =	vld [tilespmem:s26+$0xFFFFFFF0]  }
0x4e0: {  	v10 =	vld [tilespmem:s26+$0x0]  }
0x4e1: {  	v11 =	vld [tilespmem:s26+$0x10]  }
0x4e2: {  	v12 =	vld [tilespmem:s26+$0x20]  }
0x4e3: {  	v9 =	vld [tilespmem:s26+$0xFFFFFFC0]  }
0x4e4: {  	v13 =	vld [tilespmem:s0+$0xFFFFFFC0]  }
0x4e5: {  	v14 =	vld [tilespmem:s0+$0xFFFFFFD0]  }
0x4e6: {  	v8 =	vld [tilespmem:s0+$0xFFFFFFE0];
	v15 =	vmul.f32 $3.200000000e+01, v2  }
0x4e7: {  	v7 =	vld [tilespmem:s0+$0xFFFFFFF0];
	v16 =	vmul.f32 $3.200000000e+01, v3;
	v2 =	vmul.f32 $3.200000000e+01, v5  }
0x4e8: {  	v3 =	vmul.f32 $3.200000000e+01, v6;
	v17 =	vmul.f32 $3.200000000e+01, v9;
	v9 =	vld [tilespmem:s0+$0x0];
	v15 =	vadd.f32 v4, v15  }
0x4e9: {  	s23 =	simm.s32 $0x16140;
	s22 =	simm.s32 $0x161F0;
	s24 =	simm.s32 $0xE540;
	v5 =	vmul.f32 $3.200000000e+01, v10;
	v10 =	vld [tilespmem:s0+$0x10];
	v6 =	vmul.f32 $3.200000000e+01, v12  }
0x4ea: {  	s19 =	simm.s32 $0x0;
	s4 =	simm.s32 $0xE1F0;
	s25 =	simm.s32 $0x61F0;
	v4 =	vmul.f32 $3.200000000e+01, v11;
	v13 =	vadd.f32 v13, v17;
	v12 =	vadd.f32 v14, v16;
	v11 =	vld [tilespmem:s0+$0x20];
	[tilespmem:s23+$0x30] =	vst v15  }
.LBB2_51:
0x4eb: {  	v14 =	vld [tilespmem:s24+$0x30];
	s19 =	sadd.s32 $0x8, s19;
	v2 =	vadd.f32 v8, v2  }
0x4ec: {  	s0 =	sadd.s32 $0x400, s0;
	v8 =	vld [tilespmem:s24+$0xFFFFFFD0];
	p1 =	slt.u32 s19, $0x38;
	[tilespmem:s23+$0xFFFFFFC0] =	vst v13;
	v3 =	vadd.f32 v7, v3  }
0x4ed: {  	v7 =	vld [tilespmem:s0+$0x30];
	[tilespmem:s23+$0xFFFFFFD0] =	vst v12;
	v5 =	vadd.f32 v9, v5  }
0x4ee: {  	v9 =	vld [tilespmem:s24+$0xFFFFFFE0];
	[tilespmem:s23+$0xFFFFFFE0] =	vst v2;
	v2 =	vadd.f32 v10, v4  }
0x4ef: {  	v4 =	vld [tilespmem:s24+$0xFFFFFFF0];
	[tilespmem:s23+$0xFFFFFFF0] =	vst v3;
	v3 =	vadd.f32 v11, v6  }
0x4f0: {  	v6 =	vld [tilespmem:s24+$0x0];
	v10 =	vmul.f32 $3.200000000e+01, v14;
	[tilespmem:s23+$0x0] =	vst v5  }
0x4f1: {  	v11 =	vmul.f32 $3.200000000e+01, v8;
	v12 =	vld [tilespmem:s24+$0x10];
	[tilespmem:s23+$0x10] =	vst v2  }
0x4f2: {  	v13 =	vld [tilespmem:s24+$0x20];
	v5 =	vadd.f32 v7, v10;
	[tilespmem:s23+$0x20] =	vst v3  }
0x4f3: {  	s23 =	sadd.s32 $0x400, s23;
	v10 =	vld [tilespmem:s24+$0xFFFFFFC0];
	v2 =	vmul.f32 $3.200000000e+01, v9  }
0x4f4: {  	v14 =	vld [tilespmem:s0+$0xFFFFFFC0];
	v3 =	vmul.f32 $3.200000000e+01, v4;
	[tilespmem:s23+$0x30] =	vst v5  }
0x4f5: {  	v15 =	vld [tilespmem:s0+$0xFFFFFFD0];
	v5 =	vmul.f32 $3.200000000e+01, v6  }
.Ltmp26:
0x4f6: {  	v8 =	vld [tilespmem:s0+$0xFFFFFFE0];
	v4 =	vmul.f32 $3.200000000e+01, v12;
	(pc) =	sbr.rel @p1 .LBB2_51-.Ltmp26, $4  }
0x4f7: {  	v7 =	vld [tilespmem:s0+$0xFFFFFFF0];
	v6 =	vmul.f32 $3.200000000e+01, v13  }
0x4f8: {  	v12 =	vmul.f32 $3.200000000e+01, v10;
	v9 =	vld [tilespmem:s0+$0x0]  }
0x4f9: {  	v10 =	vld [tilespmem:s0+$0x10]  }
0x4fa: {  	s24 =	sadd.s32 $0x400, s24;
	v13 =	vadd.f32 v14, v12;
	v12 =	vadd.f32 v15, v11;
	v11 =	vld [tilespmem:s0+$0x20]  }
0x4fb: {  	_ = 	snop  }
0x4fc: {  	v2 =	vadd.f32 v8, v2;
	[tilespmem:s23+$0xFFFFFFC0] =	vst v13  }
0x4fd: {  	v3 =	vadd.f32 v7, v3;
	[tilespmem:s23+$0xFFFFFFD0] =	vst v12  }
0x4fe: {  	v5 =	vadd.f32 v9, v5;
	[tilespmem:s23+$0xFFFFFFE0] =	vst v2  }
0x4ff: {  	v2 =	vadd.f32 v10, v4;
	[tilespmem:s23+$0xFFFFFFF0] =	vst v3  }
0x500: {  	v3 =	vadd.f32 v11, v6;
	[tilespmem:s23+$0x0] =	vst v5  }
0x501: {  	[tilespmem:s23+$0x10] =	vst v2  }
0x502: {  	[tilespmem:s23+$0x20] =	vst v3  }
0x503: {  	v2 =	vld [tilespmem:s4+$0x0]  }
0x504: {  	v3 =	vld [tilespmem:s4+$0xFFFFFFA0]  }
0x505: {  	v4 =	vld [tilespmem:s25+$0x0]  }
0x506: {  	v5 =	vld [tilespmem:s4+$0xFFFFFFB0]  }
0x507: {  	v6 =	vld [tilespmem:s4+$0xFFFFFFC0]  }
0x508: {  	v10 =	vld [tilespmem:s4+$0xFFFFFFD0]  }
0x509: {  	v11 =	vld [tilespmem:s4+$0xFFFFFFE0]  }
0x50a: {  	v12 =	vld [tilespmem:s4+$0xFFFFFFF0]  }
0x50b: {  	v9 =	vld [tilespmem:s4+$0xFFFFFF90]  }
0x50c: {  	v13 =	vld [tilespmem:s25+$0xFFFFFF90]  }
0x50d: {  	v14 =	vld [tilespmem:s25+$0xFFFFFFA0]  }
0x50e: {  	v8 =	vld [tilespmem:s25+$0xFFFFFFB0];
	v15 =	vmul.f32 $3.200000000e+01, v2  }
0x50f: {  	v7 =	vld [tilespmem:s25+$0xFFFFFFC0];
	v16 =	vmul.f32 $3.200000000e+01, v3;
	v2 =	vmul.f32 $3.200000000e+01, v5  }
0x510: {  	v3 =	vmul.f32 $3.200000000e+01, v6;
	v17 =	vmul.f32 $3.200000000e+01, v9;
	v9 =	vld [tilespmem:s25+$0xFFFFFFD0];
	v15 =	vadd.f32 v4, v15  }
0x511: {  	s19 =	simm.s32 $0x0;
	s0 =	simm.s32 $0x6270;
	v5 =	vmul.f32 $3.200000000e+01, v10;
	v10 =	vld [tilespmem:s25+$0xFFFFFFE0];
	v6 =	vmul.f32 $3.200000000e+01, v12  }
0x512: {  	s24 =	simm.s32 $0xE5F0;
	s23 =	simm.s32 $0x16270;
	s4 =	simm.s32 $0xE270;
	v4 =	vmul.f32 $3.200000000e+01, v11;
	v13 =	vadd.f32 v13, v17;
	v12 =	vadd.f32 v14, v16;
	v11 =	vld [tilespmem:s25+$0xFFFFFFF0];
	[tilespmem:s22+$0x0] =	vst v15  }
.LBB2_53:
0x513: {  	v14 =	vld [tilespmem:s24+$0x0];
	s19 =	sadd.s32 $0x8, s19;
	v2 =	vadd.f32 v8, v2  }
0x514: {  	s25 =	sadd.s32 $0x400, s25;
	v8 =	vld [tilespmem:s24+$0xFFFFFFA0];
	p1 =	slt.u32 s19, $0x38;
	[tilespmem:s22+$0xFFFFFF90] =	vst v13;
	v3 =	vadd.f32 v7, v3  }
0x515: {  	v7 =	vld [tilespmem:s25+$0x0];
	[tilespmem:s22+$0xFFFFFFA0] =	vst v12;
	v5 =	vadd.f32 v9, v5  }
0x516: {  	v9 =	vld [tilespmem:s24+$0xFFFFFFB0];
	[tilespmem:s22+$0xFFFFFFB0] =	vst v2;
	v2 =	vadd.f32 v10, v4  }
0x517: {  	v4 =	vld [tilespmem:s24+$0xFFFFFFC0];
	[tilespmem:s22+$0xFFFFFFC0] =	vst v3;
	v3 =	vadd.f32 v11, v6  }
0x518: {  	v6 =	vld [tilespmem:s24+$0xFFFFFFD0];
	v10 =	vmul.f32 $3.200000000e+01, v14;
	[tilespmem:s22+$0xFFFFFFD0] =	vst v5  }
0x519: {  	v11 =	vmul.f32 $3.200000000e+01, v8;
	v12 =	vld [tilespmem:s24+$0xFFFFFFE0];
	[tilespmem:s22+$0xFFFFFFE0] =	vst v2  }
0x51a: {  	v13 =	vld [tilespmem:s24+$0xFFFFFFF0];
	v5 =	vadd.f32 v7, v10;
	[tilespmem:s22+$0xFFFFFFF0] =	vst v3  }
0x51b: {  	s22 =	sadd.s32 $0x400, s22;
	v10 =	vld [tilespmem:s24+$0xFFFFFF90];
	v2 =	vmul.f32 $3.200000000e+01, v9  }
0x51c: {  	v14 =	vld [tilespmem:s25+$0xFFFFFF90];
	v3 =	vmul.f32 $3.200000000e+01, v4;
	[tilespmem:s22+$0x0] =	vst v5  }
0x51d: {  	v15 =	vld [tilespmem:s25+$0xFFFFFFA0];
	v5 =	vmul.f32 $3.200000000e+01, v6  }
.Ltmp27:
0x51e: {  	v8 =	vld [tilespmem:s25+$0xFFFFFFB0];
	v4 =	vmul.f32 $3.200000000e+01, v12;
	(pc) =	sbr.rel @p1 .LBB2_53-.Ltmp27, $4  }
0x51f: {  	v7 =	vld [tilespmem:s25+$0xFFFFFFC0];
	v6 =	vmul.f32 $3.200000000e+01, v13  }
0x520: {  	v12 =	vmul.f32 $3.200000000e+01, v10;
	v9 =	vld [tilespmem:s25+$0xFFFFFFD0]  }
0x521: {  	v10 =	vld [tilespmem:s25+$0xFFFFFFE0]  }
0x522: {  	s24 =	sadd.s32 $0x400, s24;
	v13 =	vadd.f32 v14, v12;
	v12 =	vadd.f32 v15, v11;
	v11 =	vld [tilespmem:s25+$0xFFFFFFF0]  }
0x523: {  	_ = 	snop  }
0x524: {  	v2 =	vadd.f32 v8, v2;
	[tilespmem:s22+$0xFFFFFF90] =	vst v13  }
0x525: {  	v3 =	vadd.f32 v7, v3;
	[tilespmem:s22+$0xFFFFFFA0] =	vst v12  }
0x526: {  	v5 =	vadd.f32 v9, v5;
	[tilespmem:s22+$0xFFFFFFB0] =	vst v2  }
0x527: {  	v2 =	vadd.f32 v10, v4;
	[tilespmem:s22+$0xFFFFFFC0] =	vst v3  }
0x528: {  	v3 =	vadd.f32 v11, v6;
	[tilespmem:s22+$0xFFFFFFD0] =	vst v5  }
0x529: {  	[tilespmem:s22+$0xFFFFFFE0] =	vst v2  }
0x52a: {  	[tilespmem:s22+$0xFFFFFFF0] =	vst v3  }
0x52b: {  	v2 =	vld [tilespmem:s4+$0x0]  }
0x52c: {  	v3 =	vld [tilespmem:s4+$0xFFFFFFA0]  }
0x52d: {  	v4 =	vld [tilespmem:s0+$0x0]  }
0x52e: {  	v5 =	vld [tilespmem:s4+$0xFFFFFFB0]  }
0x52f: {  	v6 =	vld [tilespmem:s4+$0xFFFFFFC0]  }
0x530: {  	v10 =	vld [tilespmem:s4+$0xFFFFFFD0]  }
0x531: {  	v11 =	vld [tilespmem:s4+$0xFFFFFFE0]  }
0x532: {  	v12 =	vld [tilespmem:s4+$0xFFFFFFF0]  }
0x533: {  	v9 =	vld [tilespmem:s4+$0xFFFFFF90]  }
0x534: {  	v13 =	vld [tilespmem:s0+$0xFFFFFF90]  }
0x535: {  	v14 =	vld [tilespmem:s0+$0xFFFFFFA0]  }
0x536: {  	v8 =	vld [tilespmem:s0+$0xFFFFFFB0];
	v15 =	vmul.f32 $3.200000000e+01, v2  }
0x537: {  	v7 =	vld [tilespmem:s0+$0xFFFFFFC0];
	v16 =	vmul.f32 $3.200000000e+01, v3;
	v2 =	vmul.f32 $3.200000000e+01, v5  }
0x538: {  	v3 =	vmul.f32 $3.200000000e+01, v6;
	v17 =	vmul.f32 $3.200000000e+01, v9;
	v9 =	vld [tilespmem:s0+$0xFFFFFFD0];
	v15 =	vadd.f32 v4, v15  }
0x539: {  	s19 =	simm.s32 $0x0;
	s25 =	simm.s32 $0x62F0;
	v5 =	vmul.f32 $3.200000000e+01, v10;
	v10 =	vld [tilespmem:s0+$0xFFFFFFE0];
	v6 =	vmul.f32 $3.200000000e+01, v12  }
0x53a: {  	s24 =	simm.s32 $0xE670;
	s22 =	simm.s32 $0x162F0;
	s4 =	simm.s32 $0xE2F0;
	v4 =	vmul.f32 $3.200000000e+01, v11;
	v13 =	vadd.f32 v13, v17;
	v12 =	vadd.f32 v14, v16;
	v11 =	vld [tilespmem:s0+$0xFFFFFFF0];
	[tilespmem:s23+$0x0] =	vst v15  }
.LBB2_55:
0x53b: {  	v14 =	vld [tilespmem:s24+$0x0];
	s19 =	sadd.s32 $0x8, s19;
	v2 =	vadd.f32 v8, v2  }
0x53c: {  	s0 =	sadd.s32 $0x400, s0;
	v8 =	vld [tilespmem:s24+$0xFFFFFFA0];
	p1 =	slt.u32 s19, $0x38;
	[tilespmem:s23+$0xFFFFFF90] =	vst v13;
	v3 =	vadd.f32 v7, v3  }
0x53d: {  	v7 =	vld [tilespmem:s0+$0x0];
	[tilespmem:s23+$0xFFFFFFA0] =	vst v12;
	v5 =	vadd.f32 v9, v5  }
0x53e: {  	v9 =	vld [tilespmem:s24+$0xFFFFFFB0];
	[tilespmem:s23+$0xFFFFFFB0] =	vst v2;
	v2 =	vadd.f32 v10, v4  }
0x53f: {  	v4 =	vld [tilespmem:s24+$0xFFFFFFC0];
	[tilespmem:s23+$0xFFFFFFC0] =	vst v3;
	v3 =	vadd.f32 v11, v6  }
0x540: {  	v6 =	vld [tilespmem:s24+$0xFFFFFFD0];
	v10 =	vmul.f32 $3.200000000e+01, v14;
	[tilespmem:s23+$0xFFFFFFD0] =	vst v5  }
0x541: {  	v11 =	vmul.f32 $3.200000000e+01, v8;
	v12 =	vld [tilespmem:s24+$0xFFFFFFE0];
	[tilespmem:s23+$0xFFFFFFE0] =	vst v2  }
0x542: {  	v13 =	vld [tilespmem:s24+$0xFFFFFFF0];
	v5 =	vadd.f32 v7, v10;
	[tilespmem:s23+$0xFFFFFFF0] =	vst v3  }
0x543: {  	s23 =	sadd.s32 $0x400, s23;
	v10 =	vld [tilespmem:s24+$0xFFFFFF90];
	v2 =	vmul.f32 $3.200000000e+01, v9  }
0x544: {  	v14 =	vld [tilespmem:s0+$0xFFFFFF90];
	v3 =	vmul.f32 $3.200000000e+01, v4;
	[tilespmem:s23+$0x0] =	vst v5  }
0x545: {  	v15 =	vld [tilespmem:s0+$0xFFFFFFA0];
	v5 =	vmul.f32 $3.200000000e+01, v6  }
.Ltmp28:
0x546: {  	v8 =	vld [tilespmem:s0+$0xFFFFFFB0];
	v4 =	vmul.f32 $3.200000000e+01, v12;
	(pc) =	sbr.rel @p1 .LBB2_55-.Ltmp28, $4  }
0x547: {  	v7 =	vld [tilespmem:s0+$0xFFFFFFC0];
	v6 =	vmul.f32 $3.200000000e+01, v13  }
0x548: {  	v12 =	vmul.f32 $3.200000000e+01, v10;
	v9 =	vld [tilespmem:s0+$0xFFFFFFD0]  }
0x549: {  	v10 =	vld [tilespmem:s0+$0xFFFFFFE0]  }
0x54a: {  	s24 =	sadd.s32 $0x400, s24;
	v13 =	vadd.f32 v14, v12;
	v12 =	vadd.f32 v15, v11;
	v11 =	vld [tilespmem:s0+$0xFFFFFFF0]  }
0x54b: {  	_ = 	snop  }
0x54c: {  	v2 =	vadd.f32 v8, v2;
	[tilespmem:s23+$0xFFFFFF90] =	vst v13  }
0x54d: {  	v3 =	vadd.f32 v7, v3;
	[tilespmem:s23+$0xFFFFFFA0] =	vst v12  }
0x54e: {  	v5 =	vadd.f32 v9, v5;
	[tilespmem:s23+$0xFFFFFFB0] =	vst v2  }
0x54f: {  	v2 =	vadd.f32 v10, v4;
	[tilespmem:s23+$0xFFFFFFC0] =	vst v3  }
0x550: {  	v3 =	vadd.f32 v11, v6;
	[tilespmem:s23+$0xFFFFFFD0] =	vst v5  }
0x551: {  	[tilespmem:s23+$0xFFFFFFE0] =	vst v2  }
0x552: {  	[tilespmem:s23+$0xFFFFFFF0] =	vst v3  }
0x553: {  	v2 =	vld [tilespmem:s4+$0x0]  }
0x554: {  	v3 =	vld [tilespmem:s4+$0xFFFFFFA0]  }
0x555: {  	v5 =	vld [tilespmem:s25+$0x0]  }
0x556: {  	v4 =	vld [tilespmem:s4+$0xFFFFFFB0]  }
0x557: {  	v6 =	vld [tilespmem:s4+$0xFFFFFFC0]  }
0x558: {  	v8 =	vld [tilespmem:s4+$0xFFFFFFD0]  }
0x559: {  	v11 =	vld [tilespmem:s4+$0xFFFFFFE0]  }
0x55a: {  	v12 =	vld [tilespmem:s4+$0xFFFFFFF0]  }
0x55b: {  	v10 =	vld [tilespmem:s4+$0xFFFFFF90]  }
0x55c: {  	v13 =	vld [tilespmem:s25+$0xFFFFFF90]  }
0x55d: {  	v14 =	vld [tilespmem:s25+$0xFFFFFFA0]  }
0x55e: {  	v9 =	vld [tilespmem:s25+$0xFFFFFFB0];
	v2 =	vmul.f32 $3.200000000e+01, v2  }
0x55f: {  	v7 =	vld [tilespmem:s25+$0xFFFFFFC0];
	v15 =	vmul.f32 $3.200000000e+01, v3;
	v4 =	vmul.f32 $3.200000000e+01, v4  }
0x560: {  	v16 =	vmul.f32 $3.200000000e+01, v10;
	v10 =	vld [tilespmem:s25+$0xFFFFFFD0];
	v3 =	vadd.f32 v5, v2;
	v5 =	vmul.f32 $3.200000000e+01, v6  }
0x561: {  	v6 =	vmul.f32 $3.200000000e+01, v8;
	v2 =	vmul.f32 $3.200000000e+01, v11;
	v8 =	vld [tilespmem:s25+$0xFFFFFFE0]  }
0x562: {  	s0 =	simm.s32 $0x0;
	s4 =	simm.s32 $0xE6F0;
	v13 =	vadd.f32 v13, v16;
	v11 =	vld [tilespmem:s25+$0xFFFFFFF0];
	[tilespmem:s22+$0x0] =	vst v3;
	v3 =	vmul.f32 $3.200000000e+01, v12;
	v12 =	vadd.f32 v14, v15  }
.LBB2_57:
0x563: {  	v14 =	vld [tilespmem:s4+$0x0];
	s0 =	sadd.s32 $0x8, s0;
	v4 =	vadd.f32 v9, v4  }
0x564: {  	s25 =	sadd.s32 $0x400, s25;
	v9 =	vld [tilespmem:s4+$0xFFFFFFA0];
	p1 =	slt.u32 s0, $0x38;
	[tilespmem:s22+$0xFFFFFF90] =	vst v13;
	v5 =	vadd.f32 v7, v5  }
0x565: {  	v7 =	vld [tilespmem:s25+$0x0];
	[tilespmem:s22+$0xFFFFFFA0] =	vst v12;
	v6 =	vadd.f32 v10, v6  }
0x566: {  	v10 =	vld [tilespmem:s4+$0xFFFFFFB0];
	[tilespmem:s22+$0xFFFFFFB0] =	vst v4;
	v2 =	vadd.f32 v8, v2  }
0x567: {  	v8 =	vld [tilespmem:s4+$0xFFFFFFC0];
	[tilespmem:s22+$0xFFFFFFC0] =	vst v5;
	v3 =	vadd.f32 v11, v3  }
0x568: {  	v11 =	vld [tilespmem:s4+$0xFFFFFFD0];
	v4 =	vmul.f32 $3.200000000e+01, v14;
	[tilespmem:s22+$0xFFFFFFD0] =	vst v6  }
0x569: {  	v12 =	vmul.f32 $3.200000000e+01, v9;
	v13 =	vld [tilespmem:s4+$0xFFFFFFE0];
	[tilespmem:s22+$0xFFFFFFE0] =	vst v2  }
0x56a: {  	v14 =	vld [tilespmem:s4+$0xFFFFFFF0];
	v2 =	vadd.f32 v7, v4;
	[tilespmem:s22+$0xFFFFFFF0] =	vst v3  }
0x56b: {  	s22 =	sadd.s32 $0x400, s22;
	v15 =	vld [tilespmem:s4+$0xFFFFFF90];
	v4 =	vmul.f32 $3.200000000e+01, v10  }
0x56c: {  	v16 =	vld [tilespmem:s25+$0xFFFFFF90];
	v5 =	vmul.f32 $3.200000000e+01, v8;
	[tilespmem:s22+$0x0] =	vst v2  }
0x56d: {  	v17 =	vld [tilespmem:s25+$0xFFFFFFA0];
	v6 =	vmul.f32 $3.200000000e+01, v11  }
.Ltmp29:
0x56e: {  	v9 =	vld [tilespmem:s25+$0xFFFFFFB0];
	v2 =	vmul.f32 $3.200000000e+01, v13;
	(pc) =	sbr.rel @p1 .LBB2_57-.Ltmp29, $4  }
0x56f: {  	v7 =	vld [tilespmem:s25+$0xFFFFFFC0];
	v3 =	vmul.f32 $3.200000000e+01, v14  }
0x570: {  	v11 =	vmul.f32 $3.200000000e+01, v15;
	v10 =	vld [tilespmem:s25+$0xFFFFFFD0]  }
0x571: {  	v8 =	vld [tilespmem:s25+$0xFFFFFFE0]  }
0x572: {  	s4 =	sadd.s32 $0x400, s4;
	v13 =	vadd.f32 v16, v11;
	v12 =	vadd.f32 v17, v12;
	v11 =	vld [tilespmem:s25+$0xFFFFFFF0]  }
0x573: {  	_ = 	snop  }
0x574: {  	v4 =	vadd.f32 v9, v4;
	[tilespmem:s22+$0xFFFFFF90] =	vst v13  }
0x575: {  	v5 =	vadd.f32 v7, v5;
	[tilespmem:s22+$0xFFFFFFA0] =	vst v12  }
0x576: {  	v6 =	vadd.f32 v10, v6;
	[tilespmem:s22+$0xFFFFFFB0] =	vst v4  }
0x577: {  	v2 =	vadd.f32 v8, v2;
	[tilespmem:s22+$0xFFFFFFC0] =	vst v5  }
0x578: {  	v3 =	vadd.f32 v11, v3;
	[tilespmem:s22+$0xFFFFFFD0] =	vst v6  }
0x579: {  	[tilespmem:s22+$0xFFFFFFE0] =	vst v2  }
0x57a: {  	s0 =	sadd.s32 s3, s17;
	s4 =	simm.s32 $0x16100;
	[tilespmem:s22+$0xFFFFFFF0] =	vst v3  }
0x57b: {  	[hbm4b:s0+s6] =	stream.linear.scatter [tilespmem:s4], [sflag:$0x8], $0x200, $0x38;
	[tilespmem:$0x18100] =	vst v63  }
0x57c: {  	s19 =	simm.s32 $0x16500;
	s26 =	sadd.s32 $0x80, s0  }
0x57d: {  	[hbm4b:s26+s6] =	stream.linear.scatter [tilespmem:s19], [sflag:$0x8], $0x200, $0x38;
	[tilespmem:$0x18100] =	vst v63  }
0x57e: {  	s22 =	simm.s32 $0x16900;
	s19 =	sadd.s32 $0x100, s0  }
0x57f: {  	[hbm4b:s19+s6] =	stream.linear.scatter [tilespmem:s22], [sflag:$0x8], $0x200, $0x38;
	[tilespmem:$0x18100] =	vst v63  }
0x580: {  	s24 =	simm.s32 $0x16D00;
	s23 =	sadd.s32 $0x180, s0  }
0x581: {  	[hbm4b:s23+s6] =	stream.linear.scatter [tilespmem:s24], [sflag:$0x8], $0x200, $0x38;
	[tilespmem:$0x18100] =	vst v63  }
0x582: {  	s25 =	sadd.s32 $0x200, s0;
	s26 =	simm.s32 $0x17100  }
0x583: {  	[hbm4b:s25+s6] =	stream.linear.scatter [tilespmem:s26], [sflag:$0x8], $0x200, $0x38;
	[tilespmem:$0x18100] =	vst v63  }
0x584: {  	s19 =	sadd.s32 $0x280, s0;
	s22 =	simm.s32 $0x17500  }
0x585: {  	[hbm4b:s19+s6] =	stream.linear.scatter [tilespmem:s22], [sflag:$0x8], $0x200, $0x38;
	[tilespmem:$0x18100] =	vst v63  }
0x586: {  	s23 =	sadd.s32 $0x300, s0;
	s24 =	simm.s32 $0x17900  }
0x587: {  	[hbm4b:s23+s6] =	stream.linear.scatter [tilespmem:s24], [sflag:$0x8], $0x200, $0x38;
	[tilespmem:$0x18100] =	vst v63  }
0x588: {  	s0 =	sadd.s32 $0x380, s0;
	s25 =	simm.s32 $0x17D00;
	s26 =	simm.s32 $0xE370  }
0x589: {  	[hbm4b:s0+s6] =	stream.linear.scatter [tilespmem:s25], [sflag:$0x8], $0x200, $0x38;
	[tilespmem:$0x18100] =	vst v63  }
0x58a: {  	v2 =	vld [tilespmem:s26+$0x0]  }
0x58b: {  	s0 =	simm.s32 $0x6370;
	v3 =	vld [tilespmem:s26+$0xFFFFFFA0]  }
0x58c: {  	v4 =	vld [tilespmem:s0+$0x0]  }
0x58d: {  	v5 =	vld [tilespmem:s26+$0xFFFFFFB0]  }
0x58e: {  	v6 =	vld [tilespmem:s26+$0xFFFFFFC0]  }
0x58f: {  	v10 =	vld [tilespmem:s26+$0xFFFFFFD0]  }
0x590: {  	v11 =	vld [tilespmem:s26+$0xFFFFFFE0]  }
0x591: {  	v12 =	vld [tilespmem:s26+$0xFFFFFFF0]  }
0x592: {  	v9 =	vld [tilespmem:s26+$0xFFFFFF90]  }
0x593: {  	v13 =	vld [tilespmem:s0+$0xFFFFFF90]  }
0x594: {  	v14 =	vld [tilespmem:s0+$0xFFFFFFA0]  }
0x595: {  	v8 =	vld [tilespmem:s0+$0xFFFFFFB0];
	v15 =	vmul.f32 $3.200000000e+01, v2  }
0x596: {  	v7 =	vld [tilespmem:s0+$0xFFFFFFC0];
	v16 =	vmul.f32 $3.200000000e+01, v3;
	v2 =	vmul.f32 $3.200000000e+01, v5  }
0x597: {  	v3 =	vmul.f32 $3.200000000e+01, v6;
	v17 =	vmul.f32 $3.200000000e+01, v9;
	v9 =	vld [tilespmem:s0+$0xFFFFFFD0];
	v15 =	vadd.f32 v4, v15  }
0x598: {  	s4 =	simm.s32 $0xE3F0;
	s19 =	simm.s32 $0x0;
	s23 =	simm.s32 $0x16370;
	v5 =	vmul.f32 $3.200000000e+01, v10;
	v10 =	vld [tilespmem:s0+$0xFFFFFFE0];
	v6 =	vmul.f32 $3.200000000e+01, v12  }
0x599: {  	s22 =	simm.s32 $0x163F0;
	s24 =	simm.s32 $0xE770;
	s25 =	simm.s32 $0x63F0;
	v4 =	vmul.f32 $3.200000000e+01, v11;
	v13 =	vadd.f32 v13, v17;
	v12 =	vadd.f32 v14, v16;
	v11 =	vld [tilespmem:s0+$0xFFFFFFF0];
	[tilespmem:s23+$0x0] =	vst v15  }
.LBB2_59:
0x59a: {  	v14 =	vld [tilespmem:s24+$0x0];
	s19 =	sadd.s32 $0x8, s19;
	v2 =	vadd.f32 v8, v2  }
0x59b: {  	s0 =	sadd.s32 $0x400, s0;
	v8 =	vld [tilespmem:s24+$0xFFFFFFA0];
	p1 =	slt.u32 s19, $0x38;
	[tilespmem:s23+$0xFFFFFF90] =	vst v13;
	v3 =	vadd.f32 v7, v3  }
0x59c: {  	v7 =	vld [tilespmem:s0+$0x0];
	[tilespmem:s23+$0xFFFFFFA0] =	vst v12;
	v5 =	vadd.f32 v9, v5  }
0x59d: {  	v9 =	vld [tilespmem:s24+$0xFFFFFFB0];
	[tilespmem:s23+$0xFFFFFFB0] =	vst v2;
	v2 =	vadd.f32 v10, v4  }
0x59e: {  	v4 =	vld [tilespmem:s24+$0xFFFFFFC0];
	[tilespmem:s23+$0xFFFFFFC0] =	vst v3;
	v3 =	vadd.f32 v11, v6  }
0x59f: {  	v6 =	vld [tilespmem:s24+$0xFFFFFFD0];
	v10 =	vmul.f32 $3.200000000e+01, v14;
	[tilespmem:s23+$0xFFFFFFD0] =	vst v5  }
0x5a0: {  	v11 =	vmul.f32 $3.200000000e+01, v8;
	v12 =	vld [tilespmem:s24+$0xFFFFFFE0];
	[tilespmem:s23+$0xFFFFFFE0] =	vst v2  }
0x5a1: {  	v13 =	vld [tilespmem:s24+$0xFFFFFFF0];
	v5 =	vadd.f32 v7, v10;
	[tilespmem:s23+$0xFFFFFFF0] =	vst v3  }
0x5a2: {  	s23 =	sadd.s32 $0x400, s23;
	v10 =	vld [tilespmem:s24+$0xFFFFFF90];
	v2 =	vmul.f32 $3.200000000e+01, v9  }
0x5a3: {  	v14 =	vld [tilespmem:s0+$0xFFFFFF90];
	v3 =	vmul.f32 $3.200000000e+01, v4;
	[tilespmem:s23+$0x0] =	vst v5  }
0x5a4: {  	v15 =	vld [tilespmem:s0+$0xFFFFFFA0];
	v5 =	vmul.f32 $3.200000000e+01, v6  }
.Ltmp30:
0x5a5: {  	v8 =	vld [tilespmem:s0+$0xFFFFFFB0];
	v4 =	vmul.f32 $3.200000000e+01, v12;
	(pc) =	sbr.rel @p1 .LBB2_59-.Ltmp30, $4  }
0x5a6: {  	v7 =	vld [tilespmem:s0+$0xFFFFFFC0];
	v6 =	vmul.f32 $3.200000000e+01, v13  }
0x5a7: {  	v12 =	vmul.f32 $3.200000000e+01, v10;
	v9 =	vld [tilespmem:s0+$0xFFFFFFD0]  }
0x5a8: {  	v10 =	vld [tilespmem:s0+$0xFFFFFFE0]  }
0x5a9: {  	s24 =	sadd.s32 $0x400, s24;
	v13 =	vadd.f32 v14, v12;
	v12 =	vadd.f32 v15, v11;
	v11 =	vld [tilespmem:s0+$0xFFFFFFF0]  }
0x5aa: {  	_ = 	snop  }
0x5ab: {  	v2 =	vadd.f32 v8, v2;
	[tilespmem:s23+$0xFFFFFF90] =	vst v13  }
0x5ac: {  	v3 =	vadd.f32 v7, v3;
	[tilespmem:s23+$0xFFFFFFA0] =	vst v12  }
0x5ad: {  	v5 =	vadd.f32 v9, v5;
	[tilespmem:s23+$0xFFFFFFB0] =	vst v2  }
0x5ae: {  	v2 =	vadd.f32 v10, v4;
	[tilespmem:s23+$0xFFFFFFC0] =	vst v3  }
0x5af: {  	v3 =	vadd.f32 v11, v6;
	[tilespmem:s23+$0xFFFFFFD0] =	vst v5  }
0x5b0: {  	[tilespmem:s23+$0xFFFFFFE0] =	vst v2  }
0x5b1: {  	[tilespmem:s23+$0xFFFFFFF0] =	vst v3  }
0x5b2: {  	v2 =	vld [tilespmem:s4+$0x0]  }
0x5b3: {  	v3 =	vld [tilespmem:s4+$0xFFFFFFA0]  }
0x5b4: {  	v4 =	vld [tilespmem:s25+$0x0]  }
0x5b5: {  	v5 =	vld [tilespmem:s4+$0xFFFFFFB0]  }
0x5b6: {  	v6 =	vld [tilespmem:s4+$0xFFFFFFC0]  }
0x5b7: {  	v10 =	vld [tilespmem:s4+$0xFFFFFFD0]  }
0x5b8: {  	v11 =	vld [tilespmem:s4+$0xFFFFFFE0]  }
0x5b9: {  	v12 =	vld [tilespmem:s4+$0xFFFFFFF0]  }
0x5ba: {  	v9 =	vld [tilespmem:s4+$0xFFFFFF90]  }
0x5bb: {  	v13 =	vld [tilespmem:s25+$0xFFFFFF90]  }
0x5bc: {  	v14 =	vld [tilespmem:s25+$0xFFFFFFA0]  }
0x5bd: {  	v8 =	vld [tilespmem:s25+$0xFFFFFFB0];
	v15 =	vmul.f32 $3.200000000e+01, v2  }
0x5be: {  	v7 =	vld [tilespmem:s25+$0xFFFFFFC0];
	v16 =	vmul.f32 $3.200000000e+01, v3;
	v2 =	vmul.f32 $3.200000000e+01, v5  }
0x5bf: {  	v3 =	vmul.f32 $3.200000000e+01, v6;
	v17 =	vmul.f32 $3.200000000e+01, v9;
	v9 =	vld [tilespmem:s25+$0xFFFFFFD0];
	v15 =	vadd.f32 v4, v15  }
0x5c0: {  	s19 =	simm.s32 $0x0;
	s0 =	simm.s32 $0x6470;
	v5 =	vmul.f32 $3.200000000e+01, v10;
	v10 =	vld [tilespmem:s25+$0xFFFFFFE0];
	v6 =	vmul.f32 $3.200000000e+01, v12  }
0x5c1: {  	s24 =	simm.s32 $0xE7F0;
	s23 =	simm.s32 $0x16470;
	s4 =	simm.s32 $0xE470;
	v4 =	vmul.f32 $3.200000000e+01, v11;
	v13 =	vadd.f32 v13, v17;
	v12 =	vadd.f32 v14, v16;
	v11 =	vld [tilespmem:s25+$0xFFFFFFF0];
	[tilespmem:s22+$0x0] =	vst v15  }
.LBB2_61:
0x5c2: {  	v14 =	vld [tilespmem:s24+$0x0];
	s19 =	sadd.s32 $0x8, s19;
	v2 =	vadd.f32 v8, v2  }
0x5c3: {  	s25 =	sadd.s32 $0x400, s25;
	v8 =	vld [tilespmem:s24+$0xFFFFFFA0];
	p1 =	slt.u32 s19, $0x38;
	[tilespmem:s22+$0xFFFFFF90] =	vst v13;
	v3 =	vadd.f32 v7, v3  }
0x5c4: {  	v7 =	vld [tilespmem:s25+$0x0];
	[tilespmem:s22+$0xFFFFFFA0] =	vst v12;
	v5 =	vadd.f32 v9, v5  }
0x5c5: {  	v9 =	vld [tilespmem:s24+$0xFFFFFFB0];
	[tilespmem:s22+$0xFFFFFFB0] =	vst v2;
	v2 =	vadd.f32 v10, v4  }
0x5c6: {  	v4 =	vld [tilespmem:s24+$0xFFFFFFC0];
	[tilespmem:s22+$0xFFFFFFC0] =	vst v3;
	v3 =	vadd.f32 v11, v6  }
0x5c7: {  	v6 =	vld [tilespmem:s24+$0xFFFFFFD0];
	v10 =	vmul.f32 $3.200000000e+01, v14;
	[tilespmem:s22+$0xFFFFFFD0] =	vst v5  }
0x5c8: {  	v11 =	vmul.f32 $3.200000000e+01, v8;
	v12 =	vld [tilespmem:s24+$0xFFFFFFE0];
	[tilespmem:s22+$0xFFFFFFE0] =	vst v2  }
0x5c9: {  	v13 =	vld [tilespmem:s24+$0xFFFFFFF0];
	v5 =	vadd.f32 v7, v10;
	[tilespmem:s22+$0xFFFFFFF0] =	vst v3  }
0x5ca: {  	s22 =	sadd.s32 $0x400, s22;
	v10 =	vld [tilespmem:s24+$0xFFFFFF90];
	v2 =	vmul.f32 $3.200000000e+01, v9  }
0x5cb: {  	v14 =	vld [tilespmem:s25+$0xFFFFFF90];
	v3 =	vmul.f32 $3.200000000e+01, v4;
	[tilespmem:s22+$0x0] =	vst v5  }
0x5cc: {  	v15 =	vld [tilespmem:s25+$0xFFFFFFA0];
	v5 =	vmul.f32 $3.200000000e+01, v6  }
.Ltmp31:
0x5cd: {  	v8 =	vld [tilespmem:s25+$0xFFFFFFB0];
	v4 =	vmul.f32 $3.200000000e+01, v12;
	(pc) =	sbr.rel @p1 .LBB2_61-.Ltmp31, $4  }
0x5ce: {  	v7 =	vld [tilespmem:s25+$0xFFFFFFC0];
	v6 =	vmul.f32 $3.200000000e+01, v13  }
0x5cf: {  	v12 =	vmul.f32 $3.200000000e+01, v10;
	v9 =	vld [tilespmem:s25+$0xFFFFFFD0]  }
0x5d0: {  	v10 =	vld [tilespmem:s25+$0xFFFFFFE0]  }
0x5d1: {  	s24 =	sadd.s32 $0x400, s24;
	v13 =	vadd.f32 v14, v12;
	v12 =	vadd.f32 v15, v11;
	v11 =	vld [tilespmem:s25+$0xFFFFFFF0]  }
0x5d2: {  	_ = 	snop  }
0x5d3: {  	v2 =	vadd.f32 v8, v2;
	[tilespmem:s22+$0xFFFFFF90] =	vst v13  }
0x5d4: {  	v3 =	vadd.f32 v7, v3;
	[tilespmem:s22+$0xFFFFFFA0] =	vst v12  }
0x5d5: {  	v5 =	vadd.f32 v9, v5;
	[tilespmem:s22+$0xFFFFFFB0] =	vst v2  }
0x5d6: {  	v2 =	vadd.f32 v10, v4;
	[tilespmem:s22+$0xFFFFFFC0] =	vst v3  }
0x5d7: {  	v3 =	vadd.f32 v11, v6;
	[tilespmem:s22+$0xFFFFFFD0] =	vst v5  }
0x5d8: {  	[tilespmem:s22+$0xFFFFFFE0] =	vst v2  }
0x5d9: {  	[tilespmem:s22+$0xFFFFFFF0] =	vst v3  }
0x5da: {  	v2 =	vld [tilespmem:s4+$0x0]  }
0x5db: {  	v3 =	vld [tilespmem:s4+$0xFFFFFFA0]  }
0x5dc: {  	v4 =	vld [tilespmem:s0+$0x0]  }
0x5dd: {  	v5 =	vld [tilespmem:s4+$0xFFFFFFB0]  }
0x5de: {  	v6 =	vld [tilespmem:s4+$0xFFFFFFC0]  }
0x5df: {  	v10 =	vld [tilespmem:s4+$0xFFFFFFD0]  }
0x5e0: {  	v11 =	vld [tilespmem:s4+$0xFFFFFFE0]  }
0x5e1: {  	v12 =	vld [tilespmem:s4+$0xFFFFFFF0]  }
0x5e2: {  	v9 =	vld [tilespmem:s4+$0xFFFFFF90]  }
0x5e3: {  	v13 =	vld [tilespmem:s0+$0xFFFFFF90]  }
0x5e4: {  	v14 =	vld [tilespmem:s0+$0xFFFFFFA0]  }
0x5e5: {  	v8 =	vld [tilespmem:s0+$0xFFFFFFB0];
	v15 =	vmul.f32 $3.200000000e+01, v2  }
0x5e6: {  	v7 =	vld [tilespmem:s0+$0xFFFFFFC0];
	v16 =	vmul.f32 $3.200000000e+01, v3;
	v2 =	vmul.f32 $3.200000000e+01, v5  }
0x5e7: {  	v3 =	vmul.f32 $3.200000000e+01, v6;
	v17 =	vmul.f32 $3.200000000e+01, v9;
	v9 =	vld [tilespmem:s0+$0xFFFFFFD0];
	v15 =	vadd.f32 v4, v15  }
0x5e8: {  	s19 =	simm.s32 $0x0;
	s25 =	simm.s32 $0x64F0;
	v5 =	vmul.f32 $3.200000000e+01, v10;
	v10 =	vld [tilespmem:s0+$0xFFFFFFE0];
	v6 =	vmul.f32 $3.200000000e+01, v12  }
0x5e9: {  	s24 =	simm.s32 $0xE870;
	s22 =	simm.s32 $0x164F0;
	s4 =	simm.s32 $0xE4F0;
	v4 =	vmul.f32 $3.200000000e+01, v11;
	v13 =	vadd.f32 v13, v17;
	v12 =	vadd.f32 v14, v16;
	v11 =	vld [tilespmem:s0+$0xFFFFFFF0];
	[tilespmem:s23+$0x0] =	vst v15  }
.LBB2_63:
0x5ea: {  	v14 =	vld [tilespmem:s24+$0x0];
	s19 =	sadd.s32 $0x8, s19;
	v2 =	vadd.f32 v8, v2  }
0x5eb: {  	s0 =	sadd.s32 $0x400, s0;
	v8 =	vld [tilespmem:s24+$0xFFFFFFA0];
	p1 =	slt.u32 s19, $0x38;
	[tilespmem:s23+$0xFFFFFF90] =	vst v13;
	v3 =	vadd.f32 v7, v3  }
0x5ec: {  	v7 =	vld [tilespmem:s0+$0x0];
	[tilespmem:s23+$0xFFFFFFA0] =	vst v12;
	v5 =	vadd.f32 v9, v5  }
0x5ed: {  	v9 =	vld [tilespmem:s24+$0xFFFFFFB0];
	[tilespmem:s23+$0xFFFFFFB0] =	vst v2;
	v2 =	vadd.f32 v10, v4  }
0x5ee: {  	v4 =	vld [tilespmem:s24+$0xFFFFFFC0];
	[tilespmem:s23+$0xFFFFFFC0] =	vst v3;
	v3 =	vadd.f32 v11, v6  }
0x5ef: {  	v6 =	vld [tilespmem:s24+$0xFFFFFFD0];
	v10 =	vmul.f32 $3.200000000e+01, v14;
	[tilespmem:s23+$0xFFFFFFD0] =	vst v5  }
0x5f0: {  	v11 =	vmul.f32 $3.200000000e+01, v8;
	v12 =	vld [tilespmem:s24+$0xFFFFFFE0];
	[tilespmem:s23+$0xFFFFFFE0] =	vst v2  }
0x5f1: {  	v13 =	vld [tilespmem:s24+$0xFFFFFFF0];
	v5 =	vadd.f32 v7, v10;
	[tilespmem:s23+$0xFFFFFFF0] =	vst v3  }
0x5f2: {  	s23 =	sadd.s32 $0x400, s23;
	v10 =	vld [tilespmem:s24+$0xFFFFFF90];
	v2 =	vmul.f32 $3.200000000e+01, v9  }
0x5f3: {  	v14 =	vld [tilespmem:s0+$0xFFFFFF90];
	v3 =	vmul.f32 $3.200000000e+01, v4;
	[tilespmem:s23+$0x0] =	vst v5  }
0x5f4: {  	v15 =	vld [tilespmem:s0+$0xFFFFFFA0];
	v5 =	vmul.f32 $3.200000000e+01, v6  }
.Ltmp32:
0x5f5: {  	v8 =	vld [tilespmem:s0+$0xFFFFFFB0];
	v4 =	vmul.f32 $3.200000000e+01, v12;
	(pc) =	sbr.rel @p1 .LBB2_63-.Ltmp32, $4  }
0x5f6: {  	v7 =	vld [tilespmem:s0+$0xFFFFFFC0];
	v6 =	vmul.f32 $3.200000000e+01, v13  }
0x5f7: {  	v12 =	vmul.f32 $3.200000000e+01, v10;
	v9 =	vld [tilespmem:s0+$0xFFFFFFD0]  }
0x5f8: {  	v10 =	vld [tilespmem:s0+$0xFFFFFFE0]  }
0x5f9: {  	s24 =	sadd.s32 $0x400, s24;
	v13 =	vadd.f32 v14, v12;
	v12 =	vadd.f32 v15, v11;
	v11 =	vld [tilespmem:s0+$0xFFFFFFF0]  }
0x5fa: {  	_ = 	snop  }
0x5fb: {  	v2 =	vadd.f32 v8, v2;
	[tilespmem:s23+$0xFFFFFF90] =	vst v13  }
0x5fc: {  	v3 =	vadd.f32 v7, v3;
	[tilespmem:s23+$0xFFFFFFA0] =	vst v12  }
0x5fd: {  	v5 =	vadd.f32 v9, v5;
	[tilespmem:s23+$0xFFFFFFB0] =	vst v2  }
0x5fe: {  	v2 =	vadd.f32 v10, v4;
	[tilespmem:s23+$0xFFFFFFC0] =	vst v3  }
0x5ff: {  	v3 =	vadd.f32 v11, v6;
	[tilespmem:s23+$0xFFFFFFD0] =	vst v5  }
0x600: {  	[tilespmem:s23+$0xFFFFFFE0] =	vst v2  }
0x601: {  	[tilespmem:s23+$0xFFFFFFF0] =	vst v3  }
0x602: {  	v2 =	vld [tilespmem:s4+$0x0]  }
0x603: {  	v3 =	vld [tilespmem:s4+$0xFFFFFFA0]  }
0x604: {  	v5 =	vld [tilespmem:s25+$0x0]  }
0x605: {  	v4 =	vld [tilespmem:s4+$0xFFFFFFB0]  }
0x606: {  	v6 =	vld [tilespmem:s4+$0xFFFFFFC0]  }
0x607: {  	v8 =	vld [tilespmem:s4+$0xFFFFFFD0]  }
0x608: {  	v11 =	vld [tilespmem:s4+$0xFFFFFFE0]  }
0x609: {  	v12 =	vld [tilespmem:s4+$0xFFFFFFF0]  }
0x60a: {  	v10 =	vld [tilespmem:s4+$0xFFFFFF90]  }
0x60b: {  	v13 =	vld [tilespmem:s25+$0xFFFFFF90]  }
0x60c: {  	v14 =	vld [tilespmem:s25+$0xFFFFFFA0]  }
0x60d: {  	v9 =	vld [tilespmem:s25+$0xFFFFFFB0];
	v2 =	vmul.f32 $3.200000000e+01, v2  }
0x60e: {  	v7 =	vld [tilespmem:s25+$0xFFFFFFC0];
	v15 =	vmul.f32 $3.200000000e+01, v3;
	v4 =	vmul.f32 $3.200000000e+01, v4  }
0x60f: {  	v16 =	vmul.f32 $3.200000000e+01, v10;
	v10 =	vld [tilespmem:s25+$0xFFFFFFD0];
	v3 =	vadd.f32 v5, v2;
	v5 =	vmul.f32 $3.200000000e+01, v6  }
0x610: {  	v6 =	vmul.f32 $3.200000000e+01, v8;
	v2 =	vmul.f32 $3.200000000e+01, v11;
	v8 =	vld [tilespmem:s25+$0xFFFFFFE0]  }
0x611: {  	s0 =	simm.s32 $0x0;
	s4 =	simm.s32 $0xE8F0;
	v13 =	vadd.f32 v13, v16;
	v11 =	vld [tilespmem:s25+$0xFFFFFFF0];
	[tilespmem:s22+$0x0] =	vst v3;
	v3 =	vmul.f32 $3.200000000e+01, v12;
	v12 =	vadd.f32 v14, v15  }
.LBB2_65:
0x612: {  	v14 =	vld [tilespmem:s4+$0x0];
	s0 =	sadd.s32 $0x8, s0;
	v4 =	vadd.f32 v9, v4  }
0x613: {  	s25 =	sadd.s32 $0x400, s25;
	v9 =	vld [tilespmem:s4+$0xFFFFFFA0];
	p1 =	slt.u32 s0, $0x38;
	[tilespmem:s22+$0xFFFFFF90] =	vst v13;
	v5 =	vadd.f32 v7, v5  }
0x614: {  	v7 =	vld [tilespmem:s25+$0x0];
	[tilespmem:s22+$0xFFFFFFA0] =	vst v12;
	v6 =	vadd.f32 v10, v6  }
0x615: {  	v10 =	vld [tilespmem:s4+$0xFFFFFFB0];
	[tilespmem:s22+$0xFFFFFFB0] =	vst v4;
	v2 =	vadd.f32 v8, v2  }
0x616: {  	v8 =	vld [tilespmem:s4+$0xFFFFFFC0];
	[tilespmem:s22+$0xFFFFFFC0] =	vst v5;
	v3 =	vadd.f32 v11, v3  }
0x617: {  	v11 =	vld [tilespmem:s4+$0xFFFFFFD0];
	v4 =	vmul.f32 $3.200000000e+01, v14;
	[tilespmem:s22+$0xFFFFFFD0] =	vst v6  }
0x618: {  	v12 =	vmul.f32 $3.200000000e+01, v9;
	v13 =	vld [tilespmem:s4+$0xFFFFFFE0];
	[tilespmem:s22+$0xFFFFFFE0] =	vst v2  }
0x619: {  	v14 =	vld [tilespmem:s4+$0xFFFFFFF0];
	v2 =	vadd.f32 v7, v4;
	[tilespmem:s22+$0xFFFFFFF0] =	vst v3  }
0x61a: {  	s22 =	sadd.s32 $0x400, s22;
	v15 =	vld [tilespmem:s4+$0xFFFFFF90];
	v4 =	vmul.f32 $3.200000000e+01, v10  }
0x61b: {  	v16 =	vld [tilespmem:s25+$0xFFFFFF90];
	v5 =	vmul.f32 $3.200000000e+01, v8;
	[tilespmem:s22+$0x0] =	vst v2  }
0x61c: {  	v17 =	vld [tilespmem:s25+$0xFFFFFFA0];
	v6 =	vmul.f32 $3.200000000e+01, v11  }
.Ltmp33:
0x61d: {  	v9 =	vld [tilespmem:s25+$0xFFFFFFB0];
	v2 =	vmul.f32 $3.200000000e+01, v13;
	(pc) =	sbr.rel @p1 .LBB2_65-.Ltmp33, $4  }
0x61e: {  	v7 =	vld [tilespmem:s25+$0xFFFFFFC0];
	v3 =	vmul.f32 $3.200000000e+01, v14  }
0x61f: {  	v11 =	vmul.f32 $3.200000000e+01, v15;
	v10 =	vld [tilespmem:s25+$0xFFFFFFD0]  }
0x620: {  	v8 =	vld [tilespmem:s25+$0xFFFFFFE0]  }
0x621: {  	s4 =	sadd.s32 $0x400, s4;
	v13 =	vadd.f32 v16, v11;
	v12 =	vadd.f32 v17, v12;
	v11 =	vld [tilespmem:s25+$0xFFFFFFF0]  }
0x622: {  	_ = 	snop  }
0x623: {  	v4 =	vadd.f32 v9, v4;
	[tilespmem:s22+$0xFFFFFF90] =	vst v13  }
0x624: {  	v5 =	vadd.f32 v7, v5;
	[tilespmem:s22+$0xFFFFFFA0] =	vst v12  }
0x625: {  	v6 =	vadd.f32 v10, v6;
	[tilespmem:s22+$0xFFFFFFB0] =	vst v4  }
0x626: {  	v2 =	vadd.f32 v8, v2;
	[tilespmem:s22+$0xFFFFFFC0] =	vst v5  }
0x627: {  	v3 =	vadd.f32 v11, v3;
	[tilespmem:s22+$0xFFFFFFD0] =	vst v6  }
0x628: {  	[tilespmem:s22+$0xFFFFFFE0] =	vst v2  }
0x629: {  	s0 =	sadd.s32 s17, s16;
	s4 =	simm.s32 $0x16300;
	[tilespmem:s22+$0xFFFFFFF0] =	vst v3  }
0x62a: {  	[hbm4b:s0+s6] =	stream.linear.scatter [tilespmem:s4], [sflag:$0x8], $0x200, $0x38;
	[tilespmem:$0x18100] =	vst v63  }
0x62b: {  	s19 =	sadd.s32 $0x80, s0;
	s22 =	simm.s32 $0x16700  }
0x62c: {  	[hbm4b:s19+s6] =	stream.linear.scatter [tilespmem:s22], [sflag:$0x8], $0x200, $0x38;
	[tilespmem:$0x18100] =	vst v63  }
0x62d: {  	s24 =	simm.s32 $0x16B00;
	s23 =	sadd.s32 $0x100, s0  }
0x62e: {  	[hbm4b:s23+s6] =	stream.linear.scatter [tilespmem:s24], [sflag:$0x8], $0x200, $0x38;
	[tilespmem:$0x18100] =	vst v63  }
0x62f: {  	s26 =	simm.s32 $0x16F00;
	s25 =	sadd.s32 $0x180, s0  }
0x630: {  	[hbm4b:s25+s6] =	stream.linear.scatter [tilespmem:s26], [sflag:$0x8], $0x200, $0x38;
	[tilespmem:$0x18100] =	vst v63  }
0x631: {  	s17 =	sadd.s32 $0x200, s0;
	s19 =	simm.s32 $0x17300  }
0x632: {  	[hbm4b:s17+s6] =	stream.linear.scatter [tilespmem:s19], [sflag:$0x8], $0x200, $0x38;
	[tilespmem:$0x18100] =	vst v63  }
0x633: {  	s22 =	sadd.s32 $0x280, s0;
	s23 =	simm.s32 $0x17700  }
0x634: {  	[hbm4b:s22+s6] =	stream.linear.scatter [tilespmem:s23], [sflag:$0x8], $0x200, $0x38;
	[tilespmem:$0x18100] =	vst v63  }
0x635: {  	s24 =	sadd.s32 $0x300, s0;
	s25 =	simm.s32 $0x17B00  }
0x636: {  	[hbm4b:s24+s6] =	stream.linear.scatter [tilespmem:s25], [sflag:$0x8], $0x200, $0x38;
	[tilespmem:$0x18100] =	vst v63  }
0x637: {  	s0 =	sadd.s32 $0x380, s0;
	s26 =	simm.s32 $0x17F00  }
0x638: {  	[hbm4b:s0+s6] =	stream.linear.scatter [tilespmem:s26], [sflag:$0x8], $0x200, $0x38;
	[tilespmem:$0x18100] =	vst v63  }
0x639: {  	_ =	swait.ge [sflag:s13], $0x2000  }
.Ltmp34:
0x63a: {  	[sflag:s13] =	ssyncset.done $0x0;
	(pc) =	sbr.rel @p0 .LBB2_68-.Ltmp34, $4  }
0x63b: {  	[sflag:s13] =	ssyncadd.s32 $0xFFFFE000  }
0x63c: {  	_ =	swait.ge [sflag:s13], $0x2000  }
0x63d: {  	[sflag:s13] =	ssyncset.done $0x0  }
0x63e: {  	[sflag:s13] =	ssyncadd.s32 $0xFFFFE000  }
0x63f: {  	v2 =	vld.msk [tilespmem:s15+$0x38], $0xff;
	_ =	sdelay $0x4  }
0x640: {  	v3 =	vshll.u32 v2, $0x3  }
0x641: {  	v2 =	vand.u32 $0x7, v2;
	v3 =	vand.u32 $0xFFFFFFC0, v3  }
0x642: {  	v2 =	vor.u32 v2, v3  }
0x643: {  	v2 =	vperm.xlane v2, v0;
	_ =	sdelay $0x1  }
0x644: {  	v2 =	vadd.s32 v1, v2;
	_ =	sdelay $0x4  }
0x645: {  	[tilespmem:s21], [sflag:$0x4] =	stream.indirect_vreg.gather [hbm4b:s2+s6], $0x80, v2, vm0, $0xb8;
	[tilespmem:$0x18100] =	vst v63  }
0x646: {  	s0 =	simm.s32 $0x6900  }
0x647: {  	[tilespmem:s0], [sflag:$0x4] =	stream.indirect_vreg.gather [hbm4b:s9+s6], $0x80, v2, vm0, $0xb8;
	[tilespmem:$0x18100] =	vst v63  }
0x648: {  	s24 =	simm.s32 $0x7100;
	s25 =	sadd.s32 $0x38, s15  }
0x649: {  	[tilespmem:s24], [sflag:$0x4] =	stream.indirect_vreg.gather [hbm4b:s10+s6], $0x80, v2, vm0, $0xb8;
	[tilespmem:$0x18100] =	vst v63  }
.Ltmp35:
0x64a: {  	s0 =	sadd.s32 s7, s25;
	(pc) =	sbr.rel .LBB2_2-.Ltmp35, $4  }
0x64b: {  	s4 =	simm.s32 $0x7900;
	s0 =	sshll.u32 s0, $0x7  }
0x64c: {  	[tilespmem:s4], [sflag:$0x4] =	stream.indirect_vreg.gather [hbm4b:s11+s6], $0x80, v2, vm0, $0xb8;
	[tilespmem:$0x18100] =	vst v63  }
0x64d: {  	s26 =	simm.s32 $0xE100;
	s14 =	sadd.s32 $0x1, s14;
	s0 =	sadd.s32 s1, s0  }
0x64e: {  	[tilespmem:s26], [sflag:$0x4] =	stream.linear.gather [hbm4b:s0+s6], $0x2000, $0x38;
	[tilespmem:$0x18100] =	vst v63  }
.LBB2_69:
0x64f: {  	_ =	sfence.sel $0x180000  }
0x650: {  	[bflag:$0x0] =	sbarrier.arrive $0xFFFF  }
0x651: {  	_ =	strace $0x90000047  }
0x652: {  	s0 =	stileid.u32;
	[bflag:$0x2] =	sbarrier.arrive $0xFFFF  }
0x653: {  	p0 =	sne.s32 s0, $0x0;
	s0 =	rddreg [dreg:$0x5]  }
0x654: {  	s0 =	sadd.s32 @!p0 $0x100000, s0  }
0x655: {  	[sflag:s0] =	ssyncadd.tile.s32 @!p0 $0x1;
	_ =	shalt  }
.Lfunc_end2:
_tile_overlayer_lowered:
.L_overlay_start_2:
0x656: {  	(tag) =	ssettag $0x2  }
0x657: {  	s0 =	rddreg [dreg:$0x0];
	s2 =	stileid.u32  }
0x658: {  	s1 =	rddreg [dreg:$0x1];
	p0 =	sne.s32 s2, $0x0  }
0x659: {  	s3 =	rddreg [dreg:$0x2];
	[bflag:$0x3] =	sbarrier.arrive $0xFFFF;
	s2 =	simm.s32 @!p0 $0x1C09  }
0x65a: {  	[timem:s3], [sflag:s2] =	dma.local @!p0 [hbm:s0], s1  }
0x65b: {  	s0 =	simm.s32 @!p0 $0x9  }
0x65c: {  	_ =	swait.ge @!p0 [sflag:s0], s1  }
0x65d: {  	s1 =	ssub.s32 @!p0 $0x0, s1;
	[sflag:s0] =	ssyncset.done @!p0 $0x0  }
0x65e: {  	[sflag:s0] =	ssyncadd.s32 @!p0 s1  }
0x65f: {  	[bflag:$0x3] =	sbarrier.arrive $0xFFFF  }
0x660: {  	_ =	shalt  }

</sc_bundles>
